<compile_context>
chip_gen: v7x
topology: tpu7x:2x2x1
jax: 0.10.2.dev20260603
libtpu: 0.0.44.dev20260713+nightly
codegen_flags: <defaults>
</compile_context>

<pallas_src>
import functools

import jax
import jax.numpy as jnp
import numpy as np
from jax import lax
from jax.experimental import pallas as pl
from jax.experimental.pallas import tpu as pltpu
from jax.experimental.pallas import tpu_sc as plsc

N = 10000
E = 320000
H = 128
EMB = 16

NC = 2
NS = 16
NW = NC * NS
C = 80
RPS = 632
NPAD = RPS * NS

EA = 192000
EB = E - EA

_TE = 4000


def _pack_bf16_pair(lo, hi):
    lo16 = jax.lax.bitcast_convert_type(
        lo.astype(jnp.bfloat16), jnp.uint16).astype(jnp.uint32)
    hi16 = jax.lax.bitcast_convert_type(
        hi.astype(jnp.bfloat16), jnp.uint16).astype(jnp.uint32)
    return jax.lax.bitcast_convert_type(lo16 | (hi16 << 16), jnp.int32)


def _gates_body(ea_ref, pv_ref, wee_ref, weo_ref, wc0e_ref, wc0o_ref,
                wc1e_ref, wc1o_ref, g1_ref, g2_ref):
    ea = ea_ref[...]
    pv = pv_ref[...]
    m = (pv[:, 0:1] != 0.0).astype(jnp.float32)

    def halves(we_r, wc0_r, wc1_r):
        ec = jnp.maximum(
            jnp.dot(ea, we_r[...], preferred_element_type=jnp.float32), 0.0)
        c1 = ec + jnp.dot(pv, wc0_r[...], preferred_element_type=jnp.float32) * m
        c2 = c1 + jnp.dot(pv, wc1_r[...], preferred_element_type=jnp.float32)
        return 1.0 / (1.0 + jnp.exp(-c1)), 1.0 / (1.0 + jnp.exp(-c2))

    g1e, g2e = halves(wee_ref, wc0e_ref, wc1e_ref)
    g1o, g2o = halves(weo_ref, wc0o_ref, wc1o_ref)
    g1_ref[...] = _pack_bf16_pair(g1e, g1o)
    g2_ref[...] = _pack_bf16_pair(g2e, g2o)


def _gates_rng(ea, pv, ws, off_tiles, ne):
    grid = (ne // _TE,)
    wspec = pl.BlockSpec((EMB, H // 2), lambda i: (0, 0))
    gspec = pl.BlockSpec((_TE, H // 2), lambda i: (i, 0))
    return pl.pallas_call(
        _gates_body,
        grid=grid,
        in_specs=[
            pl.BlockSpec((_TE, EMB), lambda i: (i + off_tiles, 0)),
            pl.BlockSpec((_TE, EMB), lambda i: (i + off_tiles, 0)),
            wspec, wspec, wspec, wspec, wspec, wspec,
        ],
        out_specs=[gspec, gspec],
        out_shape=[
            jax.ShapeDtypeStruct((ne, H // 2), jnp.int32),
            jax.ShapeDtypeStruct((ne, H // 2), jnp.int32),
        ],
        compiler_params=pltpu.CompilerParams(
            dimension_semantics=(pltpu.PARALLEL,)),
    )(ea, pv, *ws)


_TN = 2000


def _node_in_body(x_ref, lv_ref, wn_ref, b_ref, wl_ref, wm_ref,
                  hpre_ref, hm_ref):
    h = jnp.maximum(
        jnp.dot(x_ref[...], wn_ref[...], preferred_element_type=jnp.float32)
        + b_ref[...], 0.0)
    hp = h + jnp.dot(lv_ref[...], wl_ref[...], preferred_element_type=jnp.float32)
    hpre_ref[...] = hp
    hm_ref[...] = jnp.dot(hp, wm_ref[...], preferred_element_type=jnp.float32)


def _node_in(x, lv, wn, b, wl, wm):
    grid = (N // _TN,)
    return pl.pallas_call(
        _node_in_body,
        grid=grid,
        in_specs=[
            pl.BlockSpec((_TN, x.shape[1]), lambda i: (i, 0)),
            pl.BlockSpec((_TN, EMB), lambda i: (i, 0)),
            pl.BlockSpec((x.shape[1], H), lambda i: (0, 0)),
            pl.BlockSpec((1, H), lambda i: (0, 0)),
            pl.BlockSpec((EMB, H), lambda i: (0, 0)),
            pl.BlockSpec((H, H), lambda i: (0, 0)),
        ],
        out_specs=[
            pl.BlockSpec((_TN, H), lambda i: (i, 0)),
            pl.BlockSpec((_TN, H), lambda i: (i, 0)),
        ],
        out_shape=[
            jax.ShapeDtypeStruct((N, H), jnp.float32),
            jax.ShapeDtypeStruct((N, H), jnp.float32),
        ],
        compiler_params=pltpu.CompilerParams(
            dimension_semantics=(pltpu.PARALLEL,)),
    )(x, lv, wn, b, wl, wm)


def _node_mid_body(hpre_ref, pa_ref, pb_ref, lv_ref, wu_ref, wl_ref,
                   wm_ref, hpre1_ref, hm1_ref):
    agg = pa_ref[0] + pa_ref[1] + pb_ref[0] + pb_ref[1]
    h1 = jnp.maximum(
        hpre_ref[...]
        + jnp.dot(agg, wu_ref[...], preferred_element_type=jnp.float32), 0.0)
    hp1 = h1 + jnp.dot(lv_ref[...], wl_ref[...], preferred_element_type=jnp.float32)
    hpre1_ref[...] = hp1
    hm1_ref[...] = jnp.dot(hp1, wm_ref[...], preferred_element_type=jnp.float32)


def _node_mid(hpre, pa, pb, lv, wu, wl, wm):
    grid = (N // _TN,)
    pspec = pl.BlockSpec((NC, _TN, H), lambda i: (0, i, 0))
    return pl.pallas_call(
        _node_mid_body,
        grid=grid,
        in_specs=[
            pl.BlockSpec((_TN, H), lambda i: (i, 0)),
            pspec,
            pspec,
            pl.BlockSpec((_TN, EMB), lambda i: (i, 0)),
            pl.BlockSpec((H, H), lambda i: (0, 0)),
            pl.BlockSpec((EMB, H), lambda i: (0, 0)),
            pl.BlockSpec((H, H), lambda i: (0, 0)),
        ],
        out_specs=[
            pl.BlockSpec((_TN, H), lambda i: (i, 0)),
            pl.BlockSpec((_TN, H), lambda i: (i, 0)),
        ],
        out_shape=[
            jax.ShapeDtypeStruct((N, H), jnp.float32),
            jax.ShapeDtypeStruct((N, H), jnp.float32),
        ],
        compiler_params=pltpu.CompilerParams(
            dimension_semantics=(pltpu.PARALLEL,)),
    )(hpre, pa, pb, lv, wu, wl, wm)


def _node_out_body(hpre_ref, pa_ref, pb_ref, wu_ref, wh_ref, out_ref):
    agg = pa_ref[0] + pa_ref[1] + pb_ref[0] + pb_ref[1]
    h2 = jnp.maximum(
        hpre_ref[...]
        + jnp.dot(agg, wu_ref[...], preferred_element_type=jnp.float32), 0.0)
    out_ref[...] = jnp.dot(h2, wh_ref[...], preferred_element_type=jnp.float32)


def _node_out(hpre, pa, pb, wu, wh):
    grid = (N // _TN,)
    pspec = pl.BlockSpec((NC, _TN, H), lambda i: (0, i, 0))
    return pl.pallas_call(
        _node_out_body,
        grid=grid,
        in_specs=[
            pl.BlockSpec((_TN, H), lambda i: (i, 0)),
            pspec,
            pspec,
            pl.BlockSpec((H, H), lambda i: (0, 0)),
            pl.BlockSpec((H, wh.shape[1]), lambda i: (0, 0)),
        ],
        out_specs=pl.BlockSpec((_TN, wh.shape[1]), lambda i: (i, 0)),
        out_shape=jax.ShapeDtypeStruct((N, wh.shape[1]), jnp.float32),
        compiler_params=pltpu.CompilerParams(
            dimension_semantics=(pltpu.PARALLEL,)),
    )(hpre, pa, pb, wu, wh)


_sc_mesh = plsc.VectorSubcoreMesh(
    core_axis_name="c", subcore_axis_name="s", num_cores=NC, num_subcores=NS)


def _make_sc_edge(ew):
    nch = ew // C
    assert nch * C == ew and ew % 8 == 0 and nch >= 2

    @functools.partial(
        pl.kernel,
        out_type=jax.ShapeDtypeStruct((NC, NPAD, H), jnp.float32),
        mesh=_sc_mesh,
        compiler_params=pltpu.CompilerParams(needs_layout_passes=False),
        scratch_types=[
            pltpu.VMEM((2 * C,), jnp.int32),
            pltpu.VMEM((2 * C,), jnp.int32),
            pltpu.VMEM((C,), jnp.int32),
            pltpu.VMEM((C,), jnp.int32),
            pltpu.VMEM((C, H), jnp.float32),
            pltpu.VMEM((C, H), jnp.float32),
            pltpu.VMEM((C, H // 2), jnp.int32),
            pltpu.VMEM((C, H // 2), jnp.int32),
            pltpu.VMEM_SHARED((NPAD, H), jnp.float32),
            pltpu.SemaphoreType.DMA,
            pltpu.SemaphoreType.DMA,
            pltpu.SemaphoreType.DMA,
            pltpu.SemaphoreType.DMA,
            pltpu.SemaphoreType.DMA,
            pltpu.SemaphoreType.DMA,
            pltpu.SemaphoreType.DMA,
            pltpu.SemaphoreType.DMA,
        ],
    )
    def sc_edge(hm_hbm, g_hbm, idx_hbm, zero_hbm, out_hbm,
                ibuf0_v, ibuf1_v, dchunk0_v, dchunk1_v,
                rows0_v, rows1_v, gate0_v, gate1_v,
                acc_sh, semr0, semr1, seml0, seml1, semi0, semi1,
                sems0, sems1):
        c = lax.axis_index("c")
        s = lax.axis_index("s")
        wid = s * NC + c
        ibuf = (ibuf0_v, ibuf1_v)
        dchunk_v = (dchunk0_v, dchunk1_v)
        rows_v = (rows0_v, rows1_v)
        gate_v = (gate0_v, gate1_v)
        semr = (semr0, semr1)
        seml = (seml0, seml1)
        semi = (semi0, semi1)
        sems = (sems0, sems1)

        pltpu.sync_copy(zero_hbm.at[pl.ds(s * RPS, RPS)],
                        acc_sh.at[pl.ds(s * RPS, RPS)])
        plsc.subcore_barrier()

        def issue_idx(i, b):
            pltpu.async_copy(
                idx_hbm.at[pl.ds((wid * nch + i) * 2 * C, 2 * C)],
                ibuf[b], semi[b])

        def wait_idx(b):
            pltpu.make_async_copy(idx_hbm.at[pl.ds(0, 2 * C)], ibuf[b],
                                  semi[b]).wait()

        def issue_data(i, b):
            @pl.when(i >= 2)
            def _():
                pltpu.make_async_copy(hm_hbm.at[pl.ds(0, C)], rows_v[b],
                                      sems[b]).wait()
            pltpu.async_copy(hm_hbm.at[ibuf[b].at[pl.ds(0, C)]],
                             rows_v[b], semr[b])
            pltpu.async_copy(g_hbm.at[pl.ds(wid * ew + i * C, C)],
                             gate_v[b], seml[b])

        def drain_data(b):
            pltpu.make_async_copy(hm_hbm.at[pl.ds(0, C)], rows_v[b],
                                  semr[b]).wait()
            pltpu.make_async_copy(g_hbm.at[pl.ds(0, C)], gate_v[b],
                                  seml[b]).wait()

        def gate_and_scatter(b):
            @plsc.parallel_loop(0, C, 1, unroll=4)
            def mul_row(r):
                for k in range(H // 32):
                    gbf = plsc.bitcast(gate_v[b][r, pl.ds(k * 16, 16)],
                                       jnp.bfloat16)
                    ga, gb = plsc.unpack(
                        gbf, format=plsc.PackFormat.INTERLEAVED)
                    sla = pl.ds(k * 32, 16)
                    slb = pl.ds(k * 32 + 16, 16)
                    rows_v[b][r, sla] = rows_v[b][r, sla] * ga
                    rows_v[b][r, slb] = rows_v[b][r, slb] * gb
            for k in range(C // 16):
                dchunk_v[b][pl.ds(k * 16, 16)] = ibuf[b][pl.ds(C + k * 16, 16)]
            pltpu.async_copy(rows_v[b], acc_sh.at[dchunk_v[b]], sems[b],
                             add=True)

        issue_idx(0, 0)
        wait_idx(0)
        issue_data(0, 0)
        issue_idx(1, 1)

        def step(st, carry):
            for b in range(2):
                i = 2 * st + b

                @pl.when(i + 1 < nch)
                def _():
                    wait_idx(1 - b)
                    issue_data(i + 1, 1 - b)

                @pl.when(i < nch)
                def _():
                    drain_data(b)
                    gate_and_scatter(b)

                @pl.when(i + 2 < nch)
                def _():
                    issue_idx(i + 2, b)
            return carry

        lax.fori_loop(0, (nch + 1) // 2, step, 0)
        pltpu.make_async_copy(hm_hbm.at[pl.ds(0, C)], rows_v[1], sems[1]).wait()
        pltpu.make_async_copy(hm_hbm.at[pl.ds(0, C)], rows_v[0], sems[0]).wait()
        plsc.subcore_barrier()

        pltpu.sync_copy(acc_sh.at[pl.ds(s * RPS, RPS)],
                        out_hbm.at[c, pl.ds(s * RPS, RPS)])

    return sc_edge


_sc_edge_a = _make_sc_edge(EA // NW)
_sc_edge_b = _make_sc_edge(EB // NW)


_PEV = np.empty(H // 2, dtype=np.int32)
_POD = np.empty(H // 2, dtype=np.int32)
for _k in range(H // 32):
    for _j in range(16):
        _PEV[16 * _k + _j] = 32 * _k + _j
        _POD[16 * _k + _j] = 32 * _k + 16 + _j


def _idx2(src, dst):
    return jnp.stack([src.reshape(-1, C), dst.reshape(-1, C)],
                     axis=1).reshape(-1)


def kernel(x, edge_index, edge_attr, loop_val, poly_val,
           W_node, b_node, W_edge_enc, W_loop, W_conn, W_msg, W_upd, W_head):
    src = edge_index[0].astype(jnp.int32)
    dst = edge_index[1].astype(jnp.int32)
    ws = (W_edge_enc[:, _PEV], W_edge_enc[:, _POD],
          W_conn[0][:, _PEV], W_conn[0][:, _POD],
          W_conn[1][:, _PEV], W_conn[1][:, _POD])
    idx2a = _idx2(src[:EA], dst[:EA])
    idx2b = _idx2(src[EA:], dst[EA:])
    zeros = jnp.zeros((NPAD, H), jnp.float32)

    g1a, g2a = _gates_rng(edge_attr, poly_val, ws, 0, EA)
    hpre0, hm0 = _node_in(x, loop_val, W_node, b_node.reshape(1, H),
                          W_loop[0], W_msg[0])
    p0a = _sc_edge_a(hm0, g1a, idx2a, zeros)
    g1b, g2b = _gates_rng(edge_attr, poly_val, ws, EA // _TE, EB)
    p0b = _sc_edge_b(hm0, g1b, idx2b, zeros)
    hpre1, hm1 = _node_mid(hpre0, p0a, p0b, loop_val,
                           W_upd[0], W_loop[1], W_msg[1])
    p1a = _sc_edge_a(hm1, g2a, idx2a, zeros)
    p1b = _sc_edge_b(hm1, g2b, idx2b, zeros)
    out = _node_out(hpre1, p1a, p1b, W_upd[1], W_head)
    return out

# --- scband reference (transcript-rebuilt; emitter-appended) ---
"""Pipeline reference for scband-gse-model-14542759264585 (READ-ONLY COPY).

The authoritative reference and input builder live on the scoring server;
editing this copy changes nothing except your own understanding.
"""

import jax, jax.numpy as jnp
import numpy as np

N = 10000
E = 320000
D_IN = 128
H = 128
EMB = 16
D_EDGE = 16
D_OUT = 128
NUM_BLOCKS = 2


def setup_inputs(seed: int = 0) -> dict:
    key = jax.random.key(seed)
    ks = jax.random.split(key, 16)
    x = jax.random.normal(ks[0], (N, D_IN), dtype=jnp.float32)
    edge_index = jax.random.randint(ks[1], (2, E), 0, N)
    edge_attr = jax.random.normal(ks[2], (E, D_EDGE), dtype=jnp.float32)
    loop_val = jax.random.normal(ks[3], (N, EMB), dtype=jnp.float32)
    poly_val = jax.random.normal(ks[4], (E, EMB), dtype=jnp.float32)
    s = 0.05
    W_node = jax.random.normal(ks[5], (D_IN, H), dtype=jnp.float32) * s
    b_node = jnp.zeros((H,), dtype=jnp.float32)
    W_edge_enc = jax.random.normal(ks[6], (D_EDGE, H), dtype=jnp.float32) * s
    W_loop = jax.random.normal(ks[7], (NUM_BLOCKS, EMB, H), dtype=jnp.float32) * s
    W_conn = jax.random.normal(ks[8], (NUM_BLOCKS, EMB, H), dtype=jnp.float32) * s
    W_msg = jax.random.normal(ks[9], (NUM_BLOCKS, H, H), dtype=jnp.float32) * s
    W_upd = jax.random.normal(ks[10], (NUM_BLOCKS, H, H), dtype=jnp.float32) * s
    W_head = jax.random.normal(ks[11], (H, D_OUT), dtype=jnp.float32) * s
    return {
        'x': x, 'edge_index': edge_index, 'edge_attr': edge_attr,
        'loop_val': loop_val, 'poly_val': poly_val,
        'W_node': W_node, 'b_node': b_node, 'W_edge_enc': W_edge_enc,
        'W_loop': W_loop, 'W_conn': W_conn, 'W_msg': W_msg,
        'W_upd': W_upd, 'W_head': W_head,
    }


def reference(x, edge_index, edge_attr, loop_val, poly_val,
              W_node, b_node, W_edge_enc, W_loop, W_conn, W_msg, W_upd, W_head):
    # FeatureEncoder: node + edge encoding into hidden_dim
    h = jax.nn.relu(x @ W_node + b_node)
    conn = jax.nn.relu(edge_attr @ W_edge_enc)
    src = edge_index[0]
    dst = edge_index[1]
    for l in range(NUM_BLOCKS):
        order = 2 ** l
        if l < NUM_BLOCKS - 1:
            # poly_sgn mask: in torch this subselects edges; here applied multiplicatively
            mask = (poly_val[:, order - 1] != 0).astype(jnp.float32)[:, None]
        else:
            mask = jnp.ones((poly_val.shape[0], 1), dtype=jnp.float32)
        loop_h = loop_val @ W_loop[l]      # loop (diagonal) poly encoder
        poly_h = (poly_val @ W_conn[l]) * mask  # connection poly encoder
        h = h + loop_h
        conn = conn + poly_h
        # GseMessagingBlock: gather src features, gate by edge conn, scatter-add to dst
        msg = jnp.take(h, src, axis=0) @ W_msg[l]
        gated = msg * jax.nn.sigmoid(conn)
        agg = jax.ops.segment_sum(gated, dst, num_segments=N)
        h = jax.nn.relu(h + agg @ W_upd[l])
    out = h @ W_head  # post_mp head
    return out

if __name__ == "__main__":
    import jax
    _d = setup_inputs()
    print(jax.jit(kernel)(*tuple(_d.values())))

</pallas_src>

<mosaic_0001>
#map = affine_map<(d0, d1) -> (0, 0)>
#map1 = affine_map<(d0, d1) -> (0)>
#map2 = affine_map<(d0, d1) -> (0, 0, 0)>
module attributes {stable_mosaic.version = 14 : i64} {
  func.func @sc_edge(%arg0: i32, %arg1: i32, %arg2: memref<10000x128xf32, #tpu.memory_space<hbm>>, %arg3: memref<192000x64xi32, #tpu.memory_space<hbm>>, %arg4: memref<384000xi32, #tpu.memory_space<hbm>>, %arg5: memref<10112x128xf32, #tpu.memory_space<hbm>>, %arg6: memref<2x10112x128xf32, #tpu.memory_space<hbm>>, %arg7: memref<160xi32, #tpu.memory_space<vmem>>, %arg8: memref<160xi32, #tpu.memory_space<vmem>>, %arg9: memref<80xi32, #tpu.memory_space<vmem>>, %arg10: memref<80xi32, #tpu.memory_space<vmem>>, %arg11: memref<80x128xf32, #tpu.memory_space<vmem>>, %arg12: memref<80x128xf32, #tpu.memory_space<vmem>>, %arg13: memref<80x64xi32, #tpu.memory_space<vmem>>, %arg14: memref<80x64xi32, #tpu.memory_space<vmem>>, %arg15: memref<10112x128xf32, #tpu.memory_space<vmem_shared>>, %arg16: memref<!tpu.dma_semaphore, #tpu.memory_space<semaphore_mem>>, %arg17: memref<!tpu.dma_semaphore, #tpu.memory_space<semaphore_mem>>, %arg18: memref<!tpu.dma_semaphore, #tpu.memory_space<semaphore_mem>>, %arg19: memref<!tpu.dma_semaphore, #tpu.memory_space<semaphore_mem>>, %arg20: memref<!tpu.dma_semaphore, #tpu.memory_space<semaphore_mem>>, %arg21: memref<!tpu.dma_semaphore, #tpu.memory_space<semaphore_mem>>, %arg22: memref<!tpu.dma_semaphore, #tpu.memory_space<semaphore_mem>>, %arg23: memref<!tpu.dma_semaphore, #tpu.memory_space<semaphore_mem>>) attributes {dimension_semantics = [#tpu.dimension_semantics<core_parallel>, #tpu.dimension_semantics<subcore_parallel>], iteration_bounds = array<i64: 2, 16>, scalar_prefetch = 0 : i64, scratch_operands = 17 : i64, tpu.core_type = #tpu.core_type<sc_vector_subcore>, window_params = [{transform_indices = #map}, {transform_indices = #map}, {transform_indices = #map1}, {transform_indices = #map}, {transform_indices = #map2}]} {
    %mul3A = arith.constant 2 : i32
    %mul3A_0 = arith.muli %arg1, %mul3A : i32
    %add3A = arith.addi %mul3A_0, %arg0 : i32
    %mul3A_1 = arith.constant 632 : i32
    %mul3A_2 = arith.muli %arg1, %mul3A_1 : i32
    %mul3A_3 = arith.constant 632 : i32
    %mul3A_4 = arith.muli %arg1, %mul3A_3 : i32
    "tpu.region"() ({
      %run_scoped3A = tpu.sem_alloc : memref<!tpu.dma_semaphore, #tpu.memory_space<semaphore_mem>>
      %dma_start3A_62 = arith.constant 0 : i32
      %dma_start3A_63 = tpu.memref_slice %arg15[%mul3A_4, %dma_start3A_62] : memref<10112x128xf32, #tpu.memory_space<vmem_shared>> -> memref<632x128xf32, #tpu.memory_space<vmem_shared>>
      %dma_start3A_64 = arith.constant 0 : i32
      %dma_start3A_65 = tpu.memref_slice %arg5[%mul3A_2, %dma_start3A_64] : memref<10112x128xf32, #tpu.memory_space<hbm>> -> memref<632x128xf32, #tpu.memory_space<hbm>>
      tpu.enqueue_dma source(%dma_start3A_65 : memref<632x128xf32, #tpu.memory_space<hbm>>) target(%dma_start3A_63 : memref<632x128xf32, #tpu.memory_space<vmem_shared>>) target_semaphore(%run_scoped3A : memref<!tpu.dma_semaphore, #tpu.memory_space<semaphore_mem>>)
      %dma_wait3A_66 = arith.constant 0 : i32
      %dma_wait3A_67 = tpu.memref_slice %arg15[%mul3A_4, %dma_wait3A_66] : memref<10112x128xf32, #tpu.memory_space<vmem_shared>> -> memref<632x128xf32, #tpu.memory_space<vmem_shared>>
      %dma_wait3A_68 = arith.constant 0 : i32
      %dma_wait3A_69 = tpu.memref_slice %arg5[%mul3A_2, %dma_wait3A_68] : memref<10112x128xf32, #tpu.memory_space<hbm>> -> memref<632x128xf32, #tpu.memory_space<hbm>>
      tpu.wait_dma2 semaphore(%run_scoped3A : memref<!tpu.dma_semaphore, #tpu.memory_space<semaphore_mem>>) src(%dma_wait3A_69 : memref<632x128xf32, #tpu.memory_space<hbm>>) dst(%dma_wait3A_67 : memref<632x128xf32, #tpu.memory_space<vmem_shared>>)
      tpu.yield
    }) : () -> ()
    %barrier3A = arith.constant 0 : index
    tpu.barrier barrier_id(%barrier3A)
    %mul3A_5 = arith.constant 75 : i32
    %mul3A_6 = arith.muli %add3A, %mul3A_5 : i32
    %add3A_7 = arith.constant 0 : i32
    %add3A_8 = arith.addi %mul3A_6, %add3A_7 : i32
    %mul3A_9 = arith.constant 2 : i32
    %mul3A_10 = arith.muli %add3A_8, %mul3A_9 : i32
    %mul3A_11 = arith.constant 80 : i32
    %mul3A_12 = arith.muli %mul3A_10, %mul3A_11 : i32
    %dma_start3A = tpu.memref_slice %arg4[%mul3A_12] : memref<384000xi32, #tpu.memory_space<hbm>> -> memref<160xi32, #tpu.memory_space<hbm>>
    %dma_start3A_13 = tpu.memref_slice %arg4[%mul3A_12] : memref<384000xi32, #tpu.memory_space<hbm>> -> memref<160xi32, #tpu.memory_space<hbm>>
    tpu.enqueue_dma source(%dma_start3A_13 : memref<160xi32, #tpu.memory_space<hbm>>) target(%arg7 : memref<160xi32, #tpu.memory_space<vmem>>) target_semaphore(%arg20 : memref<!tpu.dma_semaphore, #tpu.memory_space<semaphore_mem>>)
    %dma_wait3A = arith.constant 0 : i32
    %dma_wait3A_14 = tpu.memref_slice %arg4[%dma_wait3A] : memref<384000xi32, #tpu.memory_space<hbm>> -> memref<160xi32, #tpu.memory_space<hbm>>
    %dma_wait3A_15 = arith.constant 0 : i32
    %dma_wait3A_16 = tpu.memref_slice %arg4[%dma_wait3A_15] : memref<384000xi32, #tpu.memory_space<hbm>> -> memref<160xi32, #tpu.memory_space<hbm>>
    tpu.wait_dma2 semaphore(%arg20 : memref<!tpu.dma_semaphore, #tpu.memory_space<semaphore_mem>>) src(%dma_wait3A_16 : memref<160xi32, #tpu.memory_space<hbm>>) dst(%arg7 : memref<160xi32, #tpu.memory_space<vmem>>)
    %dma_start3A_17 = arith.constant 0 : i32
    %dma_start3A_18 = tpu.memref_slice %arg7[%dma_start3A_17] : memref<160xi32, #tpu.memory_space<vmem>> -> memref<80xi32, #tpu.memory_space<vmem>>
    %dma_start3A_19 = arith.constant 0 : i32
    %dma_start3A_20 = arith.constant 0 : i32
    %dma_start3A_21 = tpu.memref_slice %arg2[%dma_start3A_19, %dma_start3A_20] : memref<10000x128xf32, #tpu.memory_space<hbm>> -> memref<10000x128xf32, #tpu.memory_space<hbm>>
    tpu.enqueue_indirect_dma source(%dma_start3A_21 : memref<10000x128xf32, #tpu.memory_space<hbm>>) target(%arg11 : memref<80x128xf32, #tpu.memory_space<vmem>>) offsets(%dma_start3A_18 : memref<80xi32, #tpu.memory_space<vmem>>) semaphore(%arg16 : memref<!tpu.dma_semaphore, #tpu.memory_space<semaphore_mem>>)
    %mul3A_22 = arith.constant 6000 : i32
    %mul3A_23 = arith.muli %add3A, %mul3A_22 : i32
    %add3A_24 = arith.constant 0 : i32
    %add3A_25 = arith.addi %mul3A_23, %add3A_24 : i32
    %dma_start3A_26 = arith.constant 0 : i32
    %dma_start3A_27 = tpu.memref_slice %arg3[%add3A_25, %dma_start3A_26] : memref<192000x64xi32, #tpu.memory_space<hbm>> -> memref<80x64xi32, #tpu.memory_space<hbm>>
    %dma_start3A_28 = arith.constant 0 : i32
    %dma_start3A_29 = tpu.memref_slice %arg3[%add3A_25, %dma_start3A_28] : memref<192000x64xi32, #tpu.memory_space<hbm>> -> memref<80x64xi32, #tpu.memory_space<hbm>>
    tpu.enqueue_dma source(%dma_start3A_29 : memref<80x64xi32, #tpu.memory_space<hbm>>) target(%arg13 : memref<80x64xi32, #tpu.memory_space<vmem>>) target_semaphore(%arg18 : memref<!tpu.dma_semaphore, #tpu.memory_space<semaphore_mem>>)
    %mul3A_30 = arith.constant 75 : i32
    %mul3A_31 = arith.muli %add3A, %mul3A_30 : i32
    %add3A_32 = arith.constant 1 : i32
    %add3A_33 = arith.addi %mul3A_31, %add3A_32 : i32
    %mul3A_34 = arith.constant 2 : i32
    %mul3A_35 = arith.muli %add3A_33, %mul3A_34 : i32
    %mul3A_36 = arith.constant 80 : i32
    %mul3A_37 = arith.muli %mul3A_35, %mul3A_36 : i32
    %dma_start3A_38 = tpu.memref_slice %arg4[%mul3A_37] : memref<384000xi32, #tpu.memory_space<hbm>> -> memref<160xi32, #tpu.memory_space<hbm>>
    %dma_start3A_39 = tpu.memref_slice %arg4[%mul3A_37] : memref<384000xi32, #tpu.memory_space<hbm>> -> memref<160xi32, #tpu.memory_space<hbm>>
    tpu.enqueue_dma source(%dma_start3A_39 : memref<160xi32, #tpu.memory_space<hbm>>) target(%arg8 : memref<160xi32, #tpu.memory_space<vmem>>) target_semaphore(%arg21 : memref<!tpu.dma_semaphore, #tpu.memory_space<semaphore_mem>>)
    %scan3A = arith.constant 0 : i32
    %scan3A_40 = arith.constant 0 : i32
    %scan3A_41 = arith.constant 38 : i32
    %scan3A_42 = arith.addi %scan3A_40, %scan3A_41 : i32
    %scan3A_43 = arith.constant 1 : i32
    scf.for %scan3A_62 = %scan3A_40 to %scan3A_42 step %scan3A_43  : i32 {
      %mul3A_63 = arith.constant 2 : i32
      %mul3A_64 = arith.muli %mul3A_63, %scan3A_62 : i32
      %add3A_65 = arith.constant 0 : i32
      %add3A_66 = arith.addi %mul3A_64, %add3A_65 : i32
      %add3A_67 = arith.constant 1 : i32
      %add3A_68 = arith.addi %add3A_66, %add3A_67 : i32
      %lt3A = arith.constant 75 : i32
      %lt3A_69 = arith.cmpi slt, %add3A_68, %lt3A : i32
      %convert_element_type3A = arith.extui %lt3A_69 : i1 to i32
      %cond3A = arith.constant 0 : i32
      %cond3A_70 = arith.cmpi ne, %convert_element_type3A, %cond3A : i32
      scf.if %cond3A_70 {
        %dma_wait3A_106 = arith.constant 0 : i32
        %dma_wait3A_107 = tpu.memref_slice %arg4[%dma_wait3A_106] : memref<384000xi32, #tpu.memory_space<hbm>> -> memref<160xi32, #tpu.memory_space<hbm>>
        %dma_wait3A_108 = arith.constant 0 : i32
        %dma_wait3A_109 = tpu.memref_slice %arg4[%dma_wait3A_108] : memref<384000xi32, #tpu.memory_space<hbm>> -> memref<160xi32, #tpu.memory_space<hbm>>
        tpu.wait_dma2 semaphore(%arg21 : memref<!tpu.dma_semaphore, #tpu.memory_space<semaphore_mem>>) src(%dma_wait3A_109 : memref<160xi32, #tpu.memory_space<hbm>>) dst(%arg8 : memref<160xi32, #tpu.memory_space<vmem>>)
        %add3A_110 = arith.constant 1 : i32
        %add3A_111 = arith.addi %add3A_66, %add3A_110 : i32
        %ge3A = arith.constant 2 : i32
        %ge3A_112 = arith.cmpi sge, %add3A_111, %ge3A : i32
        %convert_element_type3A_113 = arith.extui %ge3A_112 : i1 to i32
        %cond3A_114 = arith.constant 0 : i32
        %cond3A_115 = arith.cmpi ne, %convert_element_type3A_113, %cond3A_114 : i32
        scf.if %cond3A_115 {
          %dma_wait3A_130 = arith.constant 0 : i32
          %dma_wait3A_131 = arith.constant 0 : i32
          %dma_wait3A_132 = tpu.memref_slice %arg2[%dma_wait3A_130, %dma_wait3A_131] : memref<10000x128xf32, #tpu.memory_space<hbm>> -> memref<80x128xf32, #tpu.memory_space<hbm>>
          %dma_wait3A_133 = arith.constant 0 : i32
          %dma_wait3A_134 = arith.constant 0 : i32
          %dma_wait3A_135 = tpu.memref_slice %arg2[%dma_wait3A_133, %dma_wait3A_134] : memref<10000x128xf32, #tpu.memory_space<hbm>> -> memref<80x128xf32, #tpu.memory_space<hbm>>
          tpu.wait_dma2 semaphore(%arg23 : memref<!tpu.dma_semaphore, #tpu.memory_space<semaphore_mem>>) src(%dma_wait3A_135 : memref<80x128xf32, #tpu.memory_space<hbm>>) dst(%arg12 : memref<80x128xf32, #tpu.memory_space<vmem>>)
        } else {
        }
        %dma_start3A_116 = arith.constant 0 : i32
        %dma_start3A_117 = tpu.memref_slice %arg8[%dma_start3A_116] : memref<160xi32, #tpu.memory_space<vmem>> -> memref<80xi32, #tpu.memory_space<vmem>>
        %dma_start3A_118 = arith.constant 0 : i32
        %dma_start3A_119 = arith.constant 0 : i32
        %dma_start3A_120 = tpu.memref_slice %arg2[%dma_start3A_118, %dma_start3A_119] : memref<10000x128xf32, #tpu.memory_space<hbm>> -> memref<10000x128xf32, #tpu.memory_space<hbm>>
        tpu.enqueue_indirect_dma source(%dma_start3A_120 : memref<10000x128xf32, #tpu.memory_space<hbm>>) target(%arg12 : memref<80x128xf32, #tpu.memory_space<vmem>>) offsets(%dma_start3A_117 : memref<80xi32, #tpu.memory_space<vmem>>) semaphore(%arg17 : memref<!tpu.dma_semaphore, #tpu.memory_space<semaphore_mem>>)
        %mul3A_121 = arith.constant 6000 : i32
        %mul3A_122 = arith.muli %add3A, %mul3A_121 : i32
        %mul3A_123 = arith.constant 80 : i32
        %mul3A_124 = arith.muli %add3A_111, %mul3A_123 : i32
        %add3A_125 = arith.addi %mul3A_122, %mul3A_124 : i32
        %dma_start3A_126 = arith.constant 0 : i32
        %dma_start3A_127 = tpu.memref_slice %arg3[%add3A_125, %dma_start3A_126] : memref<192000x64xi32, #tpu.memory_space<hbm>> -> memref<80x64xi32, #tpu.memory_space<hbm>>
        %dma_start3A_128 = arith.constant 0 : i32
        %dma_start3A_129 = tpu.memref_slice %arg3[%add3A_125, %dma_start3A_128] : memref<192000x64xi32, #tpu.memory_space<hbm>> -> memref<80x64xi32, #tpu.memory_space<hbm>>
        tpu.enqueue_dma source(%dma_start3A_129 : memref<80x64xi32, #tpu.memory_space<hbm>>) target(%arg14 : memref<80x64xi32, #tpu.memory_space<vmem>>) target_semaphore(%arg19 : memref<!tpu.dma_semaphore, #tpu.memory_space<semaphore_mem>>)
      } else {
      }
      %lt3A_71 = arith.constant 75 : i32
      %lt3A_72 = arith.cmpi slt, %add3A_66, %lt3A_71 : i32
      %convert_element_type3A_73 = arith.extui %lt3A_72 : i1 to i32
      %cond3A_74 = arith.constant 0 : i32
      %cond3A_75 = arith.cmpi ne, %convert_element_type3A_73, %cond3A_74 : i32
      scf.if %cond3A_75 {
        %dma_wait3A_106 = arith.constant 0 : i32
        %dma_wait3A_107 = arith.constant 0 : i32
        %dma_wait3A_108 = tpu.memref_slice %arg2[%dma_wait3A_106, %dma_wait3A_107] : memref<10000x128xf32, #tpu.memory_space<hbm>> -> memref<80x128xf32, #tpu.memory_space<hbm>>
        %dma_wait3A_109 = arith.constant 0 : i32
        %dma_wait3A_110 = arith.constant 0 : i32
        %dma_wait3A_111 = tpu.memref_slice %arg2[%dma_wait3A_109, %dma_wait3A_110] : memref<10000x128xf32, #tpu.memory_space<hbm>> -> memref<80x128xf32, #tpu.memory_space<hbm>>
        tpu.wait_dma2 semaphore(%arg16 : memref<!tpu.dma_semaphore, #tpu.memory_space<semaphore_mem>>) src(%dma_wait3A_111 : memref<80x128xf32, #tpu.memory_space<hbm>>) dst(%arg11 : memref<80x128xf32, #tpu.memory_space<vmem>>)
        %dma_wait3A_112 = arith.constant 0 : i32
        %dma_wait3A_113 = arith.constant 0 : i32
        %dma_wait3A_114 = tpu.memref_slice %arg3[%dma_wait3A_112, %dma_wait3A_113] : memref<192000x64xi32, #tpu.memory_space<hbm>> -> memref<80x64xi32, #tpu.memory_space<hbm>>
        %dma_wait3A_115 = arith.constant 0 : i32
        %dma_wait3A_116 = arith.constant 0 : i32
        %dma_wait3A_117 = tpu.memref_slice %arg3[%dma_wait3A_115, %dma_wait3A_116] : memref<192000x64xi32, #tpu.memory_space<hbm>> -> memref<80x64xi32, #tpu.memory_space<hbm>>
        tpu.wait_dma2 semaphore(%arg18 : memref<!tpu.dma_semaphore, #tpu.memory_space<semaphore_mem>>) src(%dma_wait3A_117 : memref<80x64xi32, #tpu.memory_space<hbm>>) dst(%arg13 : memref<80x64xi32, #tpu.memory_space<vmem>>)
        %parallel_loop3A = arith.constant 0 : i32
        %parallel_loop3A_118 = arith.constant 80 : i32
        %parallel_loop3A_119 = arith.constant 1 : i32
        scf.for %parallel_loop3A_141 = %parallel_loop3A to %parallel_loop3A_118 step %parallel_loop3A_119  : i32 {
          %parallel_loop3A_142 = arith.index_cast %parallel_loop3A_141 : i32 to index
          %parallel_loop3A_143 = arith.constant 0 : index
          %parallel_loop3A_144 = tpu.vector_load %arg13[%parallel_loop3A_142, %parallel_loop3A_143] {strides = array<i32>} : memref<80x64xi32, #tpu.memory_space<vmem>>, vector<16xi32>,
          %parallel_loop3A_145 = vector.bitcast %parallel_loop3A_144 : vector<16xi32> to vector<32xbf16>
          %parallel_loop3A_146 = tpu.unpack_subelements %parallel_loop3A_145, 0 {pack_format = #tpu.pack_format<interleaved>} : vector<32xbf16> -> vector<16xf32>
          %parallel_loop3A_147 = tpu.unpack_subelements %parallel_loop3A_145, 1 {pack_format = #tpu.pack_format<interleaved>} : vector<32xbf16> -> vector<16xf32>
          %parallel_loop3A_148 = arith.index_cast %parallel_loop3A_141 : i32 to index
          %parallel_loop3A_149 = arith.constant 0 : index
          %parallel_loop3A_150 = tpu.vector_load %arg11[%parallel_loop3A_148, %parallel_loop3A_149] {strides = array<i32>} : memref<80x128xf32, #tpu.memory_space<vmem>>, vector<16xf32>,
          %parallel_loop3A_151 = arith.mulf %parallel_loop3A_150, %parallel_loop3A_146 : vector<16xf32>
          %parallel_loop3A_152 = arith.index_cast %parallel_loop3A_141 : i32 to index
          %parallel_loop3A_153 = arith.constant 0 : index
          %parallel_loop3A_154 = tpu.vector_load %arg11[%parallel_loop3A_152, %parallel_loop3A_153] {strides = array<i32>} : memref<80x128xf32, #tpu.memory_space<vmem>>, vector<16xf32>,
          tpu.vector_store %arg11[%parallel_loop3A_152, %parallel_loop3A_153], %parallel_loop3A_151 {strides = array<i32>} : memref<80x128xf32, #tpu.memory_space<vmem>>, vector<16xf32>,
          %parallel_loop3A_155 = arith.index_cast %parallel_loop3A_141 : i32 to index
          %parallel_loop3A_156 = arith.constant 16 : index
          %parallel_loop3A_157 = tpu.vector_load %arg11[%parallel_loop3A_155, %parallel_loop3A_156] {strides = array<i32>} : memref<80x128xf32, #tpu.memory_space<vmem>>, vector<16xf32>,
          %parallel_loop3A_158 = arith.mulf %parallel_loop3A_157, %parallel_loop3A_147 : vector<16xf32>
          %parallel_loop3A_159 = arith.index_cast %parallel_loop3A_141 : i32 to index
          %parallel_loop3A_160 = arith.constant 16 : index
          %parallel_loop3A_161 = tpu.vector_load %arg11[%parallel_loop3A_159, %parallel_loop3A_160] {strides = array<i32>} : memref<80x128xf32, #tpu.memory_space<vmem>>, vector<16xf32>,
          tpu.vector_store %arg11[%parallel_loop3A_159, %parallel_loop3A_160], %parallel_loop3A_158 {strides = array<i32>} : memref<80x128xf32, #tpu.memory_space<vmem>>, vector<16xf32>,
          %parallel_loop3A_162 = arith.index_cast %parallel_loop3A_141 : i32 to index
          %parallel_loop3A_163 = arith.constant 16 : index
          %parallel_loop3A_164 = tpu.vector_load %arg13[%parallel_loop3A_162, %parallel_loop3A_163] {strides = array<i32>} : memref<80x64xi32, #tpu.memory_space<vmem>>, vector<16xi32>,
          %parallel_loop3A_165 = vector.bitcast %parallel_loop3A_164 : vector<16xi32> to vector<32xbf16>
          %parallel_loop3A_166 = tpu.unpack_subelements %parallel_loop3A_165, 0 {pack_format = #tpu.pack_format<interleaved>} : vector<32xbf16> -> vector<16xf32>
          %parallel_loop3A_167 = tpu.unpack_subelements %parallel_loop3A_165, 1 {pack_format = #tpu.pack_format<interleaved>} : vector<32xbf16> -> vector<16xf32>
          %parallel_loop3A_168 = arith.index_cast %parallel_loop3A_141 : i32 to index
          %parallel_loop3A_169 = arith.constant 32 : index
          %parallel_loop3A_170 = tpu.vector_load %arg11[%parallel_loop3A_168, %parallel_loop3A_169] {strides = array<i32>} : memref<80x128xf32, #tpu.memory_space<vmem>>, vector<16xf32>,
          %parallel_loop3A_171 = arith.mulf %parallel_loop3A_170, %parallel_loop3A_166 : vector<16xf32>
          %parallel_loop3A_172 = arith.index_cast %parallel_loop3A_141 : i32 to index
          %parallel_loop3A_173 = arith.constant 32 : index
          %parallel_loop3A_174 = tpu.vector_load %arg11[%parallel_loop3A_172, %parallel_loop3A_173] {strides = array<i32>} : memref<80x128xf32, #tpu.memory_space<vmem>>, vector<16xf32>,
          tpu.vector_store %arg11[%parallel_loop3A_172, %parallel_loop3A_173], %parallel_loop3A_171 {strides = array<i32>} : memref<80x128xf32, #tpu.memory_space<vmem>>, vector<16xf32>,
          %parallel_loop3A_175 = arith.index_cast %parallel_loop3A_141 : i32 to index
          %parallel_loop3A_176 = arith.constant 48 : index
          %parallel_loop3A_177 = tpu.vector_load %arg11[%parallel_loop3A_175, %parallel_loop3A_176] {strides = array<i32>} : memref<80x128xf32, #tpu.memory_space<vmem>>, vector<16xf32>,
          %parallel_loop3A_178 = arith.mulf %parallel_loop3A_177, %parallel_loop3A_167 : vector<16xf32>
          %parallel_loop3A_179 = arith.index_cast %parallel_loop3A_141 : i32 to index
          %parallel_loop3A_180 = arith.constant 48 : index
          %parallel_loop3A_181 = tpu.vector_load %arg11[%parallel_loop3A_179, %parallel_loop3A_180] {strides = array<i32>} : memref<80x128xf32, #tpu.memory_space<vmem>>, vector<16xf32>,
          tpu.vector_store %arg11[%parallel_loop3A_179, %parallel_loop3A_180], %parallel_loop3A_178 {strides = array<i32>} : memref<80x128xf32, #tpu.memory_space<vmem>>, vector<16xf32>,
          %parallel_loop3A_182 = arith.index_cast %parallel_loop3A_141 : i32 to index
          %parallel_loop3A_183 = arith.constant 32 : index
          %parallel_loop3A_184 = tpu.vector_load %arg13[%parallel_loop3A_182, %parallel_loop3A_183] {strides = array<i32>} : memref<80x64xi32, #tpu.memory_space<vmem>>, vector<16xi32>,
          %parallel_loop3A_185 = vector.bitcast %parallel_loop3A_184 : vector<16xi32> to vector<32xbf16>
          %parallel_loop3A_186 = tpu.unpack_subelements %parallel_loop3A_185, 0 {pack_format = #tpu.pack_format<interleaved>} : vector<32xbf16> -> vector<16xf32>
          %parallel_loop3A_187 = tpu.unpack_subelements %parallel_loop3A_185, 1 {pack_format = #tpu.pack_format<interleaved>} : vector<32xbf16> -> vector<16xf32>
          %parallel_loop3A_188 = arith.index_cast %parallel_loop3A_141 : i32 to index
          %parallel_loop3A_189 = arith.constant 64 : index
          %parallel_loop3A_190 = tpu.vector_load %arg11[%parallel_loop3A_188, %parallel_loop3A_189] {strides = array<i32>} : memref<80x128xf32, #tpu.memory_space<vmem>>, vector<16xf32>,
          %parallel_loop3A_191 = arith.mulf %parallel_loop3A_190, %parallel_loop3A_186 : vector<16xf32>
          %parallel_loop3A_192 = arith.index_cast %parallel_loop3A_141 : i32 to index
          %parallel_loop3A_193 = arith.constant 64 : index
          %parallel_loop3A_194 = tpu.vector_load %arg11[%parallel_loop3A_192, %parallel_loop3A_193] {strides = array<i32>} : memref<80x128xf32, #tpu.memory_space<vmem>>, vector<16xf32>,
          tpu.vector_store %arg11[%parallel_loop3A_192, %parallel_loop3A_193], %parallel_loop3A_191 {strides = array<i32>} : memref<80x128xf32, #tpu.memory_space<vmem>>, vector<16xf32>,
          %parallel_loop3A_195 = arith.index_cast %parallel_loop3A_141 : i32 to index
          %parallel_loop3A_196 = arith.constant 80 : index
          %parallel_loop3A_197 = tpu.vector_load %arg11[%parallel_loop3A_195, %parallel_loop3A_196] {strides = array<i32>} : memref<80x128xf32, #tpu.memory_space<vmem>>, vector<16xf32>,
          %parallel_loop3A_198 = arith.mulf %parallel_loop3A_197, %parallel_loop3A_187 : vector<16xf32>
          %parallel_loop3A_199 = arith.index_cast %parallel_loop3A_141 : i32 to index
          %parallel_loop3A_200 = arith.constant 80 : index
          %parallel_loop3A_201 = tpu.vector_load %arg11[%parallel_loop3A_199, %parallel_loop3A_200] {strides = array<i32>} : memref<80x128xf32, #tpu.memory_space<vmem>>, vector<16xf32>,
          tpu.vector_store %arg11[%parallel_loop3A_199, %parallel_loop3A_200], %parallel_loop3A_198 {strides = array<i32>} : memref<80x128xf32, #tpu.memory_space<vmem>>, vector<16xf32>,
          %parallel_loop3A_202 = arith.index_cast %parallel_loop3A_141 : i32 to index
          %parallel_loop3A_203 = arith.constant 48 : index
          %parallel_loop3A_204 = tpu.vector_load %arg13[%parallel_loop3A_202, %parallel_loop3A_203] {strides = array<i32>} : memref<80x64xi32, #tpu.memory_space<vmem>>, vector<16xi32>,
          %parallel_loop3A_205 = vector.bitcast %parallel_loop3A_204 : vector<16xi32> to vector<32xbf16>
          %parallel_loop3A_206 = tpu.unpack_subelements %parallel_loop3A_205, 0 {pack_format = #tpu.pack_format<interleaved>} : vector<32xbf16> -> vector<16xf32>
          %parallel_loop3A_207 = tpu.unpack_subelements %parallel_loop3A_205, 1 {pack_format = #tpu.pack_format<interleaved>} : vector<32xbf16> -> vector<16xf32>
          %parallel_loop3A_208 = arith.index_cast %parallel_loop3A_141 : i32 to index
          %parallel_loop3A_209 = arith.constant 96 : index
          %parallel_loop3A_210 = tpu.vector_load %arg11[%parallel_loop3A_208, %parallel_loop3A_209] {strides = array<i32>} : memref<80x128xf32, #tpu.memory_space<vmem>>, vector<16xf32>,
          %parallel_loop3A_211 = arith.mulf %parallel_loop3A_210, %parallel_loop3A_206 : vector<16xf32>
          %parallel_loop3A_212 = arith.index_cast %parallel_loop3A_141 : i32 to index
          %parallel_loop3A_213 = arith.constant 96 : index
          %parallel_loop3A_214 = tpu.vector_load %arg11[%parallel_loop3A_212, %parallel_loop3A_213] {strides = array<i32>} : memref<80x128xf32, #tpu.memory_space<vmem>>, vector<16xf32>,
          tpu.vector_store %arg11[%parallel_loop3A_212, %parallel_loop3A_213], %parallel_loop3A_211 {strides = array<i32>} : memref<80x128xf32, #tpu.memory_space<vmem>>, vector<16xf32>,
          %parallel_loop3A_215 = arith.index_cast %parallel_loop3A_141 : i32 to index
          %parallel_loop3A_216 = arith.constant 112 : index
          %parallel_loop3A_217 = tpu.vector_load %arg11[%parallel_loop3A_215, %parallel_loop3A_216] {strides = array<i32>} : memref<80x128xf32, #tpu.memory_space<vmem>>, vector<16xf32>,
          %parallel_loop3A_218 = arith.mulf %parallel_loop3A_217, %parallel_loop3A_207 : vector<16xf32>
          %parallel_loop3A_219 = arith.index_cast %parallel_loop3A_141 : i32 to index
          %parallel_loop3A_220 = arith.constant 112 : index
          %parallel_loop3A_221 = tpu.vector_load %arg11[%parallel_loop3A_219, %parallel_loop3A_220] {strides = array<i32>} : memref<80x128xf32, #tpu.memory_space<vmem>>, vector<16xf32>,
          tpu.vector_store %arg11[%parallel_loop3A_219, %parallel_loop3A_220], %parallel_loop3A_218 {strides = array<i32>} : memref<80x128xf32, #tpu.memory_space<vmem>>, vector<16xf32>,
        } {sc.loop_unroll_factor = 4 : i64, sc.parallel_access}
        %get3A = arith.constant 80 : index
        %get3A_120 = tpu.vector_load %arg7[%get3A] {strides = array<i32>} : memref<160xi32, #tpu.memory_space<vmem>>, vector<16xi32>,
        %swap3A = arith.constant 0 : index
        %swap3A_121 = tpu.vector_load %arg9[%swap3A] {strides = array<i32>} : memref<80xi32, #tpu.memory_space<vmem>>, vector<16xi32>,
        tpu.vector_store %arg9[%swap3A], %get3A_120 {strides = array<i32>} : memref<80xi32, #tpu.memory_space<vmem>>, vector<16xi32>,
        %get3A_122 = arith.constant 96 : index
        %get3A_123 = tpu.vector_load %arg7[%get3A_122] {strides = array<i32>} : memref<160xi32, #tpu.memory_space<vmem>>, vector<16xi32>,
        %swap3A_124 = arith.constant 16 : index
        %swap3A_125 = tpu.vector_load %arg9[%swap3A_124] {strides = array<i32>} : memref<80xi32, #tpu.memory_space<vmem>>, vector<16xi32>,
        tpu.vector_store %arg9[%swap3A_124], %get3A_123 {strides = array<i32>} : memref<80xi32, #tpu.memory_space<vmem>>, vector<16xi32>,
        %get3A_126 = arith.constant 112 : index
        %get3A_127 = tpu.vector_load %arg7[%get3A_126] {strides = array<i32>} : memref<160xi32, #tpu.memory_space<vmem>>, vector<16xi32>,
        %swap3A_128 = arith.constant 32 : index
        %swap3A_129 = tpu.vector_load %arg9[%swap3A_128] {strides = array<i32>} : memref<80xi32, #tpu.memory_space<vmem>>, vector<16xi32>,
        tpu.vector_store %arg9[%swap3A_128], %get3A_127 {strides = array<i32>} : memref<80xi32, #tpu.memory_space<vmem>>, vector<16xi32>,
        %get3A_130 = arith.constant 128 : index
        %get3A_131 = tpu.vector_load %arg7[%get3A_130] {strides = array<i32>} : memref<160xi32, #tpu.memory_space<vmem>>, vector<16xi32>,
        %swap3A_132 = arith.constant 48 : index
        %swap3A_133 = tpu.vector_load %arg9[%swap3A_132] {strides = array<i32>} : memref<80xi32, #tpu.memory_space<vmem>>, vector<16xi32>,
        tpu.vector_store %arg9[%swap3A_132], %get3A_131 {strides = array<i32>} : memref<80xi32, #tpu.memory_space<vmem>>, vector<16xi32>,
        %get3A_134 = arith.constant 144 : index
        %get3A_135 = tpu.vector_load %arg7[%get3A_134] {strides = array<i32>} : memref<160xi32, #tpu.memory_space<vmem>>, vector<16xi32>,
        %swap3A_136 = arith.constant 64 : index
        %swap3A_137 = tpu.vector_load %arg9[%swap3A_136] {strides = array<i32>} : memref<80xi32, #tpu.memory_space<vmem>>, vector<16xi32>,
        tpu.vector_store %arg9[%swap3A_136], %get3A_135 {strides = array<i32>} : memref<80xi32, #tpu.memory_space<vmem>>, vector<16xi32>,
        %dma_start3A_138 = arith.constant 0 : i32
        %dma_start3A_139 = arith.constant 0 : i32
        %dma_start3A_140 = tpu.memref_slice %arg15[%dma_start3A_138, %dma_start3A_139] : memref<10112x128xf32, #tpu.memory_space<vmem_shared>> -> memref<10112x128xf32, #tpu.memory_space<vmem_shared>>
        tpu.enqueue_indirect_dma source(%arg11 : memref<80x128xf32, #tpu.memory_space<vmem>>) target(%dma_start3A_140 : memref<10112x128xf32, #tpu.memory_space<vmem_shared>>) offsets(%arg9 : memref<80xi32, #tpu.memory_space<vmem>>) semaphore(%arg22 : memref<!tpu.dma_semaphore, #tpu.memory_space<semaphore_mem>>) {add = true}
      } else {
      }
      %add3A_76 = arith.constant 2 : i32
      %add3A_77 = arith.addi %add3A_66, %add3A_76 : i32
      %lt3A_78 = arith.constant 75 : i32
      %lt3A_79 = arith.cmpi slt, %add3A_77, %lt3A_78 : i32
      %convert_element_type3A_80 = arith.extui %lt3A_79 : i1 to i32
      %cond3A_81 = arith.constant 0 : i32
      %cond3A_82 = arith.cmpi ne, %convert_element_type3A_80, %cond3A_81 : i32
      scf.if %cond3A_82 {
        %add3A_106 = arith.constant 2 : i32
        %add3A_107 = arith.addi %add3A_66, %add3A_106 : i32
        %mul3A_108 = arith.constant 75 : i32
        %mul3A_109 = arith.muli %add3A, %mul3A_108 : i32
        %add3A_110 = arith.addi %mul3A_109, %add3A_107 : i32
        %mul3A_111 = arith.constant 2 : i32
        %mul3A_112 = arith.muli %add3A_110, %mul3A_111 : i32
        %mul3A_113 = arith.constant 80 : i32
        %mul3A_114 = arith.muli %mul3A_112, %mul3A_113 : i32
        %dma_start3A_115 = tpu.memref_slice %arg4[%mul3A_114] : memref<384000xi32, #tpu.memory_space<hbm>> -> memref<160xi32, #tpu.memory_space<hbm>>
        %dma_start3A_116 = tpu.memref_slice %arg4[%mul3A_114] : memref<384000xi32, #tpu.memory_space<hbm>> -> memref<160xi32, #tpu.memory_space<hbm>>
        tpu.enqueue_dma source(%dma_start3A_116 : memref<160xi32, #tpu.memory_space<hbm>>) target(%arg7 : memref<160xi32, #tpu.memory_space<vmem>>) target_semaphore(%arg20 : memref<!tpu.dma_semaphore, #tpu.memory_space<semaphore_mem>>)
      } else {
      }
      %mul3A_83 = arith.constant 2 : i32
      %mul3A_84 = arith.muli %mul3A_83, %scan3A_62 : i32
      %add3A_85 = arith.constant 1 : i32
      %add3A_86 = arith.addi %mul3A_84, %add3A_85 : i32
      %add3A_87 = arith.constant 1 : i32
      %add3A_88 = arith.addi %add3A_86, %add3A_87 : i32
      %lt3A_89 = arith.constant 75 : i32
      %lt3A_90 = arith.cmpi slt, %add3A_88, %lt3A_89 : i32
      %convert_element_type3A_91 = arith.extui %lt3A_90 : i1 to i32
      %cond3A_92 = arith.constant 0 : i32
      %cond3A_93 = arith.cmpi ne, %convert_element_type3A_91, %cond3A_92 : i32
      scf.if %cond3A_93 {
        %dma_wait3A_106 = arith.constant 0 : i32
        %dma_wait3A_107 = tpu.memref_slice %arg4[%dma_wait3A_106] : memref<384000xi32, #tpu.memory_space<hbm>> -> memref<160xi32, #tpu.memory_space<hbm>>
        %dma_wait3A_108 = arith.constant 0 : i32
        %dma_wait3A_109 = tpu.memref_slice %arg4[%dma_wait3A_108] : memref<384000xi32, #tpu.memory_space<hbm>> -> memref<160xi32, #tpu.memory_space<hbm>>
        tpu.wait_dma2 semaphore(%arg20 : memref<!tpu.dma_semaphore, #tpu.memory_space<semaphore_mem>>) src(%dma_wait3A_109 : memref<160xi32, #tpu.memory_space<hbm>>) dst(%arg7 : memref<160xi32, #tpu.memory_space<vmem>>)
        %add3A_110 = arith.constant 1 : i32
        %add3A_111 = arith.addi %add3A_86, %add3A_110 : i32
        %ge3A = arith.constant 2 : i32
        %ge3A_112 = arith.cmpi sge, %add3A_111, %ge3A : i32
        %convert_element_type3A_113 = arith.extui %ge3A_112 : i1 to i32
        %cond3A_114 = arith.constant 0 : i32
        %cond3A_115 = arith.cmpi ne, %convert_element_type3A_113, %cond3A_114 : i32
        scf.if %cond3A_115 {
          %dma_wait3A_130 = arith.constant 0 : i32
          %dma_wait3A_131 = arith.constant 0 : i32
          %dma_wait3A_132 = tpu.memref_slice %arg2[%dma_wait3A_130, %dma_wait3A_131] : memref<10000x128xf32, #tpu.memory_space<hbm>> -> memref<80x128xf32, #tpu.memory_space<hbm>>
          %dma_wait3A_133 = arith.constant 0 : i32
          %dma_wait3A_134 = arith.constant 0 : i32
          %dma_wait3A_135 = tpu.memref_slice %arg2[%dma_wait3A_133, %dma_wait3A_134] : memref<10000x128xf32, #tpu.memory_space<hbm>> -> memref<80x128xf32, #tpu.memory_space<hbm>>
          tpu.wait_dma2 semaphore(%arg22 : memref<!tpu.dma_semaphore, #tpu.memory_space<semaphore_mem>>) src(%dma_wait3A_135 : memref<80x128xf32, #tpu.memory_space<hbm>>) dst(%arg11 : memref<80x128xf32, #tpu.memory_space<vmem>>)
        } else {
        }
        %dma_start3A_116 = arith.constant 0 : i32
        %dma_start3A_117 = tpu.memref_slice %arg7[%dma_start3A_116] : memref<160xi32, #tpu.memory_space<vmem>> -> memref<80xi32, #tpu.memory_space<vmem>>
        %dma_start3A_118 = arith.constant 0 : i32
        %dma_start3A_119 = arith.constant 0 : i32
        %dma_start3A_120 = tpu.memref_slice %arg2[%dma_start3A_118, %dma_start3A_119] : memref<10000x128xf32, #tpu.memory_space<hbm>> -> memref<10000x128xf32, #tpu.memory_space<hbm>>
        tpu.enqueue_indirect_dma source(%dma_start3A_120 : memref<10000x128xf32, #tpu.memory_space<hbm>>) target(%arg11 : memref<80x128xf32, #tpu.memory_space<vmem>>) offsets(%dma_start3A_117 : memref<80xi32, #tpu.memory_space<vmem>>) semaphore(%arg16 : memref<!tpu.dma_semaphore, #tpu.memory_space<semaphore_mem>>)
        %mul3A_121 = arith.constant 6000 : i32
        %mul3A_122 = arith.muli %add3A, %mul3A_121 : i32
        %mul3A_123 = arith.constant 80 : i32
        %mul3A_124 = arith.muli %add3A_111, %mul3A_123 : i32
        %add3A_125 = arith.addi %mul3A_122, %mul3A_124 : i32
        %dma_start3A_126 = arith.constant 0 : i32
        %dma_start3A_127 = tpu.memref_slice %arg3[%add3A_125, %dma_start3A_126] : memref<192000x64xi32, #tpu.memory_space<hbm>> -> memref<80x64xi32, #tpu.memory_space<hbm>>
        %dma_start3A_128 = arith.constant 0 : i32
        %dma_start3A_129 = tpu.memref_slice %arg3[%add3A_125, %dma_start3A_128] : memref<192000x64xi32, #tpu.memory_space<hbm>> -> memref<80x64xi32, #tpu.memory_space<hbm>>
        tpu.enqueue_dma source(%dma_start3A_129 : memref<80x64xi32, #tpu.memory_space<hbm>>) target(%arg13 : memref<80x64xi32, #tpu.memory_space<vmem>>) target_semaphore(%arg18 : memref<!tpu.dma_semaphore, #tpu.memory_space<semaphore_mem>>)
      } else {
      }
      %lt3A_94 = arith.constant 75 : i32
      %lt3A_95 = arith.cmpi slt, %add3A_86, %lt3A_94 : i32
      %convert_element_type3A_96 = arith.extui %lt3A_95 : i1 to i32
      %cond3A_97 = arith.constant 0 : i32
      %cond3A_98 = arith.cmpi ne, %convert_element_type3A_96, %cond3A_97 : i32
      scf.if %cond3A_98 {
        %dma_wait3A_106 = arith.constant 0 : i32
        %dma_wait3A_107 = arith.constant 0 : i32
        %dma_wait3A_108 = tpu.memref_slice %arg2[%dma_wait3A_106, %dma_wait3A_107] : memref<10000x128xf32, #tpu.memory_space<hbm>> -> memref<80x128xf32, #tpu.memory_space<hbm>>
        %dma_wait3A_109 = arith.constant 0 : i32
        %dma_wait3A_110 = arith.constant 0 : i32
        %dma_wait3A_111 = tpu.memref_slice %arg2[%dma_wait3A_109, %dma_wait3A_110] : memref<10000x128xf32, #tpu.memory_space<hbm>> -> memref<80x128xf32, #tpu.memory_space<hbm>>
        tpu.wait_dma2 semaphore(%arg17 : memref<!tpu.dma_semaphore, #tpu.memory_space<semaphore_mem>>) src(%dma_wait3A_111 : memref<80x128xf32, #tpu.memory_space<hbm>>) dst(%arg12 : memref<80x128xf32, #tpu.memory_space<vmem>>)
        %dma_wait3A_112 = arith.constant 0 : i32
        %dma_wait3A_113 = arith.constant 0 : i32
        %dma_wait3A_114 = tpu.memref_slice %arg3[%dma_wait3A_112, %dma_wait3A_113] : memref<192000x64xi32, #tpu.memory_space<hbm>> -> memref<80x64xi32, #tpu.memory_space<hbm>>
        %dma_wait3A_115 = arith.constant 0 : i32
        %dma_wait3A_116 = arith.constant 0 : i32
        %dma_wait3A_117 = tpu.memref_slice %arg3[%dma_wait3A_115, %dma_wait3A_116] : memref<192000x64xi32, #tpu.memory_space<hbm>> -> memref<80x64xi32, #tpu.memory_space<hbm>>
        tpu.wait_dma2 semaphore(%arg19 : memref<!tpu.dma_semaphore, #tpu.memory_space<semaphore_mem>>) src(%dma_wait3A_117 : memref<80x64xi32, #tpu.memory_space<hbm>>) dst(%arg14 : memref<80x64xi32, #tpu.memory_space<vmem>>)
        %parallel_loop3A = arith.constant 0 : i32
        %parallel_loop3A_118 = arith.constant 80 : i32
        %parallel_loop3A_119 = arith.constant 1 : i32
        scf.for %parallel_loop3A_141 = %parallel_loop3A to %parallel_loop3A_118 step %parallel_loop3A_119  : i32 {
          %parallel_loop3A_142 = arith.index_cast %parallel_loop3A_141 : i32 to index
          %parallel_loop3A_143 = arith.constant 0 : index
          %parallel_loop3A_144 = tpu.vector_load %arg14[%parallel_loop3A_142, %parallel_loop3A_143] {strides = array<i32>} : memref<80x64xi32, #tpu.memory_space<vmem>>, vector<16xi32>,
          %parallel_loop3A_145 = vector.bitcast %parallel_loop3A_144 : vector<16xi32> to vector<32xbf16>
          %parallel_loop3A_146 = tpu.unpack_subelements %parallel_loop3A_145, 0 {pack_format = #tpu.pack_format<interleaved>} : vector<32xbf16> -> vector<16xf32>
          %parallel_loop3A_147 = tpu.unpack_subelements %parallel_loop3A_145, 1 {pack_format = #tpu.pack_format<interleaved>} : vector<32xbf16> -> vector<16xf32>
          %parallel_loop3A_148 = arith.index_cast %parallel_loop3A_141 : i32 to index
          %parallel_loop3A_149 = arith.constant 0 : index
          %parallel_loop3A_150 = tpu.vector_load %arg12[%parallel_loop3A_148, %parallel_loop3A_149] {strides = array<i32>} : memref<80x128xf32, #tpu.memory_space<vmem>>, vector<16xf32>,
          %parallel_loop3A_151 = arith.mulf %parallel_loop3A_150, %parallel_loop3A_146 : vector<16xf32>
          %parallel_loop3A_152 = arith.index_cast %parallel_loop3A_141 : i32 to index
          %parallel_loop3A_153 = arith.constant 0 : index
          %parallel_loop3A_154 = tpu.vector_load %arg12[%parallel_loop3A_152, %parallel_loop3A_153] {strides = array<i32>} : memref<80x128xf32, #tpu.memory_space<vmem>>, vector<16xf32>,
          tpu.vector_store %arg12[%parallel_loop3A_152, %parallel_loop3A_153], %parallel_loop3A_151 {strides = array<i32>} : memref<80x128xf32, #tpu.memory_space<vmem>>, vector<16xf32>,
          %parallel_loop3A_155 = arith.index_cast %parallel_loop3A_141 : i32 to index
          %parallel_loop3A_156 = arith.constant 16 : index
          %parallel_loop3A_157 = tpu.vector_load %arg12[%parallel_loop3A_155, %parallel_loop3A_156] {strides = array<i32>} : memref<80x128xf32, #tpu.memory_space<vmem>>, vector<16xf32>,
          %parallel_loop3A_158 = arith.mulf %parallel_loop3A_157, %parallel_loop3A_147 : vector<16xf32>
          %parallel_loop3A_159 = arith.index_cast %parallel_loop3A_141 : i32 to index
          %parallel_loop3A_160 = arith.constant 16 : index
          %parallel_loop3A_161 = tpu.vector_load %arg12[%parallel_loop3A_159, %parallel_loop3A_160] {strides = array<i32>} : memref<80x128xf32, #tpu.memory_space<vmem>>, vector<16xf32>,
          tpu.vector_store %arg12[%parallel_loop3A_159, %parallel_loop3A_160], %parallel_loop3A_158 {strides = array<i32>} : memref<80x128xf32, #tpu.memory_space<vmem>>, vector<16xf32>,
          %parallel_loop3A_162 = arith.index_cast %parallel_loop3A_141 : i32 to index
          %parallel_loop3A_163 = arith.constant 16 : index
          %parallel_loop3A_164 = tpu.vector_load %arg14[%parallel_loop3A_162, %parallel_loop3A_163] {strides = array<i32>} : memref<80x64xi32, #tpu.memory_space<vmem>>, vector<16xi32>,
          %parallel_loop3A_165 = vector.bitcast %parallel_loop3A_164 : vector<16xi32> to vector<32xbf16>
          %parallel_loop3A_166 = tpu.unpack_subelements %parallel_loop3A_165, 0 {pack_format = #tpu.pack_format<interleaved>} : vector<32xbf16> -> vector<16xf32>
          %parallel_loop3A_167 = tpu.unpack_subelements %parallel_loop3A_165, 1 {pack_format = #tpu.pack_format<interleaved>} : vector<32xbf16> -> vector<16xf32>
          %parallel_loop3A_168 = arith.index_cast %parallel_loop3A_141 : i32 to index
          %parallel_loop3A_169 = arith.constant 32 : index
          %parallel_loop3A_170 = tpu.vector_load %arg12[%parallel_loop3A_168, %parallel_loop3A_169] {strides = array<i32>} : memref<80x128xf32, #tpu.memory_space<vmem>>, vector<16xf32>,
          %parallel_loop3A_171 = arith.mulf %parallel_loop3A_170, %parallel_loop3A_166 : vector<16xf32>
          %parallel_loop3A_172 = arith.index_cast %parallel_loop3A_141 : i32 to index
          %parallel_loop3A_173 = arith.constant 32 : index
          %parallel_loop3A_174 = tpu.vector_load %arg12[%parallel_loop3A_172, %parallel_loop3A_173] {strides = array<i32>} : memref<80x128xf32, #tpu.memory_space<vmem>>, vector<16xf32>,
          tpu.vector_store %arg12[%parallel_loop3A_172, %parallel_loop3A_173], %parallel_loop3A_171 {strides = array<i32>} : memref<80x128xf32, #tpu.memory_space<vmem>>, vector<16xf32>,
          %parallel_loop3A_175 = arith.index_cast %parallel_loop3A_141 : i32 to index
          %parallel_loop3A_176 = arith.constant 48 : index
          %parallel_loop3A_177 = tpu.vector_load %arg12[%parallel_loop3A_175, %parallel_loop3A_176] {strides = array<i32>} : memref<80x128xf32, #tpu.memory_space<vmem>>, vector<16xf32>,
          %parallel_loop3A_178 = arith.mulf %parallel_loop3A_177, %parallel_loop3A_167 : vector<16xf32>
          %parallel_loop3A_179 = arith.index_cast %parallel_loop3A_141 : i32 to index
          %parallel_loop3A_180 = arith.constant 48 : index
          %parallel_loop3A_181 = tpu.vector_load %arg12[%parallel_loop3A_179, %parallel_loop3A_180] {strides = array<i32>} : memref<80x128xf32, #tpu.memory_space<vmem>>, vector<16xf32>,
          tpu.vector_store %arg12[%parallel_loop3A_179, %parallel_loop3A_180], %parallel_loop3A_178 {strides = array<i32>} : memref<80x128xf32, #tpu.memory_space<vmem>>, vector<16xf32>,
          %parallel_loop3A_182 = arith.index_cast %parallel_loop3A_141 : i32 to index
          %parallel_loop3A_183 = arith.constant 32 : index
          %parallel_loop3A_184 = tpu.vector_load %arg14[%parallel_loop3A_182, %parallel_loop3A_183] {strides = array<i32>} : memref<80x64xi32, #tpu.memory_space<vmem>>, vector<16xi32>,
          %parallel_loop3A_185 = vector.bitcast %parallel_loop3A_184 : vector<16xi32> to vector<32xbf16>
          %parallel_loop3A_186 = tpu.unpack_subelements %parallel_loop3A_185, 0 {pack_format = #tpu.pack_format<interleaved>} : vector<32xbf16> -> vector<16xf32>
          %parallel_loop3A_187 = tpu.unpack_subelements %parallel_loop3A_185, 1 {pack_format = #tpu.pack_format<interleaved>} : vector<32xbf16> -> vector<16xf32>
          %parallel_loop3A_188 = arith.index_cast %parallel_loop3A_141 : i32 to index
          %parallel_loop3A_189 = arith.constant 64 : index
          %parallel_loop3A_190 = tpu.vector_load %arg12[%parallel_loop3A_188, %parallel_loop3A_189] {strides = array<i32>} : memref<80x128xf32, #tpu.memory_space<vmem>>, vector<16xf32>,
          %parallel_loop3A_191 = arith.mulf %parallel_loop3A_190, %parallel_loop3A_186 : vector<16xf32>
          %parallel_loop3A_192 = arith.index_cast %parallel_loop3A_141 : i32 to index
          %parallel_loop3A_193 = arith.constant 64 : index
          %parallel_loop3A_194 = tpu.vector_load %arg12[%parallel_loop3A_192, %parallel_loop3A_193] {strides = array<i32>} : memref<80x128xf32, #tpu.memory_space<vmem>>, vector<16xf32>,
          tpu.vector_store %arg12[%parallel_loop3A_192, %parallel_loop3A_193], %parallel_loop3A_191 {strides = array<i32>} : memref<80x128xf32, #tpu.memory_space<vmem>>, vector<16xf32>,
          %parallel_loop3A_195 = arith.index_cast %parallel_loop3A_141 : i32 to index
          %parallel_loop3A_196 = arith.constant 80 : index
          %parallel_loop3A_197 = tpu.vector_load %arg12[%parallel_loop3A_195, %parallel_loop3A_196] {strides = array<i32>} : memref<80x128xf32, #tpu.memory_space<vmem>>, vector<16xf32>,
          %parallel_loop3A_198 = arith.mulf %parallel_loop3A_197, %parallel_loop3A_187 : vector<16xf32>
          %parallel_loop3A_199 = arith.index_cast %parallel_loop3A_141 : i32 to index
          %parallel_loop3A_200 = arith.constant 80 : index
          %parallel_loop3A_201 = tpu.vector_load %arg12[%parallel_loop3A_199, %parallel_loop3A_200] {strides = array<i32>} : memref<80x128xf32, #tpu.memory_space<vmem>>, vector<16xf32>,
          tpu.vector_store %arg12[%parallel_loop3A_199, %parallel_loop3A_200], %parallel_loop3A_198 {strides = array<i32>} : memref<80x128xf32, #tpu.memory_space<vmem>>, vector<16xf32>,
          %parallel_loop3A_202 = arith.index_cast %parallel_loop3A_141 : i32 to index
          %parallel_loop3A_203 = arith.constant 48 : index
          %parallel_loop3A_204 = tpu.vector_load %arg14[%parallel_loop3A_202, %parallel_loop3A_203] {strides = array<i32>} : memref<80x64xi32, #tpu.memory_space<vmem>>, vector<16xi32>,
          %parallel_loop3A_205 = vector.bitcast %parallel_loop3A_204 : vector<16xi32> to vector<32xbf16>
          %parallel_loop3A_206 = tpu.unpack_subelements %parallel_loop3A_205, 0 {pack_format = #tpu.pack_format<interleaved>} : vector<32xbf16> -> vector<16xf32>
          %parallel_loop3A_207 = tpu.unpack_subelements %parallel_loop3A_205, 1 {pack_format = #tpu.pack_format<interleaved>} : vector<32xbf16> -> vector<16xf32>
          %parallel_loop3A_208 = arith.index_cast %parallel_loop3A_141 : i32 to index
          %parallel_loop3A_209 = arith.constant 96 : index
          %parallel_loop3A_210 = tpu.vector_load %arg12[%parallel_loop3A_208, %parallel_loop3A_209] {strides = array<i32>} : memref<80x128xf32, #tpu.memory_space<vmem>>, vector<16xf32>,
          %parallel_loop3A_211 = arith.mulf %parallel_loop3A_210, %parallel_loop3A_206 : vector<16xf32>
          %parallel_loop3A_212 = arith.index_cast %parallel_loop3A_141 : i32 to index
          %parallel_loop3A_213 = arith.constant 96 : index
          %parallel_loop3A_214 = tpu.vector_load %arg12[%parallel_loop3A_212, %parallel_loop3A_213] {strides = array<i32>} : memref<80x128xf32, #tpu.memory_space<vmem>>, vector<16xf32>,
          tpu.vector_store %arg12[%parallel_loop3A_212, %parallel_loop3A_213], %parallel_loop3A_211 {strides = array<i32>} : memref<80x128xf32, #tpu.memory_space<vmem>>, vector<16xf32>,
          %parallel_loop3A_215 = arith.index_cast %parallel_loop3A_141 : i32 to index
          %parallel_loop3A_216 = arith.constant 112 : index
          %parallel_loop3A_217 = tpu.vector_load %arg12[%parallel_loop3A_215, %parallel_loop3A_216] {strides = array<i32>} : memref<80x128xf32, #tpu.memory_space<vmem>>, vector<16xf32>,
          %parallel_loop3A_218 = arith.mulf %parallel_loop3A_217, %parallel_loop3A_207 : vector<16xf32>
          %parallel_loop3A_219 = arith.index_cast %parallel_loop3A_141 : i32 to index
          %parallel_loop3A_220 = arith.constant 112 : index
          %parallel_loop3A_221 = tpu.vector_load %arg12[%parallel_loop3A_219, %parallel_loop3A_220] {strides = array<i32>} : memref<80x128xf32, #tpu.memory_space<vmem>>, vector<16xf32>,
          tpu.vector_store %arg12[%parallel_loop3A_219, %parallel_loop3A_220], %parallel_loop3A_218 {strides = array<i32>} : memref<80x128xf32, #tpu.memory_space<vmem>>, vector<16xf32>,
        } {sc.loop_unroll_factor = 4 : i64, sc.parallel_access}
        %get3A = arith.constant 80 : index
        %get3A_120 = tpu.vector_load %arg8[%get3A] {strides = array<i32>} : memref<160xi32, #tpu.memory_space<vmem>>, vector<16xi32>,
        %swap3A = arith.constant 0 : index
        %swap3A_121 = tpu.vector_load %arg10[%swap3A] {strides = array<i32>} : memref<80xi32, #tpu.memory_space<vmem>>, vector<16xi32>,
        tpu.vector_store %arg10[%swap3A], %get3A_120 {strides = array<i32>} : memref<80xi32, #tpu.memory_space<vmem>>, vector<16xi32>,
        %get3A_122 = arith.constant 96 : index
        %get3A_123 = tpu.vector_load %arg8[%get3A_122] {strides = array<i32>} : memref<160xi32, #tpu.memory_space<vmem>>, vector<16xi32>,
        %swap3A_124 = arith.constant 16 : index
        %swap3A_125 = tpu.vector_load %arg10[%swap3A_124] {strides = array<i32>} : memref<80xi32, #tpu.memory_space<vmem>>, vector<16xi32>,
        tpu.vector_store %arg10[%swap3A_124], %get3A_123 {strides = array<i32>} : memref<80xi32, #tpu.memory_space<vmem>>, vector<16xi32>,
        %get3A_126 = arith.constant 112 : index
        %get3A_127 = tpu.vector_load %arg8[%get3A_126] {strides = array<i32>} : memref<160xi32, #tpu.memory_space<vmem>>, vector<16xi32>,
        %swap3A_128 = arith.constant 32 : index
        %swap3A_129 = tpu.vector_load %arg10[%swap3A_128] {strides = array<i32>} : memref<80xi32, #tpu.memory_space<vmem>>, vector<16xi32>,
        tpu.vector_store %arg10[%swap3A_128], %get3A_127 {strides = array<i32>} : memref<80xi32, #tpu.memory_space<vmem>>, vector<16xi32>,
        %get3A_130 = arith.constant 128 : index
        %get3A_131 = tpu.vector_load %arg8[%get3A_130] {strides = array<i32>} : memref<160xi32, #tpu.memory_space<vmem>>, vector<16xi32>,
        %swap3A_132 = arith.constant 48 : index
        %swap3A_133 = tpu.vector_load %arg10[%swap3A_132] {strides = array<i32>} : memref<80xi32, #tpu.memory_space<vmem>>, vector<16xi32>,
        tpu.vector_store %arg10[%swap3A_132], %get3A_131 {strides = array<i32>} : memref<80xi32, #tpu.memory_space<vmem>>, vector<16xi32>,
        %get3A_134 = arith.constant 144 : index
        %get3A_135 = tpu.vector_load %arg8[%get3A_134] {strides = array<i32>} : memref<160xi32, #tpu.memory_space<vmem>>, vector<16xi32>,
        %swap3A_136 = arith.constant 64 : index
        %swap3A_137 = tpu.vector_load %arg10[%swap3A_136] {strides = array<i32>} : memref<80xi32, #tpu.memory_space<vmem>>, vector<16xi32>,
        tpu.vector_store %arg10[%swap3A_136], %get3A_135 {strides = array<i32>} : memref<80xi32, #tpu.memory_space<vmem>>, vector<16xi32>,
        %dma_start3A_138 = arith.constant 0 : i32
        %dma_start3A_139 = arith.constant 0 : i32
        %dma_start3A_140 = tpu.memref_slice %arg15[%dma_start3A_138, %dma_start3A_139] : memref<10112x128xf32, #tpu.memory_space<vmem_shared>> -> memref<10112x128xf32, #tpu.memory_space<vmem_shared>>
        tpu.enqueue_indirect_dma source(%arg12 : memref<80x128xf32, #tpu.memory_space<vmem>>) target(%dma_start3A_140 : memref<10112x128xf32, #tpu.memory_space<vmem_shared>>) offsets(%arg10 : memref<80xi32, #tpu.memory_space<vmem>>) semaphore(%arg23 : memref<!tpu.dma_semaphore, #tpu.memory_space<semaphore_mem>>) {add = true}
      } else {
      }
      %add3A_99 = arith.constant 2 : i32
      %add3A_100 = arith.addi %add3A_86, %add3A_99 : i32
      %lt3A_101 = arith.constant 75 : i32
      %lt3A_102 = arith.cmpi slt, %add3A_100, %lt3A_101 : i32
      %convert_element_type3A_103 = arith.extui %lt3A_102 : i1 to i32
      %cond3A_104 = arith.constant 0 : i32
      %cond3A_105 = arith.cmpi ne, %convert_element_type3A_103, %cond3A_104 : i32
      scf.if %cond3A_105 {
        %add3A_106 = arith.constant 2 : i32
        %add3A_107 = arith.addi %add3A_86, %add3A_106 : i32
        %mul3A_108 = arith.constant 75 : i32
        %mul3A_109 = arith.muli %add3A, %mul3A_108 : i32
        %add3A_110 = arith.addi %mul3A_109, %add3A_107 : i32
        %mul3A_111 = arith.constant 2 : i32
        %mul3A_112 = arith.muli %add3A_110, %mul3A_111 : i32
        %mul3A_113 = arith.constant 80 : i32
        %mul3A_114 = arith.muli %mul3A_112, %mul3A_113 : i32
        %dma_start3A_115 = tpu.memref_slice %arg4[%mul3A_114] : memref<384000xi32, #tpu.memory_space<hbm>> -> memref<160xi32, #tpu.memory_space<hbm>>
        %dma_start3A_116 = tpu.memref_slice %arg4[%mul3A_114] : memref<384000xi32, #tpu.memory_space<hbm>> -> memref<160xi32, #tpu.memory_space<hbm>>
        tpu.enqueue_dma source(%dma_start3A_116 : memref<160xi32, #tpu.memory_space<hbm>>) target(%arg8 : memref<160xi32, #tpu.memory_space<vmem>>) target_semaphore(%arg21 : memref<!tpu.dma_semaphore, #tpu.memory_space<semaphore_mem>>)
      } else {
      }
    }
    %scan3A_44 = arith.constant 38 : i32
    %dma_wait3A_45 = arith.constant 0 : i32
    %dma_wait3A_46 = arith.constant 0 : i32
    %dma_wait3A_47 = tpu.memref_slice %arg2[%dma_wait3A_45, %dma_wait3A_46] : memref<10000x128xf32, #tpu.memory_space<hbm>> -> memref<80x128xf32, #tpu.memory_space<hbm>>
    %dma_wait3A_48 = arith.constant 0 : i32
    %dma_wait3A_49 = arith.constant 0 : i32
    %dma_wait3A_50 = tpu.memref_slice %arg2[%dma_wait3A_48, %dma_wait3A_49] : memref<10000x128xf32, #tpu.memory_space<hbm>> -> memref<80x128xf32, #tpu.memory_space<hbm>>
    tpu.wait_dma2 semaphore(%arg23 : memref<!tpu.dma_semaphore, #tpu.memory_space<semaphore_mem>>) src(%dma_wait3A_50 : memref<80x128xf32, #tpu.memory_space<hbm>>) dst(%arg12 : memref<80x128xf32, #tpu.memory_space<vmem>>)
    %dma_wait3A_51 = arith.constant 0 : i32
    %dma_wait3A_52 = arith.constant 0 : i32
    %dma_wait3A_53 = tpu.memref_slice %arg2[%dma_wait3A_51, %dma_wait3A_52] : memref<10000x128xf32, #tpu.memory_space<hbm>> -> memref<80x128xf32, #tpu.memory_space<hbm>>
    %dma_wait3A_54 = arith.constant 0 : i32
    %dma_wait3A_55 = arith.constant 0 : i32
    %dma_wait3A_56 = tpu.memref_slice %arg2[%dma_wait3A_54, %dma_wait3A_55] : memref<10000x128xf32, #tpu.memory_space<hbm>> -> memref<80x128xf32, #tpu.memory_space<hbm>>
    tpu.wait_dma2 semaphore(%arg22 : memref<!tpu.dma_semaphore, #tpu.memory_space<semaphore_mem>>) src(%dma_wait3A_56 : memref<80x128xf32, #tpu.memory_space<hbm>>) dst(%arg11 : memref<80x128xf32, #tpu.memory_space<vmem>>)
    %barrier3A_57 = arith.constant 0 : index
    tpu.barrier barrier_id(%barrier3A_57)
    %mul3A_58 = arith.constant 632 : i32
    %mul3A_59 = arith.muli %arg1, %mul3A_58 : i32
    %mul3A_60 = arith.constant 632 : i32
    %mul3A_61 = arith.muli %arg1, %mul3A_60 : i32
    "tpu.region"() ({
      %run_scoped3A = tpu.sem_alloc : memref<!tpu.dma_semaphore, #tpu.memory_space<semaphore_mem>>
      %dma_start3A_62 = arith.constant 0 : i32
      %dma_start3A_63 = tpu.memref_slice %arg6[%arg0, %mul3A_61, %dma_start3A_62] : memref<2x10112x128xf32, #tpu.memory_space<hbm>> -> memref<1x632x128xf32, #tpu.memory_space<hbm>>
      %dma_start3A_64 = tpu.memref_squeeze %dma_start3A_63 : memref<1x632x128xf32, #tpu.memory_space<hbm>> -> memref<632x128xf32, #tpu.memory_space<hbm>>
      %dma_start3A_65 = arith.constant 0 : i32
      %dma_start3A_66 = tpu.memref_slice %arg15[%mul3A_59, %dma_start3A_65] : memref<10112x128xf32, #tpu.memory_space<vmem_shared>> -> memref<632x128xf32, #tpu.memory_space<vmem_shared>>
      tpu.enqueue_dma source(%dma_start3A_66 : memref<632x128xf32, #tpu.memory_space<vmem_shared>>) target(%dma_start3A_64 : memref<632x128xf32, #tpu.memory_space<hbm>>) target_semaphore(%run_scoped3A : memref<!tpu.dma_semaphore, #tpu.memory_space<semaphore_mem>>)
      %dma_wait3A_67 = arith.constant 0 : i32
      %dma_wait3A_68 = tpu.memref_slice %arg6[%arg0, %mul3A_61, %dma_wait3A_67] : memref<2x10112x128xf32, #tpu.memory_space<hbm>> -> memref<1x632x128xf32, #tpu.memory_space<hbm>>
      %dma_wait3A_69 = tpu.memref_squeeze %dma_wait3A_68 : memref<1x632x128xf32, #tpu.memory_space<hbm>> -> memref<632x128xf32, #tpu.memory_space<hbm>>
      %dma_wait3A_70 = arith.constant 0 : i32
      %dma_wait3A_71 = tpu.memref_slice %arg15[%mul3A_59, %dma_wait3A_70] : memref<10112x128xf32, #tpu.memory_space<vmem_shared>> -> memref<632x128xf32, #tpu.memory_space<vmem_shared>>
      tpu.wait_dma2 semaphore(%run_scoped3A : memref<!tpu.dma_semaphore, #tpu.memory_space<semaphore_mem>>) src(%dma_wait3A_71 : memref<632x128xf32, #tpu.memory_space<vmem_shared>>) dst(%dma_wait3A_69 : memref<632x128xf32, #tpu.memory_space<hbm>>)
      tpu.yield
    }) : () -> ()
    return
  }
}

#map = affine_map<(d0, d1) -> (0, 0)>
#map1 = affine_map<(d0, d1) -> (0)>
#map2 = affine_map<(d0, d1) -> (0, 0, 0)>
module attributes {stable_mosaic.version = 14 : i64} {
  func.func @sc_edge(%arg0: i32, %arg1: i32, %arg2: memref<10000x128xf32, #tpu.memory_space<hbm>>, %arg3: memref<192000x64xi32, #tpu.memory_space<hbm>>, %arg4: memref<384000xi32, #tpu.memory_space<hbm>>, %arg5: memref<10112x128xf32, #tpu.memory_space<hbm>>, %arg6: memref<2x10112x128xf32, #tpu.memory_space<hbm>>, %arg7: memref<160xi32, #tpu.memory_space<vmem>>, %arg8: memref<160xi32, #tpu.memory_space<vmem>>, %arg9: memref<80xi32, #tpu.memory_space<vmem>>, %arg10: memref<80xi32, #tpu.memory_space<vmem>>, %arg11: memref<80x128xf32, #tpu.memory_space<vmem>>, %arg12: memref<80x128xf32, #tpu.memory_space<vmem>>, %arg13: memref<80x64xi32, #tpu.memory_space<vmem>>, %arg14: memref<80x64xi32, #tpu.memory_space<vmem>>, %arg15: memref<10112x128xf32, #tpu.memory_space<vmem_shared>>, %arg16: memref<!tpu.dma_semaphore, #tpu.memory_space<semaphore_mem>>, %arg17: memref<!tpu.dma_semaphore, #tpu.memory_space<semaphore_mem>>, %arg18: memref<!tpu.dma_semaphore, #tpu.memory_space<semaphore_mem>>, %arg19: memref<!tpu.dma_semaphore, #tpu.memory_space<semaphore_mem>>, %arg20: memref<!tpu.dma_semaphore, #tpu.memory_space<semaphore_mem>>, %arg21: memref<!tpu.dma_semaphore, #tpu.memory_space<semaphore_mem>>, %arg22: memref<!tpu.dma_semaphore, #tpu.memory_space<semaphore_mem>>, %arg23: memref<!tpu.dma_semaphore, #tpu.memory_space<semaphore_mem>>) attributes {dimension_semantics = [#tpu.dimension_semantics<core_parallel>, #tpu.dimension_semantics<subcore_parallel>], iteration_bounds = array<i64: 2, 16>, scalar_prefetch = 0 : i64, scratch_operands = 17 : i64, tpu.core_type = #tpu.core_type<sc_vector_subcore>, window_params = [{transform_indices = #map}, {transform_indices = #map}, {transform_indices = #map1}, {transform_indices = #map}, {transform_indices = #map2}]} {
    %mul3A = arith.constant 2 : i32
    %mul3A_0 = arith.muli %arg1, %mul3A : i32
    %add3A = arith.addi %mul3A_0, %arg0 : i32
    %mul3A_1 = arith.constant 632 : i32
    %mul3A_2 = arith.muli %arg1, %mul3A_1 : i32
    %mul3A_3 = arith.constant 632 : i32
    %mul3A_4 = arith.muli %arg1, %mul3A_3 : i32
    "tpu.region"() ({
      %run_scoped3A = tpu.sem_alloc : memref<!tpu.dma_semaphore, #tpu.memory_space<semaphore_mem>>
      %dma_start3A_62 = arith.constant 0 : i32
      %dma_start3A_63 = tpu.memref_slice %arg15[%mul3A_4, %dma_start3A_62] : memref<10112x128xf32, #tpu.memory_space<vmem_shared>> -> memref<632x128xf32, #tpu.memory_space<vmem_shared>>
      %dma_start3A_64 = arith.constant 0 : i32
      %dma_start3A_65 = tpu.memref_slice %arg5[%mul3A_2, %dma_start3A_64] : memref<10112x128xf32, #tpu.memory_space<hbm>> -> memref<632x128xf32, #tpu.memory_space<hbm>>
      tpu.enqueue_dma source(%dma_start3A_65 : memref<632x128xf32, #tpu.memory_space<hbm>>) target(%dma_start3A_63 : memref<632x128xf32, #tpu.memory_space<vmem_shared>>) target_semaphore(%run_scoped3A : memref<!tpu.dma_semaphore, #tpu.memory_space<semaphore_mem>>)
      %dma_wait3A_66 = arith.constant 0 : i32
      %dma_wait3A_67 = tpu.memref_slice %arg15[%mul3A_4, %dma_wait3A_66] : memref<10112x128xf32, #tpu.memory_space<vmem_shared>> -> memref<632x128xf32, #tpu.memory_space<vmem_shared>>
      %dma_wait3A_68 = arith.constant 0 : i32
      %dma_wait3A_69 = tpu.memref_slice %arg5[%mul3A_2, %dma_wait3A_68] : memref<10112x128xf32, #tpu.memory_space<hbm>> -> memref<632x128xf32, #tpu.memory_space<hbm>>
      tpu.wait_dma2 semaphore(%run_scoped3A : memref<!tpu.dma_semaphore, #tpu.memory_space<semaphore_mem>>) src(%dma_wait3A_69 : memref<632x128xf32, #tpu.memory_space<hbm>>) dst(%dma_wait3A_67 : memref<632x128xf32, #tpu.memory_space<vmem_shared>>)
      tpu.yield
    }) : () -> ()
    %barrier3A = arith.constant 0 : index
    tpu.barrier barrier_id(%barrier3A)
    %mul3A_5 = arith.constant 75 : i32
    %mul3A_6 = arith.muli %add3A, %mul3A_5 : i32
    %add3A_7 = arith.constant 0 : i32
    %add3A_8 = arith.addi %mul3A_6, %add3A_7 : i32
    %mul3A_9 = arith.constant 2 : i32
    %mul3A_10 = arith.muli %add3A_8, %mul3A_9 : i32
    %mul3A_11 = arith.constant 80 : i32
    %mul3A_12 = arith.muli %mul3A_10, %mul3A_11 : i32
    %dma_start3A = tpu.memref_slice %arg4[%mul3A_12] : memref<384000xi32, #tpu.memory_space<hbm>> -> memref<160xi32, #tpu.memory_space<hbm>>
    %dma_start3A_13 = tpu.memref_slice %arg4[%mul3A_12] : memref<384000xi32, #tpu.memory_space<hbm>> -> memref<160xi32, #tpu.memory_space<hbm>>
    tpu.enqueue_dma source(%dma_start3A_13 : memref<160xi32, #tpu.memory_space<hbm>>) target(%arg7 : memref<160xi32, #tpu.memory_space<vmem>>) target_semaphore(%arg20 : memref<!tpu.dma_semaphore, #tpu.memory_space<semaphore_mem>>)
    %dma_wait3A = arith.constant 0 : i32
    %dma_wait3A_14 = tpu.memref_slice %arg4[%dma_wait3A] : memref<384000xi32, #tpu.memory_space<hbm>> -> memref<160xi32, #tpu.memory_space<hbm>>
    %dma_wait3A_15 = arith.constant 0 : i32
    %dma_wait3A_16 = tpu.memref_slice %arg4[%dma_wait3A_15] : memref<384000xi32, #tpu.memory_space<hbm>> -> memref<160xi32, #tpu.memory_space<hbm>>
    tpu.wait_dma2 semaphore(%arg20 : memref<!tpu.dma_semaphore, #tpu.memory_space<semaphore_mem>>) src(%dma_wait3A_16 : memref<160xi32, #tpu.memory_space<hbm>>) dst(%arg7 : memref<160xi32, #tpu.memory_space<vmem>>)
    %dma_start3A_17 = arith.constant 0 : i32
    %dma_start3A_18 = tpu.memref_slice %arg7[%dma_start3A_17] : memref<160xi32, #tpu.memory_space<vmem>> -> memref<80xi32, #tpu.memory_space<vmem>>
    %dma_start3A_19 = arith.constant 0 : i32
    %dma_start3A_20 = arith.constant 0 : i32
    %dma_start3A_21 = tpu.memref_slice %arg2[%dma_start3A_19, %dma_start3A_20] : memref<10000x128xf32, #tpu.memory_space<hbm>> -> memref<10000x128xf32, #tpu.memory_space<hbm>>
    tpu.enqueue_indirect_dma source(%dma_start3A_21 : memref<10000x128xf32, #tpu.memory_space<hbm>>) target(%arg11 : memref<80x128xf32, #tpu.memory_space<vmem>>) offsets(%dma_start3A_18 : memref<80xi32, #tpu.memory_space<vmem>>) semaphore(%arg16 : memref<!tpu.dma_semaphore, #tpu.memory_space<semaphore_mem>>)
    %mul3A_22 = arith.constant 6000 : i32
    %mul3A_23 = arith.muli %add3A, %mul3A_22 : i32
    %add3A_24 = arith.constant 0 : i32
    %add3A_25 = arith.addi %mul3A_23, %add3A_24 : i32
    %dma_start3A_26 = arith.constant 0 : i32
    %dma_start3A_27 = tpu.memref_slice %arg3[%add3A_25, %dma_start3A_26] : memref<192000x64xi32, #tpu.memory_space<hbm>> -> memref<80x64xi32, #tpu.memory_space<hbm>>
    %dma_start3A_28 = arith.constant 0 : i32
    %dma_start3A_29 = tpu.memref_slice %arg3[%add3A_25, %dma_start3A_28] : memref<192000x64xi32, #tpu.memory_space<hbm>> -> memref<80x64xi32, #tpu.memory_space<hbm>>
    tpu.enqueue_dma source(%dma_start3A_29 : memref<80x64xi32, #tpu.memory_space<hbm>>) target(%arg13 : memref<80x64xi32, #tpu.memory_space<vmem>>) target_semaphore(%arg18 : memref<!tpu.dma_semaphore, #tpu.memory_space<semaphore_mem>>)
    %mul3A_30 = arith.constant 75 : i32
    %mul3A_31 = arith.muli %add3A, %mul3A_30 : i32
    %add3A_32 = arith.constant 1 : i32
    %add3A_33 = arith.addi %mul3A_31, %add3A_32 : i32
    %mul3A_34 = arith.constant 2 : i32
    %mul3A_35 = arith.muli %add3A_33, %mul3A_34 : i32
    %mul3A_36 = arith.constant 80 : i32
    %mul3A_37 = arith.muli %mul3A_35, %mul3A_36 : i32
    %dma_start3A_38 = tpu.memref_slice %arg4[%mul3A_37] : memref<384000xi32, #tpu.memory_space<hbm>> -> memref<160xi32, #tpu.memory_space<hbm>>
    %dma_start3A_39 = tpu.memref_slice %arg4[%mul3A_37] : memref<384000xi32, #tpu.memory_space<hbm>> -> memref<160xi32, #tpu.memory_space<hbm>>
    tpu.enqueue_dma source(%dma_start3A_39 : memref<160xi32, #tpu.memory_space<hbm>>) target(%arg8 : memref<160xi32, #tpu.memory_space<vmem>>) target_semaphore(%arg21 : memref<!tpu.dma_semaphore, #tpu.memory_space<semaphore_mem>>)
    %scan3A = arith.constant 0 : i32
    %scan3A_40 = arith.constant 0 : i32
    %scan3A_41 = arith.constant 38 : i32
    %scan3A_42 = arith.addi %scan3A_40, %scan3A_41 : i32
    %scan3A_43 = arith.constant 1 : i32
    scf.for %scan3A_62 = %scan3A_40 to %scan3A_42 step %scan3A_43  : i32 {
      %mul3A_63 = arith.constant 2 : i32
      %mul3A_64 = arith.muli %mul3A_63, %scan3A_62 : i32
      %add3A_65 = arith.constant 0 : i32
      %add3A_66 = arith.addi %mul3A_64, %add3A_65 : i32
      %add3A_67 = arith.constant 1 : i32
      %add3A_68 = arith.addi %add3A_66, %add3A_67 : i32
      %lt3A = arith.constant 75 : i32
      %lt3A_69 = arith.cmpi slt, %add3A_68, %lt3A : i32
      %convert_element_type3A = arith.extui %lt3A_69 : i1 to i32
      %cond3A = arith.constant 0 : i32
      %cond3A_70 = arith.cmpi ne, %convert_element_type3A, %cond3A : i32
      scf.if %cond3A_70 {
        %dma_wait3A_106 = arith.constant 0 : i32
        %dma_wait3A_107 = tpu.memref_slice %arg4[%dma_wait3A_106] : memref<384000xi32, #tpu.memory_space<hbm>> -> memref<160xi32, #tpu.memory_space<hbm>>
        %dma_wait3A_108 = arith.constant 0 : i32
        %dma_wait3A_109 = tpu.memref_slice %arg4[%dma_wait3A_108] : memref<384000xi32, #tpu.memory_space<hbm>> -> memref<160xi32, #tpu.memory_space<hbm>>
        tpu.wait_dma2 semaphore(%arg21 : memref<!tpu.dma_semaphore, #tpu.memory_space<semaphore_mem>>) src(%dma_wait3A_109 : memref<160xi32, #tpu.memory_space<hbm>>) dst(%arg8 : memref<160xi32, #tpu.memory_space<vmem>>)
        %add3A_110 = arith.constant 1 : i32
        %add3A_111 = arith.addi %add3A_66, %add3A_110 : i32
        %ge3A = arith.constant 2 : i32
        %ge3A_112 = arith.cmpi sge, %add3A_111, %ge3A : i32
        %convert_element_type3A_113 = arith.extui %ge3A_112 : i1 to i32
        %cond3A_114 = arith.constant 0 : i32
        %cond3A_115 = arith.cmpi ne, %convert_element_type3A_113, %cond3A_114 : i32
        scf.if %cond3A_115 {
          %dma_wait3A_130 = arith.constant 0 : i32
          %dma_wait3A_131 = arith.constant 0 : i32
          %dma_wait3A_132 = tpu.memref_slice %arg2[%dma_wait3A_130, %dma_wait3A_131] : memref<10000x128xf32, #tpu.memory_space<hbm>> -> memref<80x128xf32, #tpu.memory_space<hbm>>
          %dma_wait3A_133 = arith.constant 0 : i32
          %dma_wait3A_134 = arith.constant 0 : i32
          %dma_wait3A_135 = tpu.memref_slice %arg2[%dma_wait3A_133, %dma_wait3A_134] : memref<10000x128xf32, #tpu.memory_space<hbm>> -> memref<80x128xf32, #tpu.memory_space<hbm>>
          tpu.wait_dma2 semaphore(%arg23 : memref<!tpu.dma_semaphore, #tpu.memory_space<semaphore_mem>>) src(%dma_wait3A_135 : memref<80x128xf32, #tpu.memory_space<hbm>>) dst(%arg12 : memref<80x128xf32, #tpu.memory_space<vmem>>)
        } else {
        }
        %dma_start3A_116 = arith.constant 0 : i32
        %dma_start3A_117 = tpu.memref_slice %arg8[%dma_start3A_116] : memref<160xi32, #tpu.memory_space<vmem>> -> memref<80xi32, #tpu.memory_space<vmem>>
        %dma_start3A_118 = arith.constant 0 : i32
        %dma_start3A_119 = arith.constant 0 : i32
        %dma_start3A_120 = tpu.memref_slice %arg2[%dma_start3A_118, %dma_start3A_119] : memref<10000x128xf32, #tpu.memory_space<hbm>> -> memref<10000x128xf32, #tpu.memory_space<hbm>>
        tpu.enqueue_indirect_dma source(%dma_start3A_120 : memref<10000x128xf32, #tpu.memory_space<hbm>>) target(%arg12 : memref<80x128xf32, #tpu.memory_space<vmem>>) offsets(%dma_start3A_117 : memref<80xi32, #tpu.memory_space<vmem>>) semaphore(%arg17 : memref<!tpu.dma_semaphore, #tpu.memory_space<semaphore_mem>>)
        %mul3A_121 = arith.constant 6000 : i32
        %mul3A_122 = arith.muli %add3A, %mul3A_121 : i32
        %mul3A_123 = arith.constant 80 : i32
        %mul3A_124 = arith.muli %add3A_111, %mul3A_123 : i32
        %add3A_125 = arith.addi %mul3A_122, %mul3A_124 : i32
        %dma_start3A_126 = arith.constant 0 : i32
        %dma_start3A_127 = tpu.memref_slice %arg3[%add3A_125, %dma_start3A_126] : memref<192000x64xi32, #tpu.memory_space<hbm>> -> memref<80x64xi32, #tpu.memory_space<hbm>>
        %dma_start3A_128 = arith.constant 0 : i32
        %dma_start3A_129 = tpu.memref_slice %arg3[%add3A_125, %dma_start3A_128] : memref<192000x64xi32, #tpu.memory_space<hbm>> -> memref<80x64xi32, #tpu.memory_space<hbm>>
        tpu.enqueue_dma source(%dma_start3A_129 : memref<80x64xi32, #tpu.memory_space<hbm>>) target(%arg14 : memref<80x64xi32, #tpu.memory_space<vmem>>) target_semaphore(%arg19 : memref<!tpu.dma_semaphore, #tpu.memory_space<semaphore_mem>>)
      } else {
      }
      %lt3A_71 = arith.constant 75 : i32
      %lt3A_72 = arith.cmpi slt, %add3A_66, %lt3A_71 : i32
      %convert_element_type3A_73 = arith.extui %lt3A_72 : i1 to i32
      %cond3A_74 = arith.constant 0 : i32
      %cond3A_75 = arith.cmpi ne, %convert_element_type3A_73, %cond3A_74 : i32
      scf.if %cond3A_75 {
        %dma_wait3A_106 = arith.constant 0 : i32
        %dma_wait3A_107 = arith.constant 0 : i32
        %dma_wait3A_108 = tpu.memref_slice %arg2[%dma_wait3A_106, %dma_wait3A_107] : memref<10000x128xf32, #tpu.memory_space<hbm>> -> memref<80x128xf32, #tpu.memory_space<hbm>>
        %dma_wait3A_109 = arith.constant 0 : i32
        %dma_wait3A_110 = arith.constant 0 : i32
        %dma_wait3A_111 = tpu.memref_slice %arg2[%dma_wait3A_109, %dma_wait3A_110] : memref<10000x128xf32, #tpu.memory_space<hbm>> -> memref<80x128xf32, #tpu.memory_space<hbm>>
        tpu.wait_dma2 semaphore(%arg16 : memref<!tpu.dma_semaphore, #tpu.memory_space<semaphore_mem>>) src(%dma_wait3A_111 : memref<80x128xf32, #tpu.memory_space<hbm>>) dst(%arg11 : memref<80x128xf32, #tpu.memory_space<vmem>>)
        %dma_wait3A_112 = arith.constant 0 : i32
        %dma_wait3A_113 = arith.constant 0 : i32
        %dma_wait3A_114 = tpu.memref_slice %arg3[%dma_wait3A_112, %dma_wait3A_113] : memref<192000x64xi32, #tpu.memory_space<hbm>> -> memref<80x64xi32, #tpu.memory_space<hbm>>
        %dma_wait3A_115 = arith.constant 0 : i32
        %dma_wait3A_116 = arith.constant 0 : i32
        %dma_wait3A_117 = tpu.memref_slice %arg3[%dma_wait3A_115, %dma_wait3A_116] : memref<192000x64xi32, #tpu.memory_space<hbm>> -> memref<80x64xi32, #tpu.memory_space<hbm>>
        tpu.wait_dma2 semaphore(%arg18 : memref<!tpu.dma_semaphore, #tpu.memory_space<semaphore_mem>>) src(%dma_wait3A_117 : memref<80x64xi32, #tpu.memory_space<hbm>>) dst(%arg13 : memref<80x64xi32, #tpu.memory_space<vmem>>)
        %parallel_loop3A = arith.constant 0 : i32
        %parallel_loop3A_118 = arith.constant 80 : i32
        %parallel_loop3A_119 = arith.constant 1 : i32
        scf.for %parallel_loop3A_141 = %parallel_loop3A to %parallel_loop3A_118 step %parallel_loop3A_119  : i32 {
          %parallel_loop3A_142 = arith.index_cast %parallel_loop3A_141 : i32 to index
          %parallel_loop3A_143 = arith.constant 0 : index
          %parallel_loop3A_144 = tpu.vector_load %arg13[%parallel_loop3A_142, %parallel_loop3A_143] {strides = array<i32>} : memref<80x64xi32, #tpu.memory_space<vmem>>, vector<16xi32>,
          %parallel_loop3A_145 = vector.bitcast %parallel_loop3A_144 : vector<16xi32> to vector<32xbf16>
          %parallel_loop3A_146 = tpu.unpack_subelements %parallel_loop3A_145, 0 {pack_format = #tpu.pack_format<interleaved>} : vector<32xbf16> -> vector<16xf32>
          %parallel_loop3A_147 = tpu.unpack_subelements %parallel_loop3A_145, 1 {pack_format = #tpu.pack_format<interleaved>} : vector<32xbf16> -> vector<16xf32>
          %parallel_loop3A_148 = arith.index_cast %parallel_loop3A_141 : i32 to index
          %parallel_loop3A_149 = arith.constant 0 : index
          %parallel_loop3A_150 = tpu.vector_load %arg11[%parallel_loop3A_148, %parallel_loop3A_149] {strides = array<i32>} : memref<80x128xf32, #tpu.memory_space<vmem>>, vector<16xf32>,
          %parallel_loop3A_151 = arith.mulf %parallel_loop3A_150, %parallel_loop3A_146 : vector<16xf32>
          %parallel_loop3A_152 = arith.index_cast %parallel_loop3A_141 : i32 to index
          %parallel_loop3A_153 = arith.constant 0 : index
          %parallel_loop3A_154 = tpu.vector_load %arg11[%parallel_loop3A_152, %parallel_loop3A_153] {strides = array<i32>} : memref<80x128xf32, #tpu.memory_space<vmem>>, vector<16xf32>,
          tpu.vector_store %arg11[%parallel_loop3A_152, %parallel_loop3A_153], %parallel_loop3A_151 {strides = array<i32>} : memref<80x128xf32, #tpu.memory_space<vmem>>, vector<16xf32>,
          %parallel_loop3A_155 = arith.index_cast %parallel_loop3A_141 : i32 to index
          %parallel_loop3A_156 = arith.constant 16 : index
          %parallel_loop3A_157 = tpu.vector_load %arg11[%parallel_loop3A_155, %parallel_loop3A_156] {strides = array<i32>} : memref<80x128xf32, #tpu.memory_space<vmem>>, vector<16xf32>,
          %parallel_loop3A_158 = arith.mulf %parallel_loop3A_157, %parallel_loop3A_147 : vector<16xf32>
          %parallel_loop3A_159 = arith.index_cast %parallel_loop3A_141 : i32 to index
          %parallel_loop3A_160 = arith.constant 16 : index
          %parallel_loop3A_161 = tpu.vector_load %arg11[%parallel_loop3A_159, %parallel_loop3A_160] {strides = array<i32>} : memref<80x128xf32, #tpu.memory_space<vmem>>, vector<16xf32>,
          tpu.vector_store %arg11[%parallel_loop3A_159, %parallel_loop3A_160], %parallel_loop3A_158 {strides = array<i32>} : memref<80x128xf32, #tpu.memory_space<vmem>>, vector<16xf32>,
          %parallel_loop3A_162 = arith.index_cast %parallel_loop3A_141 : i32 to index
          %parallel_loop3A_163 = arith.constant 16 : index
          %parallel_loop3A_164 = tpu.vector_load %arg13[%parallel_loop3A_162, %parallel_loop3A_163] {strides = array<i32>} : memref<80x64xi32, #tpu.memory_space<vmem>>, vector<16xi32>,
          %parallel_loop3A_165 = vector.bitcast %parallel_loop3A_164 : vector<16xi32> to vector<32xbf16>
          %parallel_loop3A_166 = tpu.unpack_subelements %parallel_loop3A_165, 0 {pack_format = #tpu.pack_format<interleaved>} : vector<32xbf16> -> vector<16xf32>
          %parallel_loop3A_167 = tpu.unpack_subelements %parallel_loop3A_165, 1 {pack_format = #tpu.pack_format<interleaved>} : vector<32xbf16> -> vector<16xf32>
          %parallel_loop3A_168 = arith.index_cast %parallel_loop3A_141 : i32 to index
          %parallel_loop3A_169 = arith.constant 32 : index
          %parallel_loop3A_170 = tpu.vector_load %arg11[%parallel_loop3A_168, %parallel_loop3A_169] {strides = array<i32>} : memref<80x128xf32, #tpu.memory_space<vmem>>, vector<16xf32>,
          %parallel_loop3A_171 = arith.mulf %parallel_loop3A_170, %parallel_loop3A_166 : vector<16xf32>
          %parallel_loop3A_172 = arith.index_cast %parallel_loop3A_141 : i32 to index
          %parallel_loop3A_173 = arith.constant 32 : index
          %parallel_loop3A_174 = tpu.vector_load %arg11[%parallel_loop3A_172, %parallel_loop3A_173] {strides = array<i32>} : memref<80x128xf32, #tpu.memory_space<vmem>>, vector<16xf32>,
          tpu.vector_store %arg11[%parallel_loop3A_172, %parallel_loop3A_173], %parallel_loop3A_171 {strides = array<i32>} : memref<80x128xf32, #tpu.memory_space<vmem>>, vector<16xf32>,
          %parallel_loop3A_175 = arith.index_cast %parallel_loop3A_141 : i32 to index
          %parallel_loop3A_176 = arith.constant 48 : index
          %parallel_loop3A_177 = tpu.vector_load %arg11[%parallel_loop3A_175, %parallel_loop3A_176] {strides = array<i32>} : memref<80x128xf32, #tpu.memory_space<vmem>>, vector<16xf32>,
          %parallel_loop3A_178 = arith.mulf %parallel_loop3A_177, %parallel_loop3A_167 : vector<16xf32>
          %parallel_loop3A_179 = arith.index_cast %parallel_loop3A_141 : i32 to index
          %parallel_loop3A_180 = arith.constant 48 : index
          %parallel_loop3A_181 = tpu.vector_load %arg11[%parallel_loop3A_179, %parallel_loop3A_180] {strides = array<i32>} : memref<80x128xf32, #tpu.memory_space<vmem>>, vector<16xf32>,
          tpu.vector_store %arg11[%parallel_loop3A_179, %parallel_loop3A_180], %parallel_loop3A_178 {strides = array<i32>} : memref<80x128xf32, #tpu.memory_space<vmem>>, vector<16xf32>,
          %parallel_loop3A_182 = arith.index_cast %parallel_loop3A_141 : i32 to index
          %parallel_loop3A_183 = arith.constant 32 : index
          %parallel_loop3A_184 = tpu.vector_load %arg13[%parallel_loop3A_182, %parallel_loop3A_183] {strides = array<i32>} : memref<80x64xi32, #tpu.memory_space<vmem>>, vector<16xi32>,
          %parallel_loop3A_185 = vector.bitcast %parallel_loop3A_184 : vector<16xi32> to vector<32xbf16>
          %parallel_loop3A_186 = tpu.unpack_subelements %parallel_loop3A_185, 0 {pack_format = #tpu.pack_format<interleaved>} : vector<32xbf16> -> vector<16xf32>
          %parallel_loop3A_187 = tpu.unpack_subelements %parallel_loop3A_185, 1 {pack_format = #tpu.pack_format<interleaved>} : vector<32xbf16> -> vector<16xf32>
          %parallel_loop3A_188 = arith.index_cast %parallel_loop3A_141 : i32 to index
          %parallel_loop3A_189 = arith.constant 64 : index
          %parallel_loop3A_190 = tpu.vector_load %arg11[%parallel_loop3A_188, %parallel_loop3A_189] {strides = array<i32>} : memref<80x128xf32, #tpu.memory_space<vmem>>, vector<16xf32>,
          %parallel_loop3A_191 = arith.mulf %parallel_loop3A_190, %parallel_loop3A_186 : vector<16xf32>
          %parallel_loop3A_192 = arith.index_cast %parallel_loop3A_141 : i32 to index
          %parallel_loop3A_193 = arith.constant 64 : index
          %parallel_loop3A_194 = tpu.vector_load %arg11[%parallel_loop3A_192, %parallel_loop3A_193] {strides = array<i32>} : memref<80x128xf32, #tpu.memory_space<vmem>>, vector<16xf32>,
          tpu.vector_store %arg11[%parallel_loop3A_192, %parallel_loop3A_193], %parallel_loop3A_191 {strides = array<i32>} : memref<80x128xf32, #tpu.memory_space<vmem>>, vector<16xf32>,
          %parallel_loop3A_195 = arith.index_cast %parallel_loop3A_141 : i32 to index
          %parallel_loop3A_196 = arith.constant 80 : index
          %parallel_loop3A_197 = tpu.vector_load %arg11[%parallel_loop3A_195, %parallel_loop3A_196] {strides = array<i32>} : memref<80x128xf32, #tpu.memory_space<vmem>>, vector<16xf32>,
          %parallel_loop3A_198 = arith.mulf %parallel_loop3A_197, %parallel_loop3A_187 : vector<16xf32>
          %parallel_loop3A_199 = arith.index_cast %parallel_loop3A_141 : i32 to index
          %parallel_loop3A_200 = arith.constant 80 : index
          %parallel_loop3A_201 = tpu.vector_load %arg11[%parallel_loop3A_199, %parallel_loop3A_200] {strides = array<i32>} : memref<80x128xf32, #tpu.memory_space<vmem>>, vector<16xf32>,
          tpu.vector_store %arg11[%parallel_loop3A_199, %parallel_loop3A_200], %parallel_loop3A_198 {strides = array<i32>} : memref<80x128xf32, #tpu.memory_space<vmem>>, vector<16xf32>,
          %parallel_loop3A_202 = arith.index_cast %parallel_loop3A_141 : i32 to index
          %parallel_loop3A_203 = arith.constant 48 : index
          %parallel_loop3A_204 = tpu.vector_load %arg13[%parallel_loop3A_202, %parallel_loop3A_203] {strides = array<i32>} : memref<80x64xi32, #tpu.memory_space<vmem>>, vector<16xi32>,
          %parallel_loop3A_205 = vector.bitcast %parallel_loop3A_204 : vector<16xi32> to vector<32xbf16>
          %parallel_loop3A_206 = tpu.unpack_subelements %parallel_loop3A_205, 0 {pack_format = #tpu.pack_format<interleaved>} : vector<32xbf16> -> vector<16xf32>
          %parallel_loop3A_207 = tpu.unpack_subelements %parallel_loop3A_205, 1 {pack_format = #tpu.pack_format<interleaved>} : vector<32xbf16> -> vector<16xf32>
          %parallel_loop3A_208 = arith.index_cast %parallel_loop3A_141 : i32 to index
          %parallel_loop3A_209 = arith.constant 96 : index
          %parallel_loop3A_210 = tpu.vector_load %arg11[%parallel_loop3A_208, %parallel_loop3A_209] {strides = array<i32>} : memref<80x128xf32, #tpu.memory_space<vmem>>, vector<16xf32>,
          %parallel_loop3A_211 = arith.mulf %parallel_loop3A_210, %parallel_loop3A_206 : vector<16xf32>
          %parallel_loop3A_212 = arith.index_cast %parallel_loop3A_141 : i32 to index
          %parallel_loop3A_213 = arith.constant 96 : index
          %parallel_loop3A_214 = tpu.vector_load %arg11[%parallel_loop3A_212, %parallel_loop3A_213] {strides = array<i32>} : memref<80x128xf32, #tpu.memory_space<vmem>>, vector<16xf32>,
          tpu.vector_store %arg11[%parallel_loop3A_212, %parallel_loop3A_213], %parallel_loop3A_211 {strides = array<i32>} : memref<80x128xf32, #tpu.memory_space<vmem>>, vector<16xf32>,
          %parallel_loop3A_215 = arith.index_cast %parallel_loop3A_141 : i32 to index
          %parallel_loop3A_216 = arith.constant 112 : index
          %parallel_loop3A_217 = tpu.vector_load %arg11[%parallel_loop3A_215, %parallel_loop3A_216] {strides = array<i32>} : memref<80x128xf32, #tpu.memory_space<vmem>>, vector<16xf32>,
          %parallel_loop3A_218 = arith.mulf %parallel_loop3A_217, %parallel_loop3A_207 : vector<16xf32>
          %parallel_loop3A_219 = arith.index_cast %parallel_loop3A_141 : i32 to index
          %parallel_loop3A_220 = arith.constant 112 : index
          %parallel_loop3A_221 = tpu.vector_load %arg11[%parallel_loop3A_219, %parallel_loop3A_220] {strides = array<i32>} : memref<80x128xf32, #tpu.memory_space<vmem>>, vector<16xf32>,
          tpu.vector_store %arg11[%parallel_loop3A_219, %parallel_loop3A_220], %parallel_loop3A_218 {strides = array<i32>} : memref<80x128xf32, #tpu.memory_space<vmem>>, vector<16xf32>,
        } {sc.loop_unroll_factor = 4 : i64, sc.parallel_access}
        %get3A = arith.constant 80 : index
        %get3A_120 = tpu.vector_load %arg7[%get3A] {strides = array<i32>} : memref<160xi32, #tpu.memory_space<vmem>>, vector<16xi32>,
        %swap3A = arith.constant 0 : index
        %swap3A_121 = tpu.vector_load %arg9[%swap3A] {strides = array<i32>} : memref<80xi32, #tpu.memory_space<vmem>>, vector<16xi32>,
        tpu.vector_store %arg9[%swap3A], %get3A_120 {strides = array<i32>} : memref<80xi32, #tpu.memory_space<vmem>>, vector<16xi32>,
        %get3A_122 = arith.constant 96 : index
        %get3A_123 = tpu.vector_load %arg7[%get3A_122] {strides = array<i32>} : memref<160xi32, #tpu.memory_space<vmem>>, vector<16xi32>,
        %swap3A_124 = arith.constant 16 : index
        %swap3A_125 = tpu.vector_load %arg9[%swap3A_124] {strides = array<i32>} : memref<80xi32, #tpu.memory_space<vmem>>, vector<16xi32>,
        tpu.vector_store %arg9[%swap3A_124], %get3A_123 {strides = array<i32>} : memref<80xi32, #tpu.memory_space<vmem>>, vector<16xi32>,
        %get3A_126 = arith.constant 112 : index
        %get3A_127 = tpu.vector_load %arg7[%get3A_126] {strides = array<i32>} : memref<160xi32, #tpu.memory_space<vmem>>, vector<16xi32>,
        %swap3A_128 = arith.constant 32 : index
        %swap3A_129 = tpu.vector_load %arg9[%swap3A_128] {strides = array<i32>} : memref<80xi32, #tpu.memory_space<vmem>>, vector<16xi32>,
        tpu.vector_store %arg9[%swap3A_128], %get3A_127 {strides = array<i32>} : memref<80xi32, #tpu.memory_space<vmem>>, vector<16xi32>,
        %get3A_130 = arith.constant 128 : index
        %get3A_131 = tpu.vector_load %arg7[%get3A_130] {strides = array<i32>} : memref<160xi32, #tpu.memory_space<vmem>>, vector<16xi32>,
        %swap3A_132 = arith.constant 48 : index
        %swap3A_133 = tpu.vector_load %arg9[%swap3A_132] {strides = array<i32>} : memref<80xi32, #tpu.memory_space<vmem>>, vector<16xi32>,
        tpu.vector_store %arg9[%swap3A_132], %get3A_131 {strides = array<i32>} : memref<80xi32, #tpu.memory_space<vmem>>, vector<16xi32>,
        %get3A_134 = arith.constant 144 : index
        %get3A_135 = tpu.vector_load %arg7[%get3A_134] {strides = array<i32>} : memref<160xi32, #tpu.memory_space<vmem>>, vector<16xi32>,
        %swap3A_136 = arith.constant 64 : index
        %swap3A_137 = tpu.vector_load %arg9[%swap3A_136] {strides = array<i32>} : memref<80xi32, #tpu.memory_space<vmem>>, vector<16xi32>,
        tpu.vector_store %arg9[%swap3A_136], %get3A_135 {strides = array<i32>} : memref<80xi32, #tpu.memory_space<vmem>>, vector<16xi32>,
        %dma_start3A_138 = arith.constant 0 : i32
        %dma_start3A_139 = arith.constant 0 : i32
        %dma_start3A_140 = tpu.memref_slice %arg15[%dma_start3A_138, %dma_start3A_139] : memref<10112x128xf32, #tpu.memory_space<vmem_shared>> -> memref<10112x128xf32, #tpu.memory_space<vmem_shared>>
        tpu.enqueue_indirect_dma source(%arg11 : memref<80x128xf32, #tpu.memory_space<vmem>>) target(%dma_start3A_140 : memref<10112x128xf32, #tpu.memory_space<vmem_shared>>) offsets(%arg9 : memref<80xi32, #tpu.memory_space<vmem>>) semaphore(%arg22 : memref<!tpu.dma_semaphore, #tpu.memory_space<semaphore_mem>>) {add = true}
      } else {
      }
      %add3A_76 = arith.constant 2 : i32
      %add3A_77 = arith.addi %add3A_66, %add3A_76 : i32
      %lt3A_78 = arith.constant 75 : i32
      %lt3A_79 = arith.cmpi slt, %add3A_77, %lt3A_78 : i32
      %convert_element_type3A_80 = arith.extui %lt3A_79 : i1 to i32
      %cond3A_81 = arith.constant 0 : i32
      %cond3A_82 = arith.cmpi ne, %convert_element_type3A_80, %cond3A_81 : i32
      scf.if %cond3A_82 {
        %add3A_106 = arith.constant 2 : i32
        %add3A_107 = arith.addi %add3A_66, %add3A_106 : i32
        %mul3A_108 = arith.constant 75 : i32
        %mul3A_109 = arith.muli %add3A, %mul3A_108 : i32
        %add3A_110 = arith.addi %mul3A_109, %add3A_107 : i32
        %mul3A_111 = arith.constant 2 : i32
        %mul3A_112 = arith.muli %add3A_110, %mul3A_111 : i32
        %mul3A_113 = arith.constant 80 : i32
        %mul3A_114 = arith.muli %mul3A_112, %mul3A_113 : i32
        %dma_start3A_115 = tpu.memref_slice %arg4[%mul3A_114] : memref<384000xi32, #tpu.memory_space<hbm>> -> memref<160xi32, #tpu.memory_space<hbm>>
        %dma_start3A_116 = tpu.memref_slice %arg4[%mul3A_114] : memref<384000xi32, #tpu.memory_space<hbm>> -> memref<160xi32, #tpu.memory_space<hbm>>
        tpu.enqueue_dma source(%dma_start3A_116 : memref<160xi32, #tpu.memory_space<hbm>>) target(%arg7 : memref<160xi32, #tpu.memory_space<vmem>>) target_semaphore(%arg20 : memref<!tpu.dma_semaphore, #tpu.memory_space<semaphore_mem>>)
      } else {
      }
      %mul3A_83 = arith.constant 2 : i32
      %mul3A_84 = arith.muli %mul3A_83, %scan3A_62 : i32
      %add3A_85 = arith.constant 1 : i32
      %add3A_86 = arith.addi %mul3A_84, %add3A_85 : i32
      %add3A_87 = arith.constant 1 : i32
      %add3A_88 = arith.addi %add3A_86, %add3A_87 : i32
      %lt3A_89 = arith.constant 75 : i32
      %lt3A_90 = arith.cmpi slt, %add3A_88, %lt3A_89 : i32
      %convert_element_type3A_91 = arith.extui %lt3A_90 : i1 to i32
      %cond3A_92 = arith.constant 0 : i32
      %cond3A_93 = arith.cmpi ne, %convert_element_type3A_91, %cond3A_92 : i32
      scf.if %cond3A_93 {
        %dma_wait3A_106 = arith.constant 0 : i32
        %dma_wait3A_107 = tpu.memref_slice %arg4[%dma_wait3A_106] : memref<384000xi32, #tpu.memory_space<hbm>> -> memref<160xi32, #tpu.memory_space<hbm>>
        %dma_wait3A_108 = arith.constant 0 : i32
        %dma_wait3A_109 = tpu.memref_slice %arg4[%dma_wait3A_108] : memref<384000xi32, #tpu.memory_space<hbm>> -> memref<160xi32, #tpu.memory_space<hbm>>
        tpu.wait_dma2 semaphore(%arg20 : memref<!tpu.dma_semaphore, #tpu.memory_space<semaphore_mem>>) src(%dma_wait3A_109 : memref<160xi32, #tpu.memory_space<hbm>>) dst(%arg7 : memref<160xi32, #tpu.memory_space<vmem>>)
        %add3A_110 = arith.constant 1 : i32
        %add3A_111 = arith.addi %add3A_86, %add3A_110 : i32
        %ge3A = arith.constant 2 : i32
        %ge3A_112 = arith.cmpi sge, %add3A_111, %ge3A : i32
        %convert_element_type3A_113 = arith.extui %ge3A_112 : i1 to i32
        %cond3A_114 = arith.constant 0 : i32
        %cond3A_115 = arith.cmpi ne, %convert_element_type3A_113, %cond3A_114 : i32
        scf.if %cond3A_115 {
          %dma_wait3A_130 = arith.constant 0 : i32
          %dma_wait3A_131 = arith.constant 0 : i32
          %dma_wait3A_132 = tpu.memref_slice %arg2[%dma_wait3A_130, %dma_wait3A_131] : memref<10000x128xf32, #tpu.memory_space<hbm>> -> memref<80x128xf32, #tpu.memory_space<hbm>>
          %dma_wait3A_133 = arith.constant 0 : i32
          %dma_wait3A_134 = arith.constant 0 : i32
          %dma_wait3A_135 = tpu.memref_slice %arg2[%dma_wait3A_133, %dma_wait3A_134] : memref<10000x128xf32, #tpu.memory_space<hbm>> -> memref<80x128xf32, #tpu.memory_space<hbm>>
          tpu.wait_dma2 semaphore(%arg22 : memref<!tpu.dma_semaphore, #tpu.memory_space<semaphore_mem>>) src(%dma_wait3A_135 : memref<80x128xf32, #tpu.memory_space<hbm>>) dst(%arg11 : memref<80x128xf32, #tpu.memory_space<vmem>>)
        } else {
        }
        %dma_start3A_116 = arith.constant 0 : i32
        %dma_start3A_117 = tpu.memref_slice %arg7[%dma_start3A_116] : memref<160xi32, #tpu.memory_space<vmem>> -> memref<80xi32, #tpu.memory_space<vmem>>
        %dma_start3A_118 = arith.constant 0 : i32
        %dma_start3A_119 = arith.constant 0 : i32
        %dma_start3A_120 = tpu.memref_slice %arg2[%dma_start3A_118, %dma_start3A_119] : memref<10000x128xf32, #tpu.memory_space<hbm>> -> memref<10000x128xf32, #tpu.memory_space<hbm>>
        tpu.enqueue_indirect_dma source(%dma_start3A_120 : memref<10000x128xf32, #tpu.memory_space<hbm>>) target(%arg11 : memref<80x128xf32, #tpu.memory_space<vmem>>) offsets(%dma_start3A_117 : memref<80xi32, #tpu.memory_space<vmem>>) semaphore(%arg16 : memref<!tpu.dma_semaphore, #tpu.memory_space<semaphore_mem>>)
        %mul3A_121 = arith.constant 6000 : i32
        %mul3A_122 = arith.muli %add3A, %mul3A_121 : i32
        %mul3A_123 = arith.constant 80 : i32
        %mul3A_124 = arith.muli %add3A_111, %mul3A_123 : i32
        %add3A_125 = arith.addi %mul3A_122, %mul3A_124 : i32
        %dma_start3A_126 = arith.constant 0 : i32
        %dma_start3A_127 = tpu.memref_slice %arg3[%add3A_125, %dma_start3A_126] : memref<192000x64xi32, #tpu.memory_space<hbm>> -> memref<80x64xi32, #tpu.memory_space<hbm>>
        %dma_start3A_128 = arith.constant 0 : i32
        %dma_start3A_129 = tpu.memref_slice %arg3[%add3A_125, %dma_start3A_128] : memref<192000x64xi32, #tpu.memory_space<hbm>> -> memref<80x64xi32, #tpu.memory_space<hbm>>
        tpu.enqueue_dma source(%dma_start3A_129 : memref<80x64xi32, #tpu.memory_space<hbm>>) target(%arg13 : memref<80x64xi32, #tpu.memory_space<vmem>>) target_semaphore(%arg18 : memref<!tpu.dma_semaphore, #tpu.memory_space<semaphore_mem>>)
      } else {
      }
      %lt3A_94 = arith.constant 75 : i32
      %lt3A_95 = arith.cmpi slt, %add3A_86, %lt3A_94 : i32
      %convert_element_type3A_96 = arith.extui %lt3A_95 : i1 to i32
      %cond3A_97 = arith.constant 0 : i32
      %cond3A_98 = arith.cmpi ne, %convert_element_type3A_96, %cond3A_97 : i32
      scf.if %cond3A_98 {
        %dma_wait3A_106 = arith.constant 0 : i32
        %dma_wait3A_107 = arith.constant 0 : i32
        %dma_wait3A_108 = tpu.memref_slice %arg2[%dma_wait3A_106, %dma_wait3A_107] : memref<10000x128xf32, #tpu.memory_space<hbm>> -> memref<80x128xf32, #tpu.memory_space<hbm>>
        %dma_wait3A_109 = arith.constant 0 : i32
        %dma_wait3A_110 = arith.constant 0 : i32
        %dma_wait3A_111 = tpu.memref_slice %arg2[%dma_wait3A_109, %dma_wait3A_110] : memref<10000x128xf32, #tpu.memory_space<hbm>> -> memref<80x128xf32, #tpu.memory_space<hbm>>
        tpu.wait_dma2 semaphore(%arg17 : memref<!tpu.dma_semaphore, #tpu.memory_space<semaphore_mem>>) src(%dma_wait3A_111 : memref<80x128xf32, #tpu.memory_space<hbm>>) dst(%arg12 : memref<80x128xf32, #tpu.memory_space<vmem>>)
        %dma_wait3A_112 = arith.constant 0 : i32
        %dma_wait3A_113 = arith.constant 0 : i32
        %dma_wait3A_114 = tpu.memref_slice %arg3[%dma_wait3A_112, %dma_wait3A_113] : memref<192000x64xi32, #tpu.memory_space<hbm>> -> memref<80x64xi32, #tpu.memory_space<hbm>>
        %dma_wait3A_115 = arith.constant 0 : i32
        %dma_wait3A_116 = arith.constant 0 : i32
        %dma_wait3A_117 = tpu.memref_slice %arg3[%dma_wait3A_115, %dma_wait3A_116] : memref<192000x64xi32, #tpu.memory_space<hbm>> -> memref<80x64xi32, #tpu.memory_space<hbm>>
        tpu.wait_dma2 semaphore(%arg19 : memref<!tpu.dma_semaphore, #tpu.memory_space<semaphore_mem>>) src(%dma_wait3A_117 : memref<80x64xi32, #tpu.memory_space<hbm>>) dst(%arg14 : memref<80x64xi32, #tpu.memory_space<vmem>>)
        %parallel_loop3A = arith.constant 0 : i32
        %parallel_loop3A_118 = arith.constant 80 : i32
        %parallel_loop3A_119 = arith.constant 1 : i32
        scf.for %parallel_loop3A_141 = %parallel_loop3A to %parallel_loop3A_118 step %parallel_loop3A_119  : i32 {
          %parallel_loop3A_142 = arith.index_cast %parallel_loop3A_141 : i32 to index
          %parallel_loop3A_143 = arith.constant 0 : index
          %parallel_loop3A_144 = tpu.vector_load %arg14[%parallel_loop3A_142, %parallel_loop3A_143] {strides = array<i32>} : memref<80x64xi32, #tpu.memory_space<vmem>>, vector<16xi32>,
          %parallel_loop3A_145 = vector.bitcast %parallel_loop3A_144 : vector<16xi32> to vector<32xbf16>
          %parallel_loop3A_146 = tpu.unpack_subelements %parallel_loop3A_145, 0 {pack_format = #tpu.pack_format<interleaved>} : vector<32xbf16> -> vector<16xf32>
          %parallel_loop3A_147 = tpu.unpack_subelements %parallel_loop3A_145, 1 {pack_format = #tpu.pack_format<interleaved>} : vector<32xbf16> -> vector<16xf32>
          %parallel_loop3A_148 = arith.index_cast %parallel_loop3A_141 : i32 to index
          %parallel_loop3A_149 = arith.constant 0 : index
          %parallel_loop3A_150 = tpu.vector_load %arg12[%parallel_loop3A_148, %parallel_loop3A_149] {strides = array<i32>} : memref<80x128xf32, #tpu.memory_space<vmem>>, vector<16xf32>,
          %parallel_loop3A_151 = arith.mulf %parallel_loop3A_150, %parallel_loop3A_146 : vector<16xf32>
          %parallel_loop3A_152 = arith.index_cast %parallel_loop3A_141 : i32 to index
          %parallel_loop3A_153 = arith.constant 0 : index
          %parallel_loop3A_154 = tpu.vector_load %arg12[%parallel_loop3A_152, %parallel_loop3A_153] {strides = array<i32>} : memref<80x128xf32, #tpu.memory_space<vmem>>, vector<16xf32>,
          tpu.vector_store %arg12[%parallel_loop3A_152, %parallel_loop3A_153], %parallel_loop3A_151 {strides = array<i32>} : memref<80x128xf32, #tpu.memory_space<vmem>>, vector<16xf32>,
          %parallel_loop3A_155 = arith.index_cast %parallel_loop3A_141 : i32 to index
          %parallel_loop3A_156 = arith.constant 16 : index
          %parallel_loop3A_157 = tpu.vector_load %arg12[%parallel_loop3A_155, %parallel_loop3A_156] {strides = array<i32>} : memref<80x128xf32, #tpu.memory_space<vmem>>, vector<16xf32>,
          %parallel_loop3A_158 = arith.mulf %parallel_loop3A_157, %parallel_loop3A_147 : vector<16xf32>
          %parallel_loop3A_159 = arith.index_cast %parallel_loop3A_141 : i32 to index
          %parallel_loop3A_160 = arith.constant 16 : index
          %parallel_loop3A_161 = tpu.vector_load %arg12[%parallel_loop3A_159, %parallel_loop3A_160] {strides = array<i32>} : memref<80x128xf32, #tpu.memory_space<vmem>>, vector<16xf32>,
          tpu.vector_store %arg12[%parallel_loop3A_159, %parallel_loop3A_160], %parallel_loop3A_158 {strides = array<i32>} : memref<80x128xf32, #tpu.memory_space<vmem>>, vector<16xf32>,
          %parallel_loop3A_162 = arith.index_cast %parallel_loop3A_141 : i32 to index
          %parallel_loop3A_163 = arith.constant 16 : index
          %parallel_loop3A_164 = tpu.vector_load %arg14[%parallel_loop3A_162, %parallel_loop3A_163] {strides = array<i32>} : memref<80x64xi32, #tpu.memory_space<vmem>>, vector<16xi32>,
          %parallel_loop3A_165 = vector.bitcast %parallel_loop3A_164 : vector<16xi32> to vector<32xbf16>
          %parallel_loop3A_166 = tpu.unpack_subelements %parallel_loop3A_165, 0 {pack_format = #tpu.pack_format<interleaved>} : vector<32xbf16> -> vector<16xf32>
          %parallel_loop3A_167 = tpu.unpack_subelements %parallel_loop3A_165, 1 {pack_format = #tpu.pack_format<interleaved>} : vector<32xbf16> -> vector<16xf32>
          %parallel_loop3A_168 = arith.index_cast %parallel_loop3A_141 : i32 to index
          %parallel_loop3A_169 = arith.constant 32 : index
          %parallel_loop3A_170 = tpu.vector_load %arg12[%parallel_loop3A_168, %parallel_loop3A_169] {strides = array<i32>} : memref<80x128xf32, #tpu.memory_space<vmem>>, vector<16xf32>,
          %parallel_loop3A_171 = arith.mulf %parallel_loop3A_170, %parallel_loop3A_166 : vector<16xf32>
          %parallel_loop3A_172 = arith.index_cast %parallel_loop3A_141 : i32 to index
          %parallel_loop3A_173 = arith.constant 32 : index
          %parallel_loop3A_174 = tpu.vector_load %arg12[%parallel_loop3A_172, %parallel_loop3A_173] {strides = array<i32>} : memref<80x128xf32, #tpu.memory_space<vmem>>, vector<16xf32>,
          tpu.vector_store %arg12[%parallel_loop3A_172, %parallel_loop3A_173], %parallel_loop3A_171 {strides = array<i32>} : memref<80x128xf32, #tpu.memory_space<vmem>>, vector<16xf32>,
          %parallel_loop3A_175 = arith.index_cast %parallel_loop3A_141 : i32 to index
          %parallel_loop3A_176 = arith.constant 48 : index
          %parallel_loop3A_177 = tpu.vector_load %arg12[%parallel_loop3A_175, %parallel_loop3A_176] {strides = array<i32>} : memref<80x128xf32, #tpu.memory_space<vmem>>, vector<16xf32>,
          %parallel_loop3A_178 = arith.mulf %parallel_loop3A_177, %parallel_loop3A_167 : vector<16xf32>
          %parallel_loop3A_179 = arith.index_cast %parallel_loop3A_141 : i32 to index
          %parallel_loop3A_180 = arith.constant 48 : index
          %parallel_loop3A_181 = tpu.vector_load %arg12[%parallel_loop3A_179, %parallel_loop3A_180] {strides = array<i32>} : memref<80x128xf32, #tpu.memory_space<vmem>>, vector<16xf32>,
          tpu.vector_store %arg12[%parallel_loop3A_179, %parallel_loop3A_180], %parallel_loop3A_178 {strides = array<i32>} : memref<80x128xf32, #tpu.memory_space<vmem>>, vector<16xf32>,
          %parallel_loop3A_182 = arith.index_cast %parallel_loop3A_141 : i32 to index
          %parallel_loop3A_183 = arith.constant 32 : index
          %parallel_loop3A_184 = tpu.vector_load %arg14[%parallel_loop3A_182, %parallel_loop3A_183] {strides = array<i32>} : memref<80x64xi32, #tpu.memory_space<vmem>>, vector<16xi32>,
          %parallel_loop3A_185 = vector.bitcast %parallel_loop3A_184 : vector<16xi32> to vector<32xbf16>
          %parallel_loop3A_186 = tpu.unpack_subelements %parallel_loop3A_185, 0 {pack_format = #tpu.pack_format<interleaved>} : vector<32xbf16> -> vector<16xf32>
          %parallel_loop3A_187 = tpu.unpack_subelements %parallel_loop3A_185, 1 {pack_format = #tpu.pack_format<interleaved>} : vector<32xbf16> -> vector<16xf32>
          %parallel_loop3A_188 = arith.index_cast %parallel_loop3A_141 : i32 to index
          %parallel_loop3A_189 = arith.constant 64 : index
          %parallel_loop3A_190 = tpu.vector_load %arg12[%parallel_loop3A_188, %parallel_loop3A_189] {strides = array<i32>} : memref<80x128xf32, #tpu.memory_space<vmem>>, vector<16xf32>,
          %parallel_loop3A_191 = arith.mulf %parallel_loop3A_190, %parallel_loop3A_186 : vector<16xf32>
          %parallel_loop3A_192 = arith.index_cast %parallel_loop3A_141 : i32 to index
          %parallel_loop3A_193 = arith.constant 64 : index
          %parallel_loop3A_194 = tpu.vector_load %arg12[%parallel_loop3A_192, %parallel_loop3A_193] {strides = array<i32>} : memref<80x128xf32, #tpu.memory_space<vmem>>, vector<16xf32>,
          tpu.vector_store %arg12[%parallel_loop3A_192, %parallel_loop3A_193], %parallel_loop3A_191 {strides = array<i32>} : memref<80x128xf32, #tpu.memory_space<vmem>>, vector<16xf32>,
          %parallel_loop3A_195 = arith.index_cast %parallel_loop3A_141 : i32 to index
          %parallel_loop3A_196 = arith.constant 80 : index
          %parallel_loop3A_197 = tpu.vector_load %arg12[%parallel_loop3A_195, %parallel_loop3A_196] {strides = array<i32>} : memref<80x128xf32, #tpu.memory_space<vmem>>, vector<16xf32>,
          %parallel_loop3A_198 = arith.mulf %parallel_loop3A_197, %parallel_loop3A_187 : vector<16xf32>
          %parallel_loop3A_199 = arith.index_cast %parallel_loop3A_141 : i32 to index
          %parallel_loop3A_200 = arith.constant 80 : index
          %parallel_loop3A_201 = tpu.vector_load %arg12[%parallel_loop3A_199, %parallel_loop3A_200] {strides = array<i32>} : memref<80x128xf32, #tpu.memory_space<vmem>>, vector<16xf32>,
          tpu.vector_store %arg12[%parallel_loop3A_199, %parallel_loop3A_200], %parallel_loop3A_198 {strides = array<i32>} : memref<80x128xf32, #tpu.memory_space<vmem>>, vector<16xf32>,
          %parallel_loop3A_202 = arith.index_cast %parallel_loop3A_141 : i32 to index
          %parallel_loop3A_203 = arith.constant 48 : index
          %parallel_loop3A_204 = tpu.vector_load %arg14[%parallel_loop3A_202, %parallel_loop3A_203] {strides = array<i32>} : memref<80x64xi32, #tpu.memory_space<vmem>>, vector<16xi32>,
          %parallel_loop3A_205 = vector.bitcast %parallel_loop3A_204 : vector<16xi32> to vector<32xbf16>
          %parallel_loop3A_206 = tpu.unpack_subelements %parallel_loop3A_205, 0 {pack_format = #tpu.pack_format<interleaved>} : vector<32xbf16> -> vector<16xf32>
          %parallel_loop3A_207 = tpu.unpack_subelements %parallel_loop3A_205, 1 {pack_format = #tpu.pack_format<interleaved>} : vector<32xbf16> -> vector<16xf32>
          %parallel_loop3A_208 = arith.index_cast %parallel_loop3A_141 : i32 to index
          %parallel_loop3A_209 = arith.constant 96 : index
          %parallel_loop3A_210 = tpu.vector_load %arg12[%parallel_loop3A_208, %parallel_loop3A_209] {strides = array<i32>} : memref<80x128xf32, #tpu.memory_space<vmem>>, vector<16xf32>,
          %parallel_loop3A_211 = arith.mulf %parallel_loop3A_210, %parallel_loop3A_206 : vector<16xf32>
          %parallel_loop3A_212 = arith.index_cast %parallel_loop3A_141 : i32 to index
          %parallel_loop3A_213 = arith.constant 96 : index
          %parallel_loop3A_214 = tpu.vector_load %arg12[%parallel_loop3A_212, %parallel_loop3A_213] {strides = array<i32>} : memref<80x128xf32, #tpu.memory_space<vmem>>, vector<16xf32>,
          tpu.vector_store %arg12[%parallel_loop3A_212, %parallel_loop3A_213], %parallel_loop3A_211 {strides = array<i32>} : memref<80x128xf32, #tpu.memory_space<vmem>>, vector<16xf32>,
          %parallel_loop3A_215 = arith.index_cast %parallel_loop3A_141 : i32 to index
          %parallel_loop3A_216 = arith.constant 112 : index
          %parallel_loop3A_217 = tpu.vector_load %arg12[%parallel_loop3A_215, %parallel_loop3A_216] {strides = array<i32>} : memref<80x128xf32, #tpu.memory_space<vmem>>, vector<16xf32>,
          %parallel_loop3A_218 = arith.mulf %parallel_loop3A_217, %parallel_loop3A_207 : vector<16xf32>
          %parallel_loop3A_219 = arith.index_cast %parallel_loop3A_141 : i32 to index
          %parallel_loop3A_220 = arith.constant 112 : index
          %parallel_loop3A_221 = tpu.vector_load %arg12[%parallel_loop3A_219, %parallel_loop3A_220] {strides = array<i32>} : memref<80x128xf32, #tpu.memory_space<vmem>>, vector<16xf32>,
          tpu.vector_store %arg12[%parallel_loop3A_219, %parallel_loop3A_220], %parallel_loop3A_218 {strides = array<i32>} : memref<80x128xf32, #tpu.memory_space<vmem>>, vector<16xf32>,
        } {sc.loop_unroll_factor = 4 : i64, sc.parallel_access}
        %get3A = arith.constant 80 : index
        %get3A_120 = tpu.vector_load %arg8[%get3A] {strides = array<i32>} : memref<160xi32, #tpu.memory_space<vmem>>, vector<16xi32>,
        %swap3A = arith.constant 0 : index
        %swap3A_121 = tpu.vector_load %arg10[%swap3A] {strides = array<i32>} : memref<80xi32, #tpu.memory_space<vmem>>, vector<16xi32>,
        tpu.vector_store %arg10[%swap3A], %get3A_120 {strides = array<i32>} : memref<80xi32, #tpu.memory_space<vmem>>, vector<16xi32>,
        %get3A_122 = arith.constant 96 : index
        %get3A_123 = tpu.vector_load %arg8[%get3A_122] {strides = array<i32>} : memref<160xi32, #tpu.memory_space<vmem>>, vector<16xi32>,
        %swap3A_124 = arith.constant 16 : index
        %swap3A_125 = tpu.vector_load %arg10[%swap3A_124] {strides = array<i32>} : memref<80xi32, #tpu.memory_space<vmem>>, vector<16xi32>,
        tpu.vector_store %arg10[%swap3A_124], %get3A_123 {strides = array<i32>} : memref<80xi32, #tpu.memory_space<vmem>>, vector<16xi32>,
        %get3A_126 = arith.constant 112 : index
        %get3A_127 = tpu.vector_load %arg8[%get3A_126] {strides = array<i32>} : memref<160xi32, #tpu.memory_space<vmem>>, vector<16xi32>,
        %swap3A_128 = arith.constant 32 : index
        %swap3A_129 = tpu.vector_load %arg10[%swap3A_128] {strides = array<i32>} : memref<80xi32, #tpu.memory_space<vmem>>, vector<16xi32>,
        tpu.vector_store %arg10[%swap3A_128], %get3A_127 {strides = array<i32>} : memref<80xi32, #tpu.memory_space<vmem>>, vector<16xi32>,
        %get3A_130 = arith.constant 128 : index
        %get3A_131 = tpu.vector_load %arg8[%get3A_130] {strides = array<i32>} : memref<160xi32, #tpu.memory_space<vmem>>, vector<16xi32>,
        %swap3A_132 = arith.constant 48 : index
        %swap3A_133 = tpu.vector_load %arg10[%swap3A_132] {strides = array<i32>} : memref<80xi32, #tpu.memory_space<vmem>>, vector<16xi32>,
        tpu.vector_store %arg10[%swap3A_132], %get3A_131 {strides = array<i32>} : memref<80xi32, #tpu.memory_space<vmem>>, vector<16xi32>,
        %get3A_134 = arith.constant 144 : index
        %get3A_135 = tpu.vector_load %arg8[%get3A_134] {strides = array<i32>} : memref<160xi32, #tpu.memory_space<vmem>>, vector<16xi32>,
        %swap3A_136 = arith.constant 64 : index
        %swap3A_137 = tpu.vector_load %arg10[%swap3A_136] {strides = array<i32>} : memref<80xi32, #tpu.memory_space<vmem>>, vector<16xi32>,
        tpu.vector_store %arg10[%swap3A_136], %get3A_135 {strides = array<i32>} : memref<80xi32, #tpu.memory_space<vmem>>, vector<16xi32>,
        %dma_start3A_138 = arith.constant 0 : i32
        %dma_start3A_139 = arith.constant 0 : i32
        %dma_start3A_140 = tpu.memref_slice %arg15[%dma_start3A_138, %dma_start3A_139] : memref<10112x128xf32, #tpu.memory_space<vmem_shared>> -> memref<10112x128xf32, #tpu.memory_space<vmem_shared>>
        tpu.enqueue_indirect_dma source(%arg12 : memref<80x128xf32, #tpu.memory_space<vmem>>) target(%dma_start3A_140 : memref<10112x128xf32, #tpu.memory_space<vmem_shared>>) offsets(%arg10 : memref<80xi32, #tpu.memory_space<vmem>>) semaphore(%arg23 : memref<!tpu.dma_semaphore, #tpu.memory_space<semaphore_mem>>) {add = true}
      } else {
      }
      %add3A_99 = arith.constant 2 : i32
      %add3A_100 = arith.addi %add3A_86, %add3A_99 : i32
      %lt3A_101 = arith.constant 75 : i32
      %lt3A_102 = arith.cmpi slt, %add3A_100, %lt3A_101 : i32
      %convert_element_type3A_103 = arith.extui %lt3A_102 : i1 to i32
      %cond3A_104 = arith.constant 0 : i32
      %cond3A_105 = arith.cmpi ne, %convert_element_type3A_103, %cond3A_104 : i32
      scf.if %cond3A_105 {
        %add3A_106 = arith.constant 2 : i32
        %add3A_107 = arith.addi %add3A_86, %add3A_106 : i32
        %mul3A_108 = arith.constant 75 : i32
        %mul3A_109 = arith.muli %add3A, %mul3A_108 : i32
        %add3A_110 = arith.addi %mul3A_109, %add3A_107 : i32
        %mul3A_111 = arith.constant 2 : i32
        %mul3A_112 = arith.muli %add3A_110, %mul3A_111 : i32
        %mul3A_113 = arith.constant 80 : i32
        %mul3A_114 = arith.muli %mul3A_112, %mul3A_113 : i32
        %dma_start3A_115 = tpu.memref_slice %arg4[%mul3A_114] : memref<384000xi32, #tpu.memory_space<hbm>> -> memref<160xi32, #tpu.memory_space<hbm>>
        %dma_start3A_116 = tpu.memref_slice %arg4[%mul3A_114] : memref<384000xi32, #tpu.memory_space<hbm>> -> memref<160xi32, #tpu.memory_space<hbm>>
        tpu.enqueue_dma source(%dma_start3A_116 : memref<160xi32, #tpu.memory_space<hbm>>) target(%arg8 : memref<160xi32, #tpu.memory_space<vmem>>) target_semaphore(%arg21 : memref<!tpu.dma_semaphore, #tpu.memory_space<semaphore_mem>>)
      } else {
      }
    }
    %scan3A_44 = arith.constant 38 : i32
    %dma_wait3A_45 = arith.constant 0 : i32
    %dma_wait3A_46 = arith.constant 0 : i32
    %dma_wait3A_47 = tpu.memref_slice %arg2[%dma_wait3A_45, %dma_wait3A_46] : memref<10000x128xf32, #tpu.memory_space<hbm>> -> memref<80x128xf32, #tpu.memory_space<hbm>>
    %dma_wait3A_48 = arith.constant 0 : i32
    %dma_wait3A_49 = arith.constant 0 : i32
    %dma_wait3A_50 = tpu.memref_slice %arg2[%dma_wait3A_48, %dma_wait3A_49] : memref<10000x128xf32, #tpu.memory_space<hbm>> -> memref<80x128xf32, #tpu.memory_space<hbm>>
    tpu.wait_dma2 semaphore(%arg23 : memref<!tpu.dma_semaphore, #tpu.memory_space<semaphore_mem>>) src(%dma_wait3A_50 : memref<80x128xf32, #tpu.memory_space<hbm>>) dst(%arg12 : memref<80x128xf32, #tpu.memory_space<vmem>>)
    %dma_wait3A_51 = arith.constant 0 : i32
    %dma_wait3A_52 = arith.constant 0 : i32
    %dma_wait3A_53 = tpu.memref_slice %arg2[%dma_wait3A_51, %dma_wait3A_52] : memref<10000x128xf32, #tpu.memory_space<hbm>> -> memref<80x128xf32, #tpu.memory_space<hbm>>
    %dma_wait3A_54 = arith.constant 0 : i32
    %dma_wait3A_55 = arith.constant 0 : i32
    %dma_wait3A_56 = tpu.memref_slice %arg2[%dma_wait3A_54, %dma_wait3A_55] : memref<10000x128xf32, #tpu.memory_space<hbm>> -> memref<80x128xf32, #tpu.memory_space<hbm>>
    tpu.wait_dma2 semaphore(%arg22 : memref<!tpu.dma_semaphore, #tpu.memory_space<semaphore_mem>>) src(%dma_wait3A_56 : memref<80x128xf32, #tpu.memory_space<hbm>>) dst(%arg11 : memref<80x128xf32, #tpu.memory_space<vmem>>)
    %barrier3A_57 = arith.constant 0 : index
    tpu.barrier barrier_id(%barrier3A_57)
    %mul3A_58 = arith.constant 632 : i32
    %mul3A_59 = arith.muli %arg1, %mul3A_58 : i32
    %mul3A_60 = arith.constant 632 : i32
    %mul3A_61 = arith.muli %arg1, %mul3A_60 : i32
    "tpu.region"() ({
      %run_scoped3A = tpu.sem_alloc : memref<!tpu.dma_semaphore, #tpu.memory_space<semaphore_mem>>
      %dma_start3A_62 = arith.constant 0 : i32
      %dma_start3A_63 = tpu.memref_slice %arg6[%arg0, %mul3A_61, %dma_start3A_62] : memref<2x10112x128xf32, #tpu.memory_space<hbm>> -> memref<1x632x128xf32, #tpu.memory_space<hbm>>
      %dma_start3A_64 = tpu.memref_squeeze %dma_start3A_63 : memref<1x632x128xf32, #tpu.memory_space<hbm>> -> memref<632x128xf32, #tpu.memory_space<hbm>>
      %dma_start3A_65 = arith.constant 0 : i32
      %dma_start3A_66 = tpu.memref_slice %arg15[%mul3A_59, %dma_start3A_65] : memref<10112x128xf32, #tpu.memory_space<vmem_shared>> -> memref<632x128xf32, #tpu.memory_space<vmem_shared>>
      tpu.enqueue_dma source(%dma_start3A_66 : memref<632x128xf32, #tpu.memory_space<vmem_shared>>) target(%dma_start3A_64 : memref<632x128xf32, #tpu.memory_space<hbm>>) target_semaphore(%run_scoped3A : memref<!tpu.dma_semaphore, #tpu.memory_space<semaphore_mem>>)
      %dma_wait3A_67 = arith.constant 0 : i32
      %dma_wait3A_68 = tpu.memref_slice %arg6[%arg0, %mul3A_61, %dma_wait3A_67] : memref<2x10112x128xf32, #tpu.memory_space<hbm>> -> memref<1x632x128xf32, #tpu.memory_space<hbm>>
      %dma_wait3A_69 = tpu.memref_squeeze %dma_wait3A_68 : memref<1x632x128xf32, #tpu.memory_space<hbm>> -> memref<632x128xf32, #tpu.memory_space<hbm>>
      %dma_wait3A_70 = arith.constant 0 : i32
      %dma_wait3A_71 = tpu.memref_slice %arg15[%mul3A_59, %dma_wait3A_70] : memref<10112x128xf32, #tpu.memory_space<vmem_shared>> -> memref<632x128xf32, #tpu.memory_space<vmem_shared>>
      tpu.wait_dma2 semaphore(%run_scoped3A : memref<!tpu.dma_semaphore, #tpu.memory_space<semaphore_mem>>) src(%dma_wait3A_71 : memref<632x128xf32, #tpu.memory_space<vmem_shared>>) dst(%dma_wait3A_69 : memref<632x128xf32, #tpu.memory_space<hbm>>)
      tpu.yield
    }) : () -> ()
    return
  }
}

#map = affine_map<(d0, d1) -> (0, 0)>
#map1 = affine_map<(d0, d1) -> (0)>
#map2 = affine_map<(d0, d1) -> (0, 0, 0)>
module attributes {stable_mosaic.version = 14 : i64} {
  func.func @sc_edge(%arg0: i32, %arg1: i32, %arg2: memref<10000x128xf32, #tpu.memory_space<hbm>>, %arg3: memref<128000x64xi32, #tpu.memory_space<hbm>>, %arg4: memref<256000xi32, #tpu.memory_space<hbm>>, %arg5: memref<10112x128xf32, #tpu.memory_space<hbm>>, %arg6: memref<2x10112x128xf32, #tpu.memory_space<hbm>>, %arg7: memref<160xi32, #tpu.memory_space<vmem>>, %arg8: memref<160xi32, #tpu.memory_space<vmem>>, %arg9: memref<80xi32, #tpu.memory_space<vmem>>, %arg10: memref<80xi32, #tpu.memory_space<vmem>>, %arg11: memref<80x128xf32, #tpu.memory_space<vmem>>, %arg12: memref<80x128xf32, #tpu.memory_space<vmem>>, %arg13: memref<80x64xi32, #tpu.memory_space<vmem>>, %arg14: memref<80x64xi32, #tpu.memory_space<vmem>>, %arg15: memref<10112x128xf32, #tpu.memory_space<vmem_shared>>, %arg16: memref<!tpu.dma_semaphore, #tpu.memory_space<semaphore_mem>>, %arg17: memref<!tpu.dma_semaphore, #tpu.memory_space<semaphore_mem>>, %arg18: memref<!tpu.dma_semaphore, #tpu.memory_space<semaphore_mem>>, %arg19: memref<!tpu.dma_semaphore, #tpu.memory_space<semaphore_mem>>, %arg20: memref<!tpu.dma_semaphore, #tpu.memory_space<semaphore_mem>>, %arg21: memref<!tpu.dma_semaphore, #tpu.memory_space<semaphore_mem>>, %arg22: memref<!tpu.dma_semaphore, #tpu.memory_space<semaphore_mem>>, %arg23: memref<!tpu.dma_semaphore, #tpu.memory_space<semaphore_mem>>) attributes {dimension_semantics = [#tpu.dimension_semantics<core_parallel>, #tpu.dimension_semantics<subcore_parallel>], iteration_bounds = array<i64: 2, 16>, scalar_prefetch = 0 : i64, scratch_operands = 17 : i64, tpu.core_type = #tpu.core_type<sc_vector_subcore>, window_params = [{transform_indices = #map}, {transform_indices = #map}, {transform_indices = #map1}, {transform_indices = #map}, {transform_indices = #map2}]} {
    %mul3A = arith.constant 2 : i32
    %mul3A_0 = arith.muli %arg1, %mul3A : i32
    %add3A = arith.addi %mul3A_0, %arg0 : i32
    %mul3A_1 = arith.constant 632 : i32
    %mul3A_2 = arith.muli %arg1, %mul3A_1 : i32
    %mul3A_3 = arith.constant 632 : i32
    %mul3A_4 = arith.muli %arg1, %mul3A_3 : i32
    "tpu.region"() ({
      %run_scoped3A = tpu.sem_alloc : memref<!tpu.dma_semaphore, #tpu.memory_space<semaphore_mem>>
      %dma_start3A_62 = arith.constant 0 : i32
      %dma_start3A_63 = tpu.memref_slice %arg15[%mul3A_4, %dma_start3A_62] : memref<10112x128xf32, #tpu.memory_space<vmem_shared>> -> memref<632x128xf32, #tpu.memory_space<vmem_shared>>
      %dma_start3A_64 = arith.constant 0 : i32
      %dma_start3A_65 = tpu.memref_slice %arg5[%mul3A_2, %dma_start3A_64] : memref<10112x128xf32, #tpu.memory_space<hbm>> -> memref<632x128xf32, #tpu.memory_space<hbm>>
      tpu.enqueue_dma source(%dma_start3A_65 : memref<632x128xf32, #tpu.memory_space<hbm>>) target(%dma_start3A_63 : memref<632x128xf32, #tpu.memory_space<vmem_shared>>) target_semaphore(%run_scoped3A : memref<!tpu.dma_semaphore, #tpu.memory_space<semaphore_mem>>)
      %dma_wait3A_66 = arith.constant 0 : i32
      %dma_wait3A_67 = tpu.memref_slice %arg15[%mul3A_4, %dma_wait3A_66] : memref<10112x128xf32, #tpu.memory_space<vmem_shared>> -> memref<632x128xf32, #tpu.memory_space<vmem_shared>>
      %dma_wait3A_68 = arith.constant 0 : i32
      %dma_wait3A_69 = tpu.memref_slice %arg5[%mul3A_2, %dma_wait3A_68] : memref<10112x128xf32, #tpu.memory_space<hbm>> -> memref<632x128xf32, #tpu.memory_space<hbm>>
      tpu.wait_dma2 semaphore(%run_scoped3A : memref<!tpu.dma_semaphore, #tpu.memory_space<semaphore_mem>>) src(%dma_wait3A_69 : memref<632x128xf32, #tpu.memory_space<hbm>>) dst(%dma_wait3A_67 : memref<632x128xf32, #tpu.memory_space<vmem_shared>>)
      tpu.yield
    }) : () -> ()
    %barrier3A = arith.constant 0 : index
    tpu.barrier barrier_id(%barrier3A)
    %mul3A_5 = arith.constant 50 : i32
    %mul3A_6 = arith.muli %add3A, %mul3A_5 : i32
    %add3A_7 = arith.constant 0 : i32
    %add3A_8 = arith.addi %mul3A_6, %add3A_7 : i32
    %mul3A_9 = arith.constant 2 : i32
    %mul3A_10 = arith.muli %add3A_8, %mul3A_9 : i32
    %mul3A_11 = arith.constant 80 : i32
    %mul3A_12 = arith.muli %mul3A_10, %mul3A_11 : i32
    %dma_start3A = tpu.memref_slice %arg4[%mul3A_12] : memref<256000xi32, #tpu.memory_space<hbm>> -> memref<160xi32, #tpu.memory_space<hbm>>
    %dma_start3A_13 = tpu.memref_slice %arg4[%mul3A_12] : memref<256000xi32, #tpu.memory_space<hbm>> -> memref<160xi32, #tpu.memory_space<hbm>>
    tpu.enqueue_dma source(%dma_start3A_13 : memref<160xi32, #tpu.memory_space<hbm>>) target(%arg7 : memref<160xi32, #tpu.memory_space<vmem>>) target_semaphore(%arg20 : memref<!tpu.dma_semaphore, #tpu.memory_space<semaphore_mem>>)
    %dma_wait3A = arith.constant 0 : i32
    %dma_wait3A_14 = tpu.memref_slice %arg4[%dma_wait3A] : memref<256000xi32, #tpu.memory_space<hbm>> -> memref<160xi32, #tpu.memory_space<hbm>>
    %dma_wait3A_15 = arith.constant 0 : i32
    %dma_wait3A_16 = tpu.memref_slice %arg4[%dma_wait3A_15] : memref<256000xi32, #tpu.memory_space<hbm>> -> memref<160xi32, #tpu.memory_space<hbm>>
    tpu.wait_dma2 semaphore(%arg20 : memref<!tpu.dma_semaphore, #tpu.memory_space<semaphore_mem>>) src(%dma_wait3A_16 : memref<160xi32, #tpu.memory_space<hbm>>) dst(%arg7 : memref<160xi32, #tpu.memory_space<vmem>>)
    %dma_start3A_17 = arith.constant 0 : i32
    %dma_start3A_18 = tpu.memref_slice %arg7[%dma_start3A_17] : memref<160xi32, #tpu.memory_space<vmem>> -> memref<80xi32, #tpu.memory_space<vmem>>
    %dma_start3A_19 = arith.constant 0 : i32
    %dma_start3A_20 = arith.constant 0 : i32
    %dma_start3A_21 = tpu.memref_slice %arg2[%dma_start3A_19, %dma_start3A_20] : memref<10000x128xf32, #tpu.memory_space<hbm>> -> memref<10000x128xf32, #tpu.memory_space<hbm>>
    tpu.enqueue_indirect_dma source(%dma_start3A_21 : memref<10000x128xf32, #tpu.memory_space<hbm>>) target(%arg11 : memref<80x128xf32, #tpu.memory_space<vmem>>) offsets(%dma_start3A_18 : memref<80xi32, #tpu.memory_space<vmem>>) semaphore(%arg16 : memref<!tpu.dma_semaphore, #tpu.memory_space<semaphore_mem>>)
    %mul3A_22 = arith.constant 4000 : i32
    %mul3A_23 = arith.muli %add3A, %mul3A_22 : i32
    %add3A_24 = arith.constant 0 : i32
    %add3A_25 = arith.addi %mul3A_23, %add3A_24 : i32
    %dma_start3A_26 = arith.constant 0 : i32
    %dma_start3A_27 = tpu.memref_slice %arg3[%add3A_25, %dma_start3A_26] : memref<128000x64xi32, #tpu.memory_space<hbm>> -> memref<80x64xi32, #tpu.memory_space<hbm>>
    %dma_start3A_28 = arith.constant 0 : i32
    %dma_start3A_29 = tpu.memref_slice %arg3[%add3A_25, %dma_start3A_28] : memref<128000x64xi32, #tpu.memory_space<hbm>> -> memref<80x64xi32, #tpu.memory_space<hbm>>
    tpu.enqueue_dma source(%dma_start3A_29 : memref<80x64xi32, #tpu.memory_space<hbm>>) target(%arg13 : memref<80x64xi32, #tpu.memory_space<vmem>>) target_semaphore(%arg18 : memref<!tpu.dma_semaphore, #tpu.memory_space<semaphore_mem>>)
    %mul3A_30 = arith.constant 50 : i32
    %mul3A_31 = arith.muli %add3A, %mul3A_30 : i32
    %add3A_32 = arith.constant 1 : i32
    %add3A_33 = arith.addi %mul3A_31, %add3A_32 : i32
    %mul3A_34 = arith.constant 2 : i32
    %mul3A_35 = arith.muli %add3A_33, %mul3A_34 : i32
    %mul3A_36 = arith.constant 80 : i32
    %mul3A_37 = arith.muli %mul3A_35, %mul3A_36 : i32
    %dma_start3A_38 = tpu.memref_slice %arg4[%mul3A_37] : memref<256000xi32, #tpu.memory_space<hbm>> -> memref<160xi32, #tpu.memory_space<hbm>>
    %dma_start3A_39 = tpu.memref_slice %arg4[%mul3A_37] : memref<256000xi32, #tpu.memory_space<hbm>> -> memref<160xi32, #tpu.memory_space<hbm>>
    tpu.enqueue_dma source(%dma_start3A_39 : memref<160xi32, #tpu.memory_space<hbm>>) target(%arg8 : memref<160xi32, #tpu.memory_space<vmem>>) target_semaphore(%arg21 : memref<!tpu.dma_semaphore, #tpu.memory_space<semaphore_mem>>)
    %scan3A = arith.constant 0 : i32
    %scan3A_40 = arith.constant 0 : i32
    %scan3A_41 = arith.constant 25 : i32
    %scan3A_42 = arith.addi %scan3A_40, %scan3A_41 : i32
    %scan3A_43 = arith.constant 1 : i32
    scf.for %scan3A_62 = %scan3A_40 to %scan3A_42 step %scan3A_43  : i32 {
      %mul3A_63 = arith.constant 2 : i32
      %mul3A_64 = arith.muli %mul3A_63, %scan3A_62 : i32
      %add3A_65 = arith.constant 0 : i32
      %add3A_66 = arith.addi %mul3A_64, %add3A_65 : i32
      %add3A_67 = arith.constant 1 : i32
      %add3A_68 = arith.addi %add3A_66, %add3A_67 : i32
      %lt3A = arith.constant 50 : i32
      %lt3A_69 = arith.cmpi slt, %add3A_68, %lt3A : i32
      %convert_element_type3A = arith.extui %lt3A_69 : i1 to i32
      %cond3A = arith.constant 0 : i32
      %cond3A_70 = arith.cmpi ne, %convert_element_type3A, %cond3A : i32
      scf.if %cond3A_70 {
        %dma_wait3A_106 = arith.constant 0 : i32
        %dma_wait3A_107 = tpu.memref_slice %arg4[%dma_wait3A_106] : memref<256000xi32, #tpu.memory_space<hbm>> -> memref<160xi32, #tpu.memory_space<hbm>>
        %dma_wait3A_108 = arith.constant 0 : i32
        %dma_wait3A_109 = tpu.memref_slice %arg4[%dma_wait3A_108] : memref<256000xi32, #tpu.memory_space<hbm>> -> memref<160xi32, #tpu.memory_space<hbm>>
        tpu.wait_dma2 semaphore(%arg21 : memref<!tpu.dma_semaphore, #tpu.memory_space<semaphore_mem>>) src(%dma_wait3A_109 : memref<160xi32, #tpu.memory_space<hbm>>) dst(%arg8 : memref<160xi32, #tpu.memory_space<vmem>>)
        %add3A_110 = arith.constant 1 : i32
        %add3A_111 = arith.addi %add3A_66, %add3A_110 : i32
        %ge3A = arith.constant 2 : i32
        %ge3A_112 = arith.cmpi sge, %add3A_111, %ge3A : i32
        %convert_element_type3A_113 = arith.extui %ge3A_112 : i1 to i32
        %cond3A_114 = arith.constant 0 : i32
        %cond3A_115 = arith.cmpi ne, %convert_element_type3A_113, %cond3A_114 : i32
        scf.if %cond3A_115 {
          %dma_wait3A_130 = arith.constant 0 : i32
          %dma_wait3A_131 = arith.constant 0 : i32
          %dma_wait3A_132 = tpu.memref_slice %arg2[%dma_wait3A_130, %dma_wait3A_131] : memref<10000x128xf32, #tpu.memory_space<hbm>> -> memref<80x128xf32, #tpu.memory_space<hbm>>
          %dma_wait3A_133 = arith.constant 0 : i32
          %dma_wait3A_134 = arith.constant 0 : i32
          %dma_wait3A_135 = tpu.memref_slice %arg2[%dma_wait3A_133, %dma_wait3A_134] : memref<10000x128xf32, #tpu.memory_space<hbm>> -> memref<80x128xf32, #tpu.memory_space<hbm>>
          tpu.wait_dma2 semaphore(%arg23 : memref<!tpu.dma_semaphore, #tpu.memory_space<semaphore_mem>>) src(%dma_wait3A_135 : memref<80x128xf32, #tpu.memory_space<hbm>>) dst(%arg12 : memref<80x128xf32, #tpu.memory_space<vmem>>)
        } else {
        }
        %dma_start3A_116 = arith.constant 0 : i32
        %dma_start3A_117 = tpu.memref_slice %arg8[%dma_start3A_116] : memref<160xi32, #tpu.memory_space<vmem>> -> memref<80xi32, #tpu.memory_space<vmem>>
        %dma_start3A_118 = arith.constant 0 : i32
        %dma_start3A_119 = arith.constant 0 : i32
        %dma_start3A_120 = tpu.memref_slice %arg2[%dma_start3A_118, %dma_start3A_119] : memref<10000x128xf32, #tpu.memory_space<hbm>> -> memref<10000x128xf32, #tpu.memory_space<hbm>>
        tpu.enqueue_indirect_dma source(%dma_start3A_120 : memref<10000x128xf32, #tpu.memory_space<hbm>>) target(%arg12 : memref<80x128xf32, #tpu.memory_space<vmem>>) offsets(%dma_start3A_117 : memref<80xi32, #tpu.memory_space<vmem>>) semaphore(%arg17 : memref<!tpu.dma_semaphore, #tpu.memory_space<semaphore_mem>>)
        %mul3A_121 = arith.constant 4000 : i32
        %mul3A_122 = arith.muli %add3A, %mul3A_121 : i32
        %mul3A_123 = arith.constant 80 : i32
        %mul3A_124 = arith.muli %add3A_111, %mul3A_123 : i32
        %add3A_125 = arith.addi %mul3A_122, %mul3A_124 : i32
        %dma_start3A_126 = arith.constant 0 : i32
        %dma_start3A_127 = tpu.memref_slice %arg3[%add3A_125, %dma_start3A_126] : memref<128000x64xi32, #tpu.memory_space<hbm>> -> memref<80x64xi32, #tpu.memory_space<hbm>>
        %dma_start3A_128 = arith.constant 0 : i32
        %dma_start3A_129 = tpu.memref_slice %arg3[%add3A_125, %dma_start3A_128] : memref<128000x64xi32, #tpu.memory_space<hbm>> -> memref<80x64xi32, #tpu.memory_space<hbm>>
        tpu.enqueue_dma source(%dma_start3A_129 : memref<80x64xi32, #tpu.memory_space<hbm>>) target(%arg14 : memref<80x64xi32, #tpu.memory_space<vmem>>) target_semaphore(%arg19 : memref<!tpu.dma_semaphore, #tpu.memory_space<semaphore_mem>>)
      } else {
      }
      %lt3A_71 = arith.constant 50 : i32
      %lt3A_72 = arith.cmpi slt, %add3A_66, %lt3A_71 : i32
      %convert_element_type3A_73 = arith.extui %lt3A_72 : i1 to i32
      %cond3A_74 = arith.constant 0 : i32
      %cond3A_75 = arith.cmpi ne, %convert_element_type3A_73, %cond3A_74 : i32
      scf.if %cond3A_75 {
        %dma_wait3A_106 = arith.constant 0 : i32
        %dma_wait3A_107 = arith.constant 0 : i32
        %dma_wait3A_108 = tpu.memref_slice %arg2[%dma_wait3A_106, %dma_wait3A_107] : memref<10000x128xf32, #tpu.memory_space<hbm>> -> memref<80x128xf32, #tpu.memory_space<hbm>>
        %dma_wait3A_109 = arith.constant 0 : i32
        %dma_wait3A_110 = arith.constant 0 : i32
        %dma_wait3A_111 = tpu.memref_slice %arg2[%dma_wait3A_109, %dma_wait3A_110] : memref<10000x128xf32, #tpu.memory_space<hbm>> -> memref<80x128xf32, #tpu.memory_space<hbm>>
        tpu.wait_dma2 semaphore(%arg16 : memref<!tpu.dma_semaphore, #tpu.memory_space<semaphore_mem>>) src(%dma_wait3A_111 : memref<80x128xf32, #tpu.memory_space<hbm>>) dst(%arg11 : memref<80x128xf32, #tpu.memory_space<vmem>>)
        %dma_wait3A_112 = arith.constant 0 : i32
        %dma_wait3A_113 = arith.constant 0 : i32
        %dma_wait3A_114 = tpu.memref_slice %arg3[%dma_wait3A_112, %dma_wait3A_113] : memref<128000x64xi32, #tpu.memory_space<hbm>> -> memref<80x64xi32, #tpu.memory_space<hbm>>
        %dma_wait3A_115 = arith.constant 0 : i32
        %dma_wait3A_116 = arith.constant 0 : i32
        %dma_wait3A_117 = tpu.memref_slice %arg3[%dma_wait3A_115, %dma_wait3A_116] : memref<128000x64xi32, #tpu.memory_space<hbm>> -> memref<80x64xi32, #tpu.memory_space<hbm>>
        tpu.wait_dma2 semaphore(%arg18 : memref<!tpu.dma_semaphore, #tpu.memory_space<semaphore_mem>>) src(%dma_wait3A_117 : memref<80x64xi32, #tpu.memory_space<hbm>>) dst(%arg13 : memref<80x64xi32, #tpu.memory_space<vmem>>)
        %parallel_loop3A = arith.constant 0 : i32
        %parallel_loop3A_118 = arith.constant 80 : i32
        %parallel_loop3A_119 = arith.constant 1 : i32
        scf.for %parallel_loop3A_141 = %parallel_loop3A to %parallel_loop3A_118 step %parallel_loop3A_119  : i32 {
          %parallel_loop3A_142 = arith.index_cast %parallel_loop3A_141 : i32 to index
          %parallel_loop3A_143 = arith.constant 0 : index
          %parallel_loop3A_144 = tpu.vector_load %arg13[%parallel_loop3A_142, %parallel_loop3A_143] {strides = array<i32>} : memref<80x64xi32, #tpu.memory_space<vmem>>, vector<16xi32>,
          %parallel_loop3A_145 = vector.bitcast %parallel_loop3A_144 : vector<16xi32> to vector<32xbf16>
          %parallel_loop3A_146 = tpu.unpack_subelements %parallel_loop3A_145, 0 {pack_format = #tpu.pack_format<interleaved>} : vector<32xbf16> -> vector<16xf32>
          %parallel_loop3A_147 = tpu.unpack_subelements %parallel_loop3A_145, 1 {pack_format = #tpu.pack_format<interleaved>} : vector<32xbf16> -> vector<16xf32>
          %parallel_loop3A_148 = arith.index_cast %parallel_loop3A_141 : i32 to index
          %parallel_loop3A_149 = arith.constant 0 : index
          %parallel_loop3A_150 = tpu.vector_load %arg11[%parallel_loop3A_148, %parallel_loop3A_149] {strides = array<i32>} : memref<80x128xf32, #tpu.memory_space<vmem>>, vector<16xf32>,
          %parallel_loop3A_151 = arith.mulf %parallel_loop3A_150, %parallel_loop3A_146 : vector<16xf32>
          %parallel_loop3A_152 = arith.index_cast %parallel_loop3A_141 : i32 to index
          %parallel_loop3A_153 = arith.constant 0 : index
          %parallel_loop3A_154 = tpu.vector_load %arg11[%parallel_loop3A_152, %parallel_loop3A_153] {strides = array<i32>} : memref<80x128xf32, #tpu.memory_space<vmem>>, vector<16xf32>,
          tpu.vector_store %arg11[%parallel_loop3A_152, %parallel_loop3A_153], %parallel_loop3A_151 {strides = array<i32>} : memref<80x128xf32, #tpu.memory_space<vmem>>, vector<16xf32>,
          %parallel_loop3A_155 = arith.index_cast %parallel_loop3A_141 : i32 to index
          %parallel_loop3A_156 = arith.constant 16 : index
          %parallel_loop3A_157 = tpu.vector_load %arg11[%parallel_loop3A_155, %parallel_loop3A_156] {strides = array<i32>} : memref<80x128xf32, #tpu.memory_space<vmem>>, vector<16xf32>,
          %parallel_loop3A_158 = arith.mulf %parallel_loop3A_157, %parallel_loop3A_147 : vector<16xf32>
          %parallel_loop3A_159 = arith.index_cast %parallel_loop3A_141 : i32 to index
          %parallel_loop3A_160 = arith.constant 16 : index
          %parallel_loop3A_161 = tpu.vector_load %arg11[%parallel_loop3A_159, %parallel_loop3A_160] {strides = array<i32>} : memref<80x128xf32, #tpu.memory_space<vmem>>, vector<16xf32>,
          tpu.vector_store %arg11[%parallel_loop3A_159, %parallel_loop3A_160], %parallel_loop3A_158 {strides = array<i32>} : memref<80x128xf32, #tpu.memory_space<vmem>>, vector<16xf32>,
          %parallel_loop3A_162 = arith.index_cast %parallel_loop3A_141 : i32 to index
          %parallel_loop3A_163 = arith.constant 16 : index
          %parallel_loop3A_164 = tpu.vector_load %arg13[%parallel_loop3A_162, %parallel_loop3A_163] {strides = array<i32>} : memref<80x64xi32, #tpu.memory_space<vmem>>, vector<16xi32>,
          %parallel_loop3A_165 = vector.bitcast %parallel_loop3A_164 : vector<16xi32> to vector<32xbf16>
          %parallel_loop3A_166 = tpu.unpack_subelements %parallel_loop3A_165, 0 {pack_format = #tpu.pack_format<interleaved>} : vector<32xbf16> -> vector<16xf32>
          %parallel_loop3A_167 = tpu.unpack_subelements %parallel_loop3A_165, 1 {pack_format = #tpu.pack_format<interleaved>} : vector<32xbf16> -> vector<16xf32>
          %parallel_loop3A_168 = arith.index_cast %parallel_loop3A_141 : i32 to index
          %parallel_loop3A_169 = arith.constant 32 : index
          %parallel_loop3A_170 = tpu.vector_load %arg11[%parallel_loop3A_168, %parallel_loop3A_169] {strides = array<i32>} : memref<80x128xf32, #tpu.memory_space<vmem>>, vector<16xf32>,
          %parallel_loop3A_171 = arith.mulf %parallel_loop3A_170, %parallel_loop3A_166 : vector<16xf32>
          %parallel_loop3A_172 = arith.index_cast %parallel_loop3A_141 : i32 to index
          %parallel_loop3A_173 = arith.constant 32 : index
          %parallel_loop3A_174 = tpu.vector_load %arg11[%parallel_loop3A_172, %parallel_loop3A_173] {strides = array<i32>} : memref<80x128xf32, #tpu.memory_space<vmem>>, vector<16xf32>,
          tpu.vector_store %arg11[%parallel_loop3A_172, %parallel_loop3A_173], %parallel_loop3A_171 {strides = array<i32>} : memref<80x128xf32, #tpu.memory_space<vmem>>, vector<16xf32>,
          %parallel_loop3A_175 = arith.index_cast %parallel_loop3A_141 : i32 to index
          %parallel_loop3A_176 = arith.constant 48 : index
          %parallel_loop3A_177 = tpu.vector_load %arg11[%parallel_loop3A_175, %parallel_loop3A_176] {strides = array<i32>} : memref<80x128xf32, #tpu.memory_space<vmem>>, vector<16xf32>,
          %parallel_loop3A_178 = arith.mulf %parallel_loop3A_177, %parallel_loop3A_167 : vector<16xf32>
          %parallel_loop3A_179 = arith.index_cast %parallel_loop3A_141 : i32 to index
          %parallel_loop3A_180 = arith.constant 48 : index
          %parallel_loop3A_181 = tpu.vector_load %arg11[%parallel_loop3A_179, %parallel_loop3A_180] {strides = array<i32>} : memref<80x128xf32, #tpu.memory_space<vmem>>, vector<16xf32>,
          tpu.vector_store %arg11[%parallel_loop3A_179, %parallel_loop3A_180], %parallel_loop3A_178 {strides = array<i32>} : memref<80x128xf32, #tpu.memory_space<vmem>>, vector<16xf32>,
          %parallel_loop3A_182 = arith.index_cast %parallel_loop3A_141 : i32 to index
          %parallel_loop3A_183 = arith.constant 32 : index
          %parallel_loop3A_184 = tpu.vector_load %arg13[%parallel_loop3A_182, %parallel_loop3A_183] {strides = array<i32>} : memref<80x64xi32, #tpu.memory_space<vmem>>, vector<16xi32>,
          %parallel_loop3A_185 = vector.bitcast %parallel_loop3A_184 : vector<16xi32> to vector<32xbf16>
          %parallel_loop3A_186 = tpu.unpack_subelements %parallel_loop3A_185, 0 {pack_format = #tpu.pack_format<interleaved>} : vector<32xbf16> -> vector<16xf32>
          %parallel_loop3A_187 = tpu.unpack_subelements %parallel_loop3A_185, 1 {pack_format = #tpu.pack_format<interleaved>} : vector<32xbf16> -> vector<16xf32>
          %parallel_loop3A_188 = arith.index_cast %parallel_loop3A_141 : i32 to index
          %parallel_loop3A_189 = arith.constant 64 : index
          %parallel_loop3A_190 = tpu.vector_load %arg11[%parallel_loop3A_188, %parallel_loop3A_189] {strides = array<i32>} : memref<80x128xf32, #tpu.memory_space<vmem>>, vector<16xf32>,
          %parallel_loop3A_191 = arith.mulf %parallel_loop3A_190, %parallel_loop3A_186 : vector<16xf32>
          %parallel_loop3A_192 = arith.index_cast %parallel_loop3A_141 : i32 to index
          %parallel_loop3A_193 = arith.constant 64 : index
          %parallel_loop3A_194 = tpu.vector_load %arg11[%parallel_loop3A_192, %parallel_loop3A_193] {strides = array<i32>} : memref<80x128xf32, #tpu.memory_space<vmem>>, vector<16xf32>,
          tpu.vector_store %arg11[%parallel_loop3A_192, %parallel_loop3A_193], %parallel_loop3A_191 {strides = array<i32>} : memref<80x128xf32, #tpu.memory_space<vmem>>, vector<16xf32>,
          %parallel_loop3A_195 = arith.index_cast %parallel_loop3A_141 : i32 to index
          %parallel_loop3A_196 = arith.constant 80 : index
          %parallel_loop3A_197 = tpu.vector_load %arg11[%parallel_loop3A_195, %parallel_loop3A_196] {strides = array<i32>} : memref<80x128xf32, #tpu.memory_space<vmem>>, vector<16xf32>,
          %parallel_loop3A_198 = arith.mulf %parallel_loop3A_197, %parallel_loop3A_187 : vector<16xf32>
          %parallel_loop3A_199 = arith.index_cast %parallel_loop3A_141 : i32 to index
          %parallel_loop3A_200 = arith.constant 80 : index
          %parallel_loop3A_201 = tpu.vector_load %arg11[%parallel_loop3A_199, %parallel_loop3A_200] {strides = array<i32>} : memref<80x128xf32, #tpu.memory_space<vmem>>, vector<16xf32>,
          tpu.vector_store %arg11[%parallel_loop3A_199, %parallel_loop3A_200], %parallel_loop3A_198 {strides = array<i32>} : memref<80x128xf32, #tpu.memory_space<vmem>>, vector<16xf32>,
          %parallel_loop3A_202 = arith.index_cast %parallel_loop3A_141 : i32 to index
          %parallel_loop3A_203 = arith.constant 48 : index
          %parallel_loop3A_204 = tpu.vector_load %arg13[%parallel_loop3A_202, %parallel_loop3A_203] {strides = array<i32>} : memref<80x64xi32, #tpu.memory_space<vmem>>, vector<16xi32>,
          %parallel_loop3A_205 = vector.bitcast %parallel_loop3A_204 : vector<16xi32> to vector<32xbf16>
          %parallel_loop3A_206 = tpu.unpack_subelements %parallel_loop3A_205, 0 {pack_format = #tpu.pack_format<interleaved>} : vector<32xbf16> -> vector<16xf32>
          %parallel_loop3A_207 = tpu.unpack_subelements %parallel_loop3A_205, 1 {pack_format = #tpu.pack_format<interleaved>} : vector<32xbf16> -> vector<16xf32>
          %parallel_loop3A_208 = arith.index_cast %parallel_loop3A_141 : i32 to index
          %parallel_loop3A_209 = arith.constant 96 : index
          %parallel_loop3A_210 = tpu.vector_load %arg11[%parallel_loop3A_208, %parallel_loop3A_209] {strides = array<i32>} : memref<80x128xf32, #tpu.memory_space<vmem>>, vector<16xf32>,
          %parallel_loop3A_211 = arith.mulf %parallel_loop3A_210, %parallel_loop3A_206 : vector<16xf32>
          %parallel_loop3A_212 = arith.index_cast %parallel_loop3A_141 : i32 to index
          %parallel_loop3A_213 = arith.constant 96 : index
          %parallel_loop3A_214 = tpu.vector_load %arg11[%parallel_loop3A_212, %parallel_loop3A_213] {strides = array<i32>} : memref<80x128xf32, #tpu.memory_space<vmem>>, vector<16xf32>,
          tpu.vector_store %arg11[%parallel_loop3A_212, %parallel_loop3A_213], %parallel_loop3A_211 {strides = array<i32>} : memref<80x128xf32, #tpu.memory_space<vmem>>, vector<16xf32>,
          %parallel_loop3A_215 = arith.index_cast %parallel_loop3A_141 : i32 to index
          %parallel_loop3A_216 = arith.constant 112 : index
          %parallel_loop3A_217 = tpu.vector_load %arg11[%parallel_loop3A_215, %parallel_loop3A_216] {strides = array<i32>} : memref<80x128xf32, #tpu.memory_space<vmem>>, vector<16xf32>,
          %parallel_loop3A_218 = arith.mulf %parallel_loop3A_217, %parallel_loop3A_207 : vector<16xf32>
          %parallel_loop3A_219 = arith.index_cast %parallel_loop3A_141 : i32 to index
          %parallel_loop3A_220 = arith.constant 112 : index
          %parallel_loop3A_221 = tpu.vector_load %arg11[%parallel_loop3A_219, %parallel_loop3A_220] {strides = array<i32>} : memref<80x128xf32, #tpu.memory_space<vmem>>, vector<16xf32>,
          tpu.vector_store %arg11[%parallel_loop3A_219, %parallel_loop3A_220], %parallel_loop3A_218 {strides = array<i32>} : memref<80x128xf32, #tpu.memory_space<vmem>>, vector<16xf32>,
        } {sc.loop_unroll_factor = 4 : i64, sc.parallel_access}
        %get3A = arith.constant 80 : index
        %get3A_120 = tpu.vector_load %arg7[%get3A] {strides = array<i32>} : memref<160xi32, #tpu.memory_space<vmem>>, vector<16xi32>,
        %swap3A = arith.constant 0 : index
        %swap3A_121 = tpu.vector_load %arg9[%swap3A] {strides = array<i32>} : memref<80xi32, #tpu.memory_space<vmem>>, vector<16xi32>,
        tpu.vector_store %arg9[%swap3A], %get3A_120 {strides = array<i32>} : memref<80xi32, #tpu.memory_space<vmem>>, vector<16xi32>,
        %get3A_122 = arith.constant 96 : index
        %get3A_123 = tpu.vector_load %arg7[%get3A_122] {strides = array<i32>} : memref<160xi32, #tpu.memory_space<vmem>>, vector<16xi32>,
        %swap3A_124 = arith.constant 16 : index
        %swap3A_125 = tpu.vector_load %arg9[%swap3A_124] {strides = array<i32>} : memref<80xi32, #tpu.memory_space<vmem>>, vector<16xi32>,
        tpu.vector_store %arg9[%swap3A_124], %get3A_123 {strides = array<i32>} : memref<80xi32, #tpu.memory_space<vmem>>, vector<16xi32>,
        %get3A_126 = arith.constant 112 : index
        %get3A_127 = tpu.vector_load %arg7[%get3A_126] {strides = array<i32>} : memref<160xi32, #tpu.memory_space<vmem>>, vector<16xi32>,
        %swap3A_128 = arith.constant 32 : index
        %swap3A_129 = tpu.vector_load %arg9[%swap3A_128] {strides = array<i32>} : memref<80xi32, #tpu.memory_space<vmem>>, vector<16xi32>,
        tpu.vector_store %arg9[%swap3A_128], %get3A_127 {strides = array<i32>} : memref<80xi32, #tpu.memory_space<vmem>>, vector<16xi32>,
        %get3A_130 = arith.constant 128 : index
        %get3A_131 = tpu.vector_load %arg7[%get3A_130] {strides = array<i32>} : memref<160xi32, #tpu.memory_space<vmem>>, vector<16xi32>,
        %swap3A_132 = arith.constant 48 : index
        %swap3A_133 = tpu.vector_load %arg9[%swap3A_132] {strides = array<i32>} : memref<80xi32, #tpu.memory_space<vmem>>, vector<16xi32>,
        tpu.vector_store %arg9[%swap3A_132], %get3A_131 {strides = array<i32>} : memref<80xi32, #tpu.memory_space<vmem>>, vector<16xi32>,
        %get3A_134 = arith.constant 144 : index
        %get3A_135 = tpu.vector_load %arg7[%get3A_134] {strides = array<i32>} : memref<160xi32, #tpu.memory_space<vmem>>, vector<16xi32>,
        %swap3A_136 = arith.constant 64 : index
        %swap3A_137 = tpu.vector_load %arg9[%swap3A_136] {strides = array<i32>} : memref<80xi32, #tpu.memory_space<vmem>>, vector<16xi32>,
        tpu.vector_store %arg9[%swap3A_136], %get3A_135 {strides = array<i32>} : memref<80xi32, #tpu.memory_space<vmem>>, vector<16xi32>,
        %dma_start3A_138 = arith.constant 0 : i32
        %dma_start3A_139 = arith.constant 0 : i32
        %dma_start3A_140 = tpu.memref_slice %arg15[%dma_start3A_138, %dma_start3A_139] : memref<10112x128xf32, #tpu.memory_space<vmem_shared>> -> memref<10112x128xf32, #tpu.memory_space<vmem_shared>>
        tpu.enqueue_indirect_dma source(%arg11 : memref<80x128xf32, #tpu.memory_space<vmem>>) target(%dma_start3A_140 : memref<10112x128xf32, #tpu.memory_space<vmem_shared>>) offsets(%arg9 : memref<80xi32, #tpu.memory_space<vmem>>) semaphore(%arg22 : memref<!tpu.dma_semaphore, #tpu.memory_space<semaphore_mem>>) {add = true}
      } else {
      }
      %add3A_76 = arith.constant 2 : i32
      %add3A_77 = arith.addi %add3A_66, %add3A_76 : i32
      %lt3A_78 = arith.constant 50 : i32
      %lt3A_79 = arith.cmpi slt, %add3A_77, %lt3A_78 : i32
      %convert_element_type3A_80 = arith.extui %lt3A_79 : i1 to i32
      %cond3A_81 = arith.constant 0 : i32
      %cond3A_82 = arith.cmpi ne, %convert_element_type3A_80, %cond3A_81 : i32
      scf.if %cond3A_82 {
        %add3A_106 = arith.constant 2 : i32
        %add3A_107 = arith.addi %add3A_66, %add3A_106 : i32
        %mul3A_108 = arith.constant 50 : i32
        %mul3A_109 = arith.muli %add3A, %mul3A_108 : i32
        %add3A_110 = arith.addi %mul3A_109, %add3A_107 : i32
        %mul3A_111 = arith.constant 2 : i32
        %mul3A_112 = arith.muli %add3A_110, %mul3A_111 : i32
        %mul3A_113 = arith.constant 80 : i32
        %mul3A_114 = arith.muli %mul3A_112, %mul3A_113 : i32
        %dma_start3A_115 = tpu.memref_slice %arg4[%mul3A_114] : memref<256000xi32, #tpu.memory_space<hbm>> -> memref<160xi32, #tpu.memory_space<hbm>>
        %dma_start3A_116 = tpu.memref_slice %arg4[%mul3A_114] : memref<256000xi32, #tpu.memory_space<hbm>> -> memref<160xi32, #tpu.memory_space<hbm>>
        tpu.enqueue_dma source(%dma_start3A_116 : memref<160xi32, #tpu.memory_space<hbm>>) target(%arg7 : memref<160xi32, #tpu.memory_space<vmem>>) target_semaphore(%arg20 : memref<!tpu.dma_semaphore, #tpu.memory_space<semaphore_mem>>)
      } else {
      }
      %mul3A_83 = arith.constant 2 : i32
      %mul3A_84 = arith.muli %mul3A_83, %scan3A_62 : i32
      %add3A_85 = arith.constant 1 : i32
      %add3A_86 = arith.addi %mul3A_84, %add3A_85 : i32
      %add3A_87 = arith.constant 1 : i32
      %add3A_88 = arith.addi %add3A_86, %add3A_87 : i32
      %lt3A_89 = arith.constant 50 : i32
      %lt3A_90 = arith.cmpi slt, %add3A_88, %lt3A_89 : i32
      %convert_element_type3A_91 = arith.extui %lt3A_90 : i1 to i32
      %cond3A_92 = arith.constant 0 : i32
      %cond3A_93 = arith.cmpi ne, %convert_element_type3A_91, %cond3A_92 : i32
      scf.if %cond3A_93 {
        %dma_wait3A_106 = arith.constant 0 : i32
        %dma_wait3A_107 = tpu.memref_slice %arg4[%dma_wait3A_106] : memref<256000xi32, #tpu.memory_space<hbm>> -> memref<160xi32, #tpu.memory_space<hbm>>
        %dma_wait3A_108 = arith.constant 0 : i32
        %dma_wait3A_109 = tpu.memref_slice %arg4[%dma_wait3A_108] : memref<256000xi32, #tpu.memory_space<hbm>> -> memref<160xi32, #tpu.memory_space<hbm>>
        tpu.wait_dma2 semaphore(%arg20 : memref<!tpu.dma_semaphore, #tpu.memory_space<semaphore_mem>>) src(%dma_wait3A_109 : memref<160xi32, #tpu.memory_space<hbm>>) dst(%arg7 : memref<160xi32, #tpu.memory_space<vmem>>)
        %add3A_110 = arith.constant 1 : i32
        %add3A_111 = arith.addi %add3A_86, %add3A_110 : i32
        %ge3A = arith.constant 2 : i32
        %ge3A_112 = arith.cmpi sge, %add3A_111, %ge3A : i32
        %convert_element_type3A_113 = arith.extui %ge3A_112 : i1 to i32
        %cond3A_114 = arith.constant 0 : i32
        %cond3A_115 = arith.cmpi ne, %convert_element_type3A_113, %cond3A_114 : i32
        scf.if %cond3A_115 {
          %dma_wait3A_130 = arith.constant 0 : i32
          %dma_wait3A_131 = arith.constant 0 : i32
          %dma_wait3A_132 = tpu.memref_slice %arg2[%dma_wait3A_130, %dma_wait3A_131] : memref<10000x128xf32, #tpu.memory_space<hbm>> -> memref<80x128xf32, #tpu.memory_space<hbm>>
          %dma_wait3A_133 = arith.constant 0 : i32
          %dma_wait3A_134 = arith.constant 0 : i32
          %dma_wait3A_135 = tpu.memref_slice %arg2[%dma_wait3A_133, %dma_wait3A_134] : memref<10000x128xf32, #tpu.memory_space<hbm>> -> memref<80x128xf32, #tpu.memory_space<hbm>>
          tpu.wait_dma2 semaphore(%arg22 : memref<!tpu.dma_semaphore, #tpu.memory_space<semaphore_mem>>) src(%dma_wait3A_135 : memref<80x128xf32, #tpu.memory_space<hbm>>) dst(%arg11 : memref<80x128xf32, #tpu.memory_space<vmem>>)
        } else {
        }
        %dma_start3A_116 = arith.constant 0 : i32
        %dma_start3A_117 = tpu.memref_slice %arg7[%dma_start3A_116] : memref<160xi32, #tpu.memory_space<vmem>> -> memref<80xi32, #tpu.memory_space<vmem>>
        %dma_start3A_118 = arith.constant 0 : i32
        %dma_start3A_119 = arith.constant 0 : i32
        %dma_start3A_120 = tpu.memref_slice %arg2[%dma_start3A_118, %dma_start3A_119] : memref<10000x128xf32, #tpu.memory_space<hbm>> -> memref<10000x128xf32, #tpu.memory_space<hbm>>
        tpu.enqueue_indirect_dma source(%dma_start3A_120 : memref<10000x128xf32, #tpu.memory_space<hbm>>) target(%arg11 : memref<80x128xf32, #tpu.memory_space<vmem>>) offsets(%dma_start3A_117 : memref<80xi32, #tpu.memory_space<vmem>>) semaphore(%arg16 : memref<!tpu.dma_semaphore, #tpu.memory_space<semaphore_mem>>)
        %mul3A_121 = arith.constant 4000 : i32
        %mul3A_122 = arith.muli %add3A, %mul3A_121 : i32
        %mul3A_123 = arith.constant 80 : i32
        %mul3A_124 = arith.muli %add3A_111, %mul3A_123 : i32
        %add3A_125 = arith.addi %mul3A_122, %mul3A_124 : i32
        %dma_start3A_126 = arith.constant 0 : i32
        %dma_start3A_127 = tpu.memref_slice %arg3[%add3A_125, %dma_start3A_126] : memref<128000x64xi32, #tpu.memory_space<hbm>> -> memref<80x64xi32, #tpu.memory_space<hbm>>
        %dma_start3A_128 = arith.constant 0 : i32
        %dma_start3A_129 = tpu.memref_slice %arg3[%add3A_125, %dma_start3A_128] : memref<128000x64xi32, #tpu.memory_space<hbm>> -> memref<80x64xi32, #tpu.memory_space<hbm>>
        tpu.enqueue_dma source(%dma_start3A_129 : memref<80x64xi32, #tpu.memory_space<hbm>>) target(%arg13 : memref<80x64xi32, #tpu.memory_space<vmem>>) target_semaphore(%arg18 : memref<!tpu.dma_semaphore, #tpu.memory_space<semaphore_mem>>)
      } else {
      }
      %lt3A_94 = arith.constant 50 : i32
      %lt3A_95 = arith.cmpi slt, %add3A_86, %lt3A_94 : i32
      %convert_element_type3A_96 = arith.extui %lt3A_95 : i1 to i32
      %cond3A_97 = arith.constant 0 : i32
      %cond3A_98 = arith.cmpi ne, %convert_element_type3A_96, %cond3A_97 : i32
      scf.if %cond3A_98 {
        %dma_wait3A_106 = arith.constant 0 : i32
        %dma_wait3A_107 = arith.constant 0 : i32
        %dma_wait3A_108 = tpu.memref_slice %arg2[%dma_wait3A_106, %dma_wait3A_107] : memref<10000x128xf32, #tpu.memory_space<hbm>> -> memref<80x128xf32, #tpu.memory_space<hbm>>
        %dma_wait3A_109 = arith.constant 0 : i32
        %dma_wait3A_110 = arith.constant 0 : i32
        %dma_wait3A_111 = tpu.memref_slice %arg2[%dma_wait3A_109, %dma_wait3A_110] : memref<10000x128xf32, #tpu.memory_space<hbm>> -> memref<80x128xf32, #tpu.memory_space<hbm>>
        tpu.wait_dma2 semaphore(%arg17 : memref<!tpu.dma_semaphore, #tpu.memory_space<semaphore_mem>>) src(%dma_wait3A_111 : memref<80x128xf32, #tpu.memory_space<hbm>>) dst(%arg12 : memref<80x128xf32, #tpu.memory_space<vmem>>)
        %dma_wait3A_112 = arith.constant 0 : i32
        %dma_wait3A_113 = arith.constant 0 : i32
        %dma_wait3A_114 = tpu.memref_slice %arg3[%dma_wait3A_112, %dma_wait3A_113] : memref<128000x64xi32, #tpu.memory_space<hbm>> -> memref<80x64xi32, #tpu.memory_space<hbm>>
        %dma_wait3A_115 = arith.constant 0 : i32
        %dma_wait3A_116 = arith.constant 0 : i32
        %dma_wait3A_117 = tpu.memref_slice %arg3[%dma_wait3A_115, %dma_wait3A_116] : memref<128000x64xi32, #tpu.memory_space<hbm>> -> memref<80x64xi32, #tpu.memory_space<hbm>>
        tpu.wait_dma2 semaphore(%arg19 : memref<!tpu.dma_semaphore, #tpu.memory_space<semaphore_mem>>) src(%dma_wait3A_117 : memref<80x64xi32, #tpu.memory_space<hbm>>) dst(%arg14 : memref<80x64xi32, #tpu.memory_space<vmem>>)
        %parallel_loop3A = arith.constant 0 : i32
        %parallel_loop3A_118 = arith.constant 80 : i32
        %parallel_loop3A_119 = arith.constant 1 : i32
        scf.for %parallel_loop3A_141 = %parallel_loop3A to %parallel_loop3A_118 step %parallel_loop3A_119  : i32 {
          %parallel_loop3A_142 = arith.index_cast %parallel_loop3A_141 : i32 to index
          %parallel_loop3A_143 = arith.constant 0 : index
          %parallel_loop3A_144 = tpu.vector_load %arg14[%parallel_loop3A_142, %parallel_loop3A_143] {strides = array<i32>} : memref<80x64xi32, #tpu.memory_space<vmem>>, vector<16xi32>,
          %parallel_loop3A_145 = vector.bitcast %parallel_loop3A_144 : vector<16xi32> to vector<32xbf16>
          %parallel_loop3A_146 = tpu.unpack_subelements %parallel_loop3A_145, 0 {pack_format = #tpu.pack_format<interleaved>} : vector<32xbf16> -> vector<16xf32>
          %parallel_loop3A_147 = tpu.unpack_subelements %parallel_loop3A_145, 1 {pack_format = #tpu.pack_format<interleaved>} : vector<32xbf16> -> vector<16xf32>
          %parallel_loop3A_148 = arith.index_cast %parallel_loop3A_141 : i32 to index
          %parallel_loop3A_149 = arith.constant 0 : index
          %parallel_loop3A_150 = tpu.vector_load %arg12[%parallel_loop3A_148, %parallel_loop3A_149] {strides = array<i32>} : memref<80x128xf32, #tpu.memory_space<vmem>>, vector<16xf32>,
          %parallel_loop3A_151 = arith.mulf %parallel_loop3A_150, %parallel_loop3A_146 : vector<16xf32>
          %parallel_loop3A_152 = arith.index_cast %parallel_loop3A_141 : i32 to index
          %parallel_loop3A_153 = arith.constant 0 : index
          %parallel_loop3A_154 = tpu.vector_load %arg12[%parallel_loop3A_152, %parallel_loop3A_153] {strides = array<i32>} : memref<80x128xf32, #tpu.memory_space<vmem>>, vector<16xf32>,
          tpu.vector_store %arg12[%parallel_loop3A_152, %parallel_loop3A_153], %parallel_loop3A_151 {strides = array<i32>} : memref<80x128xf32, #tpu.memory_space<vmem>>, vector<16xf32>,
          %parallel_loop3A_155 = arith.index_cast %parallel_loop3A_141 : i32 to index
          %parallel_loop3A_156 = arith.constant 16 : index
          %parallel_loop3A_157 = tpu.vector_load %arg12[%parallel_loop3A_155, %parallel_loop3A_156] {strides = array<i32>} : memref<80x128xf32, #tpu.memory_space<vmem>>, vector<16xf32>,
          %parallel_loop3A_158 = arith.mulf %parallel_loop3A_157, %parallel_loop3A_147 : vector<16xf32>
          %parallel_loop3A_159 = arith.index_cast %parallel_loop3A_141 : i32 to index
          %parallel_loop3A_160 = arith.constant 16 : index
          %parallel_loop3A_161 = tpu.vector_load %arg12[%parallel_loop3A_159, %parallel_loop3A_160] {strides = array<i32>} : memref<80x128xf32, #tpu.memory_space<vmem>>, vector<16xf32>,
          tpu.vector_store %arg12[%parallel_loop3A_159, %parallel_loop3A_160], %parallel_loop3A_158 {strides = array<i32>} : memref<80x128xf32, #tpu.memory_space<vmem>>, vector<16xf32>,
          %parallel_loop3A_162 = arith.index_cast %parallel_loop3A_141 : i32 to index
          %parallel_loop3A_163 = arith.constant 16 : index
          %parallel_loop3A_164 = tpu.vector_load %arg14[%parallel_loop3A_162, %parallel_loop3A_163] {strides = array<i32>} : memref<80x64xi32, #tpu.memory_space<vmem>>, vector<16xi32>,
          %parallel_loop3A_165 = vector.bitcast %parallel_loop3A_164 : vector<16xi32> to vector<32xbf16>
          %parallel_loop3A_166 = tpu.unpack_subelements %parallel_loop3A_165, 0 {pack_format = #tpu.pack_format<interleaved>} : vector<32xbf16> -> vector<16xf32>
          %parallel_loop3A_167 = tpu.unpack_subelements %parallel_loop3A_165, 1 {pack_format = #tpu.pack_format<interleaved>} : vector<32xbf16> -> vector<16xf32>
          %parallel_loop3A_168 = arith.index_cast %parallel_loop3A_141 : i32 to index
          %parallel_loop3A_169 = arith.constant 32 : index
          %parallel_loop3A_170 = tpu.vector_load %arg12[%parallel_loop3A_168, %parallel_loop3A_169] {strides = array<i32>} : memref<80x128xf32, #tpu.memory_space<vmem>>, vector<16xf32>,
          %parallel_loop3A_171 = arith.mulf %parallel_loop3A_170, %parallel_loop3A_166 : vector<16xf32>
          %parallel_loop3A_172 = arith.index_cast %parallel_loop3A_141 : i32 to index
          %parallel_loop3A_173 = arith.constant 32 : index
          %parallel_loop3A_174 = tpu.vector_load %arg12[%parallel_loop3A_172, %parallel_loop3A_173] {strides = array<i32>} : memref<80x128xf32, #tpu.memory_space<vmem>>, vector<16xf32>,
          tpu.vector_store %arg12[%parallel_loop3A_172, %parallel_loop3A_173], %parallel_loop3A_171 {strides = array<i32>} : memref<80x128xf32, #tpu.memory_space<vmem>>, vector<16xf32>,
          %parallel_loop3A_175 = arith.index_cast %parallel_loop3A_141 : i32 to index
          %parallel_loop3A_176 = arith.constant 48 : index
          %parallel_loop3A_177 = tpu.vector_load %arg12[%parallel_loop3A_175, %parallel_loop3A_176] {strides = array<i32>} : memref<80x128xf32, #tpu.memory_space<vmem>>, vector<16xf32>,
          %parallel_loop3A_178 = arith.mulf %parallel_loop3A_177, %parallel_loop3A_167 : vector<16xf32>
          %parallel_loop3A_179 = arith.index_cast %parallel_loop3A_141 : i32 to index
          %parallel_loop3A_180 = arith.constant 48 : index
          %parallel_loop3A_181 = tpu.vector_load %arg12[%parallel_loop3A_179, %parallel_loop3A_180] {strides = array<i32>} : memref<80x128xf32, #tpu.memory_space<vmem>>, vector<16xf32>,
          tpu.vector_store %arg12[%parallel_loop3A_179, %parallel_loop3A_180], %parallel_loop3A_178 {strides = array<i32>} : memref<80x128xf32, #tpu.memory_space<vmem>>, vector<16xf32>,
          %parallel_loop3A_182 = arith.index_cast %parallel_loop3A_141 : i32 to index
          %parallel_loop3A_183 = arith.constant 32 : index
          %parallel_loop3A_184 = tpu.vector_load %arg14[%parallel_loop3A_182, %parallel_loop3A_183] {strides = array<i32>} : memref<80x64xi32, #tpu.memory_space<vmem>>, vector<16xi32>,
          %parallel_loop3A_185 = vector.bitcast %parallel_loop3A_184 : vector<16xi32> to vector<32xbf16>
          %parallel_loop3A_186 = tpu.unpack_subelements %parallel_loop3A_185, 0 {pack_format = #tpu.pack_format<interleaved>} : vector<32xbf16> -> vector<16xf32>
          %parallel_loop3A_187 = tpu.unpack_subelements %parallel_loop3A_185, 1 {pack_format = #tpu.pack_format<interleaved>} : vector<32xbf16> -> vector<16xf32>
          %parallel_loop3A_188 = arith.index_cast %parallel_loop3A_141 : i32 to index
          %parallel_loop3A_189 = arith.constant 64 : index
          %parallel_loop3A_190 = tpu.vector_load %arg12[%parallel_loop3A_188, %parallel_loop3A_189] {strides = array<i32>} : memref<80x128xf32, #tpu.memory_space<vmem>>, vector<16xf32>,
          %parallel_loop3A_191 = arith.mulf %parallel_loop3A_190, %parallel_loop3A_186 : vector<16xf32>
          %parallel_loop3A_192 = arith.index_cast %parallel_loop3A_141 : i32 to index
          %parallel_loop3A_193 = arith.constant 64 : index
          %parallel_loop3A_194 = tpu.vector_load %arg12[%parallel_loop3A_192, %parallel_loop3A_193] {strides = array<i32>} : memref<80x128xf32, #tpu.memory_space<vmem>>, vector<16xf32>,
          tpu.vector_store %arg12[%parallel_loop3A_192, %parallel_loop3A_193], %parallel_loop3A_191 {strides = array<i32>} : memref<80x128xf32, #tpu.memory_space<vmem>>, vector<16xf32>,
          %parallel_loop3A_195 = arith.index_cast %parallel_loop3A_141 : i32 to index
          %parallel_loop3A_196 = arith.constant 80 : index
          %parallel_loop3A_197 = tpu.vector_load %arg12[%parallel_loop3A_195, %parallel_loop3A_196] {strides = array<i32>} : memref<80x128xf32, #tpu.memory_space<vmem>>, vector<16xf32>,
          %parallel_loop3A_198 = arith.mulf %parallel_loop3A_197, %parallel_loop3A_187 : vector<16xf32>
          %parallel_loop3A_199 = arith.index_cast %parallel_loop3A_141 : i32 to index
          %parallel_loop3A_200 = arith.constant 80 : index
          %parallel_loop3A_201 = tpu.vector_load %arg12[%parallel_loop3A_199, %parallel_loop3A_200] {strides = array<i32>} : memref<80x128xf32, #tpu.memory_space<vmem>>, vector<16xf32>,
          tpu.vector_store %arg12[%parallel_loop3A_199, %parallel_loop3A_200], %parallel_loop3A_198 {strides = array<i32>} : memref<80x128xf32, #tpu.memory_space<vmem>>, vector<16xf32>,
          %parallel_loop3A_202 = arith.index_cast %parallel_loop3A_141 : i32 to index
          %parallel_loop3A_203 = arith.constant 48 : index
          %parallel_loop3A_204 = tpu.vector_load %arg14[%parallel_loop3A_202, %parallel_loop3A_203] {strides = array<i32>} : memref<80x64xi32, #tpu.memory_space<vmem>>, vector<16xi32>,
          %parallel_loop3A_205 = vector.bitcast %parallel_loop3A_204 : vector<16xi32> to vector<32xbf16>
          %parallel_loop3A_206 = tpu.unpack_subelements %parallel_loop3A_205, 0 {pack_format = #tpu.pack_format<interleaved>} : vector<32xbf16> -> vector<16xf32>
          %parallel_loop3A_207 = tpu.unpack_subelements %parallel_loop3A_205, 1 {pack_format = #tpu.pack_format<interleaved>} : vector<32xbf16> -> vector<16xf32>
          %parallel_loop3A_208 = arith.index_cast %parallel_loop3A_141 : i32 to index
          %parallel_loop3A_209 = arith.constant 96 : index
          %parallel_loop3A_210 = tpu.vector_load %arg12[%parallel_loop3A_208, %parallel_loop3A_209] {strides = array<i32>} : memref<80x128xf32, #tpu.memory_space<vmem>>, vector<16xf32>,
          %parallel_loop3A_211 = arith.mulf %parallel_loop3A_210, %parallel_loop3A_206 : vector<16xf32>
          %parallel_loop3A_212 = arith.index_cast %parallel_loop3A_141 : i32 to index
          %parallel_loop3A_213 = arith.constant 96 : index
          %parallel_loop3A_214 = tpu.vector_load %arg12[%parallel_loop3A_212, %parallel_loop3A_213] {strides = array<i32>} : memref<80x128xf32, #tpu.memory_space<vmem>>, vector<16xf32>,
          tpu.vector_store %arg12[%parallel_loop3A_212, %parallel_loop3A_213], %parallel_loop3A_211 {strides = array<i32>} : memref<80x128xf32, #tpu.memory_space<vmem>>, vector<16xf32>,
          %parallel_loop3A_215 = arith.index_cast %parallel_loop3A_141 : i32 to index
          %parallel_loop3A_216 = arith.constant 112 : index
          %parallel_loop3A_217 = tpu.vector_load %arg12[%parallel_loop3A_215, %parallel_loop3A_216] {strides = array<i32>} : memref<80x128xf32, #tpu.memory_space<vmem>>, vector<16xf32>,
          %parallel_loop3A_218 = arith.mulf %parallel_loop3A_217, %parallel_loop3A_207 : vector<16xf32>
          %parallel_loop3A_219 = arith.index_cast %parallel_loop3A_141 : i32 to index
          %parallel_loop3A_220 = arith.constant 112 : index
          %parallel_loop3A_221 = tpu.vector_load %arg12[%parallel_loop3A_219, %parallel_loop3A_220] {strides = array<i32>} : memref<80x128xf32, #tpu.memory_space<vmem>>, vector<16xf32>,
          tpu.vector_store %arg12[%parallel_loop3A_219, %parallel_loop3A_220], %parallel_loop3A_218 {strides = array<i32>} : memref<80x128xf32, #tpu.memory_space<vmem>>, vector<16xf32>,
        } {sc.loop_unroll_factor = 4 : i64, sc.parallel_access}
        %get3A = arith.constant 80 : index
        %get3A_120 = tpu.vector_load %arg8[%get3A] {strides = array<i32>} : memref<160xi32, #tpu.memory_space<vmem>>, vector<16xi32>,
        %swap3A = arith.constant 0 : index
        %swap3A_121 = tpu.vector_load %arg10[%swap3A] {strides = array<i32>} : memref<80xi32, #tpu.memory_space<vmem>>, vector<16xi32>,
        tpu.vector_store %arg10[%swap3A], %get3A_120 {strides = array<i32>} : memref<80xi32, #tpu.memory_space<vmem>>, vector<16xi32>,
        %get3A_122 = arith.constant 96 : index
        %get3A_123 = tpu.vector_load %arg8[%get3A_122] {strides = array<i32>} : memref<160xi32, #tpu.memory_space<vmem>>, vector<16xi32>,
        %swap3A_124 = arith.constant 16 : index
        %swap3A_125 = tpu.vector_load %arg10[%swap3A_124] {strides = array<i32>} : memref<80xi32, #tpu.memory_space<vmem>>, vector<16xi32>,
        tpu.vector_store %arg10[%swap3A_124], %get3A_123 {strides = array<i32>} : memref<80xi32, #tpu.memory_space<vmem>>, vector<16xi32>,
        %get3A_126 = arith.constant 112 : index
        %get3A_127 = tpu.vector_load %arg8[%get3A_126] {strides = array<i32>} : memref<160xi32, #tpu.memory_space<vmem>>, vector<16xi32>,
        %swap3A_128 = arith.constant 32 : index
        %swap3A_129 = tpu.vector_load %arg10[%swap3A_128] {strides = array<i32>} : memref<80xi32, #tpu.memory_space<vmem>>, vector<16xi32>,
        tpu.vector_store %arg10[%swap3A_128], %get3A_127 {strides = array<i32>} : memref<80xi32, #tpu.memory_space<vmem>>, vector<16xi32>,
        %get3A_130 = arith.constant 128 : index
        %get3A_131 = tpu.vector_load %arg8[%get3A_130] {strides = array<i32>} : memref<160xi32, #tpu.memory_space<vmem>>, vector<16xi32>,
        %swap3A_132 = arith.constant 48 : index
        %swap3A_133 = tpu.vector_load %arg10[%swap3A_132] {strides = array<i32>} : memref<80xi32, #tpu.memory_space<vmem>>, vector<16xi32>,
        tpu.vector_store %arg10[%swap3A_132], %get3A_131 {strides = array<i32>} : memref<80xi32, #tpu.memory_space<vmem>>, vector<16xi32>,
        %get3A_134 = arith.constant 144 : index
        %get3A_135 = tpu.vector_load %arg8[%get3A_134] {strides = array<i32>} : memref<160xi32, #tpu.memory_space<vmem>>, vector<16xi32>,
        %swap3A_136 = arith.constant 64 : index
        %swap3A_137 = tpu.vector_load %arg10[%swap3A_136] {strides = array<i32>} : memref<80xi32, #tpu.memory_space<vmem>>, vector<16xi32>,
        tpu.vector_store %arg10[%swap3A_136], %get3A_135 {strides = array<i32>} : memref<80xi32, #tpu.memory_space<vmem>>, vector<16xi32>,
        %dma_start3A_138 = arith.constant 0 : i32
        %dma_start3A_139 = arith.constant 0 : i32
        %dma_start3A_140 = tpu.memref_slice %arg15[%dma_start3A_138, %dma_start3A_139] : memref<10112x128xf32, #tpu.memory_space<vmem_shared>> -> memref<10112x128xf32, #tpu.memory_space<vmem_shared>>
        tpu.enqueue_indirect_dma source(%arg12 : memref<80x128xf32, #tpu.memory_space<vmem>>) target(%dma_start3A_140 : memref<10112x128xf32, #tpu.memory_space<vmem_shared>>) offsets(%arg10 : memref<80xi32, #tpu.memory_space<vmem>>) semaphore(%arg23 : memref<!tpu.dma_semaphore, #tpu.memory_space<semaphore_mem>>) {add = true}
      } else {
      }
      %add3A_99 = arith.constant 2 : i32
      %add3A_100 = arith.addi %add3A_86, %add3A_99 : i32
      %lt3A_101 = arith.constant 50 : i32
      %lt3A_102 = arith.cmpi slt, %add3A_100, %lt3A_101 : i32
      %convert_element_type3A_103 = arith.extui %lt3A_102 : i1 to i32
      %cond3A_104 = arith.constant 0 : i32
      %cond3A_105 = arith.cmpi ne, %convert_element_type3A_103, %cond3A_104 : i32
      scf.if %cond3A_105 {
        %add3A_106 = arith.constant 2 : i32
        %add3A_107 = arith.addi %add3A_86, %add3A_106 : i32
        %mul3A_108 = arith.constant 50 : i32
        %mul3A_109 = arith.muli %add3A, %mul3A_108 : i32
        %add3A_110 = arith.addi %mul3A_109, %add3A_107 : i32
        %mul3A_111 = arith.constant 2 : i32
        %mul3A_112 = arith.muli %add3A_110, %mul3A_111 : i32
        %mul3A_113 = arith.constant 80 : i32
        %mul3A_114 = arith.muli %mul3A_112, %mul3A_113 : i32
        %dma_start3A_115 = tpu.memref_slice %arg4[%mul3A_114] : memref<256000xi32, #tpu.memory_space<hbm>> -> memref<160xi32, #tpu.memory_space<hbm>>
        %dma_start3A_116 = tpu.memref_slice %arg4[%mul3A_114] : memref<256000xi32, #tpu.memory_space<hbm>> -> memref<160xi32, #tpu.memory_space<hbm>>
        tpu.enqueue_dma source(%dma_start3A_116 : memref<160xi32, #tpu.memory_space<hbm>>) target(%arg8 : memref<160xi32, #tpu.memory_space<vmem>>) target_semaphore(%arg21 : memref<!tpu.dma_semaphore, #tpu.memory_space<semaphore_mem>>)
      } else {
      }
    }
    %scan3A_44 = arith.constant 25 : i32
    %dma_wait3A_45 = arith.constant 0 : i32
    %dma_wait3A_46 = arith.constant 0 : i32
    %dma_wait3A_47 = tpu.memref_slice %arg2[%dma_wait3A_45, %dma_wait3A_46] : memref<10000x128xf32, #tpu.memory_space<hbm>> -> memref<80x128xf32, #tpu.memory_space<hbm>>
    %dma_wait3A_48 = arith.constant 0 : i32
    %dma_wait3A_49 = arith.constant 0 : i32
    %dma_wait3A_50 = tpu.memref_slice %arg2[%dma_wait3A_48, %dma_wait3A_49] : memref<10000x128xf32, #tpu.memory_space<hbm>> -> memref<80x128xf32, #tpu.memory_space<hbm>>
    tpu.wait_dma2 semaphore(%arg23 : memref<!tpu.dma_semaphore, #tpu.memory_space<semaphore_mem>>) src(%dma_wait3A_50 : memref<80x128xf32, #tpu.memory_space<hbm>>) dst(%arg12 : memref<80x128xf32, #tpu.memory_space<vmem>>)
    %dma_wait3A_51 = arith.constant 0 : i32
    %dma_wait3A_52 = arith.constant 0 : i32
    %dma_wait3A_53 = tpu.memref_slice %arg2[%dma_wait3A_51, %dma_wait3A_52] : memref<10000x128xf32, #tpu.memory_space<hbm>> -> memref<80x128xf32, #tpu.memory_space<hbm>>
    %dma_wait3A_54 = arith.constant 0 : i32
    %dma_wait3A_55 = arith.constant 0 : i32
    %dma_wait3A_56 = tpu.memref_slice %arg2[%dma_wait3A_54, %dma_wait3A_55] : memref<10000x128xf32, #tpu.memory_space<hbm>> -> memref<80x128xf32, #tpu.memory_space<hbm>>
    tpu.wait_dma2 semaphore(%arg22 : memref<!tpu.dma_semaphore, #tpu.memory_space<semaphore_mem>>) src(%dma_wait3A_56 : memref<80x128xf32, #tpu.memory_space<hbm>>) dst(%arg11 : memref<80x128xf32, #tpu.memory_space<vmem>>)
    %barrier3A_57 = arith.constant 0 : index
    tpu.barrier barrier_id(%barrier3A_57)
    %mul3A_58 = arith.constant 632 : i32
    %mul3A_59 = arith.muli %arg1, %mul3A_58 : i32
    %mul3A_60 = arith.constant 632 : i32
    %mul3A_61 = arith.muli %arg1, %mul3A_60 : i32
    "tpu.region"() ({
      %run_scoped3A = tpu.sem_alloc : memref<!tpu.dma_semaphore, #tpu.memory_space<semaphore_mem>>
      %dma_start3A_62 = arith.constant 0 : i32
      %dma_start3A_63 = tpu.memref_slice %arg6[%arg0, %mul3A_61, %dma_start3A_62] : memref<2x10112x128xf32, #tpu.memory_space<hbm>> -> memref<1x632x128xf32, #tpu.memory_space<hbm>>
      %dma_start3A_64 = tpu.memref_squeeze %dma_start3A_63 : memref<1x632x128xf32, #tpu.memory_space<hbm>> -> memref<632x128xf32, #tpu.memory_space<hbm>>
      %dma_start3A_65 = arith.constant 0 : i32
      %dma_start3A_66 = tpu.memref_slice %arg15[%mul3A_59, %dma_start3A_65] : memref<10112x128xf32, #tpu.memory_space<vmem_shared>> -> memref<632x128xf32, #tpu.memory_space<vmem_shared>>
      tpu.enqueue_dma source(%dma_start3A_66 : memref<632x128xf32, #tpu.memory_space<vmem_shared>>) target(%dma_start3A_64 : memref<632x128xf32, #tpu.memory_space<hbm>>) target_semaphore(%run_scoped3A : memref<!tpu.dma_semaphore, #tpu.memory_space<semaphore_mem>>)
      %dma_wait3A_67 = arith.constant 0 : i32
      %dma_wait3A_68 = tpu.memref_slice %arg6[%arg0, %mul3A_61, %dma_wait3A_67] : memref<2x10112x128xf32, #tpu.memory_space<hbm>> -> memref<1x632x128xf32, #tpu.memory_space<hbm>>
      %dma_wait3A_69 = tpu.memref_squeeze %dma_wait3A_68 : memref<1x632x128xf32, #tpu.memory_space<hbm>> -> memref<632x128xf32, #tpu.memory_space<hbm>>
      %dma_wait3A_70 = arith.constant 0 : i32
      %dma_wait3A_71 = tpu.memref_slice %arg15[%mul3A_59, %dma_wait3A_70] : memref<10112x128xf32, #tpu.memory_space<vmem_shared>> -> memref<632x128xf32, #tpu.memory_space<vmem_shared>>
      tpu.wait_dma2 semaphore(%run_scoped3A : memref<!tpu.dma_semaphore, #tpu.memory_space<semaphore_mem>>) src(%dma_wait3A_71 : memref<632x128xf32, #tpu.memory_space<vmem_shared>>) dst(%dma_wait3A_69 : memref<632x128xf32, #tpu.memory_space<hbm>>)
      tpu.yield
    }) : () -> ()
    return
  }
}

#map = affine_map<(d0, d1) -> (0, 0)>
#map1 = affine_map<(d0, d1) -> (0)>
#map2 = affine_map<(d0, d1) -> (0, 0, 0)>
module attributes {stable_mosaic.version = 14 : i64} {
  func.func @sc_edge(%arg0: i32, %arg1: i32, %arg2: memref<10000x128xf32, #tpu.memory_space<hbm>>, %arg3: memref<128000x64xi32, #tpu.memory_space<hbm>>, %arg4: memref<256000xi32, #tpu.memory_space<hbm>>, %arg5: memref<10112x128xf32, #tpu.memory_space<hbm>>, %arg6: memref<2x10112x128xf32, #tpu.memory_space<hbm>>, %arg7: memref<160xi32, #tpu.memory_space<vmem>>, %arg8: memref<160xi32, #tpu.memory_space<vmem>>, %arg9: memref<80xi32, #tpu.memory_space<vmem>>, %arg10: memref<80xi32, #tpu.memory_space<vmem>>, %arg11: memref<80x128xf32, #tpu.memory_space<vmem>>, %arg12: memref<80x128xf32, #tpu.memory_space<vmem>>, %arg13: memref<80x64xi32, #tpu.memory_space<vmem>>, %arg14: memref<80x64xi32, #tpu.memory_space<vmem>>, %arg15: memref<10112x128xf32, #tpu.memory_space<vmem_shared>>, %arg16: memref<!tpu.dma_semaphore, #tpu.memory_space<semaphore_mem>>, %arg17: memref<!tpu.dma_semaphore, #tpu.memory_space<semaphore_mem>>, %arg18: memref<!tpu.dma_semaphore, #tpu.memory_space<semaphore_mem>>, %arg19: memref<!tpu.dma_semaphore, #tpu.memory_space<semaphore_mem>>, %arg20: memref<!tpu.dma_semaphore, #tpu.memory_space<semaphore_mem>>, %arg21: memref<!tpu.dma_semaphore, #tpu.memory_space<semaphore_mem>>, %arg22: memref<!tpu.dma_semaphore, #tpu.memory_space<semaphore_mem>>, %arg23: memref<!tpu.dma_semaphore, #tpu.memory_space<semaphore_mem>>) attributes {dimension_semantics = [#tpu.dimension_semantics<core_parallel>, #tpu.dimension_semantics<subcore_parallel>], iteration_bounds = array<i64: 2, 16>, scalar_prefetch = 0 : i64, scratch_operands = 17 : i64, tpu.core_type = #tpu.core_type<sc_vector_subcore>, window_params = [{transform_indices = #map}, {transform_indices = #map}, {transform_indices = #map1}, {transform_indices = #map}, {transform_indices = #map2}]} {
    %mul3A = arith.constant 2 : i32
    %mul3A_0 = arith.muli %arg1, %mul3A : i32
    %add3A = arith.addi %mul3A_0, %arg0 : i32
    %mul3A_1 = arith.constant 632 : i32
    %mul3A_2 = arith.muli %arg1, %mul3A_1 : i32
    %mul3A_3 = arith.constant 632 : i32
    %mul3A_4 = arith.muli %arg1, %mul3A_3 : i32
    "tpu.region"() ({
      %run_scoped3A = tpu.sem_alloc : memref<!tpu.dma_semaphore, #tpu.memory_space<semaphore_mem>>
      %dma_start3A_62 = arith.constant 0 : i32
      %dma_start3A_63 = tpu.memref_slice %arg15[%mul3A_4, %dma_start3A_62] : memref<10112x128xf32, #tpu.memory_space<vmem_shared>> -> memref<632x128xf32, #tpu.memory_space<vmem_shared>>
      %dma_start3A_64 = arith.constant 0 : i32
      %dma_start3A_65 = tpu.memref_slice %arg5[%mul3A_2, %dma_start3A_64] : memref<10112x128xf32, #tpu.memory_space<hbm>> -> memref<632x128xf32, #tpu.memory_space<hbm>>
      tpu.enqueue_dma source(%dma_start3A_65 : memref<632x128xf32, #tpu.memory_space<hbm>>) target(%dma_start3A_63 : memref<632x128xf32, #tpu.memory_space<vmem_shared>>) target_semaphore(%run_scoped3A : memref<!tpu.dma_semaphore, #tpu.memory_space<semaphore_mem>>)
      %dma_wait3A_66 = arith.constant 0 : i32
      %dma_wait3A_67 = tpu.memref_slice %arg15[%mul3A_4, %dma_wait3A_66] : memref<10112x128xf32, #tpu.memory_space<vmem_shared>> -> memref<632x128xf32, #tpu.memory_space<vmem_shared>>
      %dma_wait3A_68 = arith.constant 0 : i32
      %dma_wait3A_69 = tpu.memref_slice %arg5[%mul3A_2, %dma_wait3A_68] : memref<10112x128xf32, #tpu.memory_space<hbm>> -> memref<632x128xf32, #tpu.memory_space<hbm>>
      tpu.wait_dma2 semaphore(%run_scoped3A : memref<!tpu.dma_semaphore, #tpu.memory_space<semaphore_mem>>) src(%dma_wait3A_69 : memref<632x128xf32, #tpu.memory_space<hbm>>) dst(%dma_wait3A_67 : memref<632x128xf32, #tpu.memory_space<vmem_shared>>)
      tpu.yield
    }) : () -> ()
    %barrier3A = arith.constant 0 : index
    tpu.barrier barrier_id(%barrier3A)
    %mul3A_5 = arith.constant 50 : i32
    %mul3A_6 = arith.muli %add3A, %mul3A_5 : i32
    %add3A_7 = arith.constant 0 : i32
    %add3A_8 = arith.addi %mul3A_6, %add3A_7 : i32
    %mul3A_9 = arith.constant 2 : i32
    %mul3A_10 = arith.muli %add3A_8, %mul3A_9 : i32
    %mul3A_11 = arith.constant 80 : i32
    %mul3A_12 = arith.muli %mul3A_10, %mul3A_11 : i32
    %dma_start3A = tpu.memref_slice %arg4[%mul3A_12] : memref<256000xi32, #tpu.memory_space<hbm>> -> memref<160xi32, #tpu.memory_space<hbm>>
    %dma_start3A_13 = tpu.memref_slice %arg4[%mul3A_12] : memref<256000xi32, #tpu.memory_space<hbm>> -> memref<160xi32, #tpu.memory_space<hbm>>
    tpu.enqueue_dma source(%dma_start3A_13 : memref<160xi32, #tpu.memory_space<hbm>>) target(%arg7 : memref<160xi32, #tpu.memory_space<vmem>>) target_semaphore(%arg20 : memref<!tpu.dma_semaphore, #tpu.memory_space<semaphore_mem>>)
    %dma_wait3A = arith.constant 0 : i32
    %dma_wait3A_14 = tpu.memref_slice %arg4[%dma_wait3A] : memref<256000xi32, #tpu.memory_space<hbm>> -> memref<160xi32, #tpu.memory_space<hbm>>
    %dma_wait3A_15 = arith.constant 0 : i32
    %dma_wait3A_16 = tpu.memref_slice %arg4[%dma_wait3A_15] : memref<256000xi32, #tpu.memory_space<hbm>> -> memref<160xi32, #tpu.memory_space<hbm>>
    tpu.wait_dma2 semaphore(%arg20 : memref<!tpu.dma_semaphore, #tpu.memory_space<semaphore_mem>>) src(%dma_wait3A_16 : memref<160xi32, #tpu.memory_space<hbm>>) dst(%arg7 : memref<160xi32, #tpu.memory_space<vmem>>)
    %dma_start3A_17 = arith.constant 0 : i32
    %dma_start3A_18 = tpu.memref_slice %arg7[%dma_start3A_17] : memref<160xi32, #tpu.memory_space<vmem>> -> memref<80xi32, #tpu.memory_space<vmem>>
    %dma_start3A_19 = arith.constant 0 : i32
    %dma_start3A_20 = arith.constant 0 : i32
    %dma_start3A_21 = tpu.memref_slice %arg2[%dma_start3A_19, %dma_start3A_20] : memref<10000x128xf32, #tpu.memory_space<hbm>> -> memref<10000x128xf32, #tpu.memory_space<hbm>>
    tpu.enqueue_indirect_dma source(%dma_start3A_21 : memref<10000x128xf32, #tpu.memory_space<hbm>>) target(%arg11 : memref<80x128xf32, #tpu.memory_space<vmem>>) offsets(%dma_start3A_18 : memref<80xi32, #tpu.memory_space<vmem>>) semaphore(%arg16 : memref<!tpu.dma_semaphore, #tpu.memory_space<semaphore_mem>>)
    %mul3A_22 = arith.constant 4000 : i32
    %mul3A_23 = arith.muli %add3A, %mul3A_22 : i32
    %add3A_24 = arith.constant 0 : i32
    %add3A_25 = arith.addi %mul3A_23, %add3A_24 : i32
    %dma_start3A_26 = arith.constant 0 : i32
    %dma_start3A_27 = tpu.memref_slice %arg3[%add3A_25, %dma_start3A_26] : memref<128000x64xi32, #tpu.memory_space<hbm>> -> memref<80x64xi32, #tpu.memory_space<hbm>>
    %dma_start3A_28 = arith.constant 0 : i32
    %dma_start3A_29 = tpu.memref_slice %arg3[%add3A_25, %dma_start3A_28] : memref<128000x64xi32, #tpu.memory_space<hbm>> -> memref<80x64xi32, #tpu.memory_space<hbm>>
    tpu.enqueue_dma source(%dma_start3A_29 : memref<80x64xi32, #tpu.memory_space<hbm>>) target(%arg13 : memref<80x64xi32, #tpu.memory_space<vmem>>) target_semaphore(%arg18 : memref<!tpu.dma_semaphore, #tpu.memory_space<semaphore_mem>>)
    %mul3A_30 = arith.constant 50 : i32
    %mul3A_31 = arith.muli %add3A, %mul3A_30 : i32
    %add3A_32 = arith.constant 1 : i32
    %add3A_33 = arith.addi %mul3A_31, %add3A_32 : i32
    %mul3A_34 = arith.constant 2 : i32
    %mul3A_35 = arith.muli %add3A_33, %mul3A_34 : i32
    %mul3A_36 = arith.constant 80 : i32
    %mul3A_37 = arith.muli %mul3A_35, %mul3A_36 : i32
    %dma_start3A_38 = tpu.memref_slice %arg4[%mul3A_37] : memref<256000xi32, #tpu.memory_space<hbm>> -> memref<160xi32, #tpu.memory_space<hbm>>
    %dma_start3A_39 = tpu.memref_slice %arg4[%mul3A_37] : memref<256000xi32, #tpu.memory_space<hbm>> -> memref<160xi32, #tpu.memory_space<hbm>>
    tpu.enqueue_dma source(%dma_start3A_39 : memref<160xi32, #tpu.memory_space<hbm>>) target(%arg8 : memref<160xi32, #tpu.memory_space<vmem>>) target_semaphore(%arg21 : memref<!tpu.dma_semaphore, #tpu.memory_space<semaphore_mem>>)
    %scan3A = arith.constant 0 : i32
    %scan3A_40 = arith.constant 0 : i32
    %scan3A_41 = arith.constant 25 : i32
    %scan3A_42 = arith.addi %scan3A_40, %scan3A_41 : i32
    %scan3A_43 = arith.constant 1 : i32
    scf.for %scan3A_62 = %scan3A_40 to %scan3A_42 step %scan3A_43  : i32 {
      %mul3A_63 = arith.constant 2 : i32
      %mul3A_64 = arith.muli %mul3A_63, %scan3A_62 : i32
      %add3A_65 = arith.constant 0 : i32
      %add3A_66 = arith.addi %mul3A_64, %add3A_65 : i32
      %add3A_67 = arith.constant 1 : i32
      %add3A_68 = arith.addi %add3A_66, %add3A_67 : i32
      %lt3A = arith.constant 50 : i32
      %lt3A_69 = arith.cmpi slt, %add3A_68, %lt3A : i32
      %convert_element_type3A = arith.extui %lt3A_69 : i1 to i32
      %cond3A = arith.constant 0 : i32
      %cond3A_70 = arith.cmpi ne, %convert_element_type3A, %cond3A : i32
      scf.if %cond3A_70 {
        %dma_wait3A_106 = arith.constant 0 : i32
        %dma_wait3A_107 = tpu.memref_slice %arg4[%dma_wait3A_106] : memref<256000xi32, #tpu.memory_space<hbm>> -> memref<160xi32, #tpu.memory_space<hbm>>
        %dma_wait3A_108 = arith.constant 0 : i32
        %dma_wait3A_109 = tpu.memref_slice %arg4[%dma_wait3A_108] : memref<256000xi32, #tpu.memory_space<hbm>> -> memref<160xi32, #tpu.memory_space<hbm>>
        tpu.wait_dma2 semaphore(%arg21 : memref<!tpu.dma_semaphore, #tpu.memory_space<semaphore_mem>>) src(%dma_wait3A_109 : memref<160xi32, #tpu.memory_space<hbm>>) dst(%arg8 : memref<160xi32, #tpu.memory_space<vmem>>)
        %add3A_110 = arith.constant 1 : i32
        %add3A_111 = arith.addi %add3A_66, %add3A_110 : i32
        %ge3A = arith.constant 2 : i32
        %ge3A_112 = arith.cmpi sge, %add3A_111, %ge3A : i32
        %convert_element_type3A_113 = arith.extui %ge3A_112 : i1 to i32
        %cond3A_114 = arith.constant 0 : i32
        %cond3A_115 = arith.cmpi ne, %convert_element_type3A_113, %cond3A_114 : i32
        scf.if %cond3A_115 {
          %dma_wait3A_130 = arith.constant 0 : i32
          %dma_wait3A_131 = arith.constant 0 : i32
          %dma_wait3A_132 = tpu.memref_slice %arg2[%dma_wait3A_130, %dma_wait3A_131] : memref<10000x128xf32, #tpu.memory_space<hbm>> -> memref<80x128xf32, #tpu.memory_space<hbm>>
          %dma_wait3A_133 = arith.constant 0 : i32
          %dma_wait3A_134 = arith.constant 0 : i32
          %dma_wait3A_135 = tpu.memref_slice %arg2[%dma_wait3A_133, %dma_wait3A_134] : memref<10000x128xf32, #tpu.memory_space<hbm>> -> memref<80x128xf32, #tpu.memory_space<hbm>>
          tpu.wait_dma2 semaphore(%arg23 : memref<!tpu.dma_semaphore, #tpu.memory_space<semaphore_mem>>) src(%dma_wait3A_135 : memref<80x128xf32, #tpu.memory_space<hbm>>) dst(%arg12 : memref<80x128xf32, #tpu.memory_space<vmem>>)
        } else {
        }
        %dma_start3A_116 = arith.constant 0 : i32
        %dma_start3A_117 = tpu.memref_slice %arg8[%dma_start3A_116] : memref<160xi32, #tpu.memory_space<vmem>> -> memref<80xi32, #tpu.memory_space<vmem>>
        %dma_start3A_118 = arith.constant 0 : i32
        %dma_start3A_119 = arith.constant 0 : i32
        %dma_start3A_120 = tpu.memref_slice %arg2[%dma_start3A_118, %dma_start3A_119] : memref<10000x128xf32, #tpu.memory_space<hbm>> -> memref<10000x128xf32, #tpu.memory_space<hbm>>
        tpu.enqueue_indirect_dma source(%dma_start3A_120 : memref<10000x128xf32, #tpu.memory_space<hbm>>) target(%arg12 : memref<80x128xf32, #tpu.memory_space<vmem>>) offsets(%dma_start3A_117 : memref<80xi32, #tpu.memory_space<vmem>>) semaphore(%arg17 : memref<!tpu.dma_semaphore, #tpu.memory_space<semaphore_mem>>)
        %mul3A_121 = arith.constant 4000 : i32
        %mul3A_122 = arith.muli %add3A, %mul3A_121 : i32
        %mul3A_123 = arith.constant 80 : i32
        %mul3A_124 = arith.muli %add3A_111, %mul3A_123 : i32
        %add3A_125 = arith.addi %mul3A_122, %mul3A_124 : i32
        %dma_start3A_126 = arith.constant 0 : i32
        %dma_start3A_127 = tpu.memref_slice %arg3[%add3A_125, %dma_start3A_126] : memref<128000x64xi32, #tpu.memory_space<hbm>> -> memref<80x64xi32, #tpu.memory_space<hbm>>
        %dma_start3A_128 = arith.constant 0 : i32
        %dma_start3A_129 = tpu.memref_slice %arg3[%add3A_125, %dma_start3A_128] : memref<128000x64xi32, #tpu.memory_space<hbm>> -> memref<80x64xi32, #tpu.memory_space<hbm>>
        tpu.enqueue_dma source(%dma_start3A_129 : memref<80x64xi32, #tpu.memory_space<hbm>>) target(%arg14 : memref<80x64xi32, #tpu.memory_space<vmem>>) target_semaphore(%arg19 : memref<!tpu.dma_semaphore, #tpu.memory_space<semaphore_mem>>)
      } else {
      }
      %lt3A_71 = arith.constant 50 : i32
      %lt3A_72 = arith.cmpi slt, %add3A_66, %lt3A_71 : i32
      %convert_element_type3A_73 = arith.extui %lt3A_72 : i1 to i32
      %cond3A_74 = arith.constant 0 : i32
      %cond3A_75 = arith.cmpi ne, %convert_element_type3A_73, %cond3A_74 : i32
      scf.if %cond3A_75 {
        %dma_wait3A_106 = arith.constant 0 : i32
        %dma_wait3A_107 = arith.constant 0 : i32
        %dma_wait3A_108 = tpu.memref_slice %arg2[%dma_wait3A_106, %dma_wait3A_107] : memref<10000x128xf32, #tpu.memory_space<hbm>> -> memref<80x128xf32, #tpu.memory_space<hbm>>
        %dma_wait3A_109 = arith.constant 0 : i32
        %dma_wait3A_110 = arith.constant 0 : i32
        %dma_wait3A_111 = tpu.memref_slice %arg2[%dma_wait3A_109, %dma_wait3A_110] : memref<10000x128xf32, #tpu.memory_space<hbm>> -> memref<80x128xf32, #tpu.memory_space<hbm>>
        tpu.wait_dma2 semaphore(%arg16 : memref<!tpu.dma_semaphore, #tpu.memory_space<semaphore_mem>>) src(%dma_wait3A_111 : memref<80x128xf32, #tpu.memory_space<hbm>>) dst(%arg11 : memref<80x128xf32, #tpu.memory_space<vmem>>)
        %dma_wait3A_112 = arith.constant 0 : i32
        %dma_wait3A_113 = arith.constant 0 : i32
        %dma_wait3A_114 = tpu.memref_slice %arg3[%dma_wait3A_112, %dma_wait3A_113] : memref<128000x64xi32, #tpu.memory_space<hbm>> -> memref<80x64xi32, #tpu.memory_space<hbm>>
        %dma_wait3A_115 = arith.constant 0 : i32
        %dma_wait3A_116 = arith.constant 0 : i32
        %dma_wait3A_117 = tpu.memref_slice %arg3[%dma_wait3A_115, %dma_wait3A_116] : memref<128000x64xi32, #tpu.memory_space<hbm>> -> memref<80x64xi32, #tpu.memory_space<hbm>>
        tpu.wait_dma2 semaphore(%arg18 : memref<!tpu.dma_semaphore, #tpu.memory_space<semaphore_mem>>) src(%dma_wait3A_117 : memref<80x64xi32, #tpu.memory_space<hbm>>) dst(%arg13 : memref<80x64xi32, #tpu.memory_space<vmem>>)
        %parallel_loop3A = arith.constant 0 : i32
        %parallel_loop3A_118 = arith.constant 80 : i32
        %parallel_loop3A_119 = arith.constant 1 : i32
        scf.for %parallel_loop3A_141 = %parallel_loop3A to %parallel_loop3A_118 step %parallel_loop3A_119  : i32 {
          %parallel_loop3A_142 = arith.index_cast %parallel_loop3A_141 : i32 to index
          %parallel_loop3A_143 = arith.constant 0 : index
          %parallel_loop3A_144 = tpu.vector_load %arg13[%parallel_loop3A_142, %parallel_loop3A_143] {strides = array<i32>} : memref<80x64xi32, #tpu.memory_space<vmem>>, vector<16xi32>,
          %parallel_loop3A_145 = vector.bitcast %parallel_loop3A_144 : vector<16xi32> to vector<32xbf16>
          %parallel_loop3A_146 = tpu.unpack_subelements %parallel_loop3A_145, 0 {pack_format = #tpu.pack_format<interleaved>} : vector<32xbf16> -> vector<16xf32>
          %parallel_loop3A_147 = tpu.unpack_subelements %parallel_loop3A_145, 1 {pack_format = #tpu.pack_format<interleaved>} : vector<32xbf16> -> vector<16xf32>
          %parallel_loop3A_148 = arith.index_cast %parallel_loop3A_141 : i32 to index
          %parallel_loop3A_149 = arith.constant 0 : index
          %parallel_loop3A_150 = tpu.vector_load %arg11[%parallel_loop3A_148, %parallel_loop3A_149] {strides = array<i32>} : memref<80x128xf32, #tpu.memory_space<vmem>>, vector<16xf32>,
          %parallel_loop3A_151 = arith.mulf %parallel_loop3A_150, %parallel_loop3A_146 : vector<16xf32>
          %parallel_loop3A_152 = arith.index_cast %parallel_loop3A_141 : i32 to index
          %parallel_loop3A_153 = arith.constant 0 : index
          %parallel_loop3A_154 = tpu.vector_load %arg11[%parallel_loop3A_152, %parallel_loop3A_153] {strides = array<i32>} : memref<80x128xf32, #tpu.memory_space<vmem>>, vector<16xf32>,
          tpu.vector_store %arg11[%parallel_loop3A_152, %parallel_loop3A_153], %parallel_loop3A_151 {strides = array<i32>} : memref<80x128xf32, #tpu.memory_space<vmem>>, vector<16xf32>,
          %parallel_loop3A_155 = arith.index_cast %parallel_loop3A_141 : i32 to index
          %parallel_loop3A_156 = arith.constant 16 : index
          %parallel_loop3A_157 = tpu.vector_load %arg11[%parallel_loop3A_155, %parallel_loop3A_156] {strides = array<i32>} : memref<80x128xf32, #tpu.memory_space<vmem>>, vector<16xf32>,
          %parallel_loop3A_158 = arith.mulf %parallel_loop3A_157, %parallel_loop3A_147 : vector<16xf32>
          %parallel_loop3A_159 = arith.index_cast %parallel_loop3A_141 : i32 to index
          %parallel_loop3A_160 = arith.constant 16 : index
          %parallel_loop3A_161 = tpu.vector_load %arg11[%parallel_loop3A_159, %parallel_loop3A_160] {strides = array<i32>} : memref<80x128xf32, #tpu.memory_space<vmem>>, vector<16xf32>,
          tpu.vector_store %arg11[%parallel_loop3A_159, %parallel_loop3A_160], %parallel_loop3A_158 {strides = array<i32>} : memref<80x128xf32, #tpu.memory_space<vmem>>, vector<16xf32>,
          %parallel_loop3A_162 = arith.index_cast %parallel_loop3A_141 : i32 to index
          %parallel_loop3A_163 = arith.constant 16 : index
          %parallel_loop3A_164 = tpu.vector_load %arg13[%parallel_loop3A_162, %parallel_loop3A_163] {strides = array<i32>} : memref<80x64xi32, #tpu.memory_space<vmem>>, vector<16xi32>,
          %parallel_loop3A_165 = vector.bitcast %parallel_loop3A_164 : vector<16xi32> to vector<32xbf16>
          %parallel_loop3A_166 = tpu.unpack_subelements %parallel_loop3A_165, 0 {pack_format = #tpu.pack_format<interleaved>} : vector<32xbf16> -> vector<16xf32>
          %parallel_loop3A_167 = tpu.unpack_subelements %parallel_loop3A_165, 1 {pack_format = #tpu.pack_format<interleaved>} : vector<32xbf16> -> vector<16xf32>
          %parallel_loop3A_168 = arith.index_cast %parallel_loop3A_141 : i32 to index
          %parallel_loop3A_169 = arith.constant 32 : index
          %parallel_loop3A_170 = tpu.vector_load %arg11[%parallel_loop3A_168, %parallel_loop3A_169] {strides = array<i32>} : memref<80x128xf32, #tpu.memory_space<vmem>>, vector<16xf32>,
          %parallel_loop3A_171 = arith.mulf %parallel_loop3A_170, %parallel_loop3A_166 : vector<16xf32>
          %parallel_loop3A_172 = arith.index_cast %parallel_loop3A_141 : i32 to index
          %parallel_loop3A_173 = arith.constant 32 : index
          %parallel_loop3A_174 = tpu.vector_load %arg11[%parallel_loop3A_172, %parallel_loop3A_173] {strides = array<i32>} : memref<80x128xf32, #tpu.memory_space<vmem>>, vector<16xf32>,
          tpu.vector_store %arg11[%parallel_loop3A_172, %parallel_loop3A_173], %parallel_loop3A_171 {strides = array<i32>} : memref<80x128xf32, #tpu.memory_space<vmem>>, vector<16xf32>,
          %parallel_loop3A_175 = arith.index_cast %parallel_loop3A_141 : i32 to index
          %parallel_loop3A_176 = arith.constant 48 : index
          %parallel_loop3A_177 = tpu.vector_load %arg11[%parallel_loop3A_175, %parallel_loop3A_176] {strides = array<i32>} : memref<80x128xf32, #tpu.memory_space<vmem>>, vector<16xf32>,
          %parallel_loop3A_178 = arith.mulf %parallel_loop3A_177, %parallel_loop3A_167 : vector<16xf32>
          %parallel_loop3A_179 = arith.index_cast %parallel_loop3A_141 : i32 to index
          %parallel_loop3A_180 = arith.constant 48 : index
          %parallel_loop3A_181 = tpu.vector_load %arg11[%parallel_loop3A_179, %parallel_loop3A_180] {strides = array<i32>} : memref<80x128xf32, #tpu.memory_space<vmem>>, vector<16xf32>,
          tpu.vector_store %arg11[%parallel_loop3A_179, %parallel_loop3A_180], %parallel_loop3A_178 {strides = array<i32>} : memref<80x128xf32, #tpu.memory_space<vmem>>, vector<16xf32>,
          %parallel_loop3A_182 = arith.index_cast %parallel_loop3A_141 : i32 to index
          %parallel_loop3A_183 = arith.constant 32 : index
          %parallel_loop3A_184 = tpu.vector_load %arg13[%parallel_loop3A_182, %parallel_loop3A_183] {strides = array<i32>} : memref<80x64xi32, #tpu.memory_space<vmem>>, vector<16xi32>,
          %parallel_loop3A_185 = vector.bitcast %parallel_loop3A_184 : vector<16xi32> to vector<32xbf16>
          %parallel_loop3A_186 = tpu.unpack_subelements %parallel_loop3A_185, 0 {pack_format = #tpu.pack_format<interleaved>} : vector<32xbf16> -> vector<16xf32>
          %parallel_loop3A_187 = tpu.unpack_subelements %parallel_loop3A_185, 1 {pack_format = #tpu.pack_format<interleaved>} : vector<32xbf16> -> vector<16xf32>
          %parallel_loop3A_188 = arith.index_cast %parallel_loop3A_141 : i32 to index
          %parallel_loop3A_189 = arith.constant 64 : index
          %parallel_loop3A_190 = tpu.vector_load %arg11[%parallel_loop3A_188, %parallel_loop3A_189] {strides = array<i32>} : memref<80x128xf32, #tpu.memory_space<vmem>>, vector<16xf32>,
          %parallel_loop3A_191 = arith.mulf %parallel_loop3A_190, %parallel_loop3A_186 : vector<16xf32>
          %parallel_loop3A_192 = arith.index_cast %parallel_loop3A_141 : i32 to index
          %parallel_loop3A_193 = arith.constant 64 : index
          %parallel_loop3A_194 = tpu.vector_load %arg11[%parallel_loop3A_192, %parallel_loop3A_193] {strides = array<i32>} : memref<80x128xf32, #tpu.memory_space<vmem>>, vector<16xf32>,
          tpu.vector_store %arg11[%parallel_loop3A_192, %parallel_loop3A_193], %parallel_loop3A_191 {strides = array<i32>} : memref<80x128xf32, #tpu.memory_space<vmem>>, vector<16xf32>,
          %parallel_loop3A_195 = arith.index_cast %parallel_loop3A_141 : i32 to index
          %parallel_loop3A_196 = arith.constant 80 : index
          %parallel_loop3A_197 = tpu.vector_load %arg11[%parallel_loop3A_195, %parallel_loop3A_196] {strides = array<i32>} : memref<80x128xf32, #tpu.memory_space<vmem>>, vector<16xf32>,
          %parallel_loop3A_198 = arith.mulf %parallel_loop3A_197, %parallel_loop3A_187 : vector<16xf32>
          %parallel_loop3A_199 = arith.index_cast %parallel_loop3A_141 : i32 to index
          %parallel_loop3A_200 = arith.constant 80 : index
          %parallel_loop3A_201 = tpu.vector_load %arg11[%parallel_loop3A_199, %parallel_loop3A_200] {strides = array<i32>} : memref<80x128xf32, #tpu.memory_space<vmem>>, vector<16xf32>,
          tpu.vector_store %arg11[%parallel_loop3A_199, %parallel_loop3A_200], %parallel_loop3A_198 {strides = array<i32>} : memref<80x128xf32, #tpu.memory_space<vmem>>, vector<16xf32>,
          %parallel_loop3A_202 = arith.index_cast %parallel_loop3A_141 : i32 to index
          %parallel_loop3A_203 = arith.constant 48 : index
          %parallel_loop3A_204 = tpu.vector_load %arg13[%parallel_loop3A_202, %parallel_loop3A_203] {strides = array<i32>} : memref<80x64xi32, #tpu.memory_space<vmem>>, vector<16xi32>,
          %parallel_loop3A_205 = vector.bitcast %parallel_loop3A_204 : vector<16xi32> to vector<32xbf16>
          %parallel_loop3A_206 = tpu.unpack_subelements %parallel_loop3A_205, 0 {pack_format = #tpu.pack_format<interleaved>} : vector<32xbf16> -> vector<16xf32>
          %parallel_loop3A_207 = tpu.unpack_subelements %parallel_loop3A_205, 1 {pack_format = #tpu.pack_format<interleaved>} : vector<32xbf16> -> vector<16xf32>
          %parallel_loop3A_208 = arith.index_cast %parallel_loop3A_141 : i32 to index
          %parallel_loop3A_209 = arith.constant 96 : index
          %parallel_loop3A_210 = tpu.vector_load %arg11[%parallel_loop3A_208, %parallel_loop3A_209] {strides = array<i32>} : memref<80x128xf32, #tpu.memory_space<vmem>>, vector<16xf32>,
          %parallel_loop3A_211 = arith.mulf %parallel_loop3A_210, %parallel_loop3A_206 : vector<16xf32>
          %parallel_loop3A_212 = arith.index_cast %parallel_loop3A_141 : i32 to index
          %parallel_loop3A_213 = arith.constant 96 : index
          %parallel_loop3A_214 = tpu.vector_load %arg11[%parallel_loop3A_212, %parallel_loop3A_213] {strides = array<i32>} : memref<80x128xf32, #tpu.memory_space<vmem>>, vector<16xf32>,
          tpu.vector_store %arg11[%parallel_loop3A_212, %parallel_loop3A_213], %parallel_loop3A_211 {strides = array<i32>} : memref<80x128xf32, #tpu.memory_space<vmem>>, vector<16xf32>,
          %parallel_loop3A_215 = arith.index_cast %parallel_loop3A_141 : i32 to index
          %parallel_loop3A_216 = arith.constant 112 : index
          %parallel_loop3A_217 = tpu.vector_load %arg11[%parallel_loop3A_215, %parallel_loop3A_216] {strides = array<i32>} : memref<80x128xf32, #tpu.memory_space<vmem>>, vector<16xf32>,
          %parallel_loop3A_218 = arith.mulf %parallel_loop3A_217, %parallel_loop3A_207 : vector<16xf32>
          %parallel_loop3A_219 = arith.index_cast %parallel_loop3A_141 : i32 to index
          %parallel_loop3A_220 = arith.constant 112 : index
          %parallel_loop3A_221 = tpu.vector_load %arg11[%parallel_loop3A_219, %parallel_loop3A_220] {strides = array<i32>} : memref<80x128xf32, #tpu.memory_space<vmem>>, vector<16xf32>,
          tpu.vector_store %arg11[%parallel_loop3A_219, %parallel_loop3A_220], %parallel_loop3A_218 {strides = array<i32>} : memref<80x128xf32, #tpu.memory_space<vmem>>, vector<16xf32>,
        } {sc.loop_unroll_factor = 4 : i64, sc.parallel_access}
        %get3A = arith.constant 80 : index
        %get3A_120 = tpu.vector_load %arg7[%get3A] {strides = array<i32>} : memref<160xi32, #tpu.memory_space<vmem>>, vector<16xi32>,
        %swap3A = arith.constant 0 : index
        %swap3A_121 = tpu.vector_load %arg9[%swap3A] {strides = array<i32>} : memref<80xi32, #tpu.memory_space<vmem>>, vector<16xi32>,
        tpu.vector_store %arg9[%swap3A], %get3A_120 {strides = array<i32>} : memref<80xi32, #tpu.memory_space<vmem>>, vector<16xi32>,
        %get3A_122 = arith.constant 96 : index
        %get3A_123 = tpu.vector_load %arg7[%get3A_122] {strides = array<i32>} : memref<160xi32, #tpu.memory_space<vmem>>, vector<16xi32>,
        %swap3A_124 = arith.constant 16 : index
        %swap3A_125 = tpu.vector_load %arg9[%swap3A_124] {strides = array<i32>} : memref<80xi32, #tpu.memory_space<vmem>>, vector<16xi32>,
        tpu.vector_store %arg9[%swap3A_124], %get3A_123 {strides = array<i32>} : memref<80xi32, #tpu.memory_space<vmem>>, vector<16xi32>,
        %get3A_126 = arith.constant 112 : index
        %get3A_127 = tpu.vector_load %arg7[%get3A_126] {strides = array<i32>} : memref<160xi32, #tpu.memory_space<vmem>>, vector<16xi32>,
        %swap3A_128 = arith.constant 32 : index
        %swap3A_129 = tpu.vector_load %arg9[%swap3A_128] {strides = array<i32>} : memref<80xi32, #tpu.memory_space<vmem>>, vector<16xi32>,
        tpu.vector_store %arg9[%swap3A_128], %get3A_127 {strides = array<i32>} : memref<80xi32, #tpu.memory_space<vmem>>, vector<16xi32>,
        %get3A_130 = arith.constant 128 : index
        %get3A_131 = tpu.vector_load %arg7[%get3A_130] {strides = array<i32>} : memref<160xi32, #tpu.memory_space<vmem>>, vector<16xi32>,
        %swap3A_132 = arith.constant 48 : index
        %swap3A_133 = tpu.vector_load %arg9[%swap3A_132] {strides = array<i32>} : memref<80xi32, #tpu.memory_space<vmem>>, vector<16xi32>,
        tpu.vector_store %arg9[%swap3A_132], %get3A_131 {strides = array<i32>} : memref<80xi32, #tpu.memory_space<vmem>>, vector<16xi32>,
        %get3A_134 = arith.constant 144 : index
        %get3A_135 = tpu.vector_load %arg7[%get3A_134] {strides = array<i32>} : memref<160xi32, #tpu.memory_space<vmem>>, vector<16xi32>,
        %swap3A_136 = arith.constant 64 : index
        %swap3A_137 = tpu.vector_load %arg9[%swap3A_136] {strides = array<i32>} : memref<80xi32, #tpu.memory_space<vmem>>, vector<16xi32>,
        tpu.vector_store %arg9[%swap3A_136], %get3A_135 {strides = array<i32>} : memref<80xi32, #tpu.memory_space<vmem>>, vector<16xi32>,
        %dma_start3A_138 = arith.constant 0 : i32
        %dma_start3A_139 = arith.constant 0 : i32
        %dma_start3A_140 = tpu.memref_slice %arg15[%dma_start3A_138, %dma_start3A_139] : memref<10112x128xf32, #tpu.memory_space<vmem_shared>> -> memref<10112x128xf32, #tpu.memory_space<vmem_shared>>
        tpu.enqueue_indirect_dma source(%arg11 : memref<80x128xf32, #tpu.memory_space<vmem>>) target(%dma_start3A_140 : memref<10112x128xf32, #tpu.memory_space<vmem_shared>>) offsets(%arg9 : memref<80xi32, #tpu.memory_space<vmem>>) semaphore(%arg22 : memref<!tpu.dma_semaphore, #tpu.memory_space<semaphore_mem>>) {add = true}
      } else {
      }
      %add3A_76 = arith.constant 2 : i32
      %add3A_77 = arith.addi %add3A_66, %add3A_76 : i32
      %lt3A_78 = arith.constant 50 : i32
      %lt3A_79 = arith.cmpi slt, %add3A_77, %lt3A_78 : i32
      %convert_element_type3A_80 = arith.extui %lt3A_79 : i1 to i32
      %cond3A_81 = arith.constant 0 : i32
      %cond3A_82 = arith.cmpi ne, %convert_element_type3A_80, %cond3A_81 : i32
      scf.if %cond3A_82 {
        %add3A_106 = arith.constant 2 : i32
        %add3A_107 = arith.addi %add3A_66, %add3A_106 : i32
        %mul3A_108 = arith.constant 50 : i32
        %mul3A_109 = arith.muli %add3A, %mul3A_108 : i32
        %add3A_110 = arith.addi %mul3A_109, %add3A_107 : i32
        %mul3A_111 = arith.constant 2 : i32
        %mul3A_112 = arith.muli %add3A_110, %mul3A_111 : i32
        %mul3A_113 = arith.constant 80 : i32
        %mul3A_114 = arith.muli %mul3A_112, %mul3A_113 : i32
        %dma_start3A_115 = tpu.memref_slice %arg4[%mul3A_114] : memref<256000xi32, #tpu.memory_space<hbm>> -> memref<160xi32, #tpu.memory_space<hbm>>
        %dma_start3A_116 = tpu.memref_slice %arg4[%mul3A_114] : memref<256000xi32, #tpu.memory_space<hbm>> -> memref<160xi32, #tpu.memory_space<hbm>>
        tpu.enqueue_dma source(%dma_start3A_116 : memref<160xi32, #tpu.memory_space<hbm>>) target(%arg7 : memref<160xi32, #tpu.memory_space<vmem>>) target_semaphore(%arg20 : memref<!tpu.dma_semaphore, #tpu.memory_space<semaphore_mem>>)
      } else {
      }
      %mul3A_83 = arith.constant 2 : i32
      %mul3A_84 = arith.muli %mul3A_83, %scan3A_62 : i32
      %add3A_85 = arith.constant 1 : i32
      %add3A_86 = arith.addi %mul3A_84, %add3A_85 : i32
      %add3A_87 = arith.constant 1 : i32
      %add3A_88 = arith.addi %add3A_86, %add3A_87 : i32
      %lt3A_89 = arith.constant 50 : i32
      %lt3A_90 = arith.cmpi slt, %add3A_88, %lt3A_89 : i32
      %convert_element_type3A_91 = arith.extui %lt3A_90 : i1 to i32
      %cond3A_92 = arith.constant 0 : i32
      %cond3A_93 = arith.cmpi ne, %convert_element_type3A_91, %cond3A_92 : i32
      scf.if %cond3A_93 {
        %dma_wait3A_106 = arith.constant 0 : i32
        %dma_wait3A_107 = tpu.memref_slice %arg4[%dma_wait3A_106] : memref<256000xi32, #tpu.memory_space<hbm>> -> memref<160xi32, #tpu.memory_space<hbm>>
        %dma_wait3A_108 = arith.constant 0 : i32
        %dma_wait3A_109 = tpu.memref_slice %arg4[%dma_wait3A_108] : memref<256000xi32, #tpu.memory_space<hbm>> -> memref<160xi32, #tpu.memory_space<hbm>>
        tpu.wait_dma2 semaphore(%arg20 : memref<!tpu.dma_semaphore, #tpu.memory_space<semaphore_mem>>) src(%dma_wait3A_109 : memref<160xi32, #tpu.memory_space<hbm>>) dst(%arg7 : memref<160xi32, #tpu.memory_space<vmem>>)
        %add3A_110 = arith.constant 1 : i32
        %add3A_111 = arith.addi %add3A_86, %add3A_110 : i32
        %ge3A = arith.constant 2 : i32
        %ge3A_112 = arith.cmpi sge, %add3A_111, %ge3A : i32
        %convert_element_type3A_113 = arith.extui %ge3A_112 : i1 to i32
        %cond3A_114 = arith.constant 0 : i32
        %cond3A_115 = arith.cmpi ne, %convert_element_type3A_113, %cond3A_114 : i32
        scf.if %cond3A_115 {
          %dma_wait3A_130 = arith.constant 0 : i32
          %dma_wait3A_131 = arith.constant 0 : i32
          %dma_wait3A_132 = tpu.memref_slice %arg2[%dma_wait3A_130, %dma_wait3A_131] : memref<10000x128xf32, #tpu.memory_space<hbm>> -> memref<80x128xf32, #tpu.memory_space<hbm>>
          %dma_wait3A_133 = arith.constant 0 : i32
          %dma_wait3A_134 = arith.constant 0 : i32
          %dma_wait3A_135 = tpu.memref_slice %arg2[%dma_wait3A_133, %dma_wait3A_134] : memref<10000x128xf32, #tpu.memory_space<hbm>> -> memref<80x128xf32, #tpu.memory_space<hbm>>
          tpu.wait_dma2 semaphore(%arg22 : memref<!tpu.dma_semaphore, #tpu.memory_space<semaphore_mem>>) src(%dma_wait3A_135 : memref<80x128xf32, #tpu.memory_space<hbm>>) dst(%arg11 : memref<80x128xf32, #tpu.memory_space<vmem>>)
        } else {
        }
        %dma_start3A_116 = arith.constant 0 : i32
        %dma_start3A_117 = tpu.memref_slice %arg7[%dma_start3A_116] : memref<160xi32, #tpu.memory_space<vmem>> -> memref<80xi32, #tpu.memory_space<vmem>>
        %dma_start3A_118 = arith.constant 0 : i32
        %dma_start3A_119 = arith.constant 0 : i32
        %dma_start3A_120 = tpu.memref_slice %arg2[%dma_start3A_118, %dma_start3A_119] : memref<10000x128xf32, #tpu.memory_space<hbm>> -> memref<10000x128xf32, #tpu.memory_space<hbm>>
        tpu.enqueue_indirect_dma source(%dma_start3A_120 : memref<10000x128xf32, #tpu.memory_space<hbm>>) target(%arg11 : memref<80x128xf32, #tpu.memory_space<vmem>>) offsets(%dma_start3A_117 : memref<80xi32, #tpu.memory_space<vmem>>) semaphore(%arg16 : memref<!tpu.dma_semaphore, #tpu.memory_space<semaphore_mem>>)
        %mul3A_121 = arith.constant 4000 : i32
        %mul3A_122 = arith.muli %add3A, %mul3A_121 : i32
        %mul3A_123 = arith.constant 80 : i32
        %mul3A_124 = arith.muli %add3A_111, %mul3A_123 : i32
        %add3A_125 = arith.addi %mul3A_122, %mul3A_124 : i32
        %dma_start3A_126 = arith.constant 0 : i32
        %dma_start3A_127 = tpu.memref_slice %arg3[%add3A_125, %dma_start3A_126] : memref<128000x64xi32, #tpu.memory_space<hbm>> -> memref<80x64xi32, #tpu.memory_space<hbm>>
        %dma_start3A_128 = arith.constant 0 : i32
        %dma_start3A_129 = tpu.memref_slice %arg3[%add3A_125, %dma_start3A_128] : memref<128000x64xi32, #tpu.memory_space<hbm>> -> memref<80x64xi32, #tpu.memory_space<hbm>>
        tpu.enqueue_dma source(%dma_start3A_129 : memref<80x64xi32, #tpu.memory_space<hbm>>) target(%arg13 : memref<80x64xi32, #tpu.memory_space<vmem>>) target_semaphore(%arg18 : memref<!tpu.dma_semaphore, #tpu.memory_space<semaphore_mem>>)
      } else {
      }
      %lt3A_94 = arith.constant 50 : i32
      %lt3A_95 = arith.cmpi slt, %add3A_86, %lt3A_94 : i32
      %convert_element_type3A_96 = arith.extui %lt3A_95 : i1 to i32
      %cond3A_97 = arith.constant 0 : i32
      %cond3A_98 = arith.cmpi ne, %convert_element_type3A_96, %cond3A_97 : i32
      scf.if %cond3A_98 {
        %dma_wait3A_106 = arith.constant 0 : i32
        %dma_wait3A_107 = arith.constant 0 : i32
        %dma_wait3A_108 = tpu.memref_slice %arg2[%dma_wait3A_106, %dma_wait3A_107] : memref<10000x128xf32, #tpu.memory_space<hbm>> -> memref<80x128xf32, #tpu.memory_space<hbm>>
        %dma_wait3A_109 = arith.constant 0 : i32
        %dma_wait3A_110 = arith.constant 0 : i32
        %dma_wait3A_111 = tpu.memref_slice %arg2[%dma_wait3A_109, %dma_wait3A_110] : memref<10000x128xf32, #tpu.memory_space<hbm>> -> memref<80x128xf32, #tpu.memory_space<hbm>>
        tpu.wait_dma2 semaphore(%arg17 : memref<!tpu.dma_semaphore, #tpu.memory_space<semaphore_mem>>) src(%dma_wait3A_111 : memref<80x128xf32, #tpu.memory_space<hbm>>) dst(%arg12 : memref<80x128xf32, #tpu.memory_space<vmem>>)
        %dma_wait3A_112 = arith.constant 0 : i32
        %dma_wait3A_113 = arith.constant 0 : i32
        %dma_wait3A_114 = tpu.memref_slice %arg3[%dma_wait3A_112, %dma_wait3A_113] : memref<128000x64xi32, #tpu.memory_space<hbm>> -> memref<80x64xi32, #tpu.memory_space<hbm>>
        %dma_wait3A_115 = arith.constant 0 : i32
        %dma_wait3A_116 = arith.constant 0 : i32
        %dma_wait3A_117 = tpu.memref_slice %arg3[%dma_wait3A_115, %dma_wait3A_116] : memref<128000x64xi32, #tpu.memory_space<hbm>> -> memref<80x64xi32, #tpu.memory_space<hbm>>
        tpu.wait_dma2 semaphore(%arg19 : memref<!tpu.dma_semaphore, #tpu.memory_space<semaphore_mem>>) src(%dma_wait3A_117 : memref<80x64xi32, #tpu.memory_space<hbm>>) dst(%arg14 : memref<80x64xi32, #tpu.memory_space<vmem>>)
        %parallel_loop3A = arith.constant 0 : i32
        %parallel_loop3A_118 = arith.constant 80 : i32
        %parallel_loop3A_119 = arith.constant 1 : i32
        scf.for %parallel_loop3A_141 = %parallel_loop3A to %parallel_loop3A_118 step %parallel_loop3A_119  : i32 {
          %parallel_loop3A_142 = arith.index_cast %parallel_loop3A_141 : i32 to index
          %parallel_loop3A_143 = arith.constant 0 : index
          %parallel_loop3A_144 = tpu.vector_load %arg14[%parallel_loop3A_142, %parallel_loop3A_143] {strides = array<i32>} : memref<80x64xi32, #tpu.memory_space<vmem>>, vector<16xi32>,
          %parallel_loop3A_145 = vector.bitcast %parallel_loop3A_144 : vector<16xi32> to vector<32xbf16>
          %parallel_loop3A_146 = tpu.unpack_subelements %parallel_loop3A_145, 0 {pack_format = #tpu.pack_format<interleaved>} : vector<32xbf16> -> vector<16xf32>
          %parallel_loop3A_147 = tpu.unpack_subelements %parallel_loop3A_145, 1 {pack_format = #tpu.pack_format<interleaved>} : vector<32xbf16> -> vector<16xf32>
          %parallel_loop3A_148 = arith.index_cast %parallel_loop3A_141 : i32 to index
          %parallel_loop3A_149 = arith.constant 0 : index
          %parallel_loop3A_150 = tpu.vector_load %arg12[%parallel_loop3A_148, %parallel_loop3A_149] {strides = array<i32>} : memref<80x128xf32, #tpu.memory_space<vmem>>, vector<16xf32>,
          %parallel_loop3A_151 = arith.mulf %parallel_loop3A_150, %parallel_loop3A_146 : vector<16xf32>
          %parallel_loop3A_152 = arith.index_cast %parallel_loop3A_141 : i32 to index
          %parallel_loop3A_153 = arith.constant 0 : index
          %parallel_loop3A_154 = tpu.vector_load %arg12[%parallel_loop3A_152, %parallel_loop3A_153] {strides = array<i32>} : memref<80x128xf32, #tpu.memory_space<vmem>>, vector<16xf32>,
          tpu.vector_store %arg12[%parallel_loop3A_152, %parallel_loop3A_153], %parallel_loop3A_151 {strides = array<i32>} : memref<80x128xf32, #tpu.memory_space<vmem>>, vector<16xf32>,
          %parallel_loop3A_155 = arith.index_cast %parallel_loop3A_141 : i32 to index
          %parallel_loop3A_156 = arith.constant 16 : index
          %parallel_loop3A_157 = tpu.vector_load %arg12[%parallel_loop3A_155, %parallel_loop3A_156] {strides = array<i32>} : memref<80x128xf32, #tpu.memory_space<vmem>>, vector<16xf32>,
          %parallel_loop3A_158 = arith.mulf %parallel_loop3A_157, %parallel_loop3A_147 : vector<16xf32>
          %parallel_loop3A_159 = arith.index_cast %parallel_loop3A_141 : i32 to index
          %parallel_loop3A_160 = arith.constant 16 : index
          %parallel_loop3A_161 = tpu.vector_load %arg12[%parallel_loop3A_159, %parallel_loop3A_160] {strides = array<i32>} : memref<80x128xf32, #tpu.memory_space<vmem>>, vector<16xf32>,
          tpu.vector_store %arg12[%parallel_loop3A_159, %parallel_loop3A_160], %parallel_loop3A_158 {strides = array<i32>} : memref<80x128xf32, #tpu.memory_space<vmem>>, vector<16xf32>,
          %parallel_loop3A_162 = arith.index_cast %parallel_loop3A_141 : i32 to index
          %parallel_loop3A_163 = arith.constant 16 : index
          %parallel_loop3A_164 = tpu.vector_load %arg14[%parallel_loop3A_162, %parallel_loop3A_163] {strides = array<i32>} : memref<80x64xi32, #tpu.memory_space<vmem>>, vector<16xi32>,
          %parallel_loop3A_165 = vector.bitcast %parallel_loop3A_164 : vector<16xi32> to vector<32xbf16>
          %parallel_loop3A_166 = tpu.unpack_subelements %parallel_loop3A_165, 0 {pack_format = #tpu.pack_format<interleaved>} : vector<32xbf16> -> vector<16xf32>
          %parallel_loop3A_167 = tpu.unpack_subelements %parallel_loop3A_165, 1 {pack_format = #tpu.pack_format<interleaved>} : vector<32xbf16> -> vector<16xf32>
          %parallel_loop3A_168 = arith.index_cast %parallel_loop3A_141 : i32 to index
          %parallel_loop3A_169 = arith.constant 32 : index
          %parallel_loop3A_170 = tpu.vector_load %arg12[%parallel_loop3A_168, %parallel_loop3A_169] {strides = array<i32>} : memref<80x128xf32, #tpu.memory_space<vmem>>, vector<16xf32>,
          %parallel_loop3A_171 = arith.mulf %parallel_loop3A_170, %parallel_loop3A_166 : vector<16xf32>
          %parallel_loop3A_172 = arith.index_cast %parallel_loop3A_141 : i32 to index
          %parallel_loop3A_173 = arith.constant 32 : index
          %parallel_loop3A_174 = tpu.vector_load %arg12[%parallel_loop3A_172, %parallel_loop3A_173] {strides = array<i32>} : memref<80x128xf32, #tpu.memory_space<vmem>>, vector<16xf32>,
          tpu.vector_store %arg12[%parallel_loop3A_172, %parallel_loop3A_173], %parallel_loop3A_171 {strides = array<i32>} : memref<80x128xf32, #tpu.memory_space<vmem>>, vector<16xf32>,
          %parallel_loop3A_175 = arith.index_cast %parallel_loop3A_141 : i32 to index
          %parallel_loop3A_176 = arith.constant 48 : index
          %parallel_loop3A_177 = tpu.vector_load %arg12[%parallel_loop3A_175, %parallel_loop3A_176] {strides = array<i32>} : memref<80x128xf32, #tpu.memory_space<vmem>>, vector<16xf32>,
          %parallel_loop3A_178 = arith.mulf %parallel_loop3A_177, %parallel_loop3A_167 : vector<16xf32>
          %parallel_loop3A_179 = arith.index_cast %parallel_loop3A_141 : i32 to index
          %parallel_loop3A_180 = arith.constant 48 : index
          %parallel_loop3A_181 = tpu.vector_load %arg12[%parallel_loop3A_179, %parallel_loop3A_180] {strides = array<i32>} : memref<80x128xf32, #tpu.memory_space<vmem>>, vector<16xf32>,
          tpu.vector_store %arg12[%parallel_loop3A_179, %parallel_loop3A_180], %parallel_loop3A_178 {strides = array<i32>} : memref<80x128xf32, #tpu.memory_space<vmem>>, vector<16xf32>,
          %parallel_loop3A_182 = arith.index_cast %parallel_loop3A_141 : i32 to index
          %parallel_loop3A_183 = arith.constant 32 : index
          %parallel_loop3A_184 = tpu.vector_load %arg14[%parallel_loop3A_182, %parallel_loop3A_183] {strides = array<i32>} : memref<80x64xi32, #tpu.memory_space<vmem>>, vector<16xi32>,
          %parallel_loop3A_185 = vector.bitcast %parallel_loop3A_184 : vector<16xi32> to vector<32xbf16>
          %parallel_loop3A_186 = tpu.unpack_subelements %parallel_loop3A_185, 0 {pack_format = #tpu.pack_format<interleaved>} : vector<32xbf16> -> vector<16xf32>
          %parallel_loop3A_187 = tpu.unpack_subelements %parallel_loop3A_185, 1 {pack_format = #tpu.pack_format<interleaved>} : vector<32xbf16> -> vector<16xf32>
          %parallel_loop3A_188 = arith.index_cast %parallel_loop3A_141 : i32 to index
          %parallel_loop3A_189 = arith.constant 64 : index
          %parallel_loop3A_190 = tpu.vector_load %arg12[%parallel_loop3A_188, %parallel_loop3A_189] {strides = array<i32>} : memref<80x128xf32, #tpu.memory_space<vmem>>, vector<16xf32>,
          %parallel_loop3A_191 = arith.mulf %parallel_loop3A_190, %parallel_loop3A_186 : vector<16xf32>
          %parallel_loop3A_192 = arith.index_cast %parallel_loop3A_141 : i32 to index
          %parallel_loop3A_193 = arith.constant 64 : index
          %parallel_loop3A_194 = tpu.vector_load %arg12[%parallel_loop3A_192, %parallel_loop3A_193] {strides = array<i32>} : memref<80x128xf32, #tpu.memory_space<vmem>>, vector<16xf32>,
          tpu.vector_store %arg12[%parallel_loop3A_192, %parallel_loop3A_193], %parallel_loop3A_191 {strides = array<i32>} : memref<80x128xf32, #tpu.memory_space<vmem>>, vector<16xf32>,
          %parallel_loop3A_195 = arith.index_cast %parallel_loop3A_141 : i32 to index
          %parallel_loop3A_196 = arith.constant 80 : index
          %parallel_loop3A_197 = tpu.vector_load %arg12[%parallel_loop3A_195, %parallel_loop3A_196] {strides = array<i32>} : memref<80x128xf32, #tpu.memory_space<vmem>>, vector<16xf32>,
          %parallel_loop3A_198 = arith.mulf %parallel_loop3A_197, %parallel_loop3A_187 : vector<16xf32>
          %parallel_loop3A_199 = arith.index_cast %parallel_loop3A_141 : i32 to index
          %parallel_loop3A_200 = arith.constant 80 : index
          %parallel_loop3A_201 = tpu.vector_load %arg12[%parallel_loop3A_199, %parallel_loop3A_200] {strides = array<i32>} : memref<80x128xf32, #tpu.memory_space<vmem>>, vector<16xf32>,
          tpu.vector_store %arg12[%parallel_loop3A_199, %parallel_loop3A_200], %parallel_loop3A_198 {strides = array<i32>} : memref<80x128xf32, #tpu.memory_space<vmem>>, vector<16xf32>,
          %parallel_loop3A_202 = arith.index_cast %parallel_loop3A_141 : i32 to index
          %parallel_loop3A_203 = arith.constant 48 : index
          %parallel_loop3A_204 = tpu.vector_load %arg14[%parallel_loop3A_202, %parallel_loop3A_203] {strides = array<i32>} : memref<80x64xi32, #tpu.memory_space<vmem>>, vector<16xi32>,
          %parallel_loop3A_205 = vector.bitcast %parallel_loop3A_204 : vector<16xi32> to vector<32xbf16>
          %parallel_loop3A_206 = tpu.unpack_subelements %parallel_loop3A_205, 0 {pack_format = #tpu.pack_format<interleaved>} : vector<32xbf16> -> vector<16xf32>
          %parallel_loop3A_207 = tpu.unpack_subelements %parallel_loop3A_205, 1 {pack_format = #tpu.pack_format<interleaved>} : vector<32xbf16> -> vector<16xf32>
          %parallel_loop3A_208 = arith.index_cast %parallel_loop3A_141 : i32 to index
          %parallel_loop3A_209 = arith.constant 96 : index
          %parallel_loop3A_210 = tpu.vector_load %arg12[%parallel_loop3A_208, %parallel_loop3A_209] {strides = array<i32>} : memref<80x128xf32, #tpu.memory_space<vmem>>, vector<16xf32>,
          %parallel_loop3A_211 = arith.mulf %parallel_loop3A_210, %parallel_loop3A_206 : vector<16xf32>
          %parallel_loop3A_212 = arith.index_cast %parallel_loop3A_141 : i32 to index
          %parallel_loop3A_213 = arith.constant 96 : index
          %parallel_loop3A_214 = tpu.vector_load %arg12[%parallel_loop3A_212, %parallel_loop3A_213] {strides = array<i32>} : memref<80x128xf32, #tpu.memory_space<vmem>>, vector<16xf32>,
          tpu.vector_store %arg12[%parallel_loop3A_212, %parallel_loop3A_213], %parallel_loop3A_211 {strides = array<i32>} : memref<80x128xf32, #tpu.memory_space<vmem>>, vector<16xf32>,
          %parallel_loop3A_215 = arith.index_cast %parallel_loop3A_141 : i32 to index
          %parallel_loop3A_216 = arith.constant 112 : index
          %parallel_loop3A_217 = tpu.vector_load %arg12[%parallel_loop3A_215, %parallel_loop3A_216] {strides = array<i32>} : memref<80x128xf32, #tpu.memory_space<vmem>>, vector<16xf32>,
          %parallel_loop3A_218 = arith.mulf %parallel_loop3A_217, %parallel_loop3A_207 : vector<16xf32>
          %parallel_loop3A_219 = arith.index_cast %parallel_loop3A_141 : i32 to index
          %parallel_loop3A_220 = arith.constant 112 : index
          %parallel_loop3A_221 = tpu.vector_load %arg12[%parallel_loop3A_219, %parallel_loop3A_220] {strides = array<i32>} : memref<80x128xf32, #tpu.memory_space<vmem>>, vector<16xf32>,
          tpu.vector_store %arg12[%parallel_loop3A_219, %parallel_loop3A_220], %parallel_loop3A_218 {strides = array<i32>} : memref<80x128xf32, #tpu.memory_space<vmem>>, vector<16xf32>,
        } {sc.loop_unroll_factor = 4 : i64, sc.parallel_access}
        %get3A = arith.constant 80 : index
        %get3A_120 = tpu.vector_load %arg8[%get3A] {strides = array<i32>} : memref<160xi32, #tpu.memory_space<vmem>>, vector<16xi32>,
        %swap3A = arith.constant 0 : index
        %swap3A_121 = tpu.vector_load %arg10[%swap3A] {strides = array<i32>} : memref<80xi32, #tpu.memory_space<vmem>>, vector<16xi32>,
        tpu.vector_store %arg10[%swap3A], %get3A_120 {strides = array<i32>} : memref<80xi32, #tpu.memory_space<vmem>>, vector<16xi32>,
        %get3A_122 = arith.constant 96 : index
        %get3A_123 = tpu.vector_load %arg8[%get3A_122] {strides = array<i32>} : memref<160xi32, #tpu.memory_space<vmem>>, vector<16xi32>,
        %swap3A_124 = arith.constant 16 : index
        %swap3A_125 = tpu.vector_load %arg10[%swap3A_124] {strides = array<i32>} : memref<80xi32, #tpu.memory_space<vmem>>, vector<16xi32>,
        tpu.vector_store %arg10[%swap3A_124], %get3A_123 {strides = array<i32>} : memref<80xi32, #tpu.memory_space<vmem>>, vector<16xi32>,
        %get3A_126 = arith.constant 112 : index
        %get3A_127 = tpu.vector_load %arg8[%get3A_126] {strides = array<i32>} : memref<160xi32, #tpu.memory_space<vmem>>, vector<16xi32>,
        %swap3A_128 = arith.constant 32 : index
        %swap3A_129 = tpu.vector_load %arg10[%swap3A_128] {strides = array<i32>} : memref<80xi32, #tpu.memory_space<vmem>>, vector<16xi32>,
        tpu.vector_store %arg10[%swap3A_128], %get3A_127 {strides = array<i32>} : memref<80xi32, #tpu.memory_space<vmem>>, vector<16xi32>,
        %get3A_130 = arith.constant 128 : index
        %get3A_131 = tpu.vector_load %arg8[%get3A_130] {strides = array<i32>} : memref<160xi32, #tpu.memory_space<vmem>>, vector<16xi32>,
        %swap3A_132 = arith.constant 48 : index
        %swap3A_133 = tpu.vector_load %arg10[%swap3A_132] {strides = array<i32>} : memref<80xi32, #tpu.memory_space<vmem>>, vector<16xi32>,
        tpu.vector_store %arg10[%swap3A_132], %get3A_131 {strides = array<i32>} : memref<80xi32, #tpu.memory_space<vmem>>, vector<16xi32>,
        %get3A_134 = arith.constant 144 : index
        %get3A_135 = tpu.vector_load %arg8[%get3A_134] {strides = array<i32>} : memref<160xi32, #tpu.memory_space<vmem>>, vector<16xi32>,
        %swap3A_136 = arith.constant 64 : index
        %swap3A_137 = tpu.vector_load %arg10[%swap3A_136] {strides = array<i32>} : memref<80xi32, #tpu.memory_space<vmem>>, vector<16xi32>,
        tpu.vector_store %arg10[%swap3A_136], %get3A_135 {strides = array<i32>} : memref<80xi32, #tpu.memory_space<vmem>>, vector<16xi32>,
        %dma_start3A_138 = arith.constant 0 : i32
        %dma_start3A_139 = arith.constant 0 : i32
        %dma_start3A_140 = tpu.memref_slice %arg15[%dma_start3A_138, %dma_start3A_139] : memref<10112x128xf32, #tpu.memory_space<vmem_shared>> -> memref<10112x128xf32, #tpu.memory_space<vmem_shared>>
        tpu.enqueue_indirect_dma source(%arg12 : memref<80x128xf32, #tpu.memory_space<vmem>>) target(%dma_start3A_140 : memref<10112x128xf32, #tpu.memory_space<vmem_shared>>) offsets(%arg10 : memref<80xi32, #tpu.memory_space<vmem>>) semaphore(%arg23 : memref<!tpu.dma_semaphore, #tpu.memory_space<semaphore_mem>>) {add = true}
      } else {
      }
      %add3A_99 = arith.constant 2 : i32
      %add3A_100 = arith.addi %add3A_86, %add3A_99 : i32
      %lt3A_101 = arith.constant 50 : i32
      %lt3A_102 = arith.cmpi slt, %add3A_100, %lt3A_101 : i32
      %convert_element_type3A_103 = arith.extui %lt3A_102 : i1 to i32
      %cond3A_104 = arith.constant 0 : i32
      %cond3A_105 = arith.cmpi ne, %convert_element_type3A_103, %cond3A_104 : i32
      scf.if %cond3A_105 {
        %add3A_106 = arith.constant 2 : i32
        %add3A_107 = arith.addi %add3A_86, %add3A_106 : i32
        %mul3A_108 = arith.constant 50 : i32
        %mul3A_109 = arith.muli %add3A, %mul3A_108 : i32
        %add3A_110 = arith.addi %mul3A_109, %add3A_107 : i32
        %mul3A_111 = arith.constant 2 : i32
        %mul3A_112 = arith.muli %add3A_110, %mul3A_111 : i32
        %mul3A_113 = arith.constant 80 : i32
        %mul3A_114 = arith.muli %mul3A_112, %mul3A_113 : i32
        %dma_start3A_115 = tpu.memref_slice %arg4[%mul3A_114] : memref<256000xi32, #tpu.memory_space<hbm>> -> memref<160xi32, #tpu.memory_space<hbm>>
        %dma_start3A_116 = tpu.memref_slice %arg4[%mul3A_114] : memref<256000xi32, #tpu.memory_space<hbm>> -> memref<160xi32, #tpu.memory_space<hbm>>
        tpu.enqueue_dma source(%dma_start3A_116 : memref<160xi32, #tpu.memory_space<hbm>>) target(%arg8 : memref<160xi32, #tpu.memory_space<vmem>>) target_semaphore(%arg21 : memref<!tpu.dma_semaphore, #tpu.memory_space<semaphore_mem>>)
      } else {
      }
    }
    %scan3A_44 = arith.constant 25 : i32
    %dma_wait3A_45 = arith.constant 0 : i32
    %dma_wait3A_46 = arith.constant 0 : i32
    %dma_wait3A_47 = tpu.memref_slice %arg2[%dma_wait3A_45, %dma_wait3A_46] : memref<10000x128xf32, #tpu.memory_space<hbm>> -> memref<80x128xf32, #tpu.memory_space<hbm>>
    %dma_wait3A_48 = arith.constant 0 : i32
    %dma_wait3A_49 = arith.constant 0 : i32
    %dma_wait3A_50 = tpu.memref_slice %arg2[%dma_wait3A_48, %dma_wait3A_49] : memref<10000x128xf32, #tpu.memory_space<hbm>> -> memref<80x128xf32, #tpu.memory_space<hbm>>
    tpu.wait_dma2 semaphore(%arg23 : memref<!tpu.dma_semaphore, #tpu.memory_space<semaphore_mem>>) src(%dma_wait3A_50 : memref<80x128xf32, #tpu.memory_space<hbm>>) dst(%arg12 : memref<80x128xf32, #tpu.memory_space<vmem>>)
    %dma_wait3A_51 = arith.constant 0 : i32
    %dma_wait3A_52 = arith.constant 0 : i32
    %dma_wait3A_53 = tpu.memref_slice %arg2[%dma_wait3A_51, %dma_wait3A_52] : memref<10000x128xf32, #tpu.memory_space<hbm>> -> memref<80x128xf32, #tpu.memory_space<hbm>>
    %dma_wait3A_54 = arith.constant 0 : i32
    %dma_wait3A_55 = arith.constant 0 : i32
    %dma_wait3A_56 = tpu.memref_slice %arg2[%dma_wait3A_54, %dma_wait3A_55] : memref<10000x128xf32, #tpu.memory_space<hbm>> -> memref<80x128xf32, #tpu.memory_space<hbm>>
    tpu.wait_dma2 semaphore(%arg22 : memref<!tpu.dma_semaphore, #tpu.memory_space<semaphore_mem>>) src(%dma_wait3A_56 : memref<80x128xf32, #tpu.memory_space<hbm>>) dst(%arg11 : memref<80x128xf32, #tpu.memory_space<vmem>>)
    %barrier3A_57 = arith.constant 0 : index
    tpu.barrier barrier_id(%barrier3A_57)
    %mul3A_58 = arith.constant 632 : i32
    %mul3A_59 = arith.muli %arg1, %mul3A_58 : i32
    %mul3A_60 = arith.constant 632 : i32
    %mul3A_61 = arith.muli %arg1, %mul3A_60 : i32
    "tpu.region"() ({
      %run_scoped3A = tpu.sem_alloc : memref<!tpu.dma_semaphore, #tpu.memory_space<semaphore_mem>>
      %dma_start3A_62 = arith.constant 0 : i32
      %dma_start3A_63 = tpu.memref_slice %arg6[%arg0, %mul3A_61, %dma_start3A_62] : memref<2x10112x128xf32, #tpu.memory_space<hbm>> -> memref<1x632x128xf32, #tpu.memory_space<hbm>>
      %dma_start3A_64 = tpu.memref_squeeze %dma_start3A_63 : memref<1x632x128xf32, #tpu.memory_space<hbm>> -> memref<632x128xf32, #tpu.memory_space<hbm>>
      %dma_start3A_65 = arith.constant 0 : i32
      %dma_start3A_66 = tpu.memref_slice %arg15[%mul3A_59, %dma_start3A_65] : memref<10112x128xf32, #tpu.memory_space<vmem_shared>> -> memref<632x128xf32, #tpu.memory_space<vmem_shared>>
      tpu.enqueue_dma source(%dma_start3A_66 : memref<632x128xf32, #tpu.memory_space<vmem_shared>>) target(%dma_start3A_64 : memref<632x128xf32, #tpu.memory_space<hbm>>) target_semaphore(%run_scoped3A : memref<!tpu.dma_semaphore, #tpu.memory_space<semaphore_mem>>)
      %dma_wait3A_67 = arith.constant 0 : i32
      %dma_wait3A_68 = tpu.memref_slice %arg6[%arg0, %mul3A_61, %dma_wait3A_67] : memref<2x10112x128xf32, #tpu.memory_space<hbm>> -> memref<1x632x128xf32, #tpu.memory_space<hbm>>
      %dma_wait3A_69 = tpu.memref_squeeze %dma_wait3A_68 : memref<1x632x128xf32, #tpu.memory_space<hbm>> -> memref<632x128xf32, #tpu.memory_space<hbm>>
      %dma_wait3A_70 = arith.constant 0 : i32
      %dma_wait3A_71 = tpu.memref_slice %arg15[%mul3A_59, %dma_wait3A_70] : memref<10112x128xf32, #tpu.memory_space<vmem_shared>> -> memref<632x128xf32, #tpu.memory_space<vmem_shared>>
      tpu.wait_dma2 semaphore(%run_scoped3A : memref<!tpu.dma_semaphore, #tpu.memory_space<semaphore_mem>>) src(%dma_wait3A_71 : memref<632x128xf32, #tpu.memory_space<vmem_shared>>) dst(%dma_wait3A_69 : memref<632x128xf32, #tpu.memory_space<hbm>>)
      tpu.yield
    }) : () -> ()
    return
  }
}

module attributes {stable_mosaic.version = 14 : i64} {
  func.func @_node_in_body(%arg0: i32, %arg1: memref<2000x128xf32, #tpu.memory_space<vmem>>, %arg2: memref<2000x16xf32, #tpu.memory_space<vmem>>, %arg3: memref<128x128xf32, #tpu.memory_space<vmem>>, %arg4: memref<1x128xf32, #tpu.memory_space<vmem>>, %arg5: memref<16x128xf32, #tpu.memory_space<vmem>>, %arg6: memref<128x128xf32, #tpu.memory_space<vmem>>, %arg7: memref<2000x128xf32, #tpu.memory_space<vmem>>, %arg8: memref<2000x128xf32, #tpu.memory_space<vmem>>) attributes {dimension_semantics = [#tpu.dimension_semantics<parallel>], iteration_bounds = array<i64: 5>, scalar_prefetch = 0 : i64, scratch_operands = 0 : i64, tpu.core_type = #tpu.core_type<tc>, window_params = [{transform_indices = @transform_0, window_bounds = array<i64: 2000, 128>}, {transform_indices = @transform_1, window_bounds = array<i64: 2000, 16>}, {pipeline_mode = #tpu.pipeline_mode<synchronous>, transform_indices = @transform_2, window_bounds = array<i64: 128, 128>}, {pipeline_mode = #tpu.pipeline_mode<synchronous>, transform_indices = @transform_3, window_bounds = array<i64: 1, 128>}, {pipeline_mode = #tpu.pipeline_mode<synchronous>, transform_indices = @transform_4, window_bounds = array<i64: 16, 128>}, {pipeline_mode = #tpu.pipeline_mode<synchronous>, transform_indices = @transform_5, window_bounds = array<i64: 128, 128>}, {transform_indices = @transform_6, window_bounds = array<i64: 2000, 128>}, {transform_indices = @transform_7, window_bounds = array<i64: 2000, 128>}]} {
    %get3A = arith.constant 0 : index
    %get3A_0 = arith.constant 0 : index
    %get3A_1 = vector.load %arg1[%get3A, %get3A_0] : memref<2000x128xf32, #tpu.memory_space<vmem>>, vector<2000x128xf32>
    %get3A_2 = arith.constant 0 : index
    %get3A_3 = arith.constant 0 : index
    %get3A_4 = vector.load %arg3[%get3A_2, %get3A_3] : memref<128x128xf32, #tpu.memory_space<vmem>>, vector<128x128xf32>
    %dot_general3A = arith.constant dense<0.000000e+00> : vector<2000x128xf32>
    %dot_general3A_5 = tpu.matmul %get3A_1, %get3A_4, %dot_general3A {dimension_numbers = #tpu.dot_dimension_numbers<[1], [0], [0], [1], [0, 0, 1, 1], [], []>, transpose_lhs_hint = false} : vector<2000x128xf32>, vector<128x128xf32>, vector<2000x128xf32> -> vector<2000x128xf32>
    %get3A_6 = arith.constant 0 : index
    %get3A_7 = arith.constant 0 : index
    %get3A_8 = vector.load %arg4[%get3A_6, %get3A_7] : memref<1x128xf32, #tpu.memory_space<vmem>>, vector<1x128xf32>
    %add3A = vector.broadcast %get3A_8 : vector<1x128xf32> to vector<2000x128xf32>
    %add3A_9 = arith.addf %dot_general3A_5, %add3A : vector<2000x128xf32>
    %max3A = arith.constant 0.000000e+00 : f32
    %max3A_10 = vector.broadcast %max3A : f32 to vector<2000x128xf32>
    %max3A_11 = arith.maximumf %add3A_9, %max3A_10 : vector<2000x128xf32>
    %get3A_12 = arith.constant 0 : index
    %get3A_13 = arith.constant 0 : index
    %get3A_14 = vector.load %arg2[%get3A_12, %get3A_13] : memref<2000x16xf32, #tpu.memory_space<vmem>>, vector<2000x16xf32>
    %get3A_15 = arith.constant 0 : index
    %get3A_16 = arith.constant 0 : index
    %get3A_17 = vector.load %arg5[%get3A_15, %get3A_16] : memref<16x128xf32, #tpu.memory_space<vmem>>, vector<16x128xf32>
    %dot_general3A_18 = arith.constant dense<0.000000e+00> : vector<2000x128xf32>
    %dot_general3A_19 = tpu.matmul %get3A_14, %get3A_17, %dot_general3A_18 {dimension_numbers = #tpu.dot_dimension_numbers<[1], [0], [0], [1], [0, 0, 1, 1], [], []>, transpose_lhs_hint = false} : vector<2000x16xf32>, vector<16x128xf32>, vector<2000x128xf32> -> vector<2000x128xf32>
    %add3A_20 = arith.addf %max3A_11, %dot_general3A_19 : vector<2000x128xf32>
    %swap3A = arith.constant 0 : index
    %swap3A_21 = arith.constant 0 : index
    %swap3A_22 = vector.load %arg7[%swap3A, %swap3A_21] : memref<2000x128xf32, #tpu.memory_space<vmem>>, vector<2000x128xf32>
    tpu.vector_store %arg7[%swap3A, %swap3A_21], %add3A_20 {strides = array<i32>} : memref<2000x128xf32, #tpu.memory_space<vmem>>, vector<2000x128xf32>,
    %get3A_23 = arith.constant 0 : index
    %get3A_24 = arith.constant 0 : index
    %get3A_25 = vector.load %arg6[%get3A_23, %get3A_24] : memref<128x128xf32, #tpu.memory_space<vmem>>, vector<128x128xf32>
    %dot_general3A_26 = arith.constant dense<0.000000e+00> : vector<2000x128xf32>
    %dot_general3A_27 = tpu.matmul %add3A_20, %get3A_25, %dot_general3A_26 {dimension_numbers = #tpu.dot_dimension_numbers<[1], [0], [0], [1], [0, 0, 1, 1], [], []>, transpose_lhs_hint = false} : vector<2000x128xf32>, vector<128x128xf32>, vector<2000x128xf32> -> vector<2000x128xf32>
    %swap3A_28 = arith.constant 0 : index
    %swap3A_29 = arith.constant 0 : index
    %swap3A_30 = vector.load %arg8[%swap3A_28, %swap3A_29] : memref<2000x128xf32, #tpu.memory_space<vmem>>, vector<2000x128xf32>
    tpu.vector_store %arg8[%swap3A_28, %swap3A_29], %dot_general3A_27 {strides = array<i32>} : memref<2000x128xf32, #tpu.memory_space<vmem>>, vector<2000x128xf32>,
    return
  }
  func.func @transform_0(%arg0: i32) -> (i32, i32) {
    %c0_i32 = arith.constant 0 : i32
    %c0_i32_0 = arith.constant 0 : i32
    return %arg0, %c0_i32 : i32, i32
  }
  func.func @transform_1(%arg0: i32) -> (i32, i32) {
    %c0_i32 = arith.constant 0 : i32
    %c0_i32_0 = arith.constant 0 : i32
    return %arg0, %c0_i32 : i32, i32
  }
  func.func @transform_2(%arg0: i32) -> (i32, i32) {
    %c0_i32 = arith.constant 0 : i32
    %c0_i32_0 = arith.constant 0 : i32
    %c0_i32_1 = arith.constant 0 : i32
    return %c0_i32, %c0_i32_0 : i32, i32
  }
  func.func @transform_3(%arg0: i32) -> (i32, i32) {
    %c0_i32 = arith.constant 0 : i32
    %c0_i32_0 = arith.constant 0 : i32
    %c0_i32_1 = arith.constant 0 : i32
    return %c0_i32, %c0_i32_0 : i32, i32
  }
  func.func @transform_4(%arg0: i32) -> (i32, i32) {
    %c0_i32 = arith.constant 0 : i32
    %c0_i32_0 = arith.constant 0 : i32
    %c0_i32_1 = arith.constant 0 : i32
    return %c0_i32, %c0_i32_0 : i32, i32
  }
  func.func @transform_5(%arg0: i32) -> (i32, i32) {
    %c0_i32 = arith.constant 0 : i32
    %c0_i32_0 = arith.constant 0 : i32
    %c0_i32_1 = arith.constant 0 : i32
    return %c0_i32, %c0_i32_0 : i32, i32
  }
  func.func @transform_6(%arg0: i32) -> (i32, i32) {
    %c0_i32 = arith.constant 0 : i32
    %c0_i32_0 = arith.constant 0 : i32
    return %arg0, %c0_i32 : i32, i32
  }
  func.func @transform_7(%arg0: i32) -> (i32, i32) {
    %c0_i32 = arith.constant 0 : i32
    %c0_i32_0 = arith.constant 0 : i32
    return %arg0, %c0_i32 : i32, i32
  }
}

module attributes {stable_mosaic.version = 14 : i64} {
  func.func @_gates_body(%arg0: i32, %arg1: memref<4000x16xf32, #tpu.memory_space<vmem>>, %arg2: memref<4000x16xf32, #tpu.memory_space<vmem>>, %arg3: memref<16x64xf32, #tpu.memory_space<vmem>>, %arg4: memref<16x64xf32, #tpu.memory_space<vmem>>, %arg5: memref<16x64xf32, #tpu.memory_space<vmem>>, %arg6: memref<16x64xf32, #tpu.memory_space<vmem>>, %arg7: memref<16x64xf32, #tpu.memory_space<vmem>>, %arg8: memref<16x64xf32, #tpu.memory_space<vmem>>, %arg9: memref<4000x64xi32, #tpu.memory_space<vmem>>, %arg10: memref<4000x64xi32, #tpu.memory_space<vmem>>) attributes {dimension_semantics = [#tpu.dimension_semantics<parallel>], iteration_bounds = array<i64: 48>, scalar_prefetch = 0 : i64, scratch_operands = 0 : i64, tpu.core_type = #tpu.core_type<tc>, window_params = [{transform_indices = @transform_0, window_bounds = array<i64: 4000, 16>}, {transform_indices = @transform_1, window_bounds = array<i64: 4000, 16>}, {pipeline_mode = #tpu.pipeline_mode<synchronous>, transform_indices = @transform_2, window_bounds = array<i64: 16, 64>}, {pipeline_mode = #tpu.pipeline_mode<synchronous>, transform_indices = @transform_3, window_bounds = array<i64: 16, 64>}, {pipeline_mode = #tpu.pipeline_mode<synchronous>, transform_indices = @transform_4, window_bounds = array<i64: 16, 64>}, {pipeline_mode = #tpu.pipeline_mode<synchronous>, transform_indices = @transform_5, window_bounds = array<i64: 16, 64>}, {pipeline_mode = #tpu.pipeline_mode<synchronous>, transform_indices = @transform_6, window_bounds = array<i64: 16, 64>}, {pipeline_mode = #tpu.pipeline_mode<synchronous>, transform_indices = @transform_7, window_bounds = array<i64: 16, 64>}, {transform_indices = @transform_8, window_bounds = array<i64: 4000, 64>}, {transform_indices = @transform_9, window_bounds = array<i64: 4000, 64>}]} {
    %get3A = arith.constant 0 : index
    %get3A_0 = arith.constant 0 : index
    %get3A_1 = vector.load %arg1[%get3A, %get3A_0] : memref<4000x16xf32, #tpu.memory_space<vmem>>, vector<4000x16xf32>
    %get3A_2 = arith.constant 0 : index
    %get3A_3 = arith.constant 0 : index
    %get3A_4 = vector.load %arg2[%get3A_2, %get3A_3] : memref<4000x16xf32, #tpu.memory_space<vmem>>, vector<4000x16xf32>
    %slice3A = vector.extract_strided_slice %get3A_4 {offsets = [0, 0], sizes = [4000, 1], strides = [1, 1]} : vector<4000x16xf32> to vector<4000x1xf32>
    %ne3A = arith.constant 0.000000e+00 : f32
    %ne3A_5 = vector.broadcast %ne3A : f32 to vector<4000x1xf32>
    %ne3A_6 = arith.cmpf one, %slice3A, %ne3A_5 : vector<4000x1xf32>
    %convert_element_type3A = arith.extui %ne3A_6 : vector<4000x1xi1> to vector<4000x1xi32>
    %convert_element_type3A_7 = arith.sitofp %convert_element_type3A : vector<4000x1xi32> to vector<4000x1xf32>
    %get3A_8 = arith.constant 0 : index
    %get3A_9 = arith.constant 0 : index
    %get3A_10 = vector.load %arg3[%get3A_8, %get3A_9] : memref<16x64xf32, #tpu.memory_space<vmem>>, vector<16x64xf32>
    %dot_general3A = arith.constant dense<0.000000e+00> : vector<4000x64xf32>
    %dot_general3A_11 = tpu.matmul %get3A_1, %get3A_10, %dot_general3A {dimension_numbers = #tpu.dot_dimension_numbers<[1], [0], [0], [1], [0, 0, 1, 1], [], []>, transpose_lhs_hint = false} : vector<4000x16xf32>, vector<16x64xf32>, vector<4000x64xf32> -> vector<4000x64xf32>
    %max3A = arith.constant 0.000000e+00 : f32
    %max3A_12 = vector.broadcast %max3A : f32 to vector<4000x64xf32>
    %max3A_13 = arith.maximumf %dot_general3A_11, %max3A_12 : vector<4000x64xf32>
    %get3A_14 = arith.constant 0 : index
    %get3A_15 = arith.constant 0 : index
    %get3A_16 = vector.load %arg5[%get3A_14, %get3A_15] : memref<16x64xf32, #tpu.memory_space<vmem>>, vector<16x64xf32>
    %dot_general3A_17 = arith.constant dense<0.000000e+00> : vector<4000x64xf32>
    %dot_general3A_18 = tpu.matmul %get3A_4, %get3A_16, %dot_general3A_17 {dimension_numbers = #tpu.dot_dimension_numbers<[1], [0], [0], [1], [0, 0, 1, 1], [], []>, transpose_lhs_hint = false} : vector<4000x16xf32>, vector<16x64xf32>, vector<4000x64xf32> -> vector<4000x64xf32>
    %mul3A = vector.broadcast %convert_element_type3A_7 : vector<4000x1xf32> to vector<4000x64xf32>
    %mul3A_19 = arith.mulf %dot_general3A_18, %mul3A : vector<4000x64xf32>
    %add3A = arith.addf %max3A_13, %mul3A_19 : vector<4000x64xf32>
    %get3A_20 = arith.constant 0 : index
    %get3A_21 = arith.constant 0 : index
    %get3A_22 = vector.load %arg7[%get3A_20, %get3A_21] : memref<16x64xf32, #tpu.memory_space<vmem>>, vector<16x64xf32>
    %dot_general3A_23 = arith.constant dense<0.000000e+00> : vector<4000x64xf32>
    %dot_general3A_24 = tpu.matmul %get3A_4, %get3A_22, %dot_general3A_23 {dimension_numbers = #tpu.dot_dimension_numbers<[1], [0], [0], [1], [0, 0, 1, 1], [], []>, transpose_lhs_hint = false} : vector<4000x16xf32>, vector<16x64xf32>, vector<4000x64xf32> -> vector<4000x64xf32>
    %add3A_25 = arith.addf %add3A, %dot_general3A_24 : vector<4000x64xf32>
    %neg3A = arith.constant 0.000000e+00 : f32
    %neg3A_26 = vector.broadcast %neg3A : f32 to vector<4000x64xf32>
    %neg3A_27 = arith.subf %neg3A_26, %add3A : vector<4000x64xf32>
    %exp3A = math.exp %neg3A_27 : vector<4000x64xf32>
    %add3A_28 = arith.constant 1.000000e+00 : f32
    %add3A_29 = vector.broadcast %add3A_28 : f32 to vector<4000x64xf32>
    %add3A_30 = arith.addf %add3A_29, %exp3A : vector<4000x64xf32>
    %div3A = arith.constant 1.000000e+00 : f32
    %div3A_31 = vector.broadcast %div3A : f32 to vector<4000x64xf32>
    %div3A_32 = arith.divf %div3A_31, %add3A_30 : vector<4000x64xf32>
    %neg3A_33 = arith.constant 0.000000e+00 : f32
    %neg3A_34 = vector.broadcast %neg3A_33 : f32 to vector<4000x64xf32>
    %neg3A_35 = arith.subf %neg3A_34, %add3A_25 : vector<4000x64xf32>
    %exp3A_36 = math.exp %neg3A_35 : vector<4000x64xf32>
    %add3A_37 = arith.constant 1.000000e+00 : f32
    %add3A_38 = vector.broadcast %add3A_37 : f32 to vector<4000x64xf32>
    %add3A_39 = arith.addf %add3A_38, %exp3A_36 : vector<4000x64xf32>
    %div3A_40 = arith.constant 1.000000e+00 : f32
    %div3A_41 = vector.broadcast %div3A_40 : f32 to vector<4000x64xf32>
    %div3A_42 = arith.divf %div3A_41, %add3A_39 : vector<4000x64xf32>
    %get3A_43 = arith.constant 0 : index
    %get3A_44 = arith.constant 0 : index
    %get3A_45 = vector.load %arg4[%get3A_43, %get3A_44] : memref<16x64xf32, #tpu.memory_space<vmem>>, vector<16x64xf32>
    %dot_general3A_46 = arith.constant dense<0.000000e+00> : vector<4000x64xf32>
    %dot_general3A_47 = tpu.matmul %get3A_1, %get3A_45, %dot_general3A_46 {dimension_numbers = #tpu.dot_dimension_numbers<[1], [0], [0], [1], [0, 0, 1, 1], [], []>, transpose_lhs_hint = false} : vector<4000x16xf32>, vector<16x64xf32>, vector<4000x64xf32> -> vector<4000x64xf32>
    %max3A_48 = arith.constant 0.000000e+00 : f32
    %max3A_49 = vector.broadcast %max3A_48 : f32 to vector<4000x64xf32>
    %max3A_50 = arith.maximumf %dot_general3A_47, %max3A_49 : vector<4000x64xf32>
    %get3A_51 = arith.constant 0 : index
    %get3A_52 = arith.constant 0 : index
    %get3A_53 = vector.load %arg6[%get3A_51, %get3A_52] : memref<16x64xf32, #tpu.memory_space<vmem>>, vector<16x64xf32>
    %dot_general3A_54 = arith.constant dense<0.000000e+00> : vector<4000x64xf32>
    %dot_general3A_55 = tpu.matmul %get3A_4, %get3A_53, %dot_general3A_54 {dimension_numbers = #tpu.dot_dimension_numbers<[1], [0], [0], [1], [0, 0, 1, 1], [], []>, transpose_lhs_hint = false} : vector<4000x16xf32>, vector<16x64xf32>, vector<4000x64xf32> -> vector<4000x64xf32>
    %mul3A_56 = vector.broadcast %convert_element_type3A_7 : vector<4000x1xf32> to vector<4000x64xf32>
    %mul3A_57 = arith.mulf %dot_general3A_55, %mul3A_56 : vector<4000x64xf32>
    %add3A_58 = arith.addf %max3A_50, %mul3A_57 : vector<4000x64xf32>
    %get3A_59 = arith.constant 0 : index
    %get3A_60 = arith.constant 0 : index
    %get3A_61 = vector.load %arg8[%get3A_59, %get3A_60] : memref<16x64xf32, #tpu.memory_space<vmem>>, vector<16x64xf32>
    %dot_general3A_62 = arith.constant dense<0.000000e+00> : vector<4000x64xf32>
    %dot_general3A_63 = tpu.matmul %get3A_4, %get3A_61, %dot_general3A_62 {dimension_numbers = #tpu.dot_dimension_numbers<[1], [0], [0], [1], [0, 0, 1, 1], [], []>, transpose_lhs_hint = false} : vector<4000x16xf32>, vector<16x64xf32>, vector<4000x64xf32> -> vector<4000x64xf32>
    %add3A_64 = arith.addf %add3A_58, %dot_general3A_63 : vector<4000x64xf32>
    %neg3A_65 = arith.constant 0.000000e+00 : f32
    %neg3A_66 = vector.broadcast %neg3A_65 : f32 to vector<4000x64xf32>
    %neg3A_67 = arith.subf %neg3A_66, %add3A_58 : vector<4000x64xf32>
    %exp3A_68 = math.exp %neg3A_67 : vector<4000x64xf32>
    %add3A_69 = arith.constant 1.000000e+00 : f32
    %add3A_70 = vector.broadcast %add3A_69 : f32 to vector<4000x64xf32>
    %add3A_71 = arith.addf %add3A_70, %exp3A_68 : vector<4000x64xf32>
    %div3A_72 = arith.constant 1.000000e+00 : f32
    %div3A_73 = vector.broadcast %div3A_72 : f32 to vector<4000x64xf32>
    %div3A_74 = arith.divf %div3A_73, %add3A_71 : vector<4000x64xf32>
    %neg3A_75 = arith.constant 0.000000e+00 : f32
    %neg3A_76 = vector.broadcast %neg3A_75 : f32 to vector<4000x64xf32>
    %neg3A_77 = arith.subf %neg3A_76, %add3A_64 : vector<4000x64xf32>
    %exp3A_78 = math.exp %neg3A_77 : vector<4000x64xf32>
    %add3A_79 = arith.constant 1.000000e+00 : f32
    %add3A_80 = vector.broadcast %add3A_79 : f32 to vector<4000x64xf32>
    %add3A_81 = arith.addf %add3A_80, %exp3A_78 : vector<4000x64xf32>
    %div3A_82 = arith.constant 1.000000e+00 : f32
    %div3A_83 = vector.broadcast %div3A_82 : f32 to vector<4000x64xf32>
    %div3A_84 = arith.divf %div3A_83, %add3A_81 : vector<4000x64xf32>
    %convert_element_type3A_85 = arith.truncf %div3A_32 : vector<4000x64xf32> to vector<4000x64xbf16>
    %bitcast_convert_type3A = tpu.bitcast %convert_element_type3A_85 : vector<4000x64xbf16> -> vector<4000x64xi16>
    %convert_element_type3A_86 = arith.extui %bitcast_convert_type3A : vector<4000x64xi16> to vector<4000x64xi32>
    %convert_element_type3A_87 = arith.truncf %div3A_74 : vector<4000x64xf32> to vector<4000x64xbf16>
    %bitcast_convert_type3A_88 = tpu.bitcast %convert_element_type3A_87 : vector<4000x64xbf16> -> vector<4000x64xi16>
    %convert_element_type3A_89 = arith.extui %bitcast_convert_type3A_88 : vector<4000x64xi16> to vector<4000x64xi32>
    %shift_left3A = arith.constant 16 : i32
    %shift_left3A_90 = vector.broadcast %shift_left3A : i32 to vector<4000x64xi32>
    %shift_left3A_91 = arith.shli %convert_element_type3A_89, %shift_left3A_90 : vector<4000x64xi32>
    %or3A = arith.ori %convert_element_type3A_86, %shift_left3A_91 : vector<4000x64xi32>
    %bitcast_convert_type3A_92 = tpu.bitcast %or3A : vector<4000x64xi32> -> vector<4000x64xi32>
    %swap3A = arith.constant 0 : index
    %swap3A_93 = arith.constant 0 : index
    %swap3A_94 = vector.load %arg9[%swap3A, %swap3A_93] : memref<4000x64xi32, #tpu.memory_space<vmem>>, vector<4000x64xi32>
    tpu.vector_store %arg9[%swap3A, %swap3A_93], %bitcast_convert_type3A_92 {strides = array<i32>} : memref<4000x64xi32, #tpu.memory_space<vmem>>, vector<4000x64xi32>,
    %convert_element_type3A_95 = arith.truncf %div3A_42 : vector<4000x64xf32> to vector<4000x64xbf16>
    %bitcast_convert_type3A_96 = tpu.bitcast %convert_element_type3A_95 : vector<4000x64xbf16> -> vector<4000x64xi16>
    %convert_element_type3A_97 = arith.extui %bitcast_convert_type3A_96 : vector<4000x64xi16> to vector<4000x64xi32>
    %convert_element_type3A_98 = arith.truncf %div3A_84 : vector<4000x64xf32> to vector<4000x64xbf16>
    %bitcast_convert_type3A_99 = tpu.bitcast %convert_element_type3A_98 : vector<4000x64xbf16> -> vector<4000x64xi16>
    %convert_element_type3A_100 = arith.extui %bitcast_convert_type3A_99 : vector<4000x64xi16> to vector<4000x64xi32>
    %shift_left3A_101 = arith.constant 16 : i32
    %shift_left3A_102 = vector.broadcast %shift_left3A_101 : i32 to vector<4000x64xi32>
    %shift_left3A_103 = arith.shli %convert_element_type3A_100, %shift_left3A_102 : vector<4000x64xi32>
    %or3A_104 = arith.ori %convert_element_type3A_97, %shift_left3A_103 : vector<4000x64xi32>
    %bitcast_convert_type3A_105 = tpu.bitcast %or3A_104 : vector<4000x64xi32> -> vector<4000x64xi32>
    %swap3A_106 = arith.constant 0 : index
    %swap3A_107 = arith.constant 0 : index
    %swap3A_108 = vector.load %arg10[%swap3A_106, %swap3A_107] : memref<4000x64xi32, #tpu.memory_space<vmem>>, vector<4000x64xi32>
    tpu.vector_store %arg10[%swap3A_106, %swap3A_107], %bitcast_convert_type3A_105 {strides = array<i32>} : memref<4000x64xi32, #tpu.memory_space<vmem>>, vector<4000x64xi32>,
    return
  }
  func.func @transform_0(%arg0: i32) -> (i32, i32) {
    %add3A = arith.constant 0 : i32
    %add3A_0 = arith.addi %arg0, %add3A : i32
    %c0_i32 = arith.constant 0 : i32
    %c0_i32_1 = arith.constant 0 : i32
    return %add3A_0, %c0_i32 : i32, i32
  }
  func.func @transform_1(%arg0: i32) -> (i32, i32) {
    %add3A = arith.constant 0 : i32
    %add3A_0 = arith.addi %arg0, %add3A : i32
    %c0_i32 = arith.constant 0 : i32
    %c0_i32_1 = arith.constant 0 : i32
    return %add3A_0, %c0_i32 : i32, i32
  }
  func.func @transform_2(%arg0: i32) -> (i32, i32) {
    %c0_i32 = arith.constant 0 : i32
    %c0_i32_0 = arith.constant 0 : i32
    %c0_i32_1 = arith.constant 0 : i32
    return %c0_i32, %c0_i32_0 : i32, i32
  }
  func.func @transform_3(%arg0: i32) -> (i32, i32) {
    %c0_i32 = arith.constant 0 : i32
    %c0_i32_0 = arith.constant 0 : i32
    %c0_i32_1 = arith.constant 0 : i32
    return %c0_i32, %c0_i32_0 : i32, i32
  }
  func.func @transform_4(%arg0: i32) -> (i32, i32) {
    %c0_i32 = arith.constant 0 : i32
    %c0_i32_0 = arith.constant 0 : i32
    %c0_i32_1 = arith.constant 0 : i32
    return %c0_i32, %c0_i32_0 : i32, i32
  }
  func.func @transform_5(%arg0: i32) -> (i32, i32) {
    %c0_i32 = arith.constant 0 : i32
    %c0_i32_0 = arith.constant 0 : i32
    %c0_i32_1 = arith.constant 0 : i32
    return %c0_i32, %c0_i32_0 : i32, i32
  }
  func.func @transform_6(%arg0: i32) -> (i32, i32) {
    %c0_i32 = arith.constant 0 : i32
    %c0_i32_0 = arith.constant 0 : i32
    %c0_i32_1 = arith.constant 0 : i32
    return %c0_i32, %c0_i32_0 : i32, i32
  }
  func.func @transform_7(%arg0: i32) -> (i32, i32) {
    %c0_i32 = arith.constant 0 : i32
    %c0_i32_0 = arith.constant 0 : i32
    %c0_i32_1 = arith.constant 0 : i32
    return %c0_i32, %c0_i32_0 : i32, i32
  }
  func.func @transform_8(%arg0: i32) -> (i32, i32) {
    %c0_i32 = arith.constant 0 : i32
    %c0_i32_0 = arith.constant 0 : i32
    return %arg0, %c0_i32 : i32, i32
  }
  func.func @transform_9(%arg0: i32) -> (i32, i32) {
    %c0_i32 = arith.constant 0 : i32
    %c0_i32_0 = arith.constant 0 : i32
    return %arg0, %c0_i32 : i32, i32
  }
}

module attributes {stable_mosaic.version = 14 : i64} {
  func.func @_gates_body(%arg0: i32, %arg1: memref<4000x16xf32, #tpu.memory_space<vmem>>, %arg2: memref<4000x16xf32, #tpu.memory_space<vmem>>, %arg3: memref<16x64xf32, #tpu.memory_space<vmem>>, %arg4: memref<16x64xf32, #tpu.memory_space<vmem>>, %arg5: memref<16x64xf32, #tpu.memory_space<vmem>>, %arg6: memref<16x64xf32, #tpu.memory_space<vmem>>, %arg7: memref<16x64xf32, #tpu.memory_space<vmem>>, %arg8: memref<16x64xf32, #tpu.memory_space<vmem>>, %arg9: memref<4000x64xi32, #tpu.memory_space<vmem>>, %arg10: memref<4000x64xi32, #tpu.memory_space<vmem>>) attributes {dimension_semantics = [#tpu.dimension_semantics<parallel>], iteration_bounds = array<i64: 32>, scalar_prefetch = 0 : i64, scratch_operands = 0 : i64, tpu.core_type = #tpu.core_type<tc>, window_params = [{transform_indices = @transform_0, window_bounds = array<i64: 4000, 16>}, {transform_indices = @transform_1, window_bounds = array<i64: 4000, 16>}, {pipeline_mode = #tpu.pipeline_mode<synchronous>, transform_indices = @transform_2, window_bounds = array<i64: 16, 64>}, {pipeline_mode = #tpu.pipeline_mode<synchronous>, transform_indices = @transform_3, window_bounds = array<i64: 16, 64>}, {pipeline_mode = #tpu.pipeline_mode<synchronous>, transform_indices = @transform_4, window_bounds = array<i64: 16, 64>}, {pipeline_mode = #tpu.pipeline_mode<synchronous>, transform_indices = @transform_5, window_bounds = array<i64: 16, 64>}, {pipeline_mode = #tpu.pipeline_mode<synchronous>, transform_indices = @transform_6, window_bounds = array<i64: 16, 64>}, {pipeline_mode = #tpu.pipeline_mode<synchronous>, transform_indices = @transform_7, window_bounds = array<i64: 16, 64>}, {transform_indices = @transform_8, window_bounds = array<i64: 4000, 64>}, {transform_indices = @transform_9, window_bounds = array<i64: 4000, 64>}]} {
    %get3A = arith.constant 0 : index
    %get3A_0 = arith.constant 0 : index
    %get3A_1 = vector.load %arg1[%get3A, %get3A_0] : memref<4000x16xf32, #tpu.memory_space<vmem>>, vector<4000x16xf32>
    %get3A_2 = arith.constant 0 : index
    %get3A_3 = arith.constant 0 : index
    %get3A_4 = vector.load %arg2[%get3A_2, %get3A_3] : memref<4000x16xf32, #tpu.memory_space<vmem>>, vector<4000x16xf32>
    %slice3A = vector.extract_strided_slice %get3A_4 {offsets = [0, 0], sizes = [4000, 1], strides = [1, 1]} : vector<4000x16xf32> to vector<4000x1xf32>
    %ne3A = arith.constant 0.000000e+00 : f32
    %ne3A_5 = vector.broadcast %ne3A : f32 to vector<4000x1xf32>
    %ne3A_6 = arith.cmpf one, %slice3A, %ne3A_5 : vector<4000x1xf32>
    %convert_element_type3A = arith.extui %ne3A_6 : vector<4000x1xi1> to vector<4000x1xi32>
    %convert_element_type3A_7 = arith.sitofp %convert_element_type3A : vector<4000x1xi32> to vector<4000x1xf32>
    %get3A_8 = arith.constant 0 : index
    %get3A_9 = arith.constant 0 : index
    %get3A_10 = vector.load %arg3[%get3A_8, %get3A_9] : memref<16x64xf32, #tpu.memory_space<vmem>>, vector<16x64xf32>
    %dot_general3A = arith.constant dense<0.000000e+00> : vector<4000x64xf32>
    %dot_general3A_11 = tpu.matmul %get3A_1, %get3A_10, %dot_general3A {dimension_numbers = #tpu.dot_dimension_numbers<[1], [0], [0], [1], [0, 0, 1, 1], [], []>, transpose_lhs_hint = false} : vector<4000x16xf32>, vector<16x64xf32>, vector<4000x64xf32> -> vector<4000x64xf32>
    %max3A = arith.constant 0.000000e+00 : f32
    %max3A_12 = vector.broadcast %max3A : f32 to vector<4000x64xf32>
    %max3A_13 = arith.maximumf %dot_general3A_11, %max3A_12 : vector<4000x64xf32>
    %get3A_14 = arith.constant 0 : index
    %get3A_15 = arith.constant 0 : index
    %get3A_16 = vector.load %arg5[%get3A_14, %get3A_15] : memref<16x64xf32, #tpu.memory_space<vmem>>, vector<16x64xf32>
    %dot_general3A_17 = arith.constant dense<0.000000e+00> : vector<4000x64xf32>
    %dot_general3A_18 = tpu.matmul %get3A_4, %get3A_16, %dot_general3A_17 {dimension_numbers = #tpu.dot_dimension_numbers<[1], [0], [0], [1], [0, 0, 1, 1], [], []>, transpose_lhs_hint = false} : vector<4000x16xf32>, vector<16x64xf32>, vector<4000x64xf32> -> vector<4000x64xf32>
    %mul3A = vector.broadcast %convert_element_type3A_7 : vector<4000x1xf32> to vector<4000x64xf32>
    %mul3A_19 = arith.mulf %dot_general3A_18, %mul3A : vector<4000x64xf32>
    %add3A = arith.addf %max3A_13, %mul3A_19 : vector<4000x64xf32>
    %get3A_20 = arith.constant 0 : index
    %get3A_21 = arith.constant 0 : index
    %get3A_22 = vector.load %arg7[%get3A_20, %get3A_21] : memref<16x64xf32, #tpu.memory_space<vmem>>, vector<16x64xf32>
    %dot_general3A_23 = arith.constant dense<0.000000e+00> : vector<4000x64xf32>
    %dot_general3A_24 = tpu.matmul %get3A_4, %get3A_22, %dot_general3A_23 {dimension_numbers = #tpu.dot_dimension_numbers<[1], [0], [0], [1], [0, 0, 1, 1], [], []>, transpose_lhs_hint = false} : vector<4000x16xf32>, vector<16x64xf32>, vector<4000x64xf32> -> vector<4000x64xf32>
    %add3A_25 = arith.addf %add3A, %dot_general3A_24 : vector<4000x64xf32>
    %neg3A = arith.constant 0.000000e+00 : f32
    %neg3A_26 = vector.broadcast %neg3A : f32 to vector<4000x64xf32>
    %neg3A_27 = arith.subf %neg3A_26, %add3A : vector<4000x64xf32>
    %exp3A = math.exp %neg3A_27 : vector<4000x64xf32>
    %add3A_28 = arith.constant 1.000000e+00 : f32
    %add3A_29 = vector.broadcast %add3A_28 : f32 to vector<4000x64xf32>
    %add3A_30 = arith.addf %add3A_29, %exp3A : vector<4000x64xf32>
    %div3A = arith.constant 1.000000e+00 : f32
    %div3A_31 = vector.broadcast %div3A : f32 to vector<4000x64xf32>
    %div3A_32 = arith.divf %div3A_31, %add3A_30 : vector<4000x64xf32>
    %neg3A_33 = arith.constant 0.000000e+00 : f32
    %neg3A_34 = vector.broadcast %neg3A_33 : f32 to vector<4000x64xf32>
    %neg3A_35 = arith.subf %neg3A_34, %add3A_25 : vector<4000x64xf32>
    %exp3A_36 = math.exp %neg3A_35 : vector<4000x64xf32>
    %add3A_37 = arith.constant 1.000000e+00 : f32
    %add3A_38 = vector.broadcast %add3A_37 : f32 to vector<4000x64xf32>
    %add3A_39 = arith.addf %add3A_38, %exp3A_36 : vector<4000x64xf32>
    %div3A_40 = arith.constant 1.000000e+00 : f32
    %div3A_41 = vector.broadcast %div3A_40 : f32 to vector<4000x64xf32>
    %div3A_42 = arith.divf %div3A_41, %add3A_39 : vector<4000x64xf32>
    %get3A_43 = arith.constant 0 : index
    %get3A_44 = arith.constant 0 : index
    %get3A_45 = vector.load %arg4[%get3A_43, %get3A_44] : memref<16x64xf32, #tpu.memory_space<vmem>>, vector<16x64xf32>
    %dot_general3A_46 = arith.constant dense<0.000000e+00> : vector<4000x64xf32>
    %dot_general3A_47 = tpu.matmul %get3A_1, %get3A_45, %dot_general3A_46 {dimension_numbers = #tpu.dot_dimension_numbers<[1], [0], [0], [1], [0, 0, 1, 1], [], []>, transpose_lhs_hint = false} : vector<4000x16xf32>, vector<16x64xf32>, vector<4000x64xf32> -> vector<4000x64xf32>
    %max3A_48 = arith.constant 0.000000e+00 : f32
    %max3A_49 = vector.broadcast %max3A_48 : f32 to vector<4000x64xf32>
    %max3A_50 = arith.maximumf %dot_general3A_47, %max3A_49 : vector<4000x64xf32>
    %get3A_51 = arith.constant 0 : index
    %get3A_52 = arith.constant 0 : index
    %get3A_53 = vector.load %arg6[%get3A_51, %get3A_52] : memref<16x64xf32, #tpu.memory_space<vmem>>, vector<16x64xf32>
    %dot_general3A_54 = arith.constant dense<0.000000e+00> : vector<4000x64xf32>
    %dot_general3A_55 = tpu.matmul %get3A_4, %get3A_53, %dot_general3A_54 {dimension_numbers = #tpu.dot_dimension_numbers<[1], [0], [0], [1], [0, 0, 1, 1], [], []>, transpose_lhs_hint = false} : vector<4000x16xf32>, vector<16x64xf32>, vector<4000x64xf32> -> vector<4000x64xf32>
    %mul3A_56 = vector.broadcast %convert_element_type3A_7 : vector<4000x1xf32> to vector<4000x64xf32>
    %mul3A_57 = arith.mulf %dot_general3A_55, %mul3A_56 : vector<4000x64xf32>
    %add3A_58 = arith.addf %max3A_50, %mul3A_57 : vector<4000x64xf32>
    %get3A_59 = arith.constant 0 : index
    %get3A_60 = arith.constant 0 : index
    %get3A_61 = vector.load %arg8[%get3A_59, %get3A_60] : memref<16x64xf32, #tpu.memory_space<vmem>>, vector<16x64xf32>
    %dot_general3A_62 = arith.constant dense<0.000000e+00> : vector<4000x64xf32>
    %dot_general3A_63 = tpu.matmul %get3A_4, %get3A_61, %dot_general3A_62 {dimension_numbers = #tpu.dot_dimension_numbers<[1], [0], [0], [1], [0, 0, 1, 1], [], []>, transpose_lhs_hint = false} : vector<4000x16xf32>, vector<16x64xf32>, vector<4000x64xf32> -> vector<4000x64xf32>
    %add3A_64 = arith.addf %add3A_58, %dot_general3A_63 : vector<4000x64xf32>
    %neg3A_65 = arith.constant 0.000000e+00 : f32
    %neg3A_66 = vector.broadcast %neg3A_65 : f32 to vector<4000x64xf32>
    %neg3A_67 = arith.subf %neg3A_66, %add3A_58 : vector<4000x64xf32>
    %exp3A_68 = math.exp %neg3A_67 : vector<4000x64xf32>
    %add3A_69 = arith.constant 1.000000e+00 : f32
    %add3A_70 = vector.broadcast %add3A_69 : f32 to vector<4000x64xf32>
    %add3A_71 = arith.addf %add3A_70, %exp3A_68 : vector<4000x64xf32>
    %div3A_72 = arith.constant 1.000000e+00 : f32
    %div3A_73 = vector.broadcast %div3A_72 : f32 to vector<4000x64xf32>
    %div3A_74 = arith.divf %div3A_73, %add3A_71 : vector<4000x64xf32>
    %neg3A_75 = arith.constant 0.000000e+00 : f32
    %neg3A_76 = vector.broadcast %neg3A_75 : f32 to vector<4000x64xf32>
    %neg3A_77 = arith.subf %neg3A_76, %add3A_64 : vector<4000x64xf32>
    %exp3A_78 = math.exp %neg3A_77 : vector<4000x64xf32>
    %add3A_79 = arith.constant 1.000000e+00 : f32
    %add3A_80 = vector.broadcast %add3A_79 : f32 to vector<4000x64xf32>
    %add3A_81 = arith.addf %add3A_80, %exp3A_78 : vector<4000x64xf32>
    %div3A_82 = arith.constant 1.000000e+00 : f32
    %div3A_83 = vector.broadcast %div3A_82 : f32 to vector<4000x64xf32>
    %div3A_84 = arith.divf %div3A_83, %add3A_81 : vector<4000x64xf32>
    %convert_element_type3A_85 = arith.truncf %div3A_32 : vector<4000x64xf32> to vector<4000x64xbf16>
    %bitcast_convert_type3A = tpu.bitcast %convert_element_type3A_85 : vector<4000x64xbf16> -> vector<4000x64xi16>
    %convert_element_type3A_86 = arith.extui %bitcast_convert_type3A : vector<4000x64xi16> to vector<4000x64xi32>
    %convert_element_type3A_87 = arith.truncf %div3A_74 : vector<4000x64xf32> to vector<4000x64xbf16>
    %bitcast_convert_type3A_88 = tpu.bitcast %convert_element_type3A_87 : vector<4000x64xbf16> -> vector<4000x64xi16>
    %convert_element_type3A_89 = arith.extui %bitcast_convert_type3A_88 : vector<4000x64xi16> to vector<4000x64xi32>
    %shift_left3A = arith.constant 16 : i32
    %shift_left3A_90 = vector.broadcast %shift_left3A : i32 to vector<4000x64xi32>
    %shift_left3A_91 = arith.shli %convert_element_type3A_89, %shift_left3A_90 : vector<4000x64xi32>
    %or3A = arith.ori %convert_element_type3A_86, %shift_left3A_91 : vector<4000x64xi32>
    %bitcast_convert_type3A_92 = tpu.bitcast %or3A : vector<4000x64xi32> -> vector<4000x64xi32>
    %swap3A = arith.constant 0 : index
    %swap3A_93 = arith.constant 0 : index
    %swap3A_94 = vector.load %arg9[%swap3A, %swap3A_93] : memref<4000x64xi32, #tpu.memory_space<vmem>>, vector<4000x64xi32>
    tpu.vector_store %arg9[%swap3A, %swap3A_93], %bitcast_convert_type3A_92 {strides = array<i32>} : memref<4000x64xi32, #tpu.memory_space<vmem>>, vector<4000x64xi32>,
    %convert_element_type3A_95 = arith.truncf %div3A_42 : vector<4000x64xf32> to vector<4000x64xbf16>
    %bitcast_convert_type3A_96 = tpu.bitcast %convert_element_type3A_95 : vector<4000x64xbf16> -> vector<4000x64xi16>
    %convert_element_type3A_97 = arith.extui %bitcast_convert_type3A_96 : vector<4000x64xi16> to vector<4000x64xi32>
    %convert_element_type3A_98 = arith.truncf %div3A_84 : vector<4000x64xf32> to vector<4000x64xbf16>
    %bitcast_convert_type3A_99 = tpu.bitcast %convert_element_type3A_98 : vector<4000x64xbf16> -> vector<4000x64xi16>
    %convert_element_type3A_100 = arith.extui %bitcast_convert_type3A_99 : vector<4000x64xi16> to vector<4000x64xi32>
    %shift_left3A_101 = arith.constant 16 : i32
    %shift_left3A_102 = vector.broadcast %shift_left3A_101 : i32 to vector<4000x64xi32>
    %shift_left3A_103 = arith.shli %convert_element_type3A_100, %shift_left3A_102 : vector<4000x64xi32>
    %or3A_104 = arith.ori %convert_element_type3A_97, %shift_left3A_103 : vector<4000x64xi32>
    %bitcast_convert_type3A_105 = tpu.bitcast %or3A_104 : vector<4000x64xi32> -> vector<4000x64xi32>
    %swap3A_106 = arith.constant 0 : index
    %swap3A_107 = arith.constant 0 : index
    %swap3A_108 = vector.load %arg10[%swap3A_106, %swap3A_107] : memref<4000x64xi32, #tpu.memory_space<vmem>>, vector<4000x64xi32>
    tpu.vector_store %arg10[%swap3A_106, %swap3A_107], %bitcast_convert_type3A_105 {strides = array<i32>} : memref<4000x64xi32, #tpu.memory_space<vmem>>, vector<4000x64xi32>,
    return
  }
  func.func @transform_0(%arg0: i32) -> (i32, i32) {
    %add3A = arith.constant 48 : i32
    %add3A_0 = arith.addi %arg0, %add3A : i32
    %c0_i32 = arith.constant 0 : i32
    %c0_i32_1 = arith.constant 0 : i32
    return %add3A_0, %c0_i32 : i32, i32
  }
  func.func @transform_1(%arg0: i32) -> (i32, i32) {
    %add3A = arith.constant 48 : i32
    %add3A_0 = arith.addi %arg0, %add3A : i32
    %c0_i32 = arith.constant 0 : i32
    %c0_i32_1 = arith.constant 0 : i32
    return %add3A_0, %c0_i32 : i32, i32
  }
  func.func @transform_2(%arg0: i32) -> (i32, i32) {
    %c0_i32 = arith.constant 0 : i32
    %c0_i32_0 = arith.constant 0 : i32
    %c0_i32_1 = arith.constant 0 : i32
    return %c0_i32, %c0_i32_0 : i32, i32
  }
  func.func @transform_3(%arg0: i32) -> (i32, i32) {
    %c0_i32 = arith.constant 0 : i32
    %c0_i32_0 = arith.constant 0 : i32
    %c0_i32_1 = arith.constant 0 : i32
    return %c0_i32, %c0_i32_0 : i32, i32
  }
  func.func @transform_4(%arg0: i32) -> (i32, i32) {
    %c0_i32 = arith.constant 0 : i32
    %c0_i32_0 = arith.constant 0 : i32
    %c0_i32_1 = arith.constant 0 : i32
    return %c0_i32, %c0_i32_0 : i32, i32
  }
  func.func @transform_5(%arg0: i32) -> (i32, i32) {
    %c0_i32 = arith.constant 0 : i32
    %c0_i32_0 = arith.constant 0 : i32
    %c0_i32_1 = arith.constant 0 : i32
    return %c0_i32, %c0_i32_0 : i32, i32
  }
  func.func @transform_6(%arg0: i32) -> (i32, i32) {
    %c0_i32 = arith.constant 0 : i32
    %c0_i32_0 = arith.constant 0 : i32
    %c0_i32_1 = arith.constant 0 : i32
    return %c0_i32, %c0_i32_0 : i32, i32
  }
  func.func @transform_7(%arg0: i32) -> (i32, i32) {
    %c0_i32 = arith.constant 0 : i32
    %c0_i32_0 = arith.constant 0 : i32
    %c0_i32_1 = arith.constant 0 : i32
    return %c0_i32, %c0_i32_0 : i32, i32
  }
  func.func @transform_8(%arg0: i32) -> (i32, i32) {
    %c0_i32 = arith.constant 0 : i32
    %c0_i32_0 = arith.constant 0 : i32
    return %arg0, %c0_i32 : i32, i32
  }
  func.func @transform_9(%arg0: i32) -> (i32, i32) {
    %c0_i32 = arith.constant 0 : i32
    %c0_i32_0 = arith.constant 0 : i32
    return %arg0, %c0_i32 : i32, i32
  }
}

module attributes {stable_mosaic.version = 14 : i64} {
  func.func @_node_mid_body(%arg0: i32, %arg1: memref<2000x128xf32, #tpu.memory_space<vmem>>, %arg2: memref<2x2000x128xf32, #tpu.memory_space<vmem>>, %arg3: memref<2x2000x128xf32, #tpu.memory_space<vmem>>, %arg4: memref<2000x16xf32, #tpu.memory_space<vmem>>, %arg5: memref<128x128xf32, #tpu.memory_space<vmem>>, %arg6: memref<16x128xf32, #tpu.memory_space<vmem>>, %arg7: memref<128x128xf32, #tpu.memory_space<vmem>>, %arg8: memref<2000x128xf32, #tpu.memory_space<vmem>>, %arg9: memref<2000x128xf32, #tpu.memory_space<vmem>>) attributes {dimension_semantics = [#tpu.dimension_semantics<parallel>], iteration_bounds = array<i64: 5>, scalar_prefetch = 0 : i64, scratch_operands = 0 : i64, tpu.core_type = #tpu.core_type<tc>, window_params = [{transform_indices = @transform_0, window_bounds = array<i64: 2000, 128>}, {transform_indices = @transform_1, window_bounds = array<i64: 2, 2000, 128>}, {transform_indices = @transform_2, window_bounds = array<i64: 2, 2000, 128>}, {transform_indices = @transform_3, window_bounds = array<i64: 2000, 16>}, {pipeline_mode = #tpu.pipeline_mode<synchronous>, transform_indices = @transform_4, window_bounds = array<i64: 128, 128>}, {pipeline_mode = #tpu.pipeline_mode<synchronous>, transform_indices = @transform_5, window_bounds = array<i64: 16, 128>}, {pipeline_mode = #tpu.pipeline_mode<synchronous>, transform_indices = @transform_6, window_bounds = array<i64: 128, 128>}, {transform_indices = @transform_7, window_bounds = array<i64: 2000, 128>}, {transform_indices = @transform_8, window_bounds = array<i64: 2000, 128>}]} {
    %get3A = arith.constant 0 : index
    %get3A_0 = arith.constant 0 : index
    %get3A_1 = arith.constant 0 : index
    %get3A_2 = vector.load %arg2[%get3A, %get3A_0, %get3A_1] : memref<2x2000x128xf32, #tpu.memory_space<vmem>>, vector<1x2000x128xf32>
    %get3A_3 = vector.shape_cast %get3A_2 : vector<1x2000x128xf32> to vector<2000x128xf32>
    %get3A_4 = arith.constant 1 : index
    %get3A_5 = arith.constant 0 : index
    %get3A_6 = arith.constant 0 : index
    %get3A_7 = vector.load %arg2[%get3A_4, %get3A_5, %get3A_6] : memref<2x2000x128xf32, #tpu.memory_space<vmem>>, vector<1x2000x128xf32>
    %get3A_8 = vector.shape_cast %get3A_7 : vector<1x2000x128xf32> to vector<2000x128xf32>
    %add3A = arith.addf %get3A_3, %get3A_8 : vector<2000x128xf32>
    %get3A_9 = arith.constant 0 : index
    %get3A_10 = arith.constant 0 : index
    %get3A_11 = arith.constant 0 : index
    %get3A_12 = vector.load %arg3[%get3A_9, %get3A_10, %get3A_11] : memref<2x2000x128xf32, #tpu.memory_space<vmem>>, vector<1x2000x128xf32>
    %get3A_13 = vector.shape_cast %get3A_12 : vector<1x2000x128xf32> to vector<2000x128xf32>
    %add3A_14 = arith.addf %add3A, %get3A_13 : vector<2000x128xf32>
    %get3A_15 = arith.constant 1 : index
    %get3A_16 = arith.constant 0 : index
    %get3A_17 = arith.constant 0 : index
    %get3A_18 = vector.load %arg3[%get3A_15, %get3A_16, %get3A_17] : memref<2x2000x128xf32, #tpu.memory_space<vmem>>, vector<1x2000x128xf32>
    %get3A_19 = vector.shape_cast %get3A_18 : vector<1x2000x128xf32> to vector<2000x128xf32>
    %add3A_20 = arith.addf %add3A_14, %get3A_19 : vector<2000x128xf32>
    %get3A_21 = arith.constant 0 : index
    %get3A_22 = arith.constant 0 : index
    %get3A_23 = vector.load %arg1[%get3A_21, %get3A_22] : memref<2000x128xf32, #tpu.memory_space<vmem>>, vector<2000x128xf32>
    %get3A_24 = arith.constant 0 : index
    %get3A_25 = arith.constant 0 : index
    %get3A_26 = vector.load %arg5[%get3A_24, %get3A_25] : memref<128x128xf32, #tpu.memory_space<vmem>>, vector<128x128xf32>
    %dot_general3A = arith.constant dense<0.000000e+00> : vector<2000x128xf32>
    %dot_general3A_27 = tpu.matmul %add3A_20, %get3A_26, %dot_general3A {dimension_numbers = #tpu.dot_dimension_numbers<[1], [0], [0], [1], [0, 0, 1, 1], [], []>, transpose_lhs_hint = false} : vector<2000x128xf32>, vector<128x128xf32>, vector<2000x128xf32> -> vector<2000x128xf32>
    %add3A_28 = arith.addf %get3A_23, %dot_general3A_27 : vector<2000x128xf32>
    %max3A = arith.constant 0.000000e+00 : f32
    %max3A_29 = vector.broadcast %max3A : f32 to vector<2000x128xf32>
    %max3A_30 = arith.maximumf %add3A_28, %max3A_29 : vector<2000x128xf32>
    %get3A_31 = arith.constant 0 : index
    %get3A_32 = arith.constant 0 : index
    %get3A_33 = vector.load %arg4[%get3A_31, %get3A_32] : memref<2000x16xf32, #tpu.memory_space<vmem>>, vector<2000x16xf32>
    %get3A_34 = arith.constant 0 : index
    %get3A_35 = arith.constant 0 : index
    %get3A_36 = vector.load %arg6[%get3A_34, %get3A_35] : memref<16x128xf32, #tpu.memory_space<vmem>>, vector<16x128xf32>
    %dot_general3A_37 = arith.constant dense<0.000000e+00> : vector<2000x128xf32>
    %dot_general3A_38 = tpu.matmul %get3A_33, %get3A_36, %dot_general3A_37 {dimension_numbers = #tpu.dot_dimension_numbers<[1], [0], [0], [1], [0, 0, 1, 1], [], []>, transpose_lhs_hint = false} : vector<2000x16xf32>, vector<16x128xf32>, vector<2000x128xf32> -> vector<2000x128xf32>
    %add3A_39 = arith.addf %max3A_30, %dot_general3A_38 : vector<2000x128xf32>
    %swap3A = arith.constant 0 : index
    %swap3A_40 = arith.constant 0 : index
    %swap3A_41 = vector.load %arg8[%swap3A, %swap3A_40] : memref<2000x128xf32, #tpu.memory_space<vmem>>, vector<2000x128xf32>
    tpu.vector_store %arg8[%swap3A, %swap3A_40], %add3A_39 {strides = array<i32>} : memref<2000x128xf32, #tpu.memory_space<vmem>>, vector<2000x128xf32>,
    %get3A_42 = arith.constant 0 : index
    %get3A_43 = arith.constant 0 : index
    %get3A_44 = vector.load %arg7[%get3A_42, %get3A_43] : memref<128x128xf32, #tpu.memory_space<vmem>>, vector<128x128xf32>
    %dot_general3A_45 = arith.constant dense<0.000000e+00> : vector<2000x128xf32>
    %dot_general3A_46 = tpu.matmul %add3A_39, %get3A_44, %dot_general3A_45 {dimension_numbers = #tpu.dot_dimension_numbers<[1], [0], [0], [1], [0, 0, 1, 1], [], []>, transpose_lhs_hint = false} : vector<2000x128xf32>, vector<128x128xf32>, vector<2000x128xf32> -> vector<2000x128xf32>
    %swap3A_47 = arith.constant 0 : index
    %swap3A_48 = arith.constant 0 : index
    %swap3A_49 = vector.load %arg9[%swap3A_47, %swap3A_48] : memref<2000x128xf32, #tpu.memory_space<vmem>>, vector<2000x128xf32>
    tpu.vector_store %arg9[%swap3A_47, %swap3A_48], %dot_general3A_46 {strides = array<i32>} : memref<2000x128xf32, #tpu.memory_space<vmem>>, vector<2000x128xf32>,
    return
  }
  func.func @transform_0(%arg0: i32) -> (i32, i32) {
    %c0_i32 = arith.constant 0 : i32
    %c0_i32_0 = arith.constant 0 : i32
    return %arg0, %c0_i32 : i32, i32
  }
  func.func @transform_1(%arg0: i32) -> (i32, i32, i32) {
    %c0_i32 = arith.constant 0 : i32
    %c0_i32_0 = arith.constant 0 : i32
    %c0_i32_1 = arith.constant 0 : i32
    return %c0_i32, %arg0, %c0_i32_0 : i32, i32, i32
  }
  func.func @transform_2(%arg0: i32) -> (i32, i32, i32) {
    %c0_i32 = arith.constant 0 : i32
    %c0_i32_0 = arith.constant 0 : i32
    %c0_i32_1 = arith.constant 0 : i32
    return %c0_i32, %arg0, %c0_i32_0 : i32, i32, i32
  }
  func.func @transform_3(%arg0: i32) -> (i32, i32) {
    %c0_i32 = arith.constant 0 : i32
    %c0_i32_0 = arith.constant 0 : i32
    return %arg0, %c0_i32 : i32, i32
  }
  func.func @transform_4(%arg0: i32) -> (i32, i32) {
    %c0_i32 = arith.constant 0 : i32
    %c0_i32_0 = arith.constant 0 : i32
    %c0_i32_1 = arith.constant 0 : i32
    return %c0_i32, %c0_i32_0 : i32, i32
  }
  func.func @transform_5(%arg0: i32) -> (i32, i32) {
    %c0_i32 = arith.constant 0 : i32
    %c0_i32_0 = arith.constant 0 : i32
    %c0_i32_1 = arith.constant 0 : i32
    return %c0_i32, %c0_i32_0 : i32, i32
  }
  func.func @transform_6(%arg0: i32) -> (i32, i32) {
    %c0_i32 = arith.constant 0 : i32
    %c0_i32_0 = arith.constant 0 : i32
    %c0_i32_1 = arith.constant 0 : i32
    return %c0_i32, %c0_i32_0 : i32, i32
  }
  func.func @transform_7(%arg0: i32) -> (i32, i32) {
    %c0_i32 = arith.constant 0 : i32
    %c0_i32_0 = arith.constant 0 : i32
    return %arg0, %c0_i32 : i32, i32
  }
  func.func @transform_8(%arg0: i32) -> (i32, i32) {
    %c0_i32 = arith.constant 0 : i32
    %c0_i32_0 = arith.constant 0 : i32
    return %arg0, %c0_i32 : i32, i32
  }
}

module attributes {stable_mosaic.version = 14 : i64} {
  func.func @_node_out_body(%arg0: i32, %arg1: memref<2000x128xf32, #tpu.memory_space<vmem>>, %arg2: memref<2x2000x128xf32, #tpu.memory_space<vmem>>, %arg3: memref<2x2000x128xf32, #tpu.memory_space<vmem>>, %arg4: memref<128x128xf32, #tpu.memory_space<vmem>>, %arg5: memref<128x128xf32, #tpu.memory_space<vmem>>, %arg6: memref<2000x128xf32, #tpu.memory_space<vmem>>) attributes {dimension_semantics = [#tpu.dimension_semantics<parallel>], iteration_bounds = array<i64: 5>, scalar_prefetch = 0 : i64, scratch_operands = 0 : i64, tpu.core_type = #tpu.core_type<tc>, window_params = [{transform_indices = @transform_0, window_bounds = array<i64: 2000, 128>}, {transform_indices = @transform_1, window_bounds = array<i64: 2, 2000, 128>}, {transform_indices = @transform_2, window_bounds = array<i64: 2, 2000, 128>}, {pipeline_mode = #tpu.pipeline_mode<synchronous>, transform_indices = @transform_3, window_bounds = array<i64: 128, 128>}, {pipeline_mode = #tpu.pipeline_mode<synchronous>, transform_indices = @transform_4, window_bounds = array<i64: 128, 128>}, {transform_indices = @transform_5, window_bounds = array<i64: 2000, 128>}]} {
    %get3A = arith.constant 0 : index
    %get3A_0 = arith.constant 0 : index
    %get3A_1 = arith.constant 0 : index
    %get3A_2 = vector.load %arg2[%get3A, %get3A_0, %get3A_1] : memref<2x2000x128xf32, #tpu.memory_space<vmem>>, vector<1x2000x128xf32>
    %get3A_3 = vector.shape_cast %get3A_2 : vector<1x2000x128xf32> to vector<2000x128xf32>
    %get3A_4 = arith.constant 1 : index
    %get3A_5 = arith.constant 0 : index
    %get3A_6 = arith.constant 0 : index
    %get3A_7 = vector.load %arg2[%get3A_4, %get3A_5, %get3A_6] : memref<2x2000x128xf32, #tpu.memory_space<vmem>>, vector<1x2000x128xf32>
    %get3A_8 = vector.shape_cast %get3A_7 : vector<1x2000x128xf32> to vector<2000x128xf32>
    %add3A = arith.addf %get3A_3, %get3A_8 : vector<2000x128xf32>
    %get3A_9 = arith.constant 0 : index
    %get3A_10 = arith.constant 0 : index
    %get3A_11 = arith.constant 0 : index
    %get3A_12 = vector.load %arg3[%get3A_9, %get3A_10, %get3A_11] : memref<2x2000x128xf32, #tpu.memory_space<vmem>>, vector<1x2000x128xf32>
    %get3A_13 = vector.shape_cast %get3A_12 : vector<1x2000x128xf32> to vector<2000x128xf32>
    %add3A_14 = arith.addf %add3A, %get3A_13 : vector<2000x128xf32>
    %get3A_15 = arith.constant 1 : index
    %get3A_16 = arith.constant 0 : index
    %get3A_17 = arith.constant 0 : index
    %get3A_18 = vector.load %arg3[%get3A_15, %get3A_16, %get3A_17] : memref<2x2000x128xf32, #tpu.memory_space<vmem>>, vector<1x2000x128xf32>
    %get3A_19 = vector.shape_cast %get3A_18 : vector<1x2000x128xf32> to vector<2000x128xf32>
    %add3A_20 = arith.addf %add3A_14, %get3A_19 : vector<2000x128xf32>
    %get3A_21 = arith.constant 0 : index
    %get3A_22 = arith.constant 0 : index
    %get3A_23 = vector.load %arg1[%get3A_21, %get3A_22] : memref<2000x128xf32, #tpu.memory_space<vmem>>, vector<2000x128xf32>
    %get3A_24 = arith.constant 0 : index
    %get3A_25 = arith.constant 0 : index
    %get3A_26 = vector.load %arg4[%get3A_24, %get3A_25] : memref<128x128xf32, #tpu.memory_space<vmem>>, vector<128x128xf32>
    %dot_general3A = arith.constant dense<0.000000e+00> : vector<2000x128xf32>
    %dot_general3A_27 = tpu.matmul %add3A_20, %get3A_26, %dot_general3A {dimension_numbers = #tpu.dot_dimension_numbers<[1], [0], [0], [1], [0, 0, 1, 1], [], []>, transpose_lhs_hint = false} : vector<2000x128xf32>, vector<128x128xf32>, vector<2000x128xf32> -> vector<2000x128xf32>
    %add3A_28 = arith.addf %get3A_23, %dot_general3A_27 : vector<2000x128xf32>
    %max3A = arith.constant 0.000000e+00 : f32
    %max3A_29 = vector.broadcast %max3A : f32 to vector<2000x128xf32>
    %max3A_30 = arith.maximumf %add3A_28, %max3A_29 : vector<2000x128xf32>
    %get3A_31 = arith.constant 0 : index
    %get3A_32 = arith.constant 0 : index
    %get3A_33 = vector.load %arg5[%get3A_31, %get3A_32] : memref<128x128xf32, #tpu.memory_space<vmem>>, vector<128x128xf32>
    %dot_general3A_34 = arith.constant dense<0.000000e+00> : vector<2000x128xf32>
    %dot_general3A_35 = tpu.matmul %max3A_30, %get3A_33, %dot_general3A_34 {dimension_numbers = #tpu.dot_dimension_numbers<[1], [0], [0], [1], [0, 0, 1, 1], [], []>, transpose_lhs_hint = false} : vector<2000x128xf32>, vector<128x128xf32>, vector<2000x128xf32> -> vector<2000x128xf32>
    %swap3A = arith.constant 0 : index
    %swap3A_36 = arith.constant 0 : index
    %swap3A_37 = vector.load %arg6[%swap3A, %swap3A_36] : memref<2000x128xf32, #tpu.memory_space<vmem>>, vector<2000x128xf32>
    tpu.vector_store %arg6[%swap3A, %swap3A_36], %dot_general3A_35 {strides = array<i32>} : memref<2000x128xf32, #tpu.memory_space<vmem>>, vector<2000x128xf32>,
    return
  }
  func.func @transform_0(%arg0: i32) -> (i32, i32) {
    %c0_i32 = arith.constant 0 : i32
    %c0_i32_0 = arith.constant 0 : i32
    return %arg0, %c0_i32 : i32, i32
  }
  func.func @transform_1(%arg0: i32) -> (i32, i32, i32) {
    %c0_i32 = arith.constant 0 : i32
    %c0_i32_0 = arith.constant 0 : i32
    %c0_i32_1 = arith.constant 0 : i32
    return %c0_i32, %arg0, %c0_i32_0 : i32, i32, i32
  }
  func.func @transform_2(%arg0: i32) -> (i32, i32, i32) {
    %c0_i32 = arith.constant 0 : i32
    %c0_i32_0 = arith.constant 0 : i32
    %c0_i32_1 = arith.constant 0 : i32
    return %c0_i32, %arg0, %c0_i32_0 : i32, i32, i32
  }
  func.func @transform_3(%arg0: i32) -> (i32, i32) {
    %c0_i32 = arith.constant 0 : i32
    %c0_i32_0 = arith.constant 0 : i32
    %c0_i32_1 = arith.constant 0 : i32
    return %c0_i32, %c0_i32_0 : i32, i32
  }
  func.func @transform_4(%arg0: i32) -> (i32, i32) {
    %c0_i32 = arith.constant 0 : i32
    %c0_i32_0 = arith.constant 0 : i32
    %c0_i32_1 = arith.constant 0 : i32
    return %c0_i32, %c0_i32_0 : i32, i32
  }
  func.func @transform_5(%arg0: i32) -> (i32, i32) {
    %c0_i32 = arith.constant 0 : i32
    %c0_i32_0 = arith.constant 0 : i32
    return %arg0, %c0_i32 : i32, i32
  }
}

</mosaic_0001>

<sc_bundles>
// kernel: kernel.11.cloned.1.call-start
scs
__scs_entry_jumppad:
0x0: {  	(pc) =	sbr.rel $0x88, $3  }
0x1: {  	(tag) =	ssettag $0x0;
	lr =	simm.s32 $0x1  }
0x2: {  	[smem:$0x3F94] =	sst lr;
	_ =	strace $0xD0000000  }
0x3: {  	_ = 	snop  }
0x4: {  	_ = 	snop  }
0x5: {  	_ = 	snop  }
0x6: {  	_ = 	snop  }
0x7: {  	_ = 	snop  }
__scs_overlays_trampoline_lowered:
0x8: {  	[smem:$0x3FA3] =	sst s0  }
0x9: {  	[smem:$0x3FA4] =	sst s1  }
0xa: {  	[smem:$0x3FA5] =	sst s2  }
0xb: {  	[smem:$0x3FA6] =	sst s3  }
0xc: {  	[smem:$0x3FA7] =	sst s4  }
0xd: {  	[smem:$0x3FA8] =	sst s5  }
0xe: {  	[smem:$0x3FA9] =	sst s6  }
0xf: {  	[smem:$0x3FAA] =	sst s7  }
0x10: {  	[smem:$0x3FAB] =	sst s8  }
0x11: {  	[smem:$0x3FAC] =	sst s9;
	s0 =	simm.s32 @!p0 $0x0  }
0x12: {  	s1 =	sld [smem:$0x3F92];
	s0 =	simm.s32 @p0 $0x1  }
0x13: {  	[smem:$0x3FAD] =	sst s0;
	s0 =	simm.s32 @!p1 $0x0  }
0x14: {  	s2 =	sld [smem:$0x3F91];
	s0 =	simm.s32 @p1 $0x1  }
0x15: {  	[smem:$0x3FAE] =	sst s0;
	s0 =	simm.s32 @!p2 $0x0  }
0x16: {  	s3 =	sld [smem:$0x3FDB];
	s0 =	simm.s32 @p2 $0x1  }
0x17: {  	s4 =	simm.s32 $0x1BF5;
	[smem:$0x3FB0] =	sst s0  }
0x18: {  	s0 =	sld [smem:$0x3F93];
	_ =	swait.ge [sflag:s4], $0x0  }
0x19: {  	s7 =	sld [smem:$0x3F94]  }
0x1a: {  	s8 =	sadd.s32 $0xFFFFE003, lr  }
0x1b: {  	s9 =	sadd.s32 $0xFFFFFEF7, lr;
	s5 =	simm.s32 $0xFFFFFFFF;
	p2 =	slt.u32 s8, $0xFFFFF086  }
0x1c: {  	p1 =	slt.u32 s9, $0xF7A;
	s5 =	simm.s32 @!p2 $0x0  }
0x1d: {  	s5 =	simm.s32 @p1 $0x1;
	p0 =	seq.s32 s7, s2  }
0x1e: {  	s7 =	smul.u32 @!p0 $0xF7A, s2;
	p2 =	seq.s32 @!p0 s5, $0x0  }
0x1f: {  	s9 =	smul.u32 $0xF7A, s1;
	s8 =	simm.s32 @!p0 $0x1BF5;
	p2 =	por !p2, p0  }
0x20: {  	[sflag:s8] =	ssyncset.s32 @!p0 $0xFFFFF086;
	s6 =	sadd.s32 @!p0 s3, s7;
	s7 =	simm.s32 @!p0 $0x108  }
0x21: {  	s3 =	sadd.s32 s3, s9;
	s6 =	sadd.s32 @!p0 $0x88, s6;
	s7 =	simm.s32 @p2 $0x1082  }
0x22: {  	[simem:s7], [sflag:s8] =	dma.local @!p0 [hbm:s6], $0xF7A  }
0x23: {  	s9 =	sor.u32 $0xD0000000, s2;
	s6 =	simm.s32 $0x108;
	_ =	swait.ge @!p0 [sflag:s8], $0x0  }
0x24: {  	s3 =	sadd.s32 $0x88, s3;
	s6 =	simm.s32 @!p1 $0x1082;
	[sflag:s4] =	ssyncset.s32 $0xFFFFF086  }
0x25: {  	[simem:s6], [sflag:s4] =	dma.local [hbm:s3], $0xF7A  }
0x26: {  	[smem:$0x3F94] =	sst s1;
	(tag) =	ssettag s2;
	_ =	strace s9  }
0x27: {  	s1 =	sld [smem:$0x3FA4]  }
0x28: {  	s2 =	sld [smem:$0x3FA5]  }
0x29: {  	s4 =	sld [smem:$0x3FA7]  }
0x2a: {  	p0 =	seq.s32 s5, $0x0;
	s5 =	sld [smem:$0x3FA8]  }
0x2b: {  	s6 =	sld [smem:$0x3FA9]  }
0x2c: {  	s7 =	sld [smem:$0x3FAA]  }
0x2d: {  	s3 =	simm.s32 $0x108;
	s8 =	sld [smem:$0x3FAB]  }
0x2e: {  	s3 =	simm.s32 @!p0 $0x1082;
	s9 =	sld [smem:$0x3FAC]  }
0x2f: {  	lr =	sadd.s32 s0, s3;
	s0 =	sld [smem:$0x3FA3]  }
0x30: {  	s3 =	sld [smem:$0x3FA6]  }
0x31: {  	[smem:$0x3FAF] =	sst s10  }
0x32: {  	s10 =	sld [smem:$0x3FAD];
	_ =	sdelay $0x3  }
0x33: {  	p0 =	seq.s32 s10, $0x1;
	s10 =	sld [smem:$0x3FAF];
	_ =	sdelay $0x3  }
0x34: {  	[smem:$0x3FAF] =	sst s10  }
0x35: {  	s10 =	sld [smem:$0x3FAE];
	_ =	sdelay $0x3  }
0x36: {  	p1 =	seq.s32 s10, $0x1;
	s10 =	sld [smem:$0x3FAF];
	_ =	sdelay $0x3  }
0x37: {  	[smem:$0x3FAF] =	sst s10  }
0x38: {  	s10 =	sld [smem:$0x3FB0]  }
0x39: {  	_ = 	snop;
	(pc) =	sbr.ind lr, $3  }
0x3a: {  	_ = 	snop  }
0x3b: {  	_ = 	snop  }
0x3c: {  	p2 =	seq.s32 s10, $0x1;
	s10 =	sld [smem:$0x3FAF]  }
0x3d: {  	_ =	shalt  }
0x3e: {  	_ =	shalt  }
0x3f: {  	_ =	shalt  }
0x40: {  	_ =	shalt  }
0x41: {  	_ =	shalt  }
0x42: {  	_ =	shalt  }
0x43: {  	_ =	shalt  }
0x44: {  	_ =	shalt  }
0x45: {  	_ =	shalt  }
0x46: {  	_ =	shalt  }
0x47: {  	_ =	shalt  }
0x48: {  	_ =	shalt  }
0x49: {  	_ =	shalt  }
0x4a: {  	_ =	shalt  }
0x4b: {  	_ =	shalt  }
0x4c: {  	_ =	shalt  }
0x4d: {  	_ =	shalt  }
0x4e: {  	_ =	shalt  }
0x4f: {  	_ =	shalt  }
0x50: {  	_ =	shalt  }
0x51: {  	_ =	shalt  }
0x52: {  	_ =	shalt  }
0x53: {  	_ =	shalt  }
0x54: {  	_ =	shalt  }
0x55: {  	_ =	shalt  }
0x56: {  	_ =	shalt  }
0x57: {  	_ =	shalt  }
0x58: {  	_ =	shalt  }
0x59: {  	_ =	shalt  }
0x5a: {  	_ =	shalt  }
0x5b: {  	_ =	shalt  }
0x5c: {  	_ =	shalt  }
0x5d: {  	_ =	shalt  }
0x5e: {  	_ =	shalt  }
0x5f: {  	_ =	shalt  }
0x60: {  	_ =	shalt  }
0x61: {  	_ =	shalt  }
0x62: {  	_ =	shalt  }
0x63: {  	_ =	shalt  }
0x64: {  	_ =	shalt  }
0x65: {  	_ =	shalt  }
0x66: {  	_ =	shalt  }
0x67: {  	_ =	shalt  }
0x68: {  	_ =	shalt  }
0x69: {  	_ =	shalt  }
0x6a: {  	_ =	shalt  }
0x6b: {  	_ =	shalt  }
0x6c: {  	_ =	shalt  }
0x6d: {  	_ =	shalt  }
0x6e: {  	_ =	shalt  }
0x6f: {  	_ =	shalt  }
0x70: {  	_ =	shalt  }
0x71: {  	_ =	shalt  }
0x72: {  	_ =	shalt  }
0x73: {  	_ =	shalt  }
0x74: {  	_ =	shalt  }
0x75: {  	_ =	shalt  }
0x76: {  	_ =	shalt  }
0x77: {  	_ =	shalt  }
0x78: {  	_ =	shalt  }
0x79: {  	_ =	shalt  }
0x7a: {  	_ =	shalt  }
0x7b: {  	_ =	shalt  }
0x7c: {  	_ =	shalt  }
0x7d: {  	_ =	shalt  }
0x7e: {  	_ =	shalt  }
0x7f: {  	_ =	shalt  }
0x80: {  	_ =	shalt  }
0x81: {  	_ =	shalt  }
0x82: {  	_ =	shalt  }
0x83: {  	_ =	shalt  }
0x84: {  	_ =	shalt  }
0x85: {  	_ =	shalt  }
0x86: {  	_ =	shalt  }
0x87: {  	_ =	shalt  }
.Lfunc_end0:
.L_simem_size_0:
called_computation_lowered:
.L_overlay_start_0:
0x88: {  	s2 =	sld [smem:$0x3FD9]  }
0x89: {  	s3 =	sld [smem:$0x3FFE];
	_ =	sdelay $0x1  }
0x8a: {  	s1 =	srdreg.scid  }
0x8b: {  	s0 =	sand.u32 $0x1, s1  }
0x8c: {  	s16 =	sshll.u32 s0, $0xA;
	s2 =	sadd.s32 s3, s2  }
0x8d: {  	s2 =	sadd.s32 s2, s16  }
0x8e: {  	[smem:$0x3FBB] =	sst s2  }
0x8f: {  	_ = 	snop  }
0x90: {  	(tm) =	ssettm $0x1  }
0x91: {  	s17 =	sld [smem:$0x3FFB];
	_ =	sdelay $0x3  }
0x92: {  	_ =	strace s17  }
0x93: {  	s2 =	sld [smem:$0x3FFC];
	_ =	sdelay $0x3  }
0x94: {  	_ =	strace s2  }
0x95: {  	s2 =	sld [smem:$0x3FFD];
	_ =	sdelay $0x3  }
0x96: {  	_ =	strace s2  }
0x97: {  	_ =	strace $0x8FFFFFFF  }
0x98: {  	s18 =	sld [smem:$0x3FDB];
	_ =	sdelay $0x1  }
0x99: {  	s19 =	simm.s32 $_scs_section_size  }
0x9a: {  	s4 =	simm.s32 $_size__tile_overlayer_lowered;
	s5 =	simm.s32 $_tile_overlayer_lowered  }
0x9b: {  	s22 =	simm.s32 $0x1BFF;
	s21 =	sshll.u32 s5, $0x1;
	s2 =	sadd.s32 s19, s18  }
0x9c: {  	s6 =	simm.s32 $0x0;
	s20 =	sshll.u32 s4, $0x1;
	s4 =	sadd.s32 s21, s2  }
0x9d: {  	[timem:s6], [sflag:s22] =	dma.local [hbm:s4], s20  }
0x9e: {  	_ =	swait.ge [sflag:s22], s20  }
0x9f: {  	s3 =	ssub.s32 $0x0, s20;
	[sflag:s22] =	ssyncset.done $0x0  }
0xa0: {  	[sflag:s22] =	ssyncadd.s32 s3;
	_ =	sdelay $0x1  }
0xa1: {  	s23 =	simm.s32 $0x1B8B  }
0xa2: {  	_ =	swait.ge [sflag:s23], $0x1  }
0xa3: {  	[sflag:s23] =	ssyncset.done $0x0  }
0xa4: {  	s25 =	simm.s32 $0x1B8E;
	s24 =	sld [smem:$0x3FFE];
	[sflag:s23] =	ssyncadd.s32 $0xFFFFFFFF  }
0xa5: {  	s26 =	simm.s32 $execute0_lowered;
	[smem:$0x3FD2] =	sst s25  }
0xa6: {  	s4 =	sshll.u32 s26, $0x1;
	_ =	strace $0x80000046;
	[dreg:$0x1] =	wrdreg $0xFFFFFFFF  }
0xa7: {  	s28 =	simm.s32 $_size_execute0_lowered;
	s2 =	sadd.s32 s2, s4;
	[dreg:$0x0] =	wrdreg $0x0  }
0xa8: {  	s4 =	sshll.u32 s28, $0x1;
	[dreg:$0x2] =	wrdreg s2  }
0xa9: {  	[dreg:$0x3] =	wrdreg s4  }
0xaa: {  	[dreg:$0x4] =	wrdreg $0xC0  }
0xab: {  	_ =	task [dreg:s6], $0x5FFFF  }
0xac: {  	[dreg:$0x1] =	wrdreg $0xFFFFFFFF  }
0xad: {  	[dreg:$0x0] =	wrdreg $0x60  }
0xae: {  	[dreg:$0x2] =	wrdreg s24  }
0xaf: {  	[dreg:$0x3] =	wrdreg $0xA3000  }
0xb0: {  	[dreg:$0x4] =	wrdreg $0x9  }
0xb1: {  	_ =	task.clear_ibuf [dreg:s6], $0x5FFFF;
	_ =	strace $0x90000046  }
0xb2: {  	s29 =	simm.s32 $0x9;
	_ =	strace $0x80000048  }
0xb3: {  	_ =	swait.ge [sflag:s29], $0x1  }
0xb4: {  	[sflag:s29] =	ssyncadd.s32 $0xFFFFFFFF  }
0xb5: {  	_ =	strace $0x90000048  }
0xb6: {  	_ =	sfence  }
0xb7: {  	s30 =	sld [smem:$0x0];
	_ =	sdelay $0x2  }
0xb8: {  	s31 =	sshll.u32 s1, $0xD;
	s1 =	sshrl.u32 s1, $0x2  }
0xb9: {  	s3 =	sand.u32 $0x4000, s31;
	s1 =	sadd.s32 s1, s30  }
0xba: {  	s0 =	sor.u32 s3, s0;
	s1 =	sshll.u32 s1, $0x11  }
0xbb: {  	s0 =	sor.u32 s1, s0  }
0xbc: {  	s0 =	sadd.s32 $0x8F2B, s0  }
0xbd: {  	[sflag:s0] =	ssyncadd.remote.s32 $0x1  }
0xbe: {  	_ =	sfence.sel $0xFFFF  }
0xbf: {  	[dreg:$0x0] =	wrdreg $0xFFFFFFFF;
	(pc) =	sbr.abs _section_cstart, $3  }
0xc0: {  	[dreg:$0x1] =	wrdreg $0xFFFFFFFF  }
0xc1: {  	_ =	task.clear_ibuf [dreg:s6], $0x2FFFF;
	_ =	strace $0x9FFFFFFF  }
0xc2: {  	(tm) =	ssettm $0x7FFFFFFF  }
0xc3: {  	_ =	shalt  }
tec
execute0_lowered:
.L_overlay_start_1:
0x0: {  	(tag) =	ssettag $0x1  }
0x1: {  	s0 =	rddreg [dreg:$0x0]  }
0x2: {  	s2 =	rddreg [dreg:$0x1];
	s12 =	stileid.u32  }
0x3: {  	s1 =	srdreg.scid;
	s3 =	simm.s32 $0x0;
	s18 =	simm.s32 $0x9  }
0x4: {  	s19 =	simm.s32 $0x5;
	s20 =	simm.s32 $0x50;
	s28 =	simm.s32 $0x2  }
0x5: {  	s29 =	simm.s32 $0x4;
	s30 =	simm.s32 $0x280;
	s31 =	simm.s32 $0x2B00  }
0x6: {  	s6 =	smul.u32 $0x13C00, s12;
	s1 =	sand.u32 $0x1, s1;
	[smem:$0x7FF] =	sst s3  }
0x7: {  	s4 =	sadd.s32 $0x9FEC00, s0;
	s10 =	sshll.u32 s12, $0x1;
	s11 =	smul.u32 $0x4F000, s12  }
0x8: {  	s7 =	smul.u32 $0x13C000, s1;
	s9 =	ssub.s32 $0x2, s1;
	s1 =	sor.u32 s1, s10  }
0x9: {  	s5 =	sadd.s32 $0xA25E00, s0;
	s23 =	sshll.u32 s12, $0x6;
	s10 =	smul.u32 $0x5DC, s1  }
0xa: {  	_ =	strace $0x80000047;
	s8 =	sshrl.u32 s6, $0x3;
	s24 =	smul.u32 $0x2EE0, s1  }
0xb: {  	s21 =	sshrl.u32 s9, $0x1;
	s22 =	sshrl.u32 s11, $0x2;
	s13 =	smul.u32 $0x17700, s1  }
0xc: {  	s11 =	smul.u32 $0x1770, s1;
	s7 =	sadd.s32 s6, s7;
	s8 =	sadd.s32 s8, s0  }
0xd: {  	s6 =	sadd.s32 $0x9F1800, s0;
	s7 =	sshrl.u32 s7, $0x3;
	s8 =	sadd.s32 $0x1001E00, s8  }
0xe: {  	s10 =	sadd.s32 s6, s10;
	s12 =	sshrl.u32 s24, $0x3;
	s25 =	sadd.s32 s5, s13  }
0xf: {  	s24 =	simm.s32 $0x1;
	s0 =	sadd.s32 s7, s0;
	[dreg:$0x3] =	wrdreg s8  }
0x10: {  	s7 =	ssub.s32 s9, s21;
	s9 =	sadd.s32 s22, s2;
	[dreg:$0x4] =	wrdreg s10  }
0x11: {  	s8 =	sor.u32 $0x1C09, s23;
	s10 =	smul.u32 $0x4B, s1;
	[dreg:$0x5] =	wrdreg s25  }
.Ltmp0:
0x12: {  	s26 =	sadd.s32 s6, s12;
	s21 =	simm.s32 $0x300;
	(pc) =	sbr.rel .LBB2_1-.Ltmp0, $4  }
0x13: {  	s25 =	simm.s32 $0x3;
	s22 =	simm.s32 $0x0;
	s1 =	sadd.s32 $0x14, s26  }
0x14: {  	s0 =	sadd.s32 $0x1029600, s0;
	s16 =	smax.u32 s7, $0x1;
	s17 =	sshrl.u32 s9, $0x3  }
0x15: {  	s26 =	simm.s32 $0x200;
	[dreg:$0x6] =	wrdreg s1;
	s14 =	sadd.s32 $0x3, s10  }
0x16: {  	[dreg:$0x7] =	wrdreg s0;
	s0 =	simm.s32 $0x8;
	s1 =	simm.s32 $0x7  }
.LBB2_9:
0x17: {  	_ =	swait.ge [sflag:s0], $0x2800  }
0x18: {  	[sflag:s0] =	ssyncset.done $0x0  }
0x19: {  	[sflag:s0] =	ssyncadd.s32 $0xFFFFD800  }
0x1a: {  	_ =	swait.ge [sflag:s1], $0x2800  }
0x1b: {  	[sflag:s1] =	ssyncset.done $0x0  }
0x1c: {  	s22 =	sadd.s32 $0x1, s22;
	[sflag:s1] =	ssyncadd.s32 $0xFFFFD800  }
0x1d: {  	p0 =	sne.s32 s22, s16;
	[bflag:$0x0] =	sbarrier.arrive $0xFFFF  }
.Ltmp1:
0x1e: {  	s7 =	rddreg [dreg:$0x7];
	(pc) =	sbr.rel @!p0 .LBB2_10-.Ltmp1, $4  }
0x1f: {  	[hbm:s7], [sflag:s8] =	dma.local [spmem:s17], $0x2780  }
0x20: {  	_ =	swait.ge [sflag:s18], $0x2780  }
0x21: {  	[sflag:s18] =	ssyncset.done $0x0  }
0x22: {  	[sflag:s18] =	ssyncadd.s32 $0xFFFFD880  }
.LBB2_1:
0x23: {  	s7 =	rddreg [dreg:$0x3]  }
0x24: {  	[spmem:s17], [sflag:s8] =	dma.local [hbm:s7], $0x2780  }
0x25: {  	_ =	swait.ge [sflag:s18], $0x2780  }
0x26: {  	[sflag:s18] =	ssyncset.done $0x0  }
0x27: {  	[sflag:s18] =	ssyncadd.s32 $0xFFFFD880  }
0x28: {  	[bflag:$0x0] =	sbarrier.arrive $0xFFFF  }
0x29: {  	s12 =	rddreg [dreg:$0x4]  }
0x2a: {  	[tilespmem:s3], [sflag:$0x5] =	stream.linear.gather [hbm4b:s12+s3], $0xA0, $0x38;
	[tilespmem:$0x1DF00] =	vst v63  }
0x2b: {  	_ =	swait.ge [sflag:s19], $0xA0  }
0x2c: {  	[sflag:s19] =	ssyncset.done $0x0  }
0x2d: {  	[sflag:s19] =	ssyncadd.s32 $0xFFFFFF60  }
0x2e: {  	[tilespmem:s21], [sflag:$0x1] =	stream.indirect.gather [hbm4b:s4+s20], $0x80, s3, s20, $0xb8;
	[tilespmem:$0x1DF00] =	vst v63  }
.Ltmp2:
0x2f: {  	s9 =	simm.s32 $0x5300;
	s13 =	rddreg [dreg:$0x5];
	(pc) =	sbr.rel .LBB2_2-.Ltmp2, $4  }
0x30: {  	[tilespmem:s9], [sflag:$0x3] =	stream.linear.gather [hbm4b:s13+s3], $0x2800, $0x38;
	[tilespmem:$0x1DF00] =	vst v63  }
0x31: {  	s23 =	simm.s32 $0x100;
	s15 =	rddreg [dreg:$0x6]  }
0x32: {  	[tilespmem:s23], [sflag:$0x6] =	stream.linear.gather [hbm4b:s15+s3], $0xA0, $0x38;
	[tilespmem:$0x1DF00] =	vst v63  }
0x33: {  	s23 =	simm.s32 $0x0  }
.LBB2_8:
0x34: {  	p0 =	sgt.u32 s23, $0x23  }
0x35: {  	s7 =	sadd.s32 @!p0 s7, s14  }
0x36: {  	s7 =	smul.u32 @!p0 $0x14, s7  }
0x37: {  	s23 =	sadd.s32 $0x1, s23  }
0x38: {  	s9 =	simm.s32 @!p0 $0x0;
	s12 =	simm.s32 @!p0 $0x100;
	s7 =	sadd.s32 @!p0 s6, s7  }
0x39: {  	[tilespmem:s12], [sflag:$0x6] =	stream.linear.gather @!p0 [hbm4b:s7+s9], $0xA0, $0x38;
	[tilespmem:$0x1DF00] =	vst v63  }
0x3a: {  	p0 =	sne.s32 s23, $0x26  }
.Ltmp3:
0x3b: {  	_ = 	snop;
	(pc) =	sbr.rel @!p0 .LBB2_9-.Ltmp3, $1  }
0x3c: {  	_ =	sdelay $0x3  }
.LBB2_2:
0x3d: {  	s7 =	sshllo.u32 s23, $0x1  }
0x3e: {  	p0 =	sgt.u32 s7, $0x4A  }
0x3f: {  	s9 =	simm.s32 @!p0 $0x6  }
0x40: {  	p1 =	seq.s32 @!p0 s23, $0x0;
	_ =	swait.ge @!p0 [sflag:s9], $0xA0  }
0x41: {  	p1 =	por p1, p0;
	[sflag:s9] =	ssyncset.done @!p0 $0x0  }
0x42: {  	s7 =	smul.u32 @!p0 $0x50, s7;
	[sflag:s9] =	ssyncadd.s32 @!p0 $0xFFFFFF60;
	s9 =	simm.s32 @!p1 $0x8  }
0x43: {  	s12 =	simm.s32 @!p0 $0x100;
	_ =	swait.ge @!p1 [sflag:s9], $0x2800  }
0x44: {  	s13 =	simm.s32 @!p0 $0x2B00;
	s7 =	sadd.s32 @!p0 s11, s7;
	[sflag:s9] =	ssyncset.done @!p1 $0x0  }
0x45: {  	s7 =	sshll.u32 @!p0 s7, $0x4;
	[sflag:s9] =	ssyncadd.s32 @!p1 $0xFFFFD800;
	s9 =	simm.s32 @!p0 $0x50  }
0x46: {  	[tilespmem:s13], [sflag:$0x2] =	stream.indirect.gather @!p0 [hbm4b:s4+s9], $0x80, s12, s9, $0xb8;
	[tilespmem:$0x1DF00] =	vst v63  }
0x47: {  	s7 =	sadd.s32 @!p0 s5, s7;
	s9 =	simm.s32 @!p0 $0x0;
	s12 =	simm.s32 @!p0 $0x7B00  }
0x48: {  	[tilespmem:s12], [sflag:$0x4] =	stream.linear.gather @!p0 [hbm4b:s7+s9], $0x2800, $0x38;
	[tilespmem:$0x1DF00] =	vst v63  }
0x49: {  	_ =	swait.ge [sflag:s24], $0x2800  }
0x4a: {  	[sflag:s24] =	ssyncset.done $0x0  }
0x4b: {  	[sflag:s24] =	ssyncadd.s32 $0xFFFFD800  }
0x4c: {  	_ =	swait.ge [sflag:s25], $0x2800  }
0x4d: {  	[sflag:s25] =	ssyncset.done $0x0  }
0x4e: {  	s15 =	simm.s32 $0x5400;
	[sflag:s25] =	ssyncadd.s32 $0xFFFFD800  }
0x4f: {  	s9 =	simm.s32 $0x400;
	v0 =	vld [tilespmem:s15+$0x80]  }
0x50: {  	v1 =	vld [tilespmem:s9+$0x80]  }
0x51: {  	v2 =	vld [tilespmem:s9+$0x90]  }
0x52: {  	v3 =	vld [tilespmem:s15+$0xFFFFFF80]  }
0x53: {  	v4 =	vld [tilespmem:s15+$0x0]  }
0x54: {  	v5 =	vld [tilespmem:s15+$0xFFFFFF00]  }
0x55: {  	v7 =	vld [tilespmem:s9+$0xFFFFFF00];
	v6 =	vunpack.i.l.bf16.f32 v0  }
0x56: {  	v58 =	vld [tilespmem:s9+$0xFFFFFF20];
	v0 =	vunpack.i.u.bf16.f32 v0;
	v1 =	vmul.f32 v1, v6  }
0x57: {  	v6 =	vld [tilespmem:s9+$0xFFFFFF10];
	v0 =	vmul.f32 v2, v0  }
0x58: {  	v2 =	vld [tilespmem:s9+$0xFFFFFF80];
	[tilespmem:s9+$0x80] =	vst v1  }
0x59: {  	v1 =	vld [tilespmem:s9+$0xFFFFFF90];
	[tilespmem:s9+$0x90] =	vst v0  }
0x5a: {  	v0 =	vunpack.i.l.bf16.f32 v5;
	v8 =	vld [tilespmem:s15+$0x90]  }
0x5b: {  	v5 =	vunpack.i.u.bf16.f32 v5;
	v0 =	vmul.f32 v7, v0;
	v7 =	vld [tilespmem:s9+$0xA0]  }
0x5c: {  	v9 =	vunpack.i.l.bf16.f32 v3;
	v5 =	vmul.f32 v6, v5;
	v6 =	vld [tilespmem:s9+$0xB0]  }
0x5d: {  	v61 =	vld [tilespmem:s9+$0xFFFFFF50];
	v3 =	vunpack.i.u.bf16.f32 v3;
	[tilespmem:s9+$0xFFFFFF00] =	vst v0;
	v0 =	vmul.f32 v2, v9  }
0x5e: {  	v2 =	vld [tilespmem:s9+$0x0];
	[tilespmem:s9+$0xFFFFFF10] =	vst v5;
	v1 =	vmul.f32 v1, v3  }
0x5f: {  	v3 =	vld [tilespmem:s9+$0x10];
	[tilespmem:s9+$0xFFFFFF80] =	vst v0;
	v0 =	vunpack.i.l.bf16.f32 v8  }
0x60: {  	v5 =	vld [tilespmem:s15+$0xFFFFFF10];
	[tilespmem:s9+$0xFFFFFF90] =	vst v1;
	v1 =	vunpack.i.u.bf16.f32 v8;
	v0 =	vmul.f32 v7, v0  }
0x61: {  	v8 =	vld [tilespmem:s9+$0xFFFFFF30];
	v1 =	vmul.f32 v6, v1  }
0x62: {  	v7 =	vld [tilespmem:s15+$0xFFFFFF90];
	v6 =	vunpack.i.l.bf16.f32 v4;
	[tilespmem:s9+$0xA0] =	vst v0  }
0x63: {  	v0 =	vunpack.i.u.bf16.f32 v4;
	v2 =	vmul.f32 v2, v6;
	v4 =	vld [tilespmem:s9+$0xFFFFFFA0];
	[tilespmem:s9+$0xB0] =	vst v1  }
0x64: {  	v0 =	vmul.f32 v3, v0;
	v1 =	vld [tilespmem:s15+$0xA0]  }
0x65: {  	[tilespmem:s9+$0x0] =	vst v2;
	v2 =	vld [tilespmem:s9+$0xC0]  }
0x66: {  	v3 =	vunpack.i.l.bf16.f32 v5;
	v5 =	vunpack.i.u.bf16.f32 v5;
	[tilespmem:s9+$0x10] =	vst v0;
	v0 =	vld [tilespmem:s9+$0xD0]  }
0x67: {  	v3 =	vmul.f32 v58, v3;
	v5 =	vmul.f32 v8, v5;
	v8 =	vld [tilespmem:s9+$0xFFFFFFB0]  }
0x68: {  	v6 =	vld [tilespmem:s15+$0x10];
	v60 =	vunpack.i.l.bf16.f32 v7  }
0x69: {  	[tilespmem:s9+$0xFFFFFF20] =	vst v3;
	v3 =	vld [tilespmem:s9+$0x20];
	v4 =	vmul.f32 v4, v60;
	v59 =	vunpack.i.l.bf16.f32 v1  }
0x6a: {  	[tilespmem:s9+$0xFFFFFF30] =	vst v5;
	v5 =	vld [tilespmem:s9+$0x30];
	v1 =	vunpack.i.u.bf16.f32 v1;
	v2 =	vmul.f32 v2, v59  }
0x6b: {  	v10 =	vld [tilespmem:s15+$0xFFFFFF20];
	[tilespmem:s9+$0xFFFFFFA0] =	vst v4;
	v0 =	vmul.f32 v0, v1;
	v1 =	vunpack.i.u.bf16.f32 v7  }
0x6c: {  	v7 =	vld [tilespmem:s9+$0xFFFFFF40];
	v1 =	vmul.f32 v8, v1;
	[tilespmem:s9+$0xC0] =	vst v2  }
0x6d: {  	v4 =	vld [tilespmem:s9+$0xFFFFFFC0];
	v2 =	vunpack.i.l.bf16.f32 v6;
	[tilespmem:s9+$0xD0] =	vst v0  }
0x6e: {  	v0 =	vunpack.i.u.bf16.f32 v6;
	v6 =	vld [tilespmem:s9+$0xFFFFFFD0];
	v2 =	vmul.f32 v3, v2;
	[tilespmem:s9+$0xFFFFFFB0] =	vst v1  }
0x6f: {  	v0 =	vmul.f32 v5, v0;
	v1 =	vld [tilespmem:s15+$0xFFFFFFA0]  }
0x70: {  	v8 =	vld [tilespmem:s15+$0xB0];
	[tilespmem:s9+$0x20] =	vst v2;
	v2 =	vunpack.i.l.bf16.f32 v10  }
0x71: {  	v3 =	vld [tilespmem:s9+$0xF0];
	[tilespmem:s9+$0x30] =	vst v0;
	v0 =	vunpack.i.u.bf16.f32 v10;
	v2 =	vmul.f32 v7, v2  }
0x72: {  	v5 =	vld [tilespmem:s15+$0x20];
	v0 =	vmul.f32 v61, v0  }
0x73: {  	v7 =	vld [tilespmem:s9+$0x50];
	[tilespmem:s9+$0xFFFFFF40] =	vst v2  }
0x74: {  	v2 =	vld [tilespmem:s9+$0x40];
	[tilespmem:s9+$0xFFFFFF50] =	vst v0;
	v0 =	vunpack.i.l.bf16.f32 v1  }
0x75: {  	v62 =	vld [tilespmem:s15+$0xFFFFFF30];
	v0 =	vmul.f32 v4, v0  }
0x76: {  	v1 =	vunpack.i.u.bf16.f32 v1;
	v4 =	vld [tilespmem:s9+$0xFFFFFF60]  }
0x77: {  	v6 =	vmul.f32 v6, v1;
	v63 =	vunpack.i.l.bf16.f32 v5;
	v5 =	vunpack.i.u.bf16.f32 v5;
	[tilespmem:s9+$0xFFFFFFC0] =	vst v0;
	v0 =	vld [tilespmem:s9+$0xFFFFFF70]  }
0x78: {  	v1 =	vld [tilespmem:s9+$0xFFFFFFE0];
	v5 =	vmul.f32 v7, v5  }
0x79: {  	[tilespmem:s9+$0xFFFFFFD0] =	vst v6;
	v6 =	vunpack.i.u.bf16.f32 v8;
	v10 =	vmul.f32 v2, v63;
	v2 =	vld [tilespmem:s9+$0xFFFFFFF0]  }
0x7a: {  	v7 =	vmul.f32 v3, v6;
	v6 =	vld [tilespmem:s15+$0xFFFFFFB0];
	v3 =	vunpack.i.l.bf16.f32 v62;
	[tilespmem:s9+$0x50] =	vst v5  }
0x7b: {  	v5 =	vunpack.i.u.bf16.f32 v62;
	[tilespmem:s9+$0x40] =	vst v10;
	v4 =	vmul.f32 v4, v3;
	v3 =	vld [tilespmem:s9+$0x60]  }
0x7c: {  	[tilespmem:s9+$0xF0] =	vst v7;
	v7 =	vld [tilespmem:s15+$0x30];
	v5 =	vmul.f32 v0, v5  }
0x7d: {  	s13 =	simm.s32 $0x0;
	[tilespmem:s9+$0xFFFFFF60] =	vst v4;
	v4 =	vld [tilespmem:s9+$0x70]  }
0x7e: {  	s7 =	sshll.u32 s23, $0x1;
	s12 =	simm.s32 $0x400;
	s15 =	simm.s32 $0x5600;
	v0 =	vunpack.i.l.bf16.f32 v8;
	[tilespmem:s9+$0xFFFFFF70] =	vst v5;
	v5 =	vld [tilespmem:s9+$0xE0]  }
.LBB2_3:
0x7f: {  	v8 =	vld [tilespmem:s15+$0x80];
	v9 =	vunpack.i.u.bf16.f32 v6;
	v6 =	vunpack.i.l.bf16.f32 v6;
	s9 =	sadd.s32 $0x200, s9  }
0x80: {  	v10 =	vld [tilespmem:s9+$0x80];
	v1 =	vmul.f32 v1, v6;
	v2 =	vmul.f32 v2, v9  }
0x81: {  	v6 =	vld [tilespmem:s9+$0x90];
	v9 =	vunpack.i.u.bf16.f32 v7;
	v7 =	vunpack.i.l.bf16.f32 v7  }
0x82: {  	s13 =	sadd.s32 $0x4, s13;
	v11 =	vld [tilespmem:s15+$0xFFFFFF80];
	[tilespmem:s12+$0xFFFFFFE0] =	vst v1;
	v1 =	vmul.f32 v3, v7;
	v3 =	vmul.f32 v4, v9  }
0x83: {  	p1 =	slt.u32 s13, $0x4C;
	v4 =	vld [tilespmem:s15+$0x0];
	[tilespmem:s12+$0xFFFFFFF0] =	vst v2;
	v0 =	vmul.f32 v5, v0  }
0x84: {  	v2 =	vld [tilespmem:s15+$0xFFFFFF00];
	v5 =	vunpack.i.l.bf16.f32 v8;
	[tilespmem:s12+$0x60] =	vst v1  }
0x85: {  	v7 =	vunpack.i.u.bf16.f32 v8;
	v1 =	vld [tilespmem:s9+$0xFFFFFF00];
	v5 =	vmul.f32 v10, v5;
	[tilespmem:s12+$0x70] =	vst v3  }
0x86: {  	v3 =	vld [tilespmem:s9+$0xFFFFFF10];
	v6 =	vmul.f32 v6, v7;
	[tilespmem:s12+$0xE0] =	vst v0;
	s12 =	smov.u32 s9  }
0x87: {  	v0 =	vunpack.i.u.bf16.f32 v11;
	v7 =	vunpack.i.l.bf16.f32 v11;
	v8 =	vld [tilespmem:s9+$0xFFFFFF80];
	[tilespmem:s9+$0x80] =	vst v5  }
0x88: {  	v5 =	vld [tilespmem:s9+$0xFFFFFF90];
	v9 =	vunpack.i.u.bf16.f32 v4;
	v4 =	vunpack.i.l.bf16.f32 v4;
	[tilespmem:s9+$0x90] =	vst v6  }
0x89: {  	v6 =	vunpack.i.u.bf16.f32 v2;
	v2 =	vunpack.i.l.bf16.f32 v2;
	v10 =	vld [tilespmem:s15+$0x90]  }
0x8a: {  	v1 =	vmul.f32 v1, v2;
	v2 =	vld [tilespmem:s9+$0xA0]  }
0x8b: {  	v3 =	vmul.f32 v3, v6;
	v6 =	vld [tilespmem:s9+$0xB0]  }
0x8c: {  	[tilespmem:s9+$0xFFFFFF00] =	vst v1;
	v1 =	vmul.f32 v8, v7;
	v7 =	vld [tilespmem:s9+$0x0]  }
0x8d: {  	[tilespmem:s9+$0xFFFFFF10] =	vst v3;
	v0 =	vmul.f32 v5, v0;
	v3 =	vld [tilespmem:s9+$0x10]  }
0x8e: {  	v5 =	vld [tilespmem:s15+$0xFFFFFF10];
	[tilespmem:s9+$0xFFFFFF80] =	vst v1;
	v1 =	vunpack.i.l.bf16.f32 v10  }
0x8f: {  	v8 =	vld [tilespmem:s9+$0xFFFFFF20];
	[tilespmem:s9+$0xFFFFFF90] =	vst v0;
	v0 =	vunpack.i.u.bf16.f32 v10;
	v1 =	vmul.f32 v2, v1  }
0x90: {  	v2 =	vld [tilespmem:s15+$0xFFFFFF90];
	v0 =	vmul.f32 v6, v0  }
0x91: {  	v6 =	vld [tilespmem:s9+$0xFFFFFF30];
	v4 =	vmul.f32 v7, v4;
	[tilespmem:s9+$0xA0] =	vst v1  }
0x92: {  	v1 =	vld [tilespmem:s9+$0xFFFFFFA0];
	v3 =	vmul.f32 v3, v9;
	[tilespmem:s9+$0xB0] =	vst v0  }
0x93: {  	v0 =	vunpack.i.u.bf16.f32 v5;
	v5 =	vunpack.i.l.bf16.f32 v5;
	[tilespmem:s9+$0x0] =	vst v4;
	v4 =	vld [tilespmem:s15+$0xA0]  }
0x94: {  	v5 =	vmul.f32 v8, v5;
	[tilespmem:s9+$0x10] =	vst v3;
	v3 =	vld [tilespmem:s9+$0xC0]  }
0x95: {  	v7 =	vunpack.i.u.bf16.f32 v2;
	v2 =	vunpack.i.l.bf16.f32 v2;
	v8 =	vld [tilespmem:s9+$0xD0]  }
0x96: {  	[tilespmem:s9+$0xFFFFFF20] =	vst v5;
	v0 =	vmul.f32 v6, v0;
	v5 =	vld [tilespmem:s15+$0x10]  }
0x97: {  	v1 =	vmul.f32 v1, v2;
	v2 =	vld [tilespmem:s9+$0xFFFFFFB0]  }
0x98: {  	[tilespmem:s9+$0xFFFFFF30] =	vst v0;
	v0 =	vld [tilespmem:s9+$0x20];
	v6 =	vunpack.i.l.bf16.f32 v4  }
0x99: {  	v4 =	vunpack.i.u.bf16.f32 v4;
	[tilespmem:s9+$0xFFFFFFA0] =	vst v1;
	v1 =	vld [tilespmem:s9+$0x30];
	v3 =	vmul.f32 v3, v6  }
0x9a: {  	v6 =	vld [tilespmem:s15+$0xFFFFFF20];
	v4 =	vmul.f32 v8, v4  }
0x9b: {  	v8 =	vld [tilespmem:s9+$0xFFFFFF40];
	v9 =	vunpack.i.u.bf16.f32 v5;
	v5 =	vunpack.i.l.bf16.f32 v5;
	[tilespmem:s9+$0xC0] =	vst v3  }
0x9c: {  	v3 =	vld [tilespmem:s9+$0xFFFFFF50];
	v2 =	vmul.f32 v2, v7;
	[tilespmem:s9+$0xD0] =	vst v4  }
0x9d: {  	v0 =	vmul.f32 v0, v5;
	v4 =	vld [tilespmem:s15+$0xB0]  }
0x9e: {  	[tilespmem:s9+$0xFFFFFFB0] =	vst v2;
	v1 =	vmul.f32 v1, v9;
	v2 =	vld [tilespmem:s9+$0xF0]  }
0x9f: {  	v5 =	vunpack.i.u.bf16.f32 v6;
	v6 =	vunpack.i.l.bf16.f32 v6;
	v7 =	vld [tilespmem:s15+$0xFFFFFFA0];
	[tilespmem:s9+$0x20] =	vst v0  }
0xa0: {  	v0 =	vmul.f32 v8, v6;
	v6 =	vld [tilespmem:s9+$0xFFFFFFC0];
	[tilespmem:s9+$0x30] =	vst v1  }
0xa1: {  	v1 =	vmul.f32 v3, v5;
	v3 =	vld [tilespmem:s15+$0x20]  }
0xa2: {  	[tilespmem:s9+$0xFFFFFF40] =	vst v0;
	v5 =	vld [tilespmem:s9+$0xFFFFFFD0];
	v8 =	vunpack.i.u.bf16.f32 v4;
	v0 =	vunpack.i.l.bf16.f32 v4  }
0xa3: {  	[tilespmem:s9+$0xFFFFFF50] =	vst v1;
	v4 =	vld [tilespmem:s9+$0x40];
	v1 =	vmul.f32 v2, v8  }
0xa4: {  	v2 =	vunpack.i.u.bf16.f32 v7;
	v7 =	vunpack.i.l.bf16.f32 v7;
	v8 =	vld [tilespmem:s9+$0x50]  }
0xa5: {  	v9 =	vld [tilespmem:s15+$0xFFFFFF30];
	v6 =	vmul.f32 v6, v7;
	[tilespmem:s9+$0xF0] =	vst v1  }
0xa6: {  	v7 =	vld [tilespmem:s9+$0xFFFFFF60];
	v10 =	vunpack.i.u.bf16.f32 v3;
	v3 =	vunpack.i.l.bf16.f32 v3  }
0xa7: {  	v11 =	vld [tilespmem:s9+$0xFFFFFF70];
	[tilespmem:s9+$0xFFFFFFC0] =	vst v6;
	v2 =	vmul.f32 v5, v2  }
0xa8: {  	v1 =	vld [tilespmem:s9+$0xFFFFFFE0];
	v3 =	vmul.f32 v4, v3  }
0xa9: {  	[tilespmem:s9+$0xFFFFFFD0] =	vst v2;
	v2 =	vld [tilespmem:s9+$0xFFFFFFF0];
	v4 =	vmul.f32 v8, v10  }
.Ltmp4:
0xaa: {  	v5 =	vunpack.i.u.bf16.f32 v9;
	v8 =	vunpack.i.l.bf16.f32 v9;
	v6 =	vld [tilespmem:s15+$0xFFFFFFB0];
	[tilespmem:s9+$0x40] =	vst v3;
	(pc) =	sbr.rel @p1 .LBB2_3-.Ltmp4, $4  }
0xab: {  	v8 =	vmul.f32 v7, v8;
	[tilespmem:s9+$0x50] =	vst v4;
	v3 =	vld [tilespmem:s9+$0x60]  }
0xac: {  	v5 =	vmul.f32 v11, v5;
	v7 =	vld [tilespmem:s15+$0x30]  }
0xad: {  	[tilespmem:s9+$0xFFFFFF60] =	vst v8;
	v4 =	vld [tilespmem:s9+$0x70]  }
0xae: {  	s15 =	sadd.s32 $0x200, s15;
	[tilespmem:s9+$0xFFFFFF70] =	vst v5;
	v5 =	vld [tilespmem:s9+$0xE0]  }
0xaf: {  	v8 =	vunpack.i.l.bf16.f32 v6  }
0xb0: {  	v58 =	vunpack.i.u.bf16.f32 v6;
	v1 =	vmul.f32 v1, v8  }
0xb1: {  	v2 =	vmul.f32 v2, v58;
	v59 =	vunpack.i.l.bf16.f32 v7  }
0xb2: {  	v60 =	vunpack.i.u.bf16.f32 v7;
	[tilespmem:s12+$0xFFFFFFE0] =	vst v1;
	v61 =	vmul.f32 v3, v59  }
0xb3: {  	v62 =	vmul.f32 v4, v60;
	[tilespmem:s12+$0xFFFFFFF0] =	vst v2  }
0xb4: {  	v0 =	vmul.f32 v5, v0;
	[tilespmem:s12+$0x60] =	vst v61  }
0xb5: {  	[tilespmem:s12+$0x70] =	vst v62  }
0xb6: {  	[tilespmem:s12+$0xE0] =	vst v0  }
0xb7: {  	v0 =	vld [tilespmem:$0x50]  }
0xb8: {  	v1 =	vld [tilespmem:$0x60]  }
0xb9: {  	v2 =	vld [tilespmem:$0x70]  }
0xba: {  	v3 =	vld [tilespmem:$0x80]  }
0xbb: {  	v63 =	vld [tilespmem:$0x90]  }
0xbc: {  	[tilespmem:$0x200] =	vst v0  }
0xbd: {  	p1 =	seq.s32 s23, $0x25;
	[tilespmem:$0x210] =	vst v1  }
0xbe: {  	s9 =	sadd.s32 @!p1 $0x2, s7;
	[tilespmem:$0x220] =	vst v2  }
0xbf: {  	s12 =	sadd.s32 @!p1 s10, s9;
	[tilespmem:$0x230] =	vst v3  }
0xc0: {  	s12 =	smul.u32 @!p1 $0x14, s12;
	[tilespmem:$0x240] =	vst v63  }
0xc1: {  	[spmem:s2] =	stream.indirect.scatter.add.f32 [tilespmem:s21], [sflag:$0x7], $0x80, s26, s20, $0xb8;
	[tilespmem:$0x1DF00] =	vst v63  }
0xc2: {  	s13 =	simm.s32 @!p1 $0x0;
	s12 =	sadd.s32 @!p1 s6, s12  }
0xc3: {  	[tilespmem:s13], [sflag:$0x5] =	stream.linear.gather @!p1 [hbm4b:s12+s13], $0xA0, $0x38;
	[tilespmem:$0x1DF00] =	vst v63  }
0xc4: {  	s12 =	simm.s32 @!p1 $0x5  }
0xc5: {  	_ =	swait.ge @!p1 [sflag:s12], $0xA0  }
0xc6: {  	[sflag:s12] =	ssyncset.done @!p1 $0x0  }
0xc7: {  	s9 =	smul.u32 @!p1 $0x50, s9;
	[sflag:s12] =	ssyncadd.s32 @!p1 $0xFFFFFF60;
	s12 =	simm.s32 @!p1 $0x7  }
0xc8: {  	s15 =	simm.s32 @!p1 $0x300;
	_ =	swait.ge @!p1 [sflag:s12], $0x2800  }
.Ltmp5:
0xc9: {  	s9 =	sadd.s32 @!p1 s11, s9;
	[sflag:s12] =	ssyncset.done @!p1 $0x0;
	(pc) =	sbr.rel @p0 .LBB2_8-.Ltmp5, $4  }
0xca: {  	s9 =	sshll.u32 @!p1 s9, $0x4;
	[sflag:s12] =	ssyncadd.s32 @!p1 $0xFFFFD800;
	s12 =	simm.s32 @!p1 $0x50  }
0xcb: {  	[tilespmem:s15], [sflag:$0x1] =	stream.indirect.gather @!p1 [hbm4b:s4+s12], $0x80, s13, s12, $0xb8;
	[tilespmem:$0x1DF00] =	vst v63  }
0xcc: {  	s9 =	sadd.s32 @!p1 s5, s9;
	s12 =	simm.s32 @!p1 $0x5300  }
0xcd: {  	[tilespmem:s12], [sflag:$0x3] =	stream.linear.gather @!p1 [hbm4b:s9+s13], $0x2800, $0x38;
	[tilespmem:$0x1DF00] =	vst v63  }
0xce: {  	_ =	swait.ge [sflag:s28], $0x2800  }
0xcf: {  	[sflag:s28] =	ssyncset.done $0x0  }
0xd0: {  	[sflag:s28] =	ssyncadd.s32 $0xFFFFD800  }
0xd1: {  	_ =	swait.ge [sflag:s29], $0x2800  }
0xd2: {  	[sflag:s29] =	ssyncset.done $0x0  }
0xd3: {  	s12 =	simm.s32 $0x7C00;
	[sflag:s29] =	ssyncadd.s32 $0xFFFFD800  }
0xd4: {  	s9 =	simm.s32 $0x2C00;
	v0 =	vld [tilespmem:s12+$0x80]  }
0xd5: {  	v1 =	vld [tilespmem:s9+$0x80]  }
0xd6: {  	v2 =	vld [tilespmem:s9+$0x90]  }
0xd7: {  	v3 =	vld [tilespmem:s12+$0xFFFFFF80]  }
0xd8: {  	v4 =	vld [tilespmem:s12+$0x0]  }
0xd9: {  	v5 =	vld [tilespmem:s12+$0xFFFFFF00]  }
0xda: {  	v7 =	vld [tilespmem:s9+$0xFFFFFF00];
	v6 =	vunpack.i.l.bf16.f32 v0  }
0xdb: {  	v58 =	vld [tilespmem:s9+$0xFFFFFF20];
	v0 =	vunpack.i.u.bf16.f32 v0;
	v1 =	vmul.f32 v1, v6  }
0xdc: {  	v6 =	vld [tilespmem:s9+$0xFFFFFF10];
	v0 =	vmul.f32 v2, v0  }
0xdd: {  	v2 =	vld [tilespmem:s9+$0xFFFFFF80];
	[tilespmem:s9+$0x80] =	vst v1  }
0xde: {  	v1 =	vld [tilespmem:s9+$0xFFFFFF90];
	[tilespmem:s9+$0x90] =	vst v0  }
0xdf: {  	v0 =	vunpack.i.l.bf16.f32 v5;
	v8 =	vld [tilespmem:s12+$0x90]  }
0xe0: {  	v5 =	vunpack.i.u.bf16.f32 v5;
	v0 =	vmul.f32 v7, v0;
	v7 =	vld [tilespmem:s9+$0xA0]  }
0xe1: {  	v9 =	vunpack.i.l.bf16.f32 v3;
	v5 =	vmul.f32 v6, v5;
	v6 =	vld [tilespmem:s9+$0xB0]  }
0xe2: {  	v61 =	vld [tilespmem:s9+$0xFFFFFF50];
	v3 =	vunpack.i.u.bf16.f32 v3;
	[tilespmem:s9+$0xFFFFFF00] =	vst v0;
	v0 =	vmul.f32 v2, v9  }
0xe3: {  	v2 =	vld [tilespmem:s9+$0x0];
	[tilespmem:s9+$0xFFFFFF10] =	vst v5;
	v1 =	vmul.f32 v1, v3  }
0xe4: {  	v3 =	vld [tilespmem:s9+$0x10];
	[tilespmem:s9+$0xFFFFFF80] =	vst v0;
	v0 =	vunpack.i.l.bf16.f32 v8  }
0xe5: {  	v5 =	vld [tilespmem:s12+$0xFFFFFF10];
	[tilespmem:s9+$0xFFFFFF90] =	vst v1;
	v1 =	vunpack.i.u.bf16.f32 v8;
	v0 =	vmul.f32 v7, v0  }
0xe6: {  	v8 =	vld [tilespmem:s9+$0xFFFFFF30];
	v1 =	vmul.f32 v6, v1  }
0xe7: {  	v7 =	vld [tilespmem:s12+$0xFFFFFF90];
	v6 =	vunpack.i.l.bf16.f32 v4;
	[tilespmem:s9+$0xA0] =	vst v0  }
0xe8: {  	v0 =	vunpack.i.u.bf16.f32 v4;
	v2 =	vmul.f32 v2, v6;
	v4 =	vld [tilespmem:s9+$0xFFFFFFA0];
	[tilespmem:s9+$0xB0] =	vst v1  }
0xe9: {  	v0 =	vmul.f32 v3, v0;
	v1 =	vld [tilespmem:s12+$0xA0]  }
0xea: {  	[tilespmem:s9+$0x0] =	vst v2;
	v2 =	vld [tilespmem:s9+$0xC0]  }
0xeb: {  	v3 =	vunpack.i.l.bf16.f32 v5;
	v5 =	vunpack.i.u.bf16.f32 v5;
	[tilespmem:s9+$0x10] =	vst v0;
	v0 =	vld [tilespmem:s9+$0xD0]  }
0xec: {  	v3 =	vmul.f32 v58, v3;
	v5 =	vmul.f32 v8, v5;
	v8 =	vld [tilespmem:s9+$0xFFFFFFB0]  }
0xed: {  	v6 =	vld [tilespmem:s12+$0x10];
	v60 =	vunpack.i.l.bf16.f32 v7  }
0xee: {  	[tilespmem:s9+$0xFFFFFF20] =	vst v3;
	v3 =	vld [tilespmem:s9+$0x20];
	v4 =	vmul.f32 v4, v60;
	v59 =	vunpack.i.l.bf16.f32 v1  }
0xef: {  	[tilespmem:s9+$0xFFFFFF30] =	vst v5;
	v5 =	vld [tilespmem:s9+$0x30];
	v1 =	vunpack.i.u.bf16.f32 v1;
	v2 =	vmul.f32 v2, v59  }
0xf0: {  	v10 =	vld [tilespmem:s12+$0xFFFFFF20];
	[tilespmem:s9+$0xFFFFFFA0] =	vst v4;
	v0 =	vmul.f32 v0, v1;
	v1 =	vunpack.i.u.bf16.f32 v7  }
0xf1: {  	v7 =	vld [tilespmem:s9+$0xFFFFFF40];
	v1 =	vmul.f32 v8, v1;
	[tilespmem:s9+$0xC0] =	vst v2  }
0xf2: {  	v4 =	vld [tilespmem:s9+$0xFFFFFFC0];
	v2 =	vunpack.i.l.bf16.f32 v6;
	[tilespmem:s9+$0xD0] =	vst v0  }
0xf3: {  	v0 =	vunpack.i.u.bf16.f32 v6;
	v6 =	vld [tilespmem:s9+$0xFFFFFFD0];
	v2 =	vmul.f32 v3, v2;
	[tilespmem:s9+$0xFFFFFFB0] =	vst v1  }
0xf4: {  	v0 =	vmul.f32 v5, v0;
	v1 =	vld [tilespmem:s12+$0xFFFFFFA0]  }
0xf5: {  	v8 =	vld [tilespmem:s12+$0xB0];
	[tilespmem:s9+$0x20] =	vst v2;
	v2 =	vunpack.i.l.bf16.f32 v10  }
0xf6: {  	v3 =	vld [tilespmem:s9+$0xF0];
	[tilespmem:s9+$0x30] =	vst v0;
	v0 =	vunpack.i.u.bf16.f32 v10;
	v2 =	vmul.f32 v7, v2  }
0xf7: {  	v5 =	vld [tilespmem:s12+$0x20];
	v0 =	vmul.f32 v61, v0  }
0xf8: {  	v7 =	vld [tilespmem:s9+$0x50];
	[tilespmem:s9+$0xFFFFFF40] =	vst v2  }
0xf9: {  	v2 =	vld [tilespmem:s9+$0x40];
	[tilespmem:s9+$0xFFFFFF50] =	vst v0;
	v0 =	vunpack.i.l.bf16.f32 v1  }
0xfa: {  	v62 =	vld [tilespmem:s12+$0xFFFFFF30];
	v0 =	vmul.f32 v4, v0  }
0xfb: {  	v1 =	vunpack.i.u.bf16.f32 v1;
	v4 =	vld [tilespmem:s9+$0xFFFFFF60]  }
0xfc: {  	v6 =	vmul.f32 v6, v1;
	v63 =	vunpack.i.l.bf16.f32 v5;
	v5 =	vunpack.i.u.bf16.f32 v5;
	[tilespmem:s9+$0xFFFFFFC0] =	vst v0;
	v0 =	vld [tilespmem:s9+$0xFFFFFF70]  }
0xfd: {  	v1 =	vld [tilespmem:s9+$0xFFFFFFE0];
	v5 =	vmul.f32 v7, v5  }
0xfe: {  	[tilespmem:s9+$0xFFFFFFD0] =	vst v6;
	v6 =	vunpack.i.u.bf16.f32 v8;
	v10 =	vmul.f32 v2, v63;
	v2 =	vld [tilespmem:s9+$0xFFFFFFF0]  }
0xff: {  	v7 =	vmul.f32 v3, v6;
	v6 =	vld [tilespmem:s12+$0xFFFFFFB0];
	v3 =	vunpack.i.l.bf16.f32 v62;
	[tilespmem:s9+$0x50] =	vst v5  }
0x100: {  	v5 =	vunpack.i.u.bf16.f32 v62;
	[tilespmem:s9+$0x40] =	vst v10;
	v4 =	vmul.f32 v4, v3;
	v3 =	vld [tilespmem:s9+$0x60]  }
0x101: {  	[tilespmem:s9+$0xF0] =	vst v7;
	v7 =	vld [tilespmem:s12+$0x30];
	v5 =	vmul.f32 v0, v5  }
0x102: {  	[tilespmem:s9+$0xFFFFFF60] =	vst v4;
	v4 =	vld [tilespmem:s9+$0x70]  }
0x103: {  	s13 =	simm.s32 $0x0;
	s15 =	simm.s32 $0x7E00;
	s12 =	simm.s32 $0x2C00;
	v0 =	vunpack.i.l.bf16.f32 v8;
	[tilespmem:s9+$0xFFFFFF70] =	vst v5;
	v5 =	vld [tilespmem:s9+$0xE0]  }
.LBB2_6:
0x104: {  	v8 =	vld [tilespmem:s15+$0x80];
	v9 =	vunpack.i.u.bf16.f32 v6;
	v6 =	vunpack.i.l.bf16.f32 v6;
	s9 =	sadd.s32 $0x200, s9  }
0x105: {  	v10 =	vld [tilespmem:s9+$0x80];
	v1 =	vmul.f32 v1, v6;
	v2 =	vmul.f32 v2, v9  }
0x106: {  	v6 =	vld [tilespmem:s9+$0x90];
	v9 =	vunpack.i.u.bf16.f32 v7;
	v7 =	vunpack.i.l.bf16.f32 v7  }
0x107: {  	s13 =	sadd.s32 $0x4, s13;
	v11 =	vld [tilespmem:s15+$0xFFFFFF80];
	[tilespmem:s12+$0xFFFFFFE0] =	vst v1;
	v1 =	vmul.f32 v3, v7;
	v3 =	vmul.f32 v4, v9  }
0x108: {  	p0 =	slt.u32 s13, $0x4C;
	v4 =	vld [tilespmem:s15+$0x0];
	[tilespmem:s12+$0xFFFFFFF0] =	vst v2;
	v0 =	vmul.f32 v5, v0  }
0x109: {  	v2 =	vld [tilespmem:s15+$0xFFFFFF00];
	v5 =	vunpack.i.l.bf16.f32 v8;
	[tilespmem:s12+$0x60] =	vst v1  }
0x10a: {  	v7 =	vunpack.i.u.bf16.f32 v8;
	v1 =	vld [tilespmem:s9+$0xFFFFFF00];
	v5 =	vmul.f32 v10, v5;
	[tilespmem:s12+$0x70] =	vst v3  }
0x10b: {  	v3 =	vld [tilespmem:s9+$0xFFFFFF10];
	v6 =	vmul.f32 v6, v7;
	[tilespmem:s12+$0xE0] =	vst v0;
	s12 =	smov.u32 s9  }
0x10c: {  	v0 =	vunpack.i.u.bf16.f32 v11;
	v7 =	vunpack.i.l.bf16.f32 v11;
	v8 =	vld [tilespmem:s9+$0xFFFFFF80];
	[tilespmem:s9+$0x80] =	vst v5  }
0x10d: {  	v5 =	vld [tilespmem:s9+$0xFFFFFF90];
	v9 =	vunpack.i.u.bf16.f32 v4;
	v4 =	vunpack.i.l.bf16.f32 v4;
	[tilespmem:s9+$0x90] =	vst v6  }
0x10e: {  	v6 =	vunpack.i.u.bf16.f32 v2;
	v2 =	vunpack.i.l.bf16.f32 v2;
	v10 =	vld [tilespmem:s15+$0x90]  }
0x10f: {  	v1 =	vmul.f32 v1, v2;
	v2 =	vld [tilespmem:s9+$0xA0]  }
0x110: {  	v3 =	vmul.f32 v3, v6;
	v6 =	vld [tilespmem:s9+$0xB0]  }
0x111: {  	[tilespmem:s9+$0xFFFFFF00] =	vst v1;
	v1 =	vmul.f32 v8, v7;
	v7 =	vld [tilespmem:s9+$0x0]  }
0x112: {  	[tilespmem:s9+$0xFFFFFF10] =	vst v3;
	v0 =	vmul.f32 v5, v0;
	v3 =	vld [tilespmem:s9+$0x10]  }
0x113: {  	v5 =	vld [tilespmem:s15+$0xFFFFFF10];
	[tilespmem:s9+$0xFFFFFF80] =	vst v1;
	v1 =	vunpack.i.l.bf16.f32 v10  }
0x114: {  	v8 =	vld [tilespmem:s9+$0xFFFFFF20];
	[tilespmem:s9+$0xFFFFFF90] =	vst v0;
	v0 =	vunpack.i.u.bf16.f32 v10;
	v1 =	vmul.f32 v2, v1  }
0x115: {  	v2 =	vld [tilespmem:s15+$0xFFFFFF90];
	v0 =	vmul.f32 v6, v0  }
0x116: {  	v6 =	vld [tilespmem:s9+$0xFFFFFF30];
	v4 =	vmul.f32 v7, v4;
	[tilespmem:s9+$0xA0] =	vst v1  }
0x117: {  	v1 =	vld [tilespmem:s9+$0xFFFFFFA0];
	v3 =	vmul.f32 v3, v9;
	[tilespmem:s9+$0xB0] =	vst v0  }
0x118: {  	v0 =	vunpack.i.u.bf16.f32 v5;
	v5 =	vunpack.i.l.bf16.f32 v5;
	[tilespmem:s9+$0x0] =	vst v4;
	v4 =	vld [tilespmem:s15+$0xA0]  }
0x119: {  	v5 =	vmul.f32 v8, v5;
	[tilespmem:s9+$0x10] =	vst v3;
	v3 =	vld [tilespmem:s9+$0xC0]  }
0x11a: {  	v7 =	vunpack.i.u.bf16.f32 v2;
	v2 =	vunpack.i.l.bf16.f32 v2;
	v8 =	vld [tilespmem:s9+$0xD0]  }
0x11b: {  	[tilespmem:s9+$0xFFFFFF20] =	vst v5;
	v0 =	vmul.f32 v6, v0;
	v5 =	vld [tilespmem:s15+$0x10]  }
0x11c: {  	v1 =	vmul.f32 v1, v2;
	v2 =	vld [tilespmem:s9+$0xFFFFFFB0]  }
0x11d: {  	[tilespmem:s9+$0xFFFFFF30] =	vst v0;
	v0 =	vld [tilespmem:s9+$0x20];
	v6 =	vunpack.i.l.bf16.f32 v4  }
0x11e: {  	v4 =	vunpack.i.u.bf16.f32 v4;
	[tilespmem:s9+$0xFFFFFFA0] =	vst v1;
	v1 =	vld [tilespmem:s9+$0x30];
	v3 =	vmul.f32 v3, v6  }
0x11f: {  	v6 =	vld [tilespmem:s15+$0xFFFFFF20];
	v4 =	vmul.f32 v8, v4  }
0x120: {  	v8 =	vld [tilespmem:s9+$0xFFFFFF40];
	v9 =	vunpack.i.u.bf16.f32 v5;
	v5 =	vunpack.i.l.bf16.f32 v5;
	[tilespmem:s9+$0xC0] =	vst v3  }
0x121: {  	v3 =	vld [tilespmem:s9+$0xFFFFFF50];
	v2 =	vmul.f32 v2, v7;
	[tilespmem:s9+$0xD0] =	vst v4  }
0x122: {  	v0 =	vmul.f32 v0, v5;
	v4 =	vld [tilespmem:s15+$0xB0]  }
0x123: {  	[tilespmem:s9+$0xFFFFFFB0] =	vst v2;
	v1 =	vmul.f32 v1, v9;
	v2 =	vld [tilespmem:s9+$0xF0]  }
0x124: {  	v5 =	vunpack.i.u.bf16.f32 v6;
	v6 =	vunpack.i.l.bf16.f32 v6;
	v7 =	vld [tilespmem:s15+$0xFFFFFFA0];
	[tilespmem:s9+$0x20] =	vst v0  }
0x125: {  	v0 =	vmul.f32 v8, v6;
	v6 =	vld [tilespmem:s9+$0xFFFFFFC0];
	[tilespmem:s9+$0x30] =	vst v1  }
0x126: {  	v1 =	vmul.f32 v3, v5;
	v3 =	vld [tilespmem:s15+$0x20]  }
0x127: {  	[tilespmem:s9+$0xFFFFFF40] =	vst v0;
	v5 =	vld [tilespmem:s9+$0xFFFFFFD0];
	v8 =	vunpack.i.u.bf16.f32 v4;
	v0 =	vunpack.i.l.bf16.f32 v4  }
0x128: {  	[tilespmem:s9+$0xFFFFFF50] =	vst v1;
	v4 =	vld [tilespmem:s9+$0x40];
	v1 =	vmul.f32 v2, v8  }
0x129: {  	v2 =	vunpack.i.u.bf16.f32 v7;
	v7 =	vunpack.i.l.bf16.f32 v7;
	v8 =	vld [tilespmem:s9+$0x50]  }
0x12a: {  	v9 =	vld [tilespmem:s15+$0xFFFFFF30];
	v6 =	vmul.f32 v6, v7;
	[tilespmem:s9+$0xF0] =	vst v1  }
0x12b: {  	v7 =	vld [tilespmem:s9+$0xFFFFFF60];
	v10 =	vunpack.i.u.bf16.f32 v3;
	v3 =	vunpack.i.l.bf16.f32 v3  }
0x12c: {  	v11 =	vld [tilespmem:s9+$0xFFFFFF70];
	[tilespmem:s9+$0xFFFFFFC0] =	vst v6;
	v2 =	vmul.f32 v5, v2  }
0x12d: {  	v1 =	vld [tilespmem:s9+$0xFFFFFFE0];
	v3 =	vmul.f32 v4, v3  }
0x12e: {  	[tilespmem:s9+$0xFFFFFFD0] =	vst v2;
	v2 =	vld [tilespmem:s9+$0xFFFFFFF0];
	v4 =	vmul.f32 v8, v10  }
.Ltmp6:
0x12f: {  	v5 =	vunpack.i.u.bf16.f32 v9;
	v8 =	vunpack.i.l.bf16.f32 v9;
	v6 =	vld [tilespmem:s15+$0xFFFFFFB0];
	[tilespmem:s9+$0x40] =	vst v3;
	(pc) =	sbr.rel @p0 .LBB2_6-.Ltmp6, $4  }
0x130: {  	v8 =	vmul.f32 v7, v8;
	[tilespmem:s9+$0x50] =	vst v4;
	v3 =	vld [tilespmem:s9+$0x60]  }
0x131: {  	v5 =	vmul.f32 v11, v5;
	v7 =	vld [tilespmem:s15+$0x30]  }
0x132: {  	[tilespmem:s9+$0xFFFFFF60] =	vst v8;
	v4 =	vld [tilespmem:s9+$0x70]  }
0x133: {  	s15 =	sadd.s32 $0x200, s15;
	[tilespmem:s9+$0xFFFFFF70] =	vst v5;
	v5 =	vld [tilespmem:s9+$0xE0]  }
0x134: {  	v8 =	vunpack.i.l.bf16.f32 v6  }
0x135: {  	v58 =	vunpack.i.u.bf16.f32 v6;
	v1 =	vmul.f32 v1, v8  }
0x136: {  	v2 =	vmul.f32 v2, v58;
	v59 =	vunpack.i.l.bf16.f32 v7  }
0x137: {  	v60 =	vunpack.i.u.bf16.f32 v7;
	[tilespmem:s12+$0xFFFFFFE0] =	vst v1;
	v61 =	vmul.f32 v3, v59  }
0x138: {  	v62 =	vmul.f32 v4, v60;
	[tilespmem:s12+$0xFFFFFFF0] =	vst v2  }
0x139: {  	v0 =	vmul.f32 v5, v0;
	[tilespmem:s12+$0x60] =	vst v61  }
0x13a: {  	[tilespmem:s12+$0x70] =	vst v62  }
0x13b: {  	[tilespmem:s12+$0xE0] =	vst v0  }
0x13c: {  	v0 =	vld [tilespmem:$0x150]  }
0x13d: {  	v1 =	vld [tilespmem:$0x160]  }
0x13e: {  	v2 =	vld [tilespmem:$0x170]  }
0x13f: {  	v3 =	vld [tilespmem:$0x180]  }
0x140: {  	v63 =	vld [tilespmem:$0x190]  }
0x141: {  	[tilespmem:$0x280] =	vst v0  }
.Ltmp7:
0x142: {  	[tilespmem:$0x290] =	vst v1;
	(pc) =	sbr.rel .LBB2_8-.Ltmp7, $4  }
0x143: {  	[tilespmem:$0x2A0] =	vst v2  }
0x144: {  	[tilespmem:$0x2B0] =	vst v3  }
0x145: {  	[tilespmem:$0x2C0] =	vst v63  }
0x146: {  	[spmem:s2] =	stream.indirect.scatter.add.f32 [tilespmem:s31], [sflag:$0x8], $0x80, s30, s20, $0xb8;
	[tilespmem:$0x1DF00] =	vst v63  }
.LBB2_10:
0x147: {  	_ =	sfence.sel $0x180000  }
0x148: {  	[bflag:$0x0] =	sbarrier.arrive $0xFFFF  }
0x149: {  	_ =	strace $0x90000047  }
0x14a: {  	s0 =	stileid.u32;
	[bflag:$0x2] =	sbarrier.arrive $0xFFFF  }
0x14b: {  	p0 =	sne.s32 s0, $0x0;
	s0 =	rddreg [dreg:$0x2]  }
0x14c: {  	s0 =	sadd.s32 @!p0 $0x100000, s0  }
0x14d: {  	[sflag:s0] =	ssyncadd.tile.s32 @!p0 $0x1;
	_ =	shalt  }
.Lfunc_end2:
_tile_overlayer_lowered:
.L_overlay_start_2:
0x14e: {  	(tag) =	ssettag $0x2  }
0x14f: {  	s0 =	rddreg [dreg:$0x0];
	s2 =	stileid.u32  }
0x150: {  	s1 =	rddreg [dreg:$0x1];
	p0 =	sne.s32 s2, $0x0  }
0x151: {  	s3 =	rddreg [dreg:$0x2];
	[bflag:$0x3] =	sbarrier.arrive $0xFFFF;
	s2 =	simm.s32 @!p0 $0x1C09  }
0x152: {  	[timem:s3], [sflag:s2] =	dma.local @!p0 [hbm:s0], s1  }
0x153: {  	s0 =	simm.s32 @!p0 $0x9  }
0x154: {  	_ =	swait.ge @!p0 [sflag:s0], s1  }
0x155: {  	s1 =	ssub.s32 @!p0 $0x0, s1;
	[sflag:s0] =	ssyncset.done @!p0 $0x0  }
0x156: {  	[sflag:s0] =	ssyncadd.s32 @!p0 s1  }
0x157: {  	[bflag:$0x3] =	sbarrier.arrive $0xFFFF  }
0x158: {  	_ =	shalt  }

// kernel: kernel.14.cloned.1.call-start
scs
__scs_entry_jumppad:
0x0: {  	(pc) =	sbr.rel $0x88, $3  }
0x1: {  	(tag) =	ssettag $0x0;
	lr =	simm.s32 $0x1  }
0x2: {  	[smem:$0x3F94] =	sst lr;
	_ =	strace $0xD0000000  }
0x3: {  	_ = 	snop  }
0x4: {  	_ = 	snop  }
0x5: {  	_ = 	snop  }
0x6: {  	_ = 	snop  }
0x7: {  	_ = 	snop  }
__scs_overlays_trampoline_lowered:
0x8: {  	[smem:$0x3FA3] =	sst s0  }
0x9: {  	[smem:$0x3FA4] =	sst s1  }
0xa: {  	[smem:$0x3FA5] =	sst s2  }
0xb: {  	[smem:$0x3FA6] =	sst s3  }
0xc: {  	[smem:$0x3FA7] =	sst s4  }
0xd: {  	[smem:$0x3FA8] =	sst s5  }
0xe: {  	[smem:$0x3FA9] =	sst s6  }
0xf: {  	[smem:$0x3FAA] =	sst s7  }
0x10: {  	[smem:$0x3FAB] =	sst s8  }
0x11: {  	[smem:$0x3FAC] =	sst s9;
	s0 =	simm.s32 @!p0 $0x0  }
0x12: {  	s1 =	sld [smem:$0x3F92];
	s0 =	simm.s32 @p0 $0x1  }
0x13: {  	[smem:$0x3FAD] =	sst s0;
	s0 =	simm.s32 @!p1 $0x0  }
0x14: {  	s2 =	sld [smem:$0x3F91];
	s0 =	simm.s32 @p1 $0x1  }
0x15: {  	[smem:$0x3FAE] =	sst s0;
	s0 =	simm.s32 @!p2 $0x0  }
0x16: {  	s3 =	sld [smem:$0x3FDB];
	s0 =	simm.s32 @p2 $0x1  }
0x17: {  	s4 =	simm.s32 $0x1BF5;
	[smem:$0x3FB0] =	sst s0  }
0x18: {  	s0 =	sld [smem:$0x3F93];
	_ =	swait.ge [sflag:s4], $0x0  }
0x19: {  	s7 =	sld [smem:$0x3F94]  }
0x1a: {  	s8 =	sadd.s32 $0xFFFFE003, lr  }
0x1b: {  	s9 =	sadd.s32 $0xFFFFFEF7, lr;
	s5 =	simm.s32 $0xFFFFFFFF;
	p2 =	slt.u32 s8, $0xFFFFF086  }
0x1c: {  	p1 =	slt.u32 s9, $0xF7A;
	s5 =	simm.s32 @!p2 $0x0  }
0x1d: {  	s5 =	simm.s32 @p1 $0x1;
	p0 =	seq.s32 s7, s2  }
0x1e: {  	s7 =	smul.u32 @!p0 $0xF7A, s2;
	p2 =	seq.s32 @!p0 s5, $0x0  }
0x1f: {  	s9 =	smul.u32 $0xF7A, s1;
	s8 =	simm.s32 @!p0 $0x1BF5;
	p2 =	por !p2, p0  }
0x20: {  	[sflag:s8] =	ssyncset.s32 @!p0 $0xFFFFF086;
	s6 =	sadd.s32 @!p0 s3, s7;
	s7 =	simm.s32 @!p0 $0x108  }
0x21: {  	s3 =	sadd.s32 s3, s9;
	s6 =	sadd.s32 @!p0 $0x88, s6;
	s7 =	simm.s32 @p2 $0x1082  }
0x22: {  	[simem:s7], [sflag:s8] =	dma.local @!p0 [hbm:s6], $0xF7A  }
0x23: {  	s9 =	sor.u32 $0xD0000000, s2;
	s6 =	simm.s32 $0x108;
	_ =	swait.ge @!p0 [sflag:s8], $0x0  }
0x24: {  	s3 =	sadd.s32 $0x88, s3;
	s6 =	simm.s32 @!p1 $0x1082;
	[sflag:s4] =	ssyncset.s32 $0xFFFFF086  }
0x25: {  	[simem:s6], [sflag:s4] =	dma.local [hbm:s3], $0xF7A  }
0x26: {  	[smem:$0x3F94] =	sst s1;
	(tag) =	ssettag s2;
	_ =	strace s9  }
0x27: {  	s1 =	sld [smem:$0x3FA4]  }
0x28: {  	s2 =	sld [smem:$0x3FA5]  }
0x29: {  	s4 =	sld [smem:$0x3FA7]  }
0x2a: {  	p0 =	seq.s32 s5, $0x0;
	s5 =	sld [smem:$0x3FA8]  }
0x2b: {  	s6 =	sld [smem:$0x3FA9]  }
0x2c: {  	s7 =	sld [smem:$0x3FAA]  }
0x2d: {  	s3 =	simm.s32 $0x108;
	s8 =	sld [smem:$0x3FAB]  }
0x2e: {  	s3 =	simm.s32 @!p0 $0x1082;
	s9 =	sld [smem:$0x3FAC]  }
0x2f: {  	lr =	sadd.s32 s0, s3;
	s0 =	sld [smem:$0x3FA3]  }
0x30: {  	s3 =	sld [smem:$0x3FA6]  }
0x31: {  	[smem:$0x3FAF] =	sst s10  }
0x32: {  	s10 =	sld [smem:$0x3FAD];
	_ =	sdelay $0x3  }
0x33: {  	p0 =	seq.s32 s10, $0x1;
	s10 =	sld [smem:$0x3FAF];
	_ =	sdelay $0x3  }
0x34: {  	[smem:$0x3FAF] =	sst s10  }
0x35: {  	s10 =	sld [smem:$0x3FAE];
	_ =	sdelay $0x3  }
0x36: {  	p1 =	seq.s32 s10, $0x1;
	s10 =	sld [smem:$0x3FAF];
	_ =	sdelay $0x3  }
0x37: {  	[smem:$0x3FAF] =	sst s10  }
0x38: {  	s10 =	sld [smem:$0x3FB0]  }
0x39: {  	_ = 	snop;
	(pc) =	sbr.ind lr, $3  }
0x3a: {  	_ = 	snop  }
0x3b: {  	_ = 	snop  }
0x3c: {  	p2 =	seq.s32 s10, $0x1;
	s10 =	sld [smem:$0x3FAF]  }
0x3d: {  	_ =	shalt  }
0x3e: {  	_ =	shalt  }
0x3f: {  	_ =	shalt  }
0x40: {  	_ =	shalt  }
0x41: {  	_ =	shalt  }
0x42: {  	_ =	shalt  }
0x43: {  	_ =	shalt  }
0x44: {  	_ =	shalt  }
0x45: {  	_ =	shalt  }
0x46: {  	_ =	shalt  }
0x47: {  	_ =	shalt  }
0x48: {  	_ =	shalt  }
0x49: {  	_ =	shalt  }
0x4a: {  	_ =	shalt  }
0x4b: {  	_ =	shalt  }
0x4c: {  	_ =	shalt  }
0x4d: {  	_ =	shalt  }
0x4e: {  	_ =	shalt  }
0x4f: {  	_ =	shalt  }
0x50: {  	_ =	shalt  }
0x51: {  	_ =	shalt  }
0x52: {  	_ =	shalt  }
0x53: {  	_ =	shalt  }
0x54: {  	_ =	shalt  }
0x55: {  	_ =	shalt  }
0x56: {  	_ =	shalt  }
0x57: {  	_ =	shalt  }
0x58: {  	_ =	shalt  }
0x59: {  	_ =	shalt  }
0x5a: {  	_ =	shalt  }
0x5b: {  	_ =	shalt  }
0x5c: {  	_ =	shalt  }
0x5d: {  	_ =	shalt  }
0x5e: {  	_ =	shalt  }
0x5f: {  	_ =	shalt  }
0x60: {  	_ =	shalt  }
0x61: {  	_ =	shalt  }
0x62: {  	_ =	shalt  }
0x63: {  	_ =	shalt  }
0x64: {  	_ =	shalt  }
0x65: {  	_ =	shalt  }
0x66: {  	_ =	shalt  }
0x67: {  	_ =	shalt  }
0x68: {  	_ =	shalt  }
0x69: {  	_ =	shalt  }
0x6a: {  	_ =	shalt  }
0x6b: {  	_ =	shalt  }
0x6c: {  	_ =	shalt  }
0x6d: {  	_ =	shalt  }
0x6e: {  	_ =	shalt  }
0x6f: {  	_ =	shalt  }
0x70: {  	_ =	shalt  }
0x71: {  	_ =	shalt  }
0x72: {  	_ =	shalt  }
0x73: {  	_ =	shalt  }
0x74: {  	_ =	shalt  }
0x75: {  	_ =	shalt  }
0x76: {  	_ =	shalt  }
0x77: {  	_ =	shalt  }
0x78: {  	_ =	shalt  }
0x79: {  	_ =	shalt  }
0x7a: {  	_ =	shalt  }
0x7b: {  	_ =	shalt  }
0x7c: {  	_ =	shalt  }
0x7d: {  	_ =	shalt  }
0x7e: {  	_ =	shalt  }
0x7f: {  	_ =	shalt  }
0x80: {  	_ =	shalt  }
0x81: {  	_ =	shalt  }
0x82: {  	_ =	shalt  }
0x83: {  	_ =	shalt  }
0x84: {  	_ =	shalt  }
0x85: {  	_ =	shalt  }
0x86: {  	_ =	shalt  }
0x87: {  	_ =	shalt  }
.Lfunc_end0:
.L_simem_size_0:
called_computation.1_lowered:
.L_overlay_start_0:
0x88: {  	s2 =	sld [smem:$0x3FD9]  }
0x89: {  	s3 =	sld [smem:$0x3FFE];
	_ =	sdelay $0x1  }
0x8a: {  	s1 =	srdreg.scid  }
0x8b: {  	s0 =	sand.u32 $0x1, s1  }
0x8c: {  	s17 =	sshll.u32 s0, $0xA;
	s2 =	sadd.s32 s3, s2  }
0x8d: {  	s2 =	sadd.s32 s2, s17  }
0x8e: {  	[smem:$0x3FBB] =	sst s2  }
0x8f: {  	_ = 	snop  }
0x90: {  	(tm) =	ssettm $0x1  }
0x91: {  	s18 =	sld [smem:$0x3FFB];
	_ =	sdelay $0x3  }
0x92: {  	_ =	strace s18  }
0x93: {  	s2 =	sld [smem:$0x3FFC];
	_ =	sdelay $0x3  }
0x94: {  	_ =	strace s2  }
0x95: {  	s2 =	sld [smem:$0x3FFD];
	_ =	sdelay $0x3  }
0x96: {  	_ =	strace s2  }
0x97: {  	_ =	strace $0x8FFFFFFF  }
0x98: {  	s19 =	sld [smem:$0x3FDB];
	_ =	sdelay $0x1  }
0x99: {  	s20 =	simm.s32 $_scs_section_size  }
0x9a: {  	s4 =	simm.s32 $_size__tile_overlayer_lowered;
	s5 =	simm.s32 $_tile_overlayer_lowered  }
0x9b: {  	s6 =	simm.s32 $0x1BFF;
	s21 =	sshll.u32 s5, $0x1;
	s3 =	sadd.s32 s20, s19  }
0x9c: {  	s22 =	simm.s32 $0x0;
	s4 =	sshll.u32 s4, $0x1;
	s5 =	sadd.s32 s21, s3  }
0x9d: {  	[timem:s22], [sflag:s6] =	dma.local [hbm:s5], s4  }
0x9e: {  	_ =	swait.ge [sflag:s6], s4  }
0x9f: {  	s4 =	ssub.s32 $0x0, s4;
	[sflag:s6] =	ssyncset.done $0x0  }
0xa0: {  	[sflag:s6] =	ssyncadd.s32 s4;
	_ =	sdelay $0x1  }
0xa1: {  	s23 =	simm.s32 $0x1B8B  }
0xa2: {  	_ =	swait.ge [sflag:s23], $0x1  }
0xa3: {  	[sflag:s23] =	ssyncset.done $0x0  }
0xa4: {  	[sflag:s23] =	ssyncadd.s32 $0xFFFFFFFF  }
0xa5: {  	s4 =	sld [smem:$0x0]  }
0xa6: {  	s5 =	sand.u32 $0xFFFFFFFE, s1  }
0xa7: {  	p0 =	sne.s32 s1, s5  }
0xa8: {  	s5 =	sshll.u32 @p0 s5, $0xE  }
0xa9: {  	s5 =	sadd.s32 @p0 $0x11B8D, s5;
	s6 =	sshll.u32 @p0 s4, $0x11  }
0xaa: {  	s5 =	sor.u32 @p0 s6, s5  }
0xab: {  	[sflag:s5] =	ssyncadd.remote.s32 @p0 $0x1;
	_ =	sdelay $0x1  }
0xac: {  	s5 =	simm.s32 @p0 $0x1B8D  }
0xad: {  	_ =	swait.eq @p0 [sflag:s5], $0x1  }
0xae: {  	[sflag:s5] =	ssyncadd.s32 @p0 $0xFFFFFFFF  }
0xaf: {  	s6 =	sshll.u32 @!p0 s1, $0xE  }
0xb0: {  	s6 =	sor.u32 @!p0 $0x4000, s6;
	s5 =	simm.s32 @!p0 $0x1B8D  }
0xb1: {  	s4 =	sshll.u32 @!p0 s4, $0x11;
	s6 =	sadd.s32 @!p0 $0x11B8D, s6;
	_ =	swait.eq @!p0 [sflag:s5], $0x1  }
0xb2: {  	s4 =	sor.u32 @!p0 s4, s6;
	[sflag:s5] =	ssyncadd.s32 @!p0 $0xFFFFFFFF  }
0xb3: {  	s25 =	simm.s32 $0x1B8E;
	s24 =	sld [smem:$0x3FFE];
	[sflag:s4] =	ssyncadd.remote.s32 @!p0 $0x1  }
0xb4: {  	s26 =	simm.s32 $execute0_lowered;
	[smem:$0x3FD2] =	sst s25  }
0xb5: {  	s5 =	sshll.u32 s26, $0x1;
	_ =	strace $0x80000049;
	[dreg:$0x1] =	wrdreg $0xFFFFFFFF  }
0xb6: {  	s28 =	simm.s32 $_size_execute0_lowered;
	s3 =	sadd.s32 s3, s5;
	[dreg:$0x0] =	wrdreg $0x0  }
0xb7: {  	s5 =	sshll.u32 s28, $0x1;
	[dreg:$0x2] =	wrdreg s3  }
0xb8: {  	[dreg:$0x3] =	wrdreg s5  }
0xb9: {  	[dreg:$0x4] =	wrdreg $0xC0  }
0xba: {  	_ =	task [dreg:s22], $0x5FFFF  }
0xbb: {  	[dreg:$0x1] =	wrdreg $0xFFFFFFFF  }
0xbc: {  	[dreg:$0x0] =	wrdreg $0x60  }
0xbd: {  	[dreg:$0x2] =	wrdreg s24  }
0xbe: {  	[dreg:$0x3] =	wrdreg $0xA3000  }
0xbf: {  	[dreg:$0x4] =	wrdreg $0xA  }
0xc0: {  	_ =	task.clear_ibuf [dreg:s22], $0x5FFFF;
	_ =	strace $0x90000049  }
0xc1: {  	s29 =	simm.s32 $0xA;
	_ =	strace $0x8000004B  }
0xc2: {  	_ =	swait.ge [sflag:s29], $0x1  }
0xc3: {  	[sflag:s29] =	ssyncadd.s32 $0xFFFFFFFF  }
0xc4: {  	_ =	strace $0x9000004B  }
0xc5: {  	_ =	sfence  }
0xc6: {  	s30 =	sld [smem:$0x0];
	_ =	sdelay $0x2  }
0xc7: {  	s31 =	sshll.u32 s1, $0xD;
	s1 =	sshrl.u32 s1, $0x2  }
0xc8: {  	s4 =	sand.u32 $0x4000, s31;
	s1 =	sadd.s32 s1, s30  }
0xc9: {  	s0 =	sor.u32 s4, s0;
	s1 =	sshll.u32 s1, $0x11  }
0xca: {  	s0 =	sor.u32 s1, s0  }
0xcb: {  	s0 =	sadd.s32 $0x8F2B, s0  }
0xcc: {  	[sflag:s0] =	ssyncadd.remote.s32 $0x1  }
0xcd: {  	_ =	sfence.sel $0xFFFF  }
0xce: {  	[dreg:$0x0] =	wrdreg $0xFFFFFFFF;
	(pc) =	sbr.abs _section_cstart, $3  }
0xcf: {  	[dreg:$0x1] =	wrdreg $0xFFFFFFFF  }
0xd0: {  	_ =	task.clear_ibuf [dreg:s22], $0x2FFFF;
	_ =	strace $0x9FFFFFFF  }
0xd1: {  	(tm) =	ssettm $0x7FFFFFFF  }
tec
execute0_lowered:
.L_overlay_start_1:
0x0: {  	(tag) =	ssettag $0x1  }
0x1: {  	s0 =	rddreg [dreg:$0x0]  }
0x2: {  	s2 =	rddreg [dreg:$0x1]  }
0x3: {  	s3 =	simm.s32 $0x0;
	s14 =	stileid.u32;
	s1 =	srdreg.scid  }
0x4: {  	s19 =	simm.s32 $0x9;
	s28 =	simm.s32 $0x7B00;
	s29 =	simm.s32 $0x1  }
0x5: {  	s30 =	simm.s32 $0x3;
	s31 =	simm.s32 $0x200;
	[smem:$0x7FF] =	sst s3  }
0x6: {  	s7 =	smul.u32 $0x13C00, s14;
	s1 =	sand.u32 $0x1, s1;
	s4 =	sadd.s32 $0x9FEC00, s0  }
0x7: {  	s5 =	sadd.s32 $0x1078600, s0;
	s6 =	sadd.s32 $0x2D800, s0;
	s8 =	smul.u32 $0x13C000, s1  }
0x8: {  	s20 =	sshll.u32 s14, $0x1;
	s10 =	smul.u32 $0x4F000, s14;
	s22 =	sshll.u32 s14, $0x6  }
0x9: {  	s9 =	sshrl.u32 s7, $0x3;
	s7 =	sadd.s32 s7, s8;
	s8 =	sor.u32 s1, s20  }
0xa: {  	_ =	strace $0x8000004A;
	s10 =	sshrl.u32 s10, $0x2;
	s11 =	smul.u32 $0x3E8, s8  }
0xb: {  	s9 =	sadd.s32 s9, s0;
	s1 =	ssub.s32 $0x2, s1;
	s13 =	smul.u32 $0x1F40, s8  }
0xc: {  	s21 =	sadd.s32 s10, s2;
	s7 =	sshrl.u32 s7, $0x3;
	s23 =	smul.u32 $0xFA00, s8  }
0xd: {  	s12 =	sshrl.u32 s1, $0x1;
	s9 =	sadd.s32 $0x1001E00, s9;
	s10 =	smul.u32 $0x32, s8  }
0xe: {  	s18 =	sshrl.u32 s21, $0x3;
	s21 =	simm.s32 $0x50;
	s0 =	sadd.s32 s7, s0  }
0xf: {  	s7 =	smul.u32 $0xFA0, s8;
	s1 =	ssub.s32 s1, s12;
	[dreg:$0x3] =	wrdreg s9  }
0x10: {  	s9 =	sor.u32 $0x1C09, s22;
	s22 =	simm.s32 $0x300;
	s12 =	simm.s32 $0x0  }
0x11: {  	s24 =	sshrl.u32 s13, $0x3;
	s11 =	sadd.s32 s6, s11;
	s25 =	sadd.s32 s5, s23  }
0x12: {  	s15 =	sadd.s32 $0x3, s10;
	s0 =	sadd.s32 $0x35600, s0;
	[dreg:$0x4] =	wrdreg s11  }
.Ltmp0:
0x13: {  	s26 =	smax.u32 s1, $0x1;
	[dreg:$0x5] =	wrdreg s25;
	(pc) =	sbr.rel .LBB2_1-.Ltmp0, $4  }
0x14: {  	s1 =	simm.s32 $0x4;
	s23 =	simm.s32 $0x280;
	[dreg:$0x7] =	wrdreg s0  }
0x15: {  	s8 =	sadd.s32 s6, s24;
	s14 =	sadd.s32 $0x50, s7;
	[dreg:$0x8] =	wrdreg s26  }
0x16: {  	s24 =	simm.s32 $0x100;
	s25 =	simm.s32 $0x6;
	s8 =	sadd.s32 $0x14, s8  }
0x17: {  	s26 =	simm.s32 $0x2B00;
	s0 =	simm.s32 $0x2;
	[dreg:$0x6] =	wrdreg s8  }
.LBB2_8:
0x18: {  	s8 =	simm.s32 $0x8  }
0x19: {  	_ =	swait.ge [sflag:s8], $0x2800  }
0x1a: {  	[sflag:s8] =	ssyncset.done $0x0  }
0x1b: {  	s16 =	simm.s32 $0x7;
	[sflag:s8] =	ssyncadd.s32 $0xFFFFD800  }
0x1c: {  	_ =	swait.ge [sflag:s16], $0x2800  }
0x1d: {  	[sflag:s16] =	ssyncset.done $0x0  }
0x1e: {  	[sflag:s16] =	ssyncadd.s32 $0xFFFFD800  }
0x1f: {  	[bflag:$0x0] =	sbarrier.arrive $0xFFFF  }
0x20: {  	s17 =	rddreg [dreg:$0x7]  }
0x21: {  	[hbm:s17], [sflag:s9] =	dma.local [spmem:s18], $0x2780  }
0x22: {  	_ =	swait.ge [sflag:s19], $0x2780  }
0x23: {  	s12 =	sadd.s32 $0x1, s12;
	s20 =	rddreg [dreg:$0x8]  }
0x24: {  	p0 =	sne.s32 s12, s20  }
.Ltmp1:
0x25: {  	_ = 	snop;
	(pc) =	sbr.rel @!p0 .LBB2_9-.Ltmp1, $3  }
0x26: {  	_ =	sdelay $0x1  }
0x27: {  	[sflag:s19] =	ssyncset.done $0x0  }
0x28: {  	[sflag:s19] =	ssyncadd.s32 $0xFFFFD880  }
.LBB2_1:
0x29: {  	s8 =	rddreg [dreg:$0x3]  }
0x2a: {  	[spmem:s18], [sflag:s9] =	dma.local [hbm:s8], $0x2780  }
0x2b: {  	_ =	swait.ge [sflag:s19], $0x2780  }
0x2c: {  	[sflag:s19] =	ssyncset.done $0x0  }
0x2d: {  	[sflag:s19] =	ssyncadd.s32 $0xFFFFD880  }
0x2e: {  	[bflag:$0x0] =	sbarrier.arrive $0xFFFF  }
0x2f: {  	s16 =	simm.s32 $0x5;
	s13 =	rddreg [dreg:$0x4]  }
0x30: {  	[tilespmem:s3], [sflag:$0x5] =	stream.linear.gather [hbm4b:s13+s3], $0xA0, $0x38;
	[tilespmem:$0x1DF00] =	vst v63  }
0x31: {  	_ =	swait.ge [sflag:s16], $0xA0  }
0x32: {  	[sflag:s16] =	ssyncset.done $0x0  }
0x33: {  	[sflag:s16] =	ssyncadd.s32 $0xFFFFFF60  }
0x34: {  	[tilespmem:s22], [sflag:$0x1] =	stream.indirect.gather [hbm4b:s4+s21], $0x80, s3, s21, $0xb8;
	[tilespmem:$0x1DF00] =	vst v63  }
0x35: {  	s11 =	simm.s32 $0x5300;
	s17 =	rddreg [dreg:$0x5]  }
0x36: {  	[tilespmem:s11], [sflag:$0x3] =	stream.linear.gather [hbm4b:s17+s3], $0x2800, $0x38;
	[tilespmem:$0x1DF00] =	vst v63  }
0x37: {  	s13 =	simm.s32 $0x0;
	s20 =	rddreg [dreg:$0x6]  }
0x38: {  	[tilespmem:s24], [sflag:$0x6] =	stream.linear.gather [hbm4b:s20+s3], $0xA0, $0x38;
	[tilespmem:$0x1DF00] =	vst v63  }
.LBB2_2:
0x39: {  	_ =	swait.ge [sflag:s25], $0xA0  }
0x3a: {  	p0 =	seq.s32 s13, $0x0;
	[sflag:s25] =	ssyncset.done $0x0  }
0x3b: {  	s8 =	simm.s32 @!p0 $0x8;
	[sflag:s25] =	ssyncadd.s32 $0xFFFFFF60  }
0x3c: {  	s17 =	smul.u32 $0xA0, s13;
	_ =	swait.ge @!p0 [sflag:s8], $0x2800  }
0x3d: {  	[sflag:s8] =	ssyncset.done @!p0 $0x0  }
0x3e: {  	[sflag:s8] =	ssyncadd.s32 @!p0 $0xFFFFD800;
	s8 =	sadd.s32 s17, s14  }
0x3f: {  	[tilespmem:s26], [sflag:$0x2] =	stream.indirect.gather [hbm4b:s4+s21], $0x80, s24, s21, $0xb8;
	[tilespmem:$0x1DF00] =	vst v63  }
0x40: {  	s8 =	sshll.u32 s8, $0x4  }
0x41: {  	s8 =	sadd.s32 s5, s8  }
0x42: {  	[tilespmem:s28], [sflag:$0x4] =	stream.linear.gather [hbm4b:s8+s3], $0x2800, $0x38;
	[tilespmem:$0x1DF00] =	vst v63  }
0x43: {  	_ =	swait.ge [sflag:s29], $0x2800  }
0x44: {  	[sflag:s29] =	ssyncset.done $0x0  }
0x45: {  	[sflag:s29] =	ssyncadd.s32 $0xFFFFD800  }
0x46: {  	_ =	swait.ge [sflag:s30], $0x2800  }
0x47: {  	[sflag:s30] =	ssyncset.done $0x0  }
0x48: {  	s20 =	simm.s32 $0x5400;
	[sflag:s30] =	ssyncadd.s32 $0xFFFFD800  }
0x49: {  	s17 =	simm.s32 $0x400;
	v0 =	vld [tilespmem:s20+$0x80]  }
0x4a: {  	v1 =	vld [tilespmem:s17+$0x80]  }
0x4b: {  	v2 =	vld [tilespmem:s17+$0x90]  }
0x4c: {  	v3 =	vld [tilespmem:s20+$0xFFFFFF80]  }
0x4d: {  	v4 =	vld [tilespmem:s20+$0x0]  }
0x4e: {  	v5 =	vld [tilespmem:s20+$0xFFFFFF00]  }
0x4f: {  	v7 =	vld [tilespmem:s17+$0xFFFFFF00];
	v6 =	vunpack.i.l.bf16.f32 v0  }
0x50: {  	v58 =	vld [tilespmem:s17+$0xFFFFFF20];
	v0 =	vunpack.i.u.bf16.f32 v0;
	v1 =	vmul.f32 v1, v6  }
0x51: {  	v6 =	vld [tilespmem:s17+$0xFFFFFF10];
	v0 =	vmul.f32 v2, v0  }
0x52: {  	v2 =	vld [tilespmem:s17+$0xFFFFFF80];
	[tilespmem:s17+$0x80] =	vst v1  }
0x53: {  	v1 =	vld [tilespmem:s17+$0xFFFFFF90];
	[tilespmem:s17+$0x90] =	vst v0  }
0x54: {  	v0 =	vunpack.i.l.bf16.f32 v5;
	v8 =	vld [tilespmem:s20+$0x90]  }
0x55: {  	v5 =	vunpack.i.u.bf16.f32 v5;
	v0 =	vmul.f32 v7, v0;
	v7 =	vld [tilespmem:s17+$0xA0]  }
0x56: {  	v9 =	vunpack.i.l.bf16.f32 v3;
	v5 =	vmul.f32 v6, v5;
	v6 =	vld [tilespmem:s17+$0xB0]  }
0x57: {  	v61 =	vld [tilespmem:s17+$0xFFFFFF50];
	v3 =	vunpack.i.u.bf16.f32 v3;
	[tilespmem:s17+$0xFFFFFF00] =	vst v0;
	v0 =	vmul.f32 v2, v9  }
0x58: {  	v2 =	vld [tilespmem:s17+$0x0];
	[tilespmem:s17+$0xFFFFFF10] =	vst v5;
	v1 =	vmul.f32 v1, v3  }
0x59: {  	v3 =	vld [tilespmem:s17+$0x10];
	[tilespmem:s17+$0xFFFFFF80] =	vst v0;
	v0 =	vunpack.i.l.bf16.f32 v8  }
0x5a: {  	v5 =	vld [tilespmem:s20+$0xFFFFFF10];
	[tilespmem:s17+$0xFFFFFF90] =	vst v1;
	v1 =	vunpack.i.u.bf16.f32 v8;
	v0 =	vmul.f32 v7, v0  }
0x5b: {  	v8 =	vld [tilespmem:s17+$0xFFFFFF30];
	v1 =	vmul.f32 v6, v1  }
0x5c: {  	v7 =	vld [tilespmem:s20+$0xFFFFFF90];
	v6 =	vunpack.i.l.bf16.f32 v4;
	[tilespmem:s17+$0xA0] =	vst v0  }
0x5d: {  	v0 =	vunpack.i.u.bf16.f32 v4;
	v2 =	vmul.f32 v2, v6;
	v4 =	vld [tilespmem:s17+$0xFFFFFFA0];
	[tilespmem:s17+$0xB0] =	vst v1  }
0x5e: {  	v0 =	vmul.f32 v3, v0;
	v1 =	vld [tilespmem:s20+$0xA0]  }
0x5f: {  	[tilespmem:s17+$0x0] =	vst v2;
	v2 =	vld [tilespmem:s17+$0xC0]  }
0x60: {  	v3 =	vunpack.i.l.bf16.f32 v5;
	v5 =	vunpack.i.u.bf16.f32 v5;
	[tilespmem:s17+$0x10] =	vst v0;
	v0 =	vld [tilespmem:s17+$0xD0]  }
0x61: {  	v3 =	vmul.f32 v58, v3;
	v5 =	vmul.f32 v8, v5;
	v8 =	vld [tilespmem:s17+$0xFFFFFFB0]  }
0x62: {  	v6 =	vld [tilespmem:s20+$0x10];
	v60 =	vunpack.i.l.bf16.f32 v7  }
0x63: {  	[tilespmem:s17+$0xFFFFFF20] =	vst v3;
	v3 =	vld [tilespmem:s17+$0x20];
	v4 =	vmul.f32 v4, v60;
	v59 =	vunpack.i.l.bf16.f32 v1  }
0x64: {  	[tilespmem:s17+$0xFFFFFF30] =	vst v5;
	v5 =	vld [tilespmem:s17+$0x30];
	v1 =	vunpack.i.u.bf16.f32 v1;
	v2 =	vmul.f32 v2, v59  }
0x65: {  	v10 =	vld [tilespmem:s20+$0xFFFFFF20];
	[tilespmem:s17+$0xFFFFFFA0] =	vst v4;
	v0 =	vmul.f32 v0, v1;
	v1 =	vunpack.i.u.bf16.f32 v7  }
0x66: {  	v7 =	vld [tilespmem:s17+$0xFFFFFF40];
	v1 =	vmul.f32 v8, v1;
	[tilespmem:s17+$0xC0] =	vst v2  }
0x67: {  	v4 =	vld [tilespmem:s17+$0xFFFFFFC0];
	v2 =	vunpack.i.l.bf16.f32 v6;
	[tilespmem:s17+$0xD0] =	vst v0  }
0x68: {  	v0 =	vunpack.i.u.bf16.f32 v6;
	v6 =	vld [tilespmem:s17+$0xFFFFFFD0];
	v2 =	vmul.f32 v3, v2;
	[tilespmem:s17+$0xFFFFFFB0] =	vst v1  }
0x69: {  	v0 =	vmul.f32 v5, v0;
	v1 =	vld [tilespmem:s20+$0xFFFFFFA0]  }
0x6a: {  	v8 =	vld [tilespmem:s20+$0xB0];
	[tilespmem:s17+$0x20] =	vst v2;
	v2 =	vunpack.i.l.bf16.f32 v10  }
0x6b: {  	v3 =	vld [tilespmem:s17+$0xF0];
	[tilespmem:s17+$0x30] =	vst v0;
	v0 =	vunpack.i.u.bf16.f32 v10;
	v2 =	vmul.f32 v7, v2  }
0x6c: {  	v5 =	vld [tilespmem:s20+$0x20];
	v0 =	vmul.f32 v61, v0  }
0x6d: {  	v7 =	vld [tilespmem:s17+$0x50];
	[tilespmem:s17+$0xFFFFFF40] =	vst v2  }
0x6e: {  	v2 =	vld [tilespmem:s17+$0x40];
	[tilespmem:s17+$0xFFFFFF50] =	vst v0;
	v0 =	vunpack.i.l.bf16.f32 v1  }
0x6f: {  	v62 =	vld [tilespmem:s20+$0xFFFFFF30];
	v0 =	vmul.f32 v4, v0  }
0x70: {  	v1 =	vunpack.i.u.bf16.f32 v1;
	v4 =	vld [tilespmem:s17+$0xFFFFFF60]  }
0x71: {  	v6 =	vmul.f32 v6, v1;
	v63 =	vunpack.i.l.bf16.f32 v5;
	v5 =	vunpack.i.u.bf16.f32 v5;
	[tilespmem:s17+$0xFFFFFFC0] =	vst v0;
	v0 =	vld [tilespmem:s17+$0xFFFFFF70]  }
0x72: {  	v1 =	vld [tilespmem:s17+$0xFFFFFFE0];
	v5 =	vmul.f32 v7, v5  }
0x73: {  	[tilespmem:s17+$0xFFFFFFD0] =	vst v6;
	v6 =	vunpack.i.u.bf16.f32 v8;
	v10 =	vmul.f32 v2, v63;
	v2 =	vld [tilespmem:s17+$0xFFFFFFF0]  }
0x74: {  	v7 =	vmul.f32 v3, v6;
	v6 =	vld [tilespmem:s20+$0xFFFFFFB0];
	v3 =	vunpack.i.l.bf16.f32 v62;
	[tilespmem:s17+$0x50] =	vst v5  }
0x75: {  	v5 =	vunpack.i.u.bf16.f32 v62;
	[tilespmem:s17+$0x40] =	vst v10;
	v4 =	vmul.f32 v4, v3;
	v3 =	vld [tilespmem:s17+$0x60]  }
0x76: {  	[tilespmem:s17+$0xF0] =	vst v7;
	v7 =	vld [tilespmem:s20+$0x30];
	v5 =	vmul.f32 v0, v5  }
0x77: {  	s16 =	sshll.u32 s13, $0x1;
	[tilespmem:s17+$0xFFFFFF60] =	vst v4;
	v4 =	vld [tilespmem:s17+$0x70]  }
0x78: {  	s11 =	simm.s32 $0x5600;
	s8 =	simm.s32 $0x0;
	s20 =	simm.s32 $0x400;
	v0 =	vunpack.i.l.bf16.f32 v8;
	[tilespmem:s17+$0xFFFFFF70] =	vst v5;
	v5 =	vld [tilespmem:s17+$0xE0]  }
.LBB2_3:
0x79: {  	v8 =	vld [tilespmem:s11+$0x80];
	v9 =	vunpack.i.u.bf16.f32 v6;
	v6 =	vunpack.i.l.bf16.f32 v6;
	s17 =	sadd.s32 $0x200, s17  }
0x7a: {  	v10 =	vld [tilespmem:s17+$0x80];
	v1 =	vmul.f32 v1, v6;
	v2 =	vmul.f32 v2, v9  }
0x7b: {  	v6 =	vld [tilespmem:s17+$0x90];
	v9 =	vunpack.i.u.bf16.f32 v7;
	v7 =	vunpack.i.l.bf16.f32 v7  }
0x7c: {  	s8 =	sadd.s32 $0x4, s8;
	v11 =	vld [tilespmem:s11+$0xFFFFFF80];
	[tilespmem:s20+$0xFFFFFFE0] =	vst v1;
	v1 =	vmul.f32 v3, v7;
	v3 =	vmul.f32 v4, v9  }
0x7d: {  	p0 =	slt.u32 s8, $0x4C;
	v4 =	vld [tilespmem:s11+$0x0];
	[tilespmem:s20+$0xFFFFFFF0] =	vst v2;
	v0 =	vmul.f32 v5, v0  }
0x7e: {  	v2 =	vld [tilespmem:s11+$0xFFFFFF00];
	v5 =	vunpack.i.l.bf16.f32 v8;
	[tilespmem:s20+$0x60] =	vst v1  }
0x7f: {  	v7 =	vunpack.i.u.bf16.f32 v8;
	v1 =	vld [tilespmem:s17+$0xFFFFFF00];
	v5 =	vmul.f32 v10, v5;
	[tilespmem:s20+$0x70] =	vst v3  }
0x80: {  	v3 =	vld [tilespmem:s17+$0xFFFFFF10];
	v6 =	vmul.f32 v6, v7;
	[tilespmem:s20+$0xE0] =	vst v0;
	s20 =	smov.u32 s17  }
0x81: {  	v0 =	vunpack.i.u.bf16.f32 v11;
	v7 =	vunpack.i.l.bf16.f32 v11;
	v8 =	vld [tilespmem:s17+$0xFFFFFF80];
	[tilespmem:s17+$0x80] =	vst v5  }
0x82: {  	v5 =	vld [tilespmem:s17+$0xFFFFFF90];
	v9 =	vunpack.i.u.bf16.f32 v4;
	v4 =	vunpack.i.l.bf16.f32 v4;
	[tilespmem:s17+$0x90] =	vst v6  }
0x83: {  	v6 =	vunpack.i.u.bf16.f32 v2;
	v2 =	vunpack.i.l.bf16.f32 v2;
	v10 =	vld [tilespmem:s11+$0x90]  }
0x84: {  	v1 =	vmul.f32 v1, v2;
	v2 =	vld [tilespmem:s17+$0xA0]  }
0x85: {  	v3 =	vmul.f32 v3, v6;
	v6 =	vld [tilespmem:s17+$0xB0]  }
0x86: {  	[tilespmem:s17+$0xFFFFFF00] =	vst v1;
	v1 =	vmul.f32 v8, v7;
	v7 =	vld [tilespmem:s17+$0x0]  }
0x87: {  	[tilespmem:s17+$0xFFFFFF10] =	vst v3;
	v0 =	vmul.f32 v5, v0;
	v3 =	vld [tilespmem:s17+$0x10]  }
0x88: {  	v5 =	vld [tilespmem:s11+$0xFFFFFF10];
	[tilespmem:s17+$0xFFFFFF80] =	vst v1;
	v1 =	vunpack.i.l.bf16.f32 v10  }
0x89: {  	v8 =	vld [tilespmem:s17+$0xFFFFFF20];
	[tilespmem:s17+$0xFFFFFF90] =	vst v0;
	v0 =	vunpack.i.u.bf16.f32 v10;
	v1 =	vmul.f32 v2, v1  }
0x8a: {  	v2 =	vld [tilespmem:s11+$0xFFFFFF90];
	v0 =	vmul.f32 v6, v0  }
0x8b: {  	v6 =	vld [tilespmem:s17+$0xFFFFFF30];
	v4 =	vmul.f32 v7, v4;
	[tilespmem:s17+$0xA0] =	vst v1  }
0x8c: {  	v1 =	vld [tilespmem:s17+$0xFFFFFFA0];
	v3 =	vmul.f32 v3, v9;
	[tilespmem:s17+$0xB0] =	vst v0  }
0x8d: {  	v0 =	vunpack.i.u.bf16.f32 v5;
	v5 =	vunpack.i.l.bf16.f32 v5;
	[tilespmem:s17+$0x0] =	vst v4;
	v4 =	vld [tilespmem:s11+$0xA0]  }
0x8e: {  	v5 =	vmul.f32 v8, v5;
	[tilespmem:s17+$0x10] =	vst v3;
	v3 =	vld [tilespmem:s17+$0xC0]  }
0x8f: {  	v7 =	vunpack.i.u.bf16.f32 v2;
	v2 =	vunpack.i.l.bf16.f32 v2;
	v8 =	vld [tilespmem:s17+$0xD0]  }
0x90: {  	[tilespmem:s17+$0xFFFFFF20] =	vst v5;
	v0 =	vmul.f32 v6, v0;
	v5 =	vld [tilespmem:s11+$0x10]  }
0x91: {  	v1 =	vmul.f32 v1, v2;
	v2 =	vld [tilespmem:s17+$0xFFFFFFB0]  }
0x92: {  	[tilespmem:s17+$0xFFFFFF30] =	vst v0;
	v0 =	vld [tilespmem:s17+$0x20];
	v6 =	vunpack.i.l.bf16.f32 v4  }
0x93: {  	v4 =	vunpack.i.u.bf16.f32 v4;
	[tilespmem:s17+$0xFFFFFFA0] =	vst v1;
	v1 =	vld [tilespmem:s17+$0x30];
	v3 =	vmul.f32 v3, v6  }
0x94: {  	v6 =	vld [tilespmem:s11+$0xFFFFFF20];
	v4 =	vmul.f32 v8, v4  }
0x95: {  	v8 =	vld [tilespmem:s17+$0xFFFFFF40];
	v9 =	vunpack.i.u.bf16.f32 v5;
	v5 =	vunpack.i.l.bf16.f32 v5;
	[tilespmem:s17+$0xC0] =	vst v3  }
0x96: {  	v3 =	vld [tilespmem:s17+$0xFFFFFF50];
	v2 =	vmul.f32 v2, v7;
	[tilespmem:s17+$0xD0] =	vst v4  }
0x97: {  	v0 =	vmul.f32 v0, v5;
	v4 =	vld [tilespmem:s11+$0xB0]  }
0x98: {  	[tilespmem:s17+$0xFFFFFFB0] =	vst v2;
	v1 =	vmul.f32 v1, v9;
	v2 =	vld [tilespmem:s17+$0xF0]  }
0x99: {  	v5 =	vunpack.i.u.bf16.f32 v6;
	v6 =	vunpack.i.l.bf16.f32 v6;
	v7 =	vld [tilespmem:s11+$0xFFFFFFA0];
	[tilespmem:s17+$0x20] =	vst v0  }
0x9a: {  	v0 =	vmul.f32 v8, v6;
	v6 =	vld [tilespmem:s17+$0xFFFFFFC0];
	[tilespmem:s17+$0x30] =	vst v1  }
0x9b: {  	v1 =	vmul.f32 v3, v5;
	v3 =	vld [tilespmem:s11+$0x20]  }
0x9c: {  	[tilespmem:s17+$0xFFFFFF40] =	vst v0;
	v5 =	vld [tilespmem:s17+$0xFFFFFFD0];
	v8 =	vunpack.i.u.bf16.f32 v4;
	v0 =	vunpack.i.l.bf16.f32 v4  }
0x9d: {  	[tilespmem:s17+$0xFFFFFF50] =	vst v1;
	v4 =	vld [tilespmem:s17+$0x40];
	v1 =	vmul.f32 v2, v8  }
0x9e: {  	v2 =	vunpack.i.u.bf16.f32 v7;
	v7 =	vunpack.i.l.bf16.f32 v7;
	v8 =	vld [tilespmem:s17+$0x50]  }
0x9f: {  	v9 =	vld [tilespmem:s11+$0xFFFFFF30];
	v6 =	vmul.f32 v6, v7;
	[tilespmem:s17+$0xF0] =	vst v1  }
0xa0: {  	v7 =	vld [tilespmem:s17+$0xFFFFFF60];
	v10 =	vunpack.i.u.bf16.f32 v3;
	v3 =	vunpack.i.l.bf16.f32 v3  }
0xa1: {  	v11 =	vld [tilespmem:s17+$0xFFFFFF70];
	[tilespmem:s17+$0xFFFFFFC0] =	vst v6;
	v2 =	vmul.f32 v5, v2  }
0xa2: {  	v1 =	vld [tilespmem:s17+$0xFFFFFFE0];
	v3 =	vmul.f32 v4, v3  }
0xa3: {  	[tilespmem:s17+$0xFFFFFFD0] =	vst v2;
	v2 =	vld [tilespmem:s17+$0xFFFFFFF0];
	v4 =	vmul.f32 v8, v10  }
.Ltmp2:
0xa4: {  	v5 =	vunpack.i.u.bf16.f32 v9;
	v8 =	vunpack.i.l.bf16.f32 v9;
	v6 =	vld [tilespmem:s11+$0xFFFFFFB0];
	[tilespmem:s17+$0x40] =	vst v3;
	(pc) =	sbr.rel @p0 .LBB2_3-.Ltmp2, $4  }
0xa5: {  	v8 =	vmul.f32 v7, v8;
	[tilespmem:s17+$0x50] =	vst v4;
	v3 =	vld [tilespmem:s17+$0x60]  }
0xa6: {  	v5 =	vmul.f32 v11, v5;
	v7 =	vld [tilespmem:s11+$0x30]  }
0xa7: {  	[tilespmem:s17+$0xFFFFFF60] =	vst v8;
	v4 =	vld [tilespmem:s17+$0x70]  }
0xa8: {  	s11 =	sadd.s32 $0x200, s11;
	[tilespmem:s17+$0xFFFFFF70] =	vst v5;
	v5 =	vld [tilespmem:s17+$0xE0]  }
0xa9: {  	v8 =	vunpack.i.l.bf16.f32 v6  }
0xaa: {  	v6 =	vunpack.i.u.bf16.f32 v6;
	v1 =	vmul.f32 v1, v8  }
0xab: {  	v2 =	vmul.f32 v2, v6;
	v6 =	vunpack.i.l.bf16.f32 v7  }
0xac: {  	v7 =	vunpack.i.u.bf16.f32 v7;
	[tilespmem:s20+$0xFFFFFFE0] =	vst v1;
	v1 =	vmul.f32 v3, v6  }
0xad: {  	v3 =	vmul.f32 v4, v7;
	[tilespmem:s20+$0xFFFFFFF0] =	vst v2  }
0xae: {  	v0 =	vmul.f32 v5, v0;
	[tilespmem:s20+$0x60] =	vst v1  }
0xaf: {  	[tilespmem:s20+$0x70] =	vst v3  }
0xb0: {  	[tilespmem:s20+$0xE0] =	vst v0  }
0xb1: {  	v0 =	vld [tilespmem:$0x50]  }
0xb2: {  	v1 =	vld [tilespmem:$0x60]  }
0xb3: {  	v2 =	vld [tilespmem:$0x70]  }
0xb4: {  	v3 =	vld [tilespmem:$0x80]  }
0xb5: {  	v4 =	vld [tilespmem:$0x90]  }
0xb6: {  	[tilespmem:$0x200] =	vst v0  }
0xb7: {  	p0 =	seq.s32 s13, $0x18;
	[tilespmem:$0x210] =	vst v1  }
0xb8: {  	s8 =	sadd.s32 @!p0 $0x2, s16;
	[tilespmem:$0x220] =	vst v2  }
0xb9: {  	s11 =	sadd.s32 @!p0 s10, s8;
	[tilespmem:$0x230] =	vst v3  }
0xba: {  	s11 =	smul.u32 @!p0 $0x14, s11;
	[tilespmem:$0x240] =	vst v4  }
0xbb: {  	[spmem:s2] =	stream.indirect.scatter.add.f32 [tilespmem:s22], [sflag:$0x7], $0x80, s31, s21, $0xb8;
	[tilespmem:$0x1DF00] =	vst v63  }
0xbc: {  	s17 =	simm.s32 @!p0 $0x0;
	s11 =	sadd.s32 @!p0 s6, s11  }
0xbd: {  	[tilespmem:s17], [sflag:$0x5] =	stream.linear.gather @!p0 [hbm4b:s11+s17], $0xA0, $0x38;
	[tilespmem:$0x1DF00] =	vst v63  }
0xbe: {  	s11 =	simm.s32 @!p0 $0x5  }
0xbf: {  	_ =	swait.ge @!p0 [sflag:s11], $0xA0  }
0xc0: {  	s8 =	smul.u32 @!p0 $0x50, s8;
	[sflag:s11] =	ssyncset.done @!p0 $0x0  }
0xc1: {  	[sflag:s11] =	ssyncadd.s32 @!p0 $0xFFFFFF60;
	s11 =	simm.s32 @!p0 $0x7  }
0xc2: {  	s8 =	sadd.s32 @!p0 s7, s8;
	_ =	swait.ge @!p0 [sflag:s11], $0x2800  }
0xc3: {  	s8 =	sshll.u32 @!p0 s8, $0x4;
	[sflag:s11] =	ssyncset.done @!p0 $0x0  }
0xc4: {  	s20 =	simm.s32 @!p0 $0x300;
	[sflag:s11] =	ssyncadd.s32 @!p0 $0xFFFFD800;
	s11 =	simm.s32 @!p0 $0x50  }
0xc5: {  	[tilespmem:s20], [sflag:$0x1] =	stream.indirect.gather @!p0 [hbm4b:s4+s11], $0x80, s17, s11, $0xb8;
	[tilespmem:$0x1DF00] =	vst v63  }
0xc6: {  	s8 =	sadd.s32 @!p0 s5, s8;
	s11 =	simm.s32 @!p0 $0x5300  }
0xc7: {  	[tilespmem:s11], [sflag:$0x3] =	stream.linear.gather @!p0 [hbm4b:s8+s17], $0x2800, $0x38;
	[tilespmem:$0x1DF00] =	vst v63  }
0xc8: {  	_ =	swait.ge [sflag:s0], $0x2800  }
0xc9: {  	[sflag:s0] =	ssyncset.done $0x0  }
0xca: {  	[sflag:s0] =	ssyncadd.s32 $0xFFFFD800  }
0xcb: {  	_ =	swait.ge [sflag:s1], $0x2800  }
0xcc: {  	[sflag:s1] =	ssyncset.done $0x0  }
0xcd: {  	s20 =	simm.s32 $0x7C00;
	[sflag:s1] =	ssyncadd.s32 $0xFFFFD800  }
0xce: {  	s17 =	simm.s32 $0x2C00;
	v0 =	vld [tilespmem:s20+$0x80]  }
0xcf: {  	v1 =	vld [tilespmem:s17+$0x80]  }
0xd0: {  	v2 =	vld [tilespmem:s17+$0x90]  }
0xd1: {  	v3 =	vld [tilespmem:s20+$0xFFFFFF80]  }
0xd2: {  	v4 =	vld [tilespmem:s20+$0x0]  }
0xd3: {  	v5 =	vld [tilespmem:s20+$0xFFFFFF00]  }
0xd4: {  	v7 =	vld [tilespmem:s17+$0xFFFFFF00];
	v6 =	vunpack.i.l.bf16.f32 v0  }
0xd5: {  	v58 =	vld [tilespmem:s17+$0xFFFFFF20];
	v0 =	vunpack.i.u.bf16.f32 v0;
	v1 =	vmul.f32 v1, v6  }
0xd6: {  	v6 =	vld [tilespmem:s17+$0xFFFFFF10];
	v0 =	vmul.f32 v2, v0  }
0xd7: {  	v2 =	vld [tilespmem:s17+$0xFFFFFF80];
	[tilespmem:s17+$0x80] =	vst v1  }
0xd8: {  	v1 =	vld [tilespmem:s17+$0xFFFFFF90];
	[tilespmem:s17+$0x90] =	vst v0  }
0xd9: {  	v0 =	vunpack.i.l.bf16.f32 v5;
	v8 =	vld [tilespmem:s20+$0x90]  }
0xda: {  	v5 =	vunpack.i.u.bf16.f32 v5;
	v0 =	vmul.f32 v7, v0;
	v7 =	vld [tilespmem:s17+$0xA0]  }
0xdb: {  	v9 =	vunpack.i.l.bf16.f32 v3;
	v5 =	vmul.f32 v6, v5;
	v6 =	vld [tilespmem:s17+$0xB0]  }
0xdc: {  	v61 =	vld [tilespmem:s17+$0xFFFFFF50];
	v3 =	vunpack.i.u.bf16.f32 v3;
	[tilespmem:s17+$0xFFFFFF00] =	vst v0;
	v0 =	vmul.f32 v2, v9  }
0xdd: {  	v2 =	vld [tilespmem:s17+$0x0];
	[tilespmem:s17+$0xFFFFFF10] =	vst v5;
	v1 =	vmul.f32 v1, v3  }
0xde: {  	v3 =	vld [tilespmem:s17+$0x10];
	[tilespmem:s17+$0xFFFFFF80] =	vst v0;
	v0 =	vunpack.i.l.bf16.f32 v8  }
0xdf: {  	v5 =	vld [tilespmem:s20+$0xFFFFFF10];
	[tilespmem:s17+$0xFFFFFF90] =	vst v1;
	v1 =	vunpack.i.u.bf16.f32 v8;
	v0 =	vmul.f32 v7, v0  }
0xe0: {  	v8 =	vld [tilespmem:s17+$0xFFFFFF30];
	v1 =	vmul.f32 v6, v1  }
0xe1: {  	v7 =	vld [tilespmem:s20+$0xFFFFFF90];
	v6 =	vunpack.i.l.bf16.f32 v4;
	[tilespmem:s17+$0xA0] =	vst v0  }
0xe2: {  	v0 =	vunpack.i.u.bf16.f32 v4;
	v2 =	vmul.f32 v2, v6;
	v4 =	vld [tilespmem:s17+$0xFFFFFFA0];
	[tilespmem:s17+$0xB0] =	vst v1  }
0xe3: {  	v0 =	vmul.f32 v3, v0;
	v1 =	vld [tilespmem:s20+$0xA0]  }
0xe4: {  	[tilespmem:s17+$0x0] =	vst v2;
	v2 =	vld [tilespmem:s17+$0xC0]  }
0xe5: {  	v3 =	vunpack.i.l.bf16.f32 v5;
	v5 =	vunpack.i.u.bf16.f32 v5;
	[tilespmem:s17+$0x10] =	vst v0;
	v0 =	vld [tilespmem:s17+$0xD0]  }
0xe6: {  	v3 =	vmul.f32 v58, v3;
	v5 =	vmul.f32 v8, v5;
	v8 =	vld [tilespmem:s17+$0xFFFFFFB0]  }
0xe7: {  	v6 =	vld [tilespmem:s20+$0x10];
	v60 =	vunpack.i.l.bf16.f32 v7  }
0xe8: {  	[tilespmem:s17+$0xFFFFFF20] =	vst v3;
	v3 =	vld [tilespmem:s17+$0x20];
	v4 =	vmul.f32 v4, v60;
	v59 =	vunpack.i.l.bf16.f32 v1  }
0xe9: {  	[tilespmem:s17+$0xFFFFFF30] =	vst v5;
	v5 =	vld [tilespmem:s17+$0x30];
	v1 =	vunpack.i.u.bf16.f32 v1;
	v2 =	vmul.f32 v2, v59  }
0xea: {  	v10 =	vld [tilespmem:s20+$0xFFFFFF20];
	[tilespmem:s17+$0xFFFFFFA0] =	vst v4;
	v0 =	vmul.f32 v0, v1;
	v1 =	vunpack.i.u.bf16.f32 v7  }
0xeb: {  	v7 =	vld [tilespmem:s17+$0xFFFFFF40];
	v1 =	vmul.f32 v8, v1;
	[tilespmem:s17+$0xC0] =	vst v2  }
0xec: {  	v4 =	vld [tilespmem:s17+$0xFFFFFFC0];
	v2 =	vunpack.i.l.bf16.f32 v6;
	[tilespmem:s17+$0xD0] =	vst v0  }
0xed: {  	v0 =	vunpack.i.u.bf16.f32 v6;
	v6 =	vld [tilespmem:s17+$0xFFFFFFD0];
	v2 =	vmul.f32 v3, v2;
	[tilespmem:s17+$0xFFFFFFB0] =	vst v1  }
0xee: {  	v0 =	vmul.f32 v5, v0;
	v1 =	vld [tilespmem:s20+$0xFFFFFFA0]  }
0xef: {  	v8 =	vld [tilespmem:s20+$0xB0];
	[tilespmem:s17+$0x20] =	vst v2;
	v2 =	vunpack.i.l.bf16.f32 v10  }
0xf0: {  	v3 =	vld [tilespmem:s17+$0xF0];
	[tilespmem:s17+$0x30] =	vst v0;
	v0 =	vunpack.i.u.bf16.f32 v10;
	v2 =	vmul.f32 v7, v2  }
0xf1: {  	v5 =	vld [tilespmem:s20+$0x20];
	v0 =	vmul.f32 v61, v0  }
0xf2: {  	v7 =	vld [tilespmem:s17+$0x50];
	[tilespmem:s17+$0xFFFFFF40] =	vst v2  }
0xf3: {  	v2 =	vld [tilespmem:s17+$0x40];
	[tilespmem:s17+$0xFFFFFF50] =	vst v0;
	v0 =	vunpack.i.l.bf16.f32 v1  }
0xf4: {  	v62 =	vld [tilespmem:s20+$0xFFFFFF30];
	v0 =	vmul.f32 v4, v0  }
0xf5: {  	v1 =	vunpack.i.u.bf16.f32 v1;
	v4 =	vld [tilespmem:s17+$0xFFFFFF60]  }
0xf6: {  	v6 =	vmul.f32 v6, v1;
	v63 =	vunpack.i.l.bf16.f32 v5;
	v5 =	vunpack.i.u.bf16.f32 v5;
	[tilespmem:s17+$0xFFFFFFC0] =	vst v0;
	v0 =	vld [tilespmem:s17+$0xFFFFFF70]  }
0xf7: {  	v1 =	vld [tilespmem:s17+$0xFFFFFFE0];
	v5 =	vmul.f32 v7, v5  }
0xf8: {  	[tilespmem:s17+$0xFFFFFFD0] =	vst v6;
	v6 =	vunpack.i.u.bf16.f32 v8;
	v10 =	vmul.f32 v2, v63;
	v2 =	vld [tilespmem:s17+$0xFFFFFFF0]  }
0xf9: {  	v7 =	vmul.f32 v3, v6;
	v6 =	vld [tilespmem:s20+$0xFFFFFFB0];
	v3 =	vunpack.i.l.bf16.f32 v62;
	[tilespmem:s17+$0x50] =	vst v5  }
0xfa: {  	v5 =	vunpack.i.u.bf16.f32 v62;
	[tilespmem:s17+$0x40] =	vst v10;
	v4 =	vmul.f32 v4, v3;
	v3 =	vld [tilespmem:s17+$0x60]  }
0xfb: {  	[tilespmem:s17+$0xF0] =	vst v7;
	v7 =	vld [tilespmem:s20+$0x30];
	v5 =	vmul.f32 v0, v5  }
0xfc: {  	[tilespmem:s17+$0xFFFFFF60] =	vst v4;
	v4 =	vld [tilespmem:s17+$0x70]  }
0xfd: {  	s8 =	simm.s32 $0x0;
	s11 =	simm.s32 $0x7E00;
	s20 =	simm.s32 $0x2C00;
	v0 =	vunpack.i.l.bf16.f32 v8;
	[tilespmem:s17+$0xFFFFFF70] =	vst v5;
	v5 =	vld [tilespmem:s17+$0xE0]  }
.LBB2_5:
0xfe: {  	v8 =	vld [tilespmem:s11+$0x80];
	v9 =	vunpack.i.u.bf16.f32 v6;
	v6 =	vunpack.i.l.bf16.f32 v6;
	s17 =	sadd.s32 $0x200, s17  }
0xff: {  	v10 =	vld [tilespmem:s17+$0x80];
	v1 =	vmul.f32 v1, v6;
	v2 =	vmul.f32 v2, v9  }
0x100: {  	v6 =	vld [tilespmem:s17+$0x90];
	v9 =	vunpack.i.u.bf16.f32 v7;
	v7 =	vunpack.i.l.bf16.f32 v7  }
0x101: {  	s8 =	sadd.s32 $0x4, s8;
	v11 =	vld [tilespmem:s11+$0xFFFFFF80];
	[tilespmem:s20+$0xFFFFFFE0] =	vst v1;
	v1 =	vmul.f32 v3, v7;
	v3 =	vmul.f32 v4, v9  }
0x102: {  	p1 =	slt.u32 s8, $0x4C;
	v4 =	vld [tilespmem:s11+$0x0];
	[tilespmem:s20+$0xFFFFFFF0] =	vst v2;
	v0 =	vmul.f32 v5, v0  }
0x103: {  	v2 =	vld [tilespmem:s11+$0xFFFFFF00];
	v5 =	vunpack.i.l.bf16.f32 v8;
	[tilespmem:s20+$0x60] =	vst v1  }
0x104: {  	v7 =	vunpack.i.u.bf16.f32 v8;
	v1 =	vld [tilespmem:s17+$0xFFFFFF00];
	v5 =	vmul.f32 v10, v5;
	[tilespmem:s20+$0x70] =	vst v3  }
0x105: {  	v3 =	vld [tilespmem:s17+$0xFFFFFF10];
	v6 =	vmul.f32 v6, v7;
	[tilespmem:s20+$0xE0] =	vst v0;
	s20 =	smov.u32 s17  }
0x106: {  	v0 =	vunpack.i.u.bf16.f32 v11;
	v7 =	vunpack.i.l.bf16.f32 v11;
	v8 =	vld [tilespmem:s17+$0xFFFFFF80];
	[tilespmem:s17+$0x80] =	vst v5  }
0x107: {  	v5 =	vld [tilespmem:s17+$0xFFFFFF90];
	v9 =	vunpack.i.u.bf16.f32 v4;
	v4 =	vunpack.i.l.bf16.f32 v4;
	[tilespmem:s17+$0x90] =	vst v6  }
0x108: {  	v6 =	vunpack.i.u.bf16.f32 v2;
	v2 =	vunpack.i.l.bf16.f32 v2;
	v10 =	vld [tilespmem:s11+$0x90]  }
0x109: {  	v1 =	vmul.f32 v1, v2;
	v2 =	vld [tilespmem:s17+$0xA0]  }
0x10a: {  	v3 =	vmul.f32 v3, v6;
	v6 =	vld [tilespmem:s17+$0xB0]  }
0x10b: {  	[tilespmem:s17+$0xFFFFFF00] =	vst v1;
	v1 =	vmul.f32 v8, v7;
	v7 =	vld [tilespmem:s17+$0x0]  }
0x10c: {  	[tilespmem:s17+$0xFFFFFF10] =	vst v3;
	v0 =	vmul.f32 v5, v0;
	v3 =	vld [tilespmem:s17+$0x10]  }
0x10d: {  	v5 =	vld [tilespmem:s11+$0xFFFFFF10];
	[tilespmem:s17+$0xFFFFFF80] =	vst v1;
	v1 =	vunpack.i.l.bf16.f32 v10  }
0x10e: {  	v8 =	vld [tilespmem:s17+$0xFFFFFF20];
	[tilespmem:s17+$0xFFFFFF90] =	vst v0;
	v0 =	vunpack.i.u.bf16.f32 v10;
	v1 =	vmul.f32 v2, v1  }
0x10f: {  	v2 =	vld [tilespmem:s11+$0xFFFFFF90];
	v0 =	vmul.f32 v6, v0  }
0x110: {  	v6 =	vld [tilespmem:s17+$0xFFFFFF30];
	v4 =	vmul.f32 v7, v4;
	[tilespmem:s17+$0xA0] =	vst v1  }
0x111: {  	v1 =	vld [tilespmem:s17+$0xFFFFFFA0];
	v3 =	vmul.f32 v3, v9;
	[tilespmem:s17+$0xB0] =	vst v0  }
0x112: {  	v0 =	vunpack.i.u.bf16.f32 v5;
	v5 =	vunpack.i.l.bf16.f32 v5;
	[tilespmem:s17+$0x0] =	vst v4;
	v4 =	vld [tilespmem:s11+$0xA0]  }
0x113: {  	v5 =	vmul.f32 v8, v5;
	[tilespmem:s17+$0x10] =	vst v3;
	v3 =	vld [tilespmem:s17+$0xC0]  }
0x114: {  	v7 =	vunpack.i.u.bf16.f32 v2;
	v2 =	vunpack.i.l.bf16.f32 v2;
	v8 =	vld [tilespmem:s17+$0xD0]  }
0x115: {  	[tilespmem:s17+$0xFFFFFF20] =	vst v5;
	v0 =	vmul.f32 v6, v0;
	v5 =	vld [tilespmem:s11+$0x10]  }
0x116: {  	v1 =	vmul.f32 v1, v2;
	v2 =	vld [tilespmem:s17+$0xFFFFFFB0]  }
0x117: {  	[tilespmem:s17+$0xFFFFFF30] =	vst v0;
	v0 =	vld [tilespmem:s17+$0x20];
	v6 =	vunpack.i.l.bf16.f32 v4  }
0x118: {  	v4 =	vunpack.i.u.bf16.f32 v4;
	[tilespmem:s17+$0xFFFFFFA0] =	vst v1;
	v1 =	vld [tilespmem:s17+$0x30];
	v3 =	vmul.f32 v3, v6  }
0x119: {  	v6 =	vld [tilespmem:s11+$0xFFFFFF20];
	v4 =	vmul.f32 v8, v4  }
0x11a: {  	v8 =	vld [tilespmem:s17+$0xFFFFFF40];
	v9 =	vunpack.i.u.bf16.f32 v5;
	v5 =	vunpack.i.l.bf16.f32 v5;
	[tilespmem:s17+$0xC0] =	vst v3  }
0x11b: {  	v3 =	vld [tilespmem:s17+$0xFFFFFF50];
	v2 =	vmul.f32 v2, v7;
	[tilespmem:s17+$0xD0] =	vst v4  }
0x11c: {  	v0 =	vmul.f32 v0, v5;
	v4 =	vld [tilespmem:s11+$0xB0]  }
0x11d: {  	[tilespmem:s17+$0xFFFFFFB0] =	vst v2;
	v1 =	vmul.f32 v1, v9;
	v2 =	vld [tilespmem:s17+$0xF0]  }
0x11e: {  	v5 =	vunpack.i.u.bf16.f32 v6;
	v6 =	vunpack.i.l.bf16.f32 v6;
	v7 =	vld [tilespmem:s11+$0xFFFFFFA0];
	[tilespmem:s17+$0x20] =	vst v0  }
0x11f: {  	v0 =	vmul.f32 v8, v6;
	v6 =	vld [tilespmem:s17+$0xFFFFFFC0];
	[tilespmem:s17+$0x30] =	vst v1  }
0x120: {  	v1 =	vmul.f32 v3, v5;
	v3 =	vld [tilespmem:s11+$0x20]  }
0x121: {  	[tilespmem:s17+$0xFFFFFF40] =	vst v0;
	v5 =	vld [tilespmem:s17+$0xFFFFFFD0];
	v8 =	vunpack.i.u.bf16.f32 v4;
	v0 =	vunpack.i.l.bf16.f32 v4  }
0x122: {  	[tilespmem:s17+$0xFFFFFF50] =	vst v1;
	v4 =	vld [tilespmem:s17+$0x40];
	v1 =	vmul.f32 v2, v8  }
0x123: {  	v2 =	vunpack.i.u.bf16.f32 v7;
	v7 =	vunpack.i.l.bf16.f32 v7;
	v8 =	vld [tilespmem:s17+$0x50]  }
0x124: {  	v9 =	vld [tilespmem:s11+$0xFFFFFF30];
	v6 =	vmul.f32 v6, v7;
	[tilespmem:s17+$0xF0] =	vst v1  }
0x125: {  	v7 =	vld [tilespmem:s17+$0xFFFFFF60];
	v10 =	vunpack.i.u.bf16.f32 v3;
	v3 =	vunpack.i.l.bf16.f32 v3  }
0x126: {  	v11 =	vld [tilespmem:s17+$0xFFFFFF70];
	[tilespmem:s17+$0xFFFFFFC0] =	vst v6;
	v2 =	vmul.f32 v5, v2  }
0x127: {  	v1 =	vld [tilespmem:s17+$0xFFFFFFE0];
	v3 =	vmul.f32 v4, v3  }
0x128: {  	[tilespmem:s17+$0xFFFFFFD0] =	vst v2;
	v2 =	vld [tilespmem:s17+$0xFFFFFFF0];
	v4 =	vmul.f32 v8, v10  }
.Ltmp3:
0x129: {  	v5 =	vunpack.i.u.bf16.f32 v9;
	v8 =	vunpack.i.l.bf16.f32 v9;
	v6 =	vld [tilespmem:s11+$0xFFFFFFB0];
	[tilespmem:s17+$0x40] =	vst v3;
	(pc) =	sbr.rel @p1 .LBB2_5-.Ltmp3, $4  }
0x12a: {  	v8 =	vmul.f32 v7, v8;
	[tilespmem:s17+$0x50] =	vst v4;
	v3 =	vld [tilespmem:s17+$0x60]  }
0x12b: {  	v5 =	vmul.f32 v11, v5;
	v7 =	vld [tilespmem:s11+$0x30]  }
0x12c: {  	[tilespmem:s17+$0xFFFFFF60] =	vst v8;
	v4 =	vld [tilespmem:s17+$0x70]  }
0x12d: {  	s11 =	sadd.s32 $0x200, s11;
	[tilespmem:s17+$0xFFFFFF70] =	vst v5;
	v5 =	vld [tilespmem:s17+$0xE0]  }
0x12e: {  	v8 =	vunpack.i.l.bf16.f32 v6  }
0x12f: {  	v58 =	vunpack.i.u.bf16.f32 v6;
	v1 =	vmul.f32 v1, v8  }
0x130: {  	v2 =	vmul.f32 v2, v58;
	v59 =	vunpack.i.l.bf16.f32 v7  }
0x131: {  	v60 =	vunpack.i.u.bf16.f32 v7;
	[tilespmem:s20+$0xFFFFFFE0] =	vst v1;
	v61 =	vmul.f32 v3, v59  }
0x132: {  	v62 =	vmul.f32 v4, v60;
	[tilespmem:s20+$0xFFFFFFF0] =	vst v2  }
0x133: {  	v0 =	vmul.f32 v5, v0;
	[tilespmem:s20+$0x60] =	vst v61  }
0x134: {  	[tilespmem:s20+$0x70] =	vst v62  }
0x135: {  	[tilespmem:s20+$0xE0] =	vst v0  }
0x136: {  	v0 =	vld [tilespmem:$0x150]  }
0x137: {  	v1 =	vld [tilespmem:$0x160]  }
0x138: {  	v2 =	vld [tilespmem:$0x170]  }
0x139: {  	v3 =	vld [tilespmem:$0x180]  }
0x13a: {  	v63 =	vld [tilespmem:$0x190]  }
0x13b: {  	[tilespmem:$0x280] =	vst v0  }
.Ltmp4:
0x13c: {  	[tilespmem:$0x290] =	vst v1;
	(pc) =	sbr.rel @p0 .LBB2_8-.Ltmp4, $4  }
0x13d: {  	[tilespmem:$0x2A0] =	vst v2  }
0x13e: {  	[tilespmem:$0x2B0] =	vst v3  }
0x13f: {  	[tilespmem:$0x2C0] =	vst v63  }
0x140: {  	[spmem:s2] =	stream.indirect.scatter.add.f32 [tilespmem:s26], [sflag:$0x8], $0x80, s23, s21, $0xb8;
	[tilespmem:$0x1DF00] =	vst v63  }
.Ltmp5:
0x141: {  	s8 =	sadd.s32 s16, s15;
	(pc) =	sbr.rel .LBB2_2-.Ltmp5, $3  }
0x142: {  	s8 =	smul.u32 $0x14, s8;
	_ =	sdelay $0x1  }
0x143: {  	s13 =	sadd.s32 $0x1, s13;
	s8 =	sadd.s32 s6, s8  }
0x144: {  	[tilespmem:s24], [sflag:$0x6] =	stream.linear.gather [hbm4b:s8+s3], $0xA0, $0x38;
	[tilespmem:$0x1DF00] =	vst v63  }
.LBB2_9:
0x145: {  	_ =	sfence.sel $0x180000  }
0x146: {  	[bflag:$0x0] =	sbarrier.arrive $0xFFFF  }
0x147: {  	_ =	strace $0x9000004A  }
0x148: {  	s0 =	stileid.u32;
	[bflag:$0x2] =	sbarrier.arrive $0xFFFF  }
0x149: {  	p0 =	sne.s32 s0, $0x0;
	s0 =	rddreg [dreg:$0x2]  }
0x14a: {  	s0 =	sadd.s32 @!p0 $0x100000, s0  }
0x14b: {  	[sflag:s0] =	ssyncadd.tile.s32 @!p0 $0x1;
	_ =	shalt  }
.Lfunc_end2:
_tile_overlayer_lowered:
.L_overlay_start_2:
0x14c: {  	(tag) =	ssettag $0x2  }
0x14d: {  	s0 =	rddreg [dreg:$0x0];
	s2 =	stileid.u32  }
0x14e: {  	s1 =	rddreg [dreg:$0x1];
	p0 =	sne.s32 s2, $0x0  }
0x14f: {  	s3 =	rddreg [dreg:$0x2];
	[bflag:$0x3] =	sbarrier.arrive $0xFFFF;
	s2 =	simm.s32 @!p0 $0x1C09  }
0x150: {  	[timem:s3], [sflag:s2] =	dma.local @!p0 [hbm:s0], s1  }
0x151: {  	s0 =	simm.s32 @!p0 $0x9  }
0x152: {  	_ =	swait.ge @!p0 [sflag:s0], s1  }
0x153: {  	s1 =	ssub.s32 @!p0 $0x0, s1;
	[sflag:s0] =	ssyncset.done @!p0 $0x0  }
0x154: {  	[sflag:s0] =	ssyncadd.s32 @!p0 s1  }
0x155: {  	[bflag:$0x3] =	sbarrier.arrive $0xFFFF  }
0x156: {  	_ =	shalt  }

// kernel: kernel.17.cloned.1.call-start
scs
__scs_entry_jumppad:
0x0: {  	(pc) =	sbr.rel $0x88, $3  }
0x1: {  	(tag) =	ssettag $0x0;
	lr =	simm.s32 $0x1  }
0x2: {  	[smem:$0x3F94] =	sst lr;
	_ =	strace $0xD0000000  }
0x3: {  	_ = 	snop  }
0x4: {  	_ = 	snop  }
0x5: {  	_ = 	snop  }
0x6: {  	_ = 	snop  }
0x7: {  	_ = 	snop  }
__scs_overlays_trampoline_lowered:
0x8: {  	[smem:$0x3FA3] =	sst s0  }
0x9: {  	[smem:$0x3FA4] =	sst s1  }
0xa: {  	[smem:$0x3FA5] =	sst s2  }
0xb: {  	[smem:$0x3FA6] =	sst s3  }
0xc: {  	[smem:$0x3FA7] =	sst s4  }
0xd: {  	[smem:$0x3FA8] =	sst s5  }
0xe: {  	[smem:$0x3FA9] =	sst s6  }
0xf: {  	[smem:$0x3FAA] =	sst s7  }
0x10: {  	[smem:$0x3FAB] =	sst s8  }
0x11: {  	[smem:$0x3FAC] =	sst s9;
	s0 =	simm.s32 @!p0 $0x0  }
0x12: {  	s1 =	sld [smem:$0x3F92];
	s0 =	simm.s32 @p0 $0x1  }
0x13: {  	[smem:$0x3FAD] =	sst s0;
	s0 =	simm.s32 @!p1 $0x0  }
0x14: {  	s2 =	sld [smem:$0x3F91];
	s0 =	simm.s32 @p1 $0x1  }
0x15: {  	[smem:$0x3FAE] =	sst s0;
	s0 =	simm.s32 @!p2 $0x0  }
0x16: {  	s3 =	sld [smem:$0x3FDB];
	s0 =	simm.s32 @p2 $0x1  }
0x17: {  	s4 =	simm.s32 $0x1BF5;
	[smem:$0x3FB0] =	sst s0  }
0x18: {  	s0 =	sld [smem:$0x3F93];
	_ =	swait.ge [sflag:s4], $0x0  }
0x19: {  	s7 =	sld [smem:$0x3F94]  }
0x1a: {  	s8 =	sadd.s32 $0xFFFFE003, lr  }
0x1b: {  	s9 =	sadd.s32 $0xFFFFFEF7, lr;
	s5 =	simm.s32 $0xFFFFFFFF;
	p2 =	slt.u32 s8, $0xFFFFF086  }
0x1c: {  	p1 =	slt.u32 s9, $0xF7A;
	s5 =	simm.s32 @!p2 $0x0  }
0x1d: {  	s5 =	simm.s32 @p1 $0x1;
	p0 =	seq.s32 s7, s2  }
0x1e: {  	s7 =	smul.u32 @!p0 $0xF7A, s2;
	p2 =	seq.s32 @!p0 s5, $0x0  }
0x1f: {  	s9 =	smul.u32 $0xF7A, s1;
	s8 =	simm.s32 @!p0 $0x1BF5;
	p2 =	por !p2, p0  }
0x20: {  	[sflag:s8] =	ssyncset.s32 @!p0 $0xFFFFF086;
	s6 =	sadd.s32 @!p0 s3, s7;
	s7 =	simm.s32 @!p0 $0x108  }
0x21: {  	s3 =	sadd.s32 s3, s9;
	s6 =	sadd.s32 @!p0 $0x88, s6;
	s7 =	simm.s32 @p2 $0x1082  }
0x22: {  	[simem:s7], [sflag:s8] =	dma.local @!p0 [hbm:s6], $0xF7A  }
0x23: {  	s9 =	sor.u32 $0xD0000000, s2;
	s6 =	simm.s32 $0x108;
	_ =	swait.ge @!p0 [sflag:s8], $0x0  }
0x24: {  	s3 =	sadd.s32 $0x88, s3;
	s6 =	simm.s32 @!p1 $0x1082;
	[sflag:s4] =	ssyncset.s32 $0xFFFFF086  }
0x25: {  	[simem:s6], [sflag:s4] =	dma.local [hbm:s3], $0xF7A  }
0x26: {  	[smem:$0x3F94] =	sst s1;
	(tag) =	ssettag s2;
	_ =	strace s9  }
0x27: {  	s1 =	sld [smem:$0x3FA4]  }
0x28: {  	s2 =	sld [smem:$0x3FA5]  }
0x29: {  	s4 =	sld [smem:$0x3FA7]  }
0x2a: {  	p0 =	seq.s32 s5, $0x0;
	s5 =	sld [smem:$0x3FA8]  }
0x2b: {  	s6 =	sld [smem:$0x3FA9]  }
0x2c: {  	s7 =	sld [smem:$0x3FAA]  }
0x2d: {  	s3 =	simm.s32 $0x108;
	s8 =	sld [smem:$0x3FAB]  }
0x2e: {  	s3 =	simm.s32 @!p0 $0x1082;
	s9 =	sld [smem:$0x3FAC]  }
0x2f: {  	lr =	sadd.s32 s0, s3;
	s0 =	sld [smem:$0x3FA3]  }
0x30: {  	s3 =	sld [smem:$0x3FA6]  }
0x31: {  	[smem:$0x3FAF] =	sst s10  }
0x32: {  	s10 =	sld [smem:$0x3FAD];
	_ =	sdelay $0x3  }
0x33: {  	p0 =	seq.s32 s10, $0x1;
	s10 =	sld [smem:$0x3FAF];
	_ =	sdelay $0x3  }
0x34: {  	[smem:$0x3FAF] =	sst s10  }
0x35: {  	s10 =	sld [smem:$0x3FAE];
	_ =	sdelay $0x3  }
0x36: {  	p1 =	seq.s32 s10, $0x1;
	s10 =	sld [smem:$0x3FAF];
	_ =	sdelay $0x3  }
0x37: {  	[smem:$0x3FAF] =	sst s10  }
0x38: {  	s10 =	sld [smem:$0x3FB0]  }
0x39: {  	_ = 	snop;
	(pc) =	sbr.ind lr, $3  }
0x3a: {  	_ = 	snop  }
0x3b: {  	_ = 	snop  }
0x3c: {  	p2 =	seq.s32 s10, $0x1;
	s10 =	sld [smem:$0x3FAF]  }
0x3d: {  	_ =	shalt  }
0x3e: {  	_ =	shalt  }
0x3f: {  	_ =	shalt  }
0x40: {  	_ =	shalt  }
0x41: {  	_ =	shalt  }
0x42: {  	_ =	shalt  }
0x43: {  	_ =	shalt  }
0x44: {  	_ =	shalt  }
0x45: {  	_ =	shalt  }
0x46: {  	_ =	shalt  }
0x47: {  	_ =	shalt  }
0x48: {  	_ =	shalt  }
0x49: {  	_ =	shalt  }
0x4a: {  	_ =	shalt  }
0x4b: {  	_ =	shalt  }
0x4c: {  	_ =	shalt  }
0x4d: {  	_ =	shalt  }
0x4e: {  	_ =	shalt  }
0x4f: {  	_ =	shalt  }
0x50: {  	_ =	shalt  }
0x51: {  	_ =	shalt  }
0x52: {  	_ =	shalt  }
0x53: {  	_ =	shalt  }
0x54: {  	_ =	shalt  }
0x55: {  	_ =	shalt  }
0x56: {  	_ =	shalt  }
0x57: {  	_ =	shalt  }
0x58: {  	_ =	shalt  }
0x59: {  	_ =	shalt  }
0x5a: {  	_ =	shalt  }
0x5b: {  	_ =	shalt  }
0x5c: {  	_ =	shalt  }
0x5d: {  	_ =	shalt  }
0x5e: {  	_ =	shalt  }
0x5f: {  	_ =	shalt  }
0x60: {  	_ =	shalt  }
0x61: {  	_ =	shalt  }
0x62: {  	_ =	shalt  }
0x63: {  	_ =	shalt  }
0x64: {  	_ =	shalt  }
0x65: {  	_ =	shalt  }
0x66: {  	_ =	shalt  }
0x67: {  	_ =	shalt  }
0x68: {  	_ =	shalt  }
0x69: {  	_ =	shalt  }
0x6a: {  	_ =	shalt  }
0x6b: {  	_ =	shalt  }
0x6c: {  	_ =	shalt  }
0x6d: {  	_ =	shalt  }
0x6e: {  	_ =	shalt  }
0x6f: {  	_ =	shalt  }
0x70: {  	_ =	shalt  }
0x71: {  	_ =	shalt  }
0x72: {  	_ =	shalt  }
0x73: {  	_ =	shalt  }
0x74: {  	_ =	shalt  }
0x75: {  	_ =	shalt  }
0x76: {  	_ =	shalt  }
0x77: {  	_ =	shalt  }
0x78: {  	_ =	shalt  }
0x79: {  	_ =	shalt  }
0x7a: {  	_ =	shalt  }
0x7b: {  	_ =	shalt  }
0x7c: {  	_ =	shalt  }
0x7d: {  	_ =	shalt  }
0x7e: {  	_ =	shalt  }
0x7f: {  	_ =	shalt  }
0x80: {  	_ =	shalt  }
0x81: {  	_ =	shalt  }
0x82: {  	_ =	shalt  }
0x83: {  	_ =	shalt  }
0x84: {  	_ =	shalt  }
0x85: {  	_ =	shalt  }
0x86: {  	_ =	shalt  }
0x87: {  	_ =	shalt  }
.Lfunc_end0:
.L_simem_size_0:
called_computation.2_lowered:
.L_overlay_start_0:
0x88: {  	s2 =	sld [smem:$0x3FD9]  }
0x89: {  	s3 =	sld [smem:$0x3FFE];
	_ =	sdelay $0x1  }
0x8a: {  	s1 =	srdreg.scid  }
0x8b: {  	s0 =	sand.u32 $0x1, s1  }
0x8c: {  	s16 =	sshll.u32 s0, $0xA;
	s2 =	sadd.s32 s3, s2  }
0x8d: {  	s2 =	sadd.s32 s2, s16  }
0x8e: {  	[smem:$0x3FBB] =	sst s2  }
0x8f: {  	_ = 	snop  }
0x90: {  	(tm) =	ssettm $0x1  }
0x91: {  	s17 =	sld [smem:$0x3FFB];
	_ =	sdelay $0x3  }
0x92: {  	_ =	strace s17  }
0x93: {  	s2 =	sld [smem:$0x3FFC];
	_ =	sdelay $0x3  }
0x94: {  	_ =	strace s2  }
0x95: {  	s2 =	sld [smem:$0x3FFD];
	_ =	sdelay $0x3  }
0x96: {  	_ =	strace s2  }
0x97: {  	_ =	strace $0x8FFFFFFF  }
0x98: {  	s18 =	sld [smem:$0x3FDB];
	_ =	sdelay $0x1  }
0x99: {  	s19 =	simm.s32 $_scs_section_size  }
0x9a: {  	s4 =	simm.s32 $_size__tile_overlayer_lowered;
	s5 =	simm.s32 $_tile_overlayer_lowered  }
0x9b: {  	s22 =	simm.s32 $0x1BFF;
	s21 =	sshll.u32 s5, $0x1;
	s2 =	sadd.s32 s19, s18  }
0x9c: {  	s6 =	simm.s32 $0x0;
	s20 =	sshll.u32 s4, $0x1;
	s4 =	sadd.s32 s21, s2  }
0x9d: {  	[timem:s6], [sflag:s22] =	dma.local [hbm:s4], s20  }
0x9e: {  	_ =	swait.ge [sflag:s22], s20  }
0x9f: {  	s3 =	ssub.s32 $0x0, s20;
	[sflag:s22] =	ssyncset.done $0x0  }
0xa0: {  	[sflag:s22] =	ssyncadd.s32 s3;
	_ =	sdelay $0x1  }
0xa1: {  	s23 =	simm.s32 $0x1B8B  }
0xa2: {  	_ =	swait.ge [sflag:s23], $0x1  }
0xa3: {  	[sflag:s23] =	ssyncset.done $0x0  }
0xa4: {  	s25 =	simm.s32 $0x1B8E;
	s24 =	sld [smem:$0x3FFE];
	[sflag:s23] =	ssyncadd.s32 $0xFFFFFFFF  }
0xa5: {  	s26 =	simm.s32 $execute0_lowered;
	[smem:$0x3FD2] =	sst s25  }
0xa6: {  	s4 =	sshll.u32 s26, $0x1;
	_ =	strace $0x8000004C;
	[dreg:$0x1] =	wrdreg $0xFFFFFFFF  }
0xa7: {  	s28 =	simm.s32 $_size_execute0_lowered;
	s2 =	sadd.s32 s2, s4;
	[dreg:$0x0] =	wrdreg $0x0  }
0xa8: {  	s4 =	sshll.u32 s28, $0x1;
	[dreg:$0x2] =	wrdreg s2  }
0xa9: {  	[dreg:$0x3] =	wrdreg s4  }
0xaa: {  	[dreg:$0x4] =	wrdreg $0xC0  }
0xab: {  	_ =	task [dreg:s6], $0x5FFFF  }
0xac: {  	[dreg:$0x1] =	wrdreg $0xFFFFFFFF  }
0xad: {  	[dreg:$0x0] =	wrdreg $0x60  }
0xae: {  	[dreg:$0x2] =	wrdreg s24  }
0xaf: {  	[dreg:$0x3] =	wrdreg $0xA3000  }
0xb0: {  	[dreg:$0x4] =	wrdreg $0x9  }
0xb1: {  	_ =	task.clear_ibuf [dreg:s6], $0x5FFFF;
	_ =	strace $0x9000004C  }
0xb2: {  	s29 =	simm.s32 $0x9;
	_ =	strace $0x8000004E  }
0xb3: {  	_ =	swait.ge [sflag:s29], $0x1  }
0xb4: {  	[sflag:s29] =	ssyncadd.s32 $0xFFFFFFFF  }
0xb5: {  	_ =	strace $0x9000004E  }
0xb6: {  	_ =	sfence  }
0xb7: {  	s30 =	sld [smem:$0x0];
	_ =	sdelay $0x2  }
0xb8: {  	s31 =	sshll.u32 s1, $0xD;
	s1 =	sshrl.u32 s1, $0x2  }
0xb9: {  	s3 =	sand.u32 $0x4000, s31;
	s1 =	sadd.s32 s1, s30  }
0xba: {  	s0 =	sor.u32 s3, s0;
	s1 =	sshll.u32 s1, $0x11  }
0xbb: {  	s0 =	sor.u32 s1, s0  }
0xbc: {  	s0 =	sadd.s32 $0x8F2B, s0  }
0xbd: {  	[sflag:s0] =	ssyncadd.remote.s32 $0x1  }
0xbe: {  	_ =	sfence.sel $0xFFFF  }
0xbf: {  	[dreg:$0x0] =	wrdreg $0xFFFFFFFF;
	(pc) =	sbr.abs _section_cstart, $3  }
0xc0: {  	[dreg:$0x1] =	wrdreg $0xFFFFFFFF  }
0xc1: {  	_ =	task.clear_ibuf [dreg:s6], $0x2FFFF;
	_ =	strace $0x9FFFFFFF  }
0xc2: {  	(tm) =	ssettm $0x7FFFFFFF  }
0xc3: {  	_ =	shalt  }
tec
execute0_lowered:
.L_overlay_start_1:
0x0: {  	(tag) =	ssettag $0x1  }
0x1: {  	s0 =	rddreg [dreg:$0x0]  }
0x2: {  	s2 =	rddreg [dreg:$0x1];
	s12 =	stileid.u32  }
0x3: {  	s1 =	srdreg.scid;
	s3 =	simm.s32 $0x0;
	s18 =	simm.s32 $0x9  }
0x4: {  	s19 =	simm.s32 $0x5;
	s20 =	simm.s32 $0x50;
	s28 =	simm.s32 $0x2  }
0x5: {  	s29 =	simm.s32 $0x4;
	s30 =	simm.s32 $0x280;
	s31 =	simm.s32 $0x2B00  }
0x6: {  	s6 =	smul.u32 $0x13C00, s12;
	s1 =	sand.u32 $0x1, s1;
	[smem:$0x7FF] =	sst s3  }
0x7: {  	s4 =	sadd.s32 $0x6400, s0;
	s10 =	sshll.u32 s12, $0x1;
	s11 =	smul.u32 $0x4F000, s12  }
0x8: {  	s7 =	smul.u32 $0x13C000, s1;
	s9 =	ssub.s32 $0x2, s1;
	s1 =	sor.u32 s1, s10  }
0x9: {  	s5 =	sadd.s32 $0xD13E00, s0;
	s23 =	sshll.u32 s12, $0x6;
	s10 =	smul.u32 $0x5DC, s1  }
0xa: {  	_ =	strace $0x8000004D;
	s8 =	sshrl.u32 s6, $0x3;
	s24 =	smul.u32 $0x2EE0, s1  }
0xb: {  	s21 =	sshrl.u32 s9, $0x1;
	s22 =	sshrl.u32 s11, $0x2;
	s13 =	smul.u32 $0x17700, s1  }
0xc: {  	s11 =	smul.u32 $0x1770, s1;
	s7 =	sadd.s32 s6, s7;
	s8 =	sadd.s32 s8, s0  }
0xd: {  	s6 =	sadd.s32 $0x9F1800, s0;
	s7 =	sshrl.u32 s7, $0x3;
	s8 =	sadd.s32 $0x1001E00, s8  }
0xe: {  	s10 =	sadd.s32 s6, s10;
	s12 =	sshrl.u32 s24, $0x3;
	s25 =	sadd.s32 s5, s13  }
0xf: {  	s24 =	simm.s32 $0x1;
	s0 =	sadd.s32 s7, s0;
	[dreg:$0x3] =	wrdreg s8  }
0x10: {  	s7 =	ssub.s32 s9, s21;
	s9 =	sadd.s32 s22, s2;
	[dreg:$0x4] =	wrdreg s10  }
0x11: {  	s8 =	sor.u32 $0x1C09, s23;
	s10 =	smul.u32 $0x4B, s1;
	[dreg:$0x5] =	wrdreg s25  }
.Ltmp0:
0x12: {  	s26 =	sadd.s32 s6, s12;
	s21 =	simm.s32 $0x300;
	(pc) =	sbr.rel .LBB2_1-.Ltmp0, $4  }
0x13: {  	s25 =	simm.s32 $0x3;
	s22 =	simm.s32 $0x0;
	s1 =	sadd.s32 $0x14, s26  }
0x14: {  	s0 =	sadd.s32 $0x1029600, s0;
	s16 =	smax.u32 s7, $0x1;
	s17 =	sshrl.u32 s9, $0x3  }
0x15: {  	s26 =	simm.s32 $0x200;
	[dreg:$0x6] =	wrdreg s1;
	s14 =	sadd.s32 $0x3, s10  }
0x16: {  	[dreg:$0x7] =	wrdreg s0;
	s0 =	simm.s32 $0x8;
	s1 =	simm.s32 $0x7  }
.LBB2_9:
0x17: {  	_ =	swait.ge [sflag:s0], $0x2800  }
0x18: {  	[sflag:s0] =	ssyncset.done $0x0  }
0x19: {  	[sflag:s0] =	ssyncadd.s32 $0xFFFFD800  }
0x1a: {  	_ =	swait.ge [sflag:s1], $0x2800  }
0x1b: {  	[sflag:s1] =	ssyncset.done $0x0  }
0x1c: {  	s22 =	sadd.s32 $0x1, s22;
	[sflag:s1] =	ssyncadd.s32 $0xFFFFD800  }
0x1d: {  	p0 =	sne.s32 s22, s16;
	[bflag:$0x0] =	sbarrier.arrive $0xFFFF  }
.Ltmp1:
0x1e: {  	s7 =	rddreg [dreg:$0x7];
	(pc) =	sbr.rel @!p0 .LBB2_10-.Ltmp1, $4  }
0x1f: {  	[hbm:s7], [sflag:s8] =	dma.local [spmem:s17], $0x2780  }
0x20: {  	_ =	swait.ge [sflag:s18], $0x2780  }
0x21: {  	[sflag:s18] =	ssyncset.done $0x0  }
0x22: {  	[sflag:s18] =	ssyncadd.s32 $0xFFFFD880  }
.LBB2_1:
0x23: {  	s7 =	rddreg [dreg:$0x3]  }
0x24: {  	[spmem:s17], [sflag:s8] =	dma.local [hbm:s7], $0x2780  }
0x25: {  	_ =	swait.ge [sflag:s18], $0x2780  }
0x26: {  	[sflag:s18] =	ssyncset.done $0x0  }
0x27: {  	[sflag:s18] =	ssyncadd.s32 $0xFFFFD880  }
0x28: {  	[bflag:$0x0] =	sbarrier.arrive $0xFFFF  }
0x29: {  	s12 =	rddreg [dreg:$0x4]  }
0x2a: {  	[tilespmem:s3], [sflag:$0x5] =	stream.linear.gather [hbm4b:s12+s3], $0xA0, $0x38;
	[tilespmem:$0x1DF00] =	vst v63  }
0x2b: {  	_ =	swait.ge [sflag:s19], $0xA0  }
0x2c: {  	[sflag:s19] =	ssyncset.done $0x0  }
0x2d: {  	[sflag:s19] =	ssyncadd.s32 $0xFFFFFF60  }
0x2e: {  	[tilespmem:s21], [sflag:$0x1] =	stream.indirect.gather [hbm4b:s4+s20], $0x80, s3, s20, $0xb8;
	[tilespmem:$0x1DF00] =	vst v63  }
.Ltmp2:
0x2f: {  	s9 =	simm.s32 $0x5300;
	s13 =	rddreg [dreg:$0x5];
	(pc) =	sbr.rel .LBB2_2-.Ltmp2, $4  }
0x30: {  	[tilespmem:s9], [sflag:$0x3] =	stream.linear.gather [hbm4b:s13+s3], $0x2800, $0x38;
	[tilespmem:$0x1DF00] =	vst v63  }
0x31: {  	s23 =	simm.s32 $0x100;
	s15 =	rddreg [dreg:$0x6]  }
0x32: {  	[tilespmem:s23], [sflag:$0x6] =	stream.linear.gather [hbm4b:s15+s3], $0xA0, $0x38;
	[tilespmem:$0x1DF00] =	vst v63  }
0x33: {  	s23 =	simm.s32 $0x0  }
.LBB2_8:
0x34: {  	p0 =	sgt.u32 s23, $0x23  }
0x35: {  	s7 =	sadd.s32 @!p0 s7, s14  }
0x36: {  	s7 =	smul.u32 @!p0 $0x14, s7  }
0x37: {  	s23 =	sadd.s32 $0x1, s23  }
0x38: {  	s9 =	simm.s32 @!p0 $0x0;
	s12 =	simm.s32 @!p0 $0x100;
	s7 =	sadd.s32 @!p0 s6, s7  }
0x39: {  	[tilespmem:s12], [sflag:$0x6] =	stream.linear.gather @!p0 [hbm4b:s7+s9], $0xA0, $0x38;
	[tilespmem:$0x1DF00] =	vst v63  }
0x3a: {  	p0 =	sne.s32 s23, $0x26  }
.Ltmp3:
0x3b: {  	_ = 	snop;
	(pc) =	sbr.rel @!p0 .LBB2_9-.Ltmp3, $1  }
0x3c: {  	_ =	sdelay $0x3  }
.LBB2_2:
0x3d: {  	s7 =	sshllo.u32 s23, $0x1  }
0x3e: {  	p0 =	sgt.u32 s7, $0x4A  }
0x3f: {  	s9 =	simm.s32 @!p0 $0x6  }
0x40: {  	p1 =	seq.s32 @!p0 s23, $0x0;
	_ =	swait.ge @!p0 [sflag:s9], $0xA0  }
0x41: {  	p1 =	por p1, p0;
	[sflag:s9] =	ssyncset.done @!p0 $0x0  }
0x42: {  	s7 =	smul.u32 @!p0 $0x50, s7;
	[sflag:s9] =	ssyncadd.s32 @!p0 $0xFFFFFF60;
	s9 =	simm.s32 @!p1 $0x8  }
0x43: {  	s12 =	simm.s32 @!p0 $0x100;
	_ =	swait.ge @!p1 [sflag:s9], $0x2800  }
0x44: {  	s13 =	simm.s32 @!p0 $0x2B00;
	s7 =	sadd.s32 @!p0 s11, s7;
	[sflag:s9] =	ssyncset.done @!p1 $0x0  }
0x45: {  	s7 =	sshll.u32 @!p0 s7, $0x4;
	[sflag:s9] =	ssyncadd.s32 @!p1 $0xFFFFD800;
	s9 =	simm.s32 @!p0 $0x50  }
0x46: {  	[tilespmem:s13], [sflag:$0x2] =	stream.indirect.gather @!p0 [hbm4b:s4+s9], $0x80, s12, s9, $0xb8;
	[tilespmem:$0x1DF00] =	vst v63  }
0x47: {  	s7 =	sadd.s32 @!p0 s5, s7;
	s9 =	simm.s32 @!p0 $0x0;
	s12 =	simm.s32 @!p0 $0x7B00  }
0x48: {  	[tilespmem:s12], [sflag:$0x4] =	stream.linear.gather @!p0 [hbm4b:s7+s9], $0x2800, $0x38;
	[tilespmem:$0x1DF00] =	vst v63  }
0x49: {  	_ =	swait.ge [sflag:s24], $0x2800  }
0x4a: {  	[sflag:s24] =	ssyncset.done $0x0  }
0x4b: {  	[sflag:s24] =	ssyncadd.s32 $0xFFFFD800  }
0x4c: {  	_ =	swait.ge [sflag:s25], $0x2800  }
0x4d: {  	[sflag:s25] =	ssyncset.done $0x0  }
0x4e: {  	s15 =	simm.s32 $0x5400;
	[sflag:s25] =	ssyncadd.s32 $0xFFFFD800  }
0x4f: {  	s9 =	simm.s32 $0x400;
	v0 =	vld [tilespmem:s15+$0x80]  }
0x50: {  	v1 =	vld [tilespmem:s9+$0x80]  }
0x51: {  	v2 =	vld [tilespmem:s9+$0x90]  }
0x52: {  	v3 =	vld [tilespmem:s15+$0xFFFFFF80]  }
0x53: {  	v4 =	vld [tilespmem:s15+$0x0]  }
0x54: {  	v5 =	vld [tilespmem:s15+$0xFFFFFF00]  }
0x55: {  	v7 =	vld [tilespmem:s9+$0xFFFFFF00];
	v6 =	vunpack.i.l.bf16.f32 v0  }
0x56: {  	v58 =	vld [tilespmem:s9+$0xFFFFFF20];
	v0 =	vunpack.i.u.bf16.f32 v0;
	v1 =	vmul.f32 v1, v6  }
0x57: {  	v6 =	vld [tilespmem:s9+$0xFFFFFF10];
	v0 =	vmul.f32 v2, v0  }
0x58: {  	v2 =	vld [tilespmem:s9+$0xFFFFFF80];
	[tilespmem:s9+$0x80] =	vst v1  }
0x59: {  	v1 =	vld [tilespmem:s9+$0xFFFFFF90];
	[tilespmem:s9+$0x90] =	vst v0  }
0x5a: {  	v0 =	vunpack.i.l.bf16.f32 v5;
	v8 =	vld [tilespmem:s15+$0x90]  }
0x5b: {  	v5 =	vunpack.i.u.bf16.f32 v5;
	v0 =	vmul.f32 v7, v0;
	v7 =	vld [tilespmem:s9+$0xA0]  }
0x5c: {  	v9 =	vunpack.i.l.bf16.f32 v3;
	v5 =	vmul.f32 v6, v5;
	v6 =	vld [tilespmem:s9+$0xB0]  }
0x5d: {  	v61 =	vld [tilespmem:s9+$0xFFFFFF50];
	v3 =	vunpack.i.u.bf16.f32 v3;
	[tilespmem:s9+$0xFFFFFF00] =	vst v0;
	v0 =	vmul.f32 v2, v9  }
0x5e: {  	v2 =	vld [tilespmem:s9+$0x0];
	[tilespmem:s9+$0xFFFFFF10] =	vst v5;
	v1 =	vmul.f32 v1, v3  }
0x5f: {  	v3 =	vld [tilespmem:s9+$0x10];
	[tilespmem:s9+$0xFFFFFF80] =	vst v0;
	v0 =	vunpack.i.l.bf16.f32 v8  }
0x60: {  	v5 =	vld [tilespmem:s15+$0xFFFFFF10];
	[tilespmem:s9+$0xFFFFFF90] =	vst v1;
	v1 =	vunpack.i.u.bf16.f32 v8;
	v0 =	vmul.f32 v7, v0  }
0x61: {  	v8 =	vld [tilespmem:s9+$0xFFFFFF30];
	v1 =	vmul.f32 v6, v1  }
0x62: {  	v7 =	vld [tilespmem:s15+$0xFFFFFF90];
	v6 =	vunpack.i.l.bf16.f32 v4;
	[tilespmem:s9+$0xA0] =	vst v0  }
0x63: {  	v0 =	vunpack.i.u.bf16.f32 v4;
	v2 =	vmul.f32 v2, v6;
	v4 =	vld [tilespmem:s9+$0xFFFFFFA0];
	[tilespmem:s9+$0xB0] =	vst v1  }
0x64: {  	v0 =	vmul.f32 v3, v0;
	v1 =	vld [tilespmem:s15+$0xA0]  }
0x65: {  	[tilespmem:s9+$0x0] =	vst v2;
	v2 =	vld [tilespmem:s9+$0xC0]  }
0x66: {  	v3 =	vunpack.i.l.bf16.f32 v5;
	v5 =	vunpack.i.u.bf16.f32 v5;
	[tilespmem:s9+$0x10] =	vst v0;
	v0 =	vld [tilespmem:s9+$0xD0]  }
0x67: {  	v3 =	vmul.f32 v58, v3;
	v5 =	vmul.f32 v8, v5;
	v8 =	vld [tilespmem:s9+$0xFFFFFFB0]  }
0x68: {  	v6 =	vld [tilespmem:s15+$0x10];
	v60 =	vunpack.i.l.bf16.f32 v7  }
0x69: {  	[tilespmem:s9+$0xFFFFFF20] =	vst v3;
	v3 =	vld [tilespmem:s9+$0x20];
	v4 =	vmul.f32 v4, v60;
	v59 =	vunpack.i.l.bf16.f32 v1  }
0x6a: {  	[tilespmem:s9+$0xFFFFFF30] =	vst v5;
	v5 =	vld [tilespmem:s9+$0x30];
	v1 =	vunpack.i.u.bf16.f32 v1;
	v2 =	vmul.f32 v2, v59  }
0x6b: {  	v10 =	vld [tilespmem:s15+$0xFFFFFF20];
	[tilespmem:s9+$0xFFFFFFA0] =	vst v4;
	v0 =	vmul.f32 v0, v1;
	v1 =	vunpack.i.u.bf16.f32 v7  }
0x6c: {  	v7 =	vld [tilespmem:s9+$0xFFFFFF40];
	v1 =	vmul.f32 v8, v1;
	[tilespmem:s9+$0xC0] =	vst v2  }
0x6d: {  	v4 =	vld [tilespmem:s9+$0xFFFFFFC0];
	v2 =	vunpack.i.l.bf16.f32 v6;
	[tilespmem:s9+$0xD0] =	vst v0  }
0x6e: {  	v0 =	vunpack.i.u.bf16.f32 v6;
	v6 =	vld [tilespmem:s9+$0xFFFFFFD0];
	v2 =	vmul.f32 v3, v2;
	[tilespmem:s9+$0xFFFFFFB0] =	vst v1  }
0x6f: {  	v0 =	vmul.f32 v5, v0;
	v1 =	vld [tilespmem:s15+$0xFFFFFFA0]  }
0x70: {  	v8 =	vld [tilespmem:s15+$0xB0];
	[tilespmem:s9+$0x20] =	vst v2;
	v2 =	vunpack.i.l.bf16.f32 v10  }
0x71: {  	v3 =	vld [tilespmem:s9+$0xF0];
	[tilespmem:s9+$0x30] =	vst v0;
	v0 =	vunpack.i.u.bf16.f32 v10;
	v2 =	vmul.f32 v7, v2  }
0x72: {  	v5 =	vld [tilespmem:s15+$0x20];
	v0 =	vmul.f32 v61, v0  }
0x73: {  	v7 =	vld [tilespmem:s9+$0x50];
	[tilespmem:s9+$0xFFFFFF40] =	vst v2  }
0x74: {  	v2 =	vld [tilespmem:s9+$0x40];
	[tilespmem:s9+$0xFFFFFF50] =	vst v0;
	v0 =	vunpack.i.l.bf16.f32 v1  }
0x75: {  	v62 =	vld [tilespmem:s15+$0xFFFFFF30];
	v0 =	vmul.f32 v4, v0  }
0x76: {  	v1 =	vunpack.i.u.bf16.f32 v1;
	v4 =	vld [tilespmem:s9+$0xFFFFFF60]  }
0x77: {  	v6 =	vmul.f32 v6, v1;
	v63 =	vunpack.i.l.bf16.f32 v5;
	v5 =	vunpack.i.u.bf16.f32 v5;
	[tilespmem:s9+$0xFFFFFFC0] =	vst v0;
	v0 =	vld [tilespmem:s9+$0xFFFFFF70]  }
0x78: {  	v1 =	vld [tilespmem:s9+$0xFFFFFFE0];
	v5 =	vmul.f32 v7, v5  }
0x79: {  	[tilespmem:s9+$0xFFFFFFD0] =	vst v6;
	v6 =	vunpack.i.u.bf16.f32 v8;
	v10 =	vmul.f32 v2, v63;
	v2 =	vld [tilespmem:s9+$0xFFFFFFF0]  }
0x7a: {  	v7 =	vmul.f32 v3, v6;
	v6 =	vld [tilespmem:s15+$0xFFFFFFB0];
	v3 =	vunpack.i.l.bf16.f32 v62;
	[tilespmem:s9+$0x50] =	vst v5  }
0x7b: {  	v5 =	vunpack.i.u.bf16.f32 v62;
	[tilespmem:s9+$0x40] =	vst v10;
	v4 =	vmul.f32 v4, v3;
	v3 =	vld [tilespmem:s9+$0x60]  }
0x7c: {  	[tilespmem:s9+$0xF0] =	vst v7;
	v7 =	vld [tilespmem:s15+$0x30];
	v5 =	vmul.f32 v0, v5  }
0x7d: {  	s13 =	simm.s32 $0x0;
	[tilespmem:s9+$0xFFFFFF60] =	vst v4;
	v4 =	vld [tilespmem:s9+$0x70]  }
0x7e: {  	s7 =	sshll.u32 s23, $0x1;
	s12 =	simm.s32 $0x400;
	s15 =	simm.s32 $0x5600;
	v0 =	vunpack.i.l.bf16.f32 v8;
	[tilespmem:s9+$0xFFFFFF70] =	vst v5;
	v5 =	vld [tilespmem:s9+$0xE0]  }
.LBB2_3:
0x7f: {  	v8 =	vld [tilespmem:s15+$0x80];
	v9 =	vunpack.i.u.bf16.f32 v6;
	v6 =	vunpack.i.l.bf16.f32 v6;
	s9 =	sadd.s32 $0x200, s9  }
0x80: {  	v10 =	vld [tilespmem:s9+$0x80];
	v1 =	vmul.f32 v1, v6;
	v2 =	vmul.f32 v2, v9  }
0x81: {  	v6 =	vld [tilespmem:s9+$0x90];
	v9 =	vunpack.i.u.bf16.f32 v7;
	v7 =	vunpack.i.l.bf16.f32 v7  }
0x82: {  	s13 =	sadd.s32 $0x4, s13;
	v11 =	vld [tilespmem:s15+$0xFFFFFF80];
	[tilespmem:s12+$0xFFFFFFE0] =	vst v1;
	v1 =	vmul.f32 v3, v7;
	v3 =	vmul.f32 v4, v9  }
0x83: {  	p1 =	slt.u32 s13, $0x4C;
	v4 =	vld [tilespmem:s15+$0x0];
	[tilespmem:s12+$0xFFFFFFF0] =	vst v2;
	v0 =	vmul.f32 v5, v0  }
0x84: {  	v2 =	vld [tilespmem:s15+$0xFFFFFF00];
	v5 =	vunpack.i.l.bf16.f32 v8;
	[tilespmem:s12+$0x60] =	vst v1  }
0x85: {  	v7 =	vunpack.i.u.bf16.f32 v8;
	v1 =	vld [tilespmem:s9+$0xFFFFFF00];
	v5 =	vmul.f32 v10, v5;
	[tilespmem:s12+$0x70] =	vst v3  }
0x86: {  	v3 =	vld [tilespmem:s9+$0xFFFFFF10];
	v6 =	vmul.f32 v6, v7;
	[tilespmem:s12+$0xE0] =	vst v0;
	s12 =	smov.u32 s9  }
0x87: {  	v0 =	vunpack.i.u.bf16.f32 v11;
	v7 =	vunpack.i.l.bf16.f32 v11;
	v8 =	vld [tilespmem:s9+$0xFFFFFF80];
	[tilespmem:s9+$0x80] =	vst v5  }
0x88: {  	v5 =	vld [tilespmem:s9+$0xFFFFFF90];
	v9 =	vunpack.i.u.bf16.f32 v4;
	v4 =	vunpack.i.l.bf16.f32 v4;
	[tilespmem:s9+$0x90] =	vst v6  }
0x89: {  	v6 =	vunpack.i.u.bf16.f32 v2;
	v2 =	vunpack.i.l.bf16.f32 v2;
	v10 =	vld [tilespmem:s15+$0x90]  }
0x8a: {  	v1 =	vmul.f32 v1, v2;
	v2 =	vld [tilespmem:s9+$0xA0]  }
0x8b: {  	v3 =	vmul.f32 v3, v6;
	v6 =	vld [tilespmem:s9+$0xB0]  }
0x8c: {  	[tilespmem:s9+$0xFFFFFF00] =	vst v1;
	v1 =	vmul.f32 v8, v7;
	v7 =	vld [tilespmem:s9+$0x0]  }
0x8d: {  	[tilespmem:s9+$0xFFFFFF10] =	vst v3;
	v0 =	vmul.f32 v5, v0;
	v3 =	vld [tilespmem:s9+$0x10]  }
0x8e: {  	v5 =	vld [tilespmem:s15+$0xFFFFFF10];
	[tilespmem:s9+$0xFFFFFF80] =	vst v1;
	v1 =	vunpack.i.l.bf16.f32 v10  }
0x8f: {  	v8 =	vld [tilespmem:s9+$0xFFFFFF20];
	[tilespmem:s9+$0xFFFFFF90] =	vst v0;
	v0 =	vunpack.i.u.bf16.f32 v10;
	v1 =	vmul.f32 v2, v1  }
0x90: {  	v2 =	vld [tilespmem:s15+$0xFFFFFF90];
	v0 =	vmul.f32 v6, v0  }
0x91: {  	v6 =	vld [tilespmem:s9+$0xFFFFFF30];
	v4 =	vmul.f32 v7, v4;
	[tilespmem:s9+$0xA0] =	vst v1  }
0x92: {  	v1 =	vld [tilespmem:s9+$0xFFFFFFA0];
	v3 =	vmul.f32 v3, v9;
	[tilespmem:s9+$0xB0] =	vst v0  }
0x93: {  	v0 =	vunpack.i.u.bf16.f32 v5;
	v5 =	vunpack.i.l.bf16.f32 v5;
	[tilespmem:s9+$0x0] =	vst v4;
	v4 =	vld [tilespmem:s15+$0xA0]  }
0x94: {  	v5 =	vmul.f32 v8, v5;
	[tilespmem:s9+$0x10] =	vst v3;
	v3 =	vld [tilespmem:s9+$0xC0]  }
0x95: {  	v7 =	vunpack.i.u.bf16.f32 v2;
	v2 =	vunpack.i.l.bf16.f32 v2;
	v8 =	vld [tilespmem:s9+$0xD0]  }
0x96: {  	[tilespmem:s9+$0xFFFFFF20] =	vst v5;
	v0 =	vmul.f32 v6, v0;
	v5 =	vld [tilespmem:s15+$0x10]  }
0x97: {  	v1 =	vmul.f32 v1, v2;
	v2 =	vld [tilespmem:s9+$0xFFFFFFB0]  }
0x98: {  	[tilespmem:s9+$0xFFFFFF30] =	vst v0;
	v0 =	vld [tilespmem:s9+$0x20];
	v6 =	vunpack.i.l.bf16.f32 v4  }
0x99: {  	v4 =	vunpack.i.u.bf16.f32 v4;
	[tilespmem:s9+$0xFFFFFFA0] =	vst v1;
	v1 =	vld [tilespmem:s9+$0x30];
	v3 =	vmul.f32 v3, v6  }
0x9a: {  	v6 =	vld [tilespmem:s15+$0xFFFFFF20];
	v4 =	vmul.f32 v8, v4  }
0x9b: {  	v8 =	vld [tilespmem:s9+$0xFFFFFF40];
	v9 =	vunpack.i.u.bf16.f32 v5;
	v5 =	vunpack.i.l.bf16.f32 v5;
	[tilespmem:s9+$0xC0] =	vst v3  }
0x9c: {  	v3 =	vld [tilespmem:s9+$0xFFFFFF50];
	v2 =	vmul.f32 v2, v7;
	[tilespmem:s9+$0xD0] =	vst v4  }
0x9d: {  	v0 =	vmul.f32 v0, v5;
	v4 =	vld [tilespmem:s15+$0xB0]  }
0x9e: {  	[tilespmem:s9+$0xFFFFFFB0] =	vst v2;
	v1 =	vmul.f32 v1, v9;
	v2 =	vld [tilespmem:s9+$0xF0]  }
0x9f: {  	v5 =	vunpack.i.u.bf16.f32 v6;
	v6 =	vunpack.i.l.bf16.f32 v6;
	v7 =	vld [tilespmem:s15+$0xFFFFFFA0];
	[tilespmem:s9+$0x20] =	vst v0  }
0xa0: {  	v0 =	vmul.f32 v8, v6;
	v6 =	vld [tilespmem:s9+$0xFFFFFFC0];
	[tilespmem:s9+$0x30] =	vst v1  }
0xa1: {  	v1 =	vmul.f32 v3, v5;
	v3 =	vld [tilespmem:s15+$0x20]  }
0xa2: {  	[tilespmem:s9+$0xFFFFFF40] =	vst v0;
	v5 =	vld [tilespmem:s9+$0xFFFFFFD0];
	v8 =	vunpack.i.u.bf16.f32 v4;
	v0 =	vunpack.i.l.bf16.f32 v4  }
0xa3: {  	[tilespmem:s9+$0xFFFFFF50] =	vst v1;
	v4 =	vld [tilespmem:s9+$0x40];
	v1 =	vmul.f32 v2, v8  }
0xa4: {  	v2 =	vunpack.i.u.bf16.f32 v7;
	v7 =	vunpack.i.l.bf16.f32 v7;
	v8 =	vld [tilespmem:s9+$0x50]  }
0xa5: {  	v9 =	vld [tilespmem:s15+$0xFFFFFF30];
	v6 =	vmul.f32 v6, v7;
	[tilespmem:s9+$0xF0] =	vst v1  }
0xa6: {  	v7 =	vld [tilespmem:s9+$0xFFFFFF60];
	v10 =	vunpack.i.u.bf16.f32 v3;
	v3 =	vunpack.i.l.bf16.f32 v3  }
0xa7: {  	v11 =	vld [tilespmem:s9+$0xFFFFFF70];
	[tilespmem:s9+$0xFFFFFFC0] =	vst v6;
	v2 =	vmul.f32 v5, v2  }
0xa8: {  	v1 =	vld [tilespmem:s9+$0xFFFFFFE0];
	v3 =	vmul.f32 v4, v3  }
0xa9: {  	[tilespmem:s9+$0xFFFFFFD0] =	vst v2;
	v2 =	vld [tilespmem:s9+$0xFFFFFFF0];
	v4 =	vmul.f32 v8, v10  }
.Ltmp4:
0xaa: {  	v5 =	vunpack.i.u.bf16.f32 v9;
	v8 =	vunpack.i.l.bf16.f32 v9;
	v6 =	vld [tilespmem:s15+$0xFFFFFFB0];
	[tilespmem:s9+$0x40] =	vst v3;
	(pc) =	sbr.rel @p1 .LBB2_3-.Ltmp4, $4  }
0xab: {  	v8 =	vmul.f32 v7, v8;
	[tilespmem:s9+$0x50] =	vst v4;
	v3 =	vld [tilespmem:s9+$0x60]  }
0xac: {  	v5 =	vmul.f32 v11, v5;
	v7 =	vld [tilespmem:s15+$0x30]  }
0xad: {  	[tilespmem:s9+$0xFFFFFF60] =	vst v8;
	v4 =	vld [tilespmem:s9+$0x70]  }
0xae: {  	s15 =	sadd.s32 $0x200, s15;
	[tilespmem:s9+$0xFFFFFF70] =	vst v5;
	v5 =	vld [tilespmem:s9+$0xE0]  }
0xaf: {  	v8 =	vunpack.i.l.bf16.f32 v6  }
0xb0: {  	v58 =	vunpack.i.u.bf16.f32 v6;
	v1 =	vmul.f32 v1, v8  }
0xb1: {  	v2 =	vmul.f32 v2, v58;
	v59 =	vunpack.i.l.bf16.f32 v7  }
0xb2: {  	v60 =	vunpack.i.u.bf16.f32 v7;
	[tilespmem:s12+$0xFFFFFFE0] =	vst v1;
	v61 =	vmul.f32 v3, v59  }
0xb3: {  	v62 =	vmul.f32 v4, v60;
	[tilespmem:s12+$0xFFFFFFF0] =	vst v2  }
0xb4: {  	v0 =	vmul.f32 v5, v0;
	[tilespmem:s12+$0x60] =	vst v61  }
0xb5: {  	[tilespmem:s12+$0x70] =	vst v62  }
0xb6: {  	[tilespmem:s12+$0xE0] =	vst v0  }
0xb7: {  	v0 =	vld [tilespmem:$0x50]  }
0xb8: {  	v1 =	vld [tilespmem:$0x60]  }
0xb9: {  	v2 =	vld [tilespmem:$0x70]  }
0xba: {  	v3 =	vld [tilespmem:$0x80]  }
0xbb: {  	v63 =	vld [tilespmem:$0x90]  }
0xbc: {  	[tilespmem:$0x200] =	vst v0  }
0xbd: {  	p1 =	seq.s32 s23, $0x25;
	[tilespmem:$0x210] =	vst v1  }
0xbe: {  	s9 =	sadd.s32 @!p1 $0x2, s7;
	[tilespmem:$0x220] =	vst v2  }
0xbf: {  	s12 =	sadd.s32 @!p1 s10, s9;
	[tilespmem:$0x230] =	vst v3  }
0xc0: {  	s12 =	smul.u32 @!p1 $0x14, s12;
	[tilespmem:$0x240] =	vst v63  }
0xc1: {  	[spmem:s2] =	stream.indirect.scatter.add.f32 [tilespmem:s21], [sflag:$0x7], $0x80, s26, s20, $0xb8;
	[tilespmem:$0x1DF00] =	vst v63  }
0xc2: {  	s13 =	simm.s32 @!p1 $0x0;
	s12 =	sadd.s32 @!p1 s6, s12  }
0xc3: {  	[tilespmem:s13], [sflag:$0x5] =	stream.linear.gather @!p1 [hbm4b:s12+s13], $0xA0, $0x38;
	[tilespmem:$0x1DF00] =	vst v63  }
0xc4: {  	s12 =	simm.s32 @!p1 $0x5  }
0xc5: {  	_ =	swait.ge @!p1 [sflag:s12], $0xA0  }
0xc6: {  	[sflag:s12] =	ssyncset.done @!p1 $0x0  }
0xc7: {  	s9 =	smul.u32 @!p1 $0x50, s9;
	[sflag:s12] =	ssyncadd.s32 @!p1 $0xFFFFFF60;
	s12 =	simm.s32 @!p1 $0x7  }
0xc8: {  	s15 =	simm.s32 @!p1 $0x300;
	_ =	swait.ge @!p1 [sflag:s12], $0x2800  }
.Ltmp5:
0xc9: {  	s9 =	sadd.s32 @!p1 s11, s9;
	[sflag:s12] =	ssyncset.done @!p1 $0x0;
	(pc) =	sbr.rel @p0 .LBB2_8-.Ltmp5, $4  }
0xca: {  	s9 =	sshll.u32 @!p1 s9, $0x4;
	[sflag:s12] =	ssyncadd.s32 @!p1 $0xFFFFD800;
	s12 =	simm.s32 @!p1 $0x50  }
0xcb: {  	[tilespmem:s15], [sflag:$0x1] =	stream.indirect.gather @!p1 [hbm4b:s4+s12], $0x80, s13, s12, $0xb8;
	[tilespmem:$0x1DF00] =	vst v63  }
0xcc: {  	s9 =	sadd.s32 @!p1 s5, s9;
	s12 =	simm.s32 @!p1 $0x5300  }
0xcd: {  	[tilespmem:s12], [sflag:$0x3] =	stream.linear.gather @!p1 [hbm4b:s9+s13], $0x2800, $0x38;
	[tilespmem:$0x1DF00] =	vst v63  }
0xce: {  	_ =	swait.ge [sflag:s28], $0x2800  }
0xcf: {  	[sflag:s28] =	ssyncset.done $0x0  }
0xd0: {  	[sflag:s28] =	ssyncadd.s32 $0xFFFFD800  }
0xd1: {  	_ =	swait.ge [sflag:s29], $0x2800  }
0xd2: {  	[sflag:s29] =	ssyncset.done $0x0  }
0xd3: {  	s12 =	simm.s32 $0x7C00;
	[sflag:s29] =	ssyncadd.s32 $0xFFFFD800  }
0xd4: {  	s9 =	simm.s32 $0x2C00;
	v0 =	vld [tilespmem:s12+$0x80]  }
0xd5: {  	v1 =	vld [tilespmem:s9+$0x80]  }
0xd6: {  	v2 =	vld [tilespmem:s9+$0x90]  }
0xd7: {  	v3 =	vld [tilespmem:s12+$0xFFFFFF80]  }
0xd8: {  	v4 =	vld [tilespmem:s12+$0x0]  }
0xd9: {  	v5 =	vld [tilespmem:s12+$0xFFFFFF00]  }
0xda: {  	v7 =	vld [tilespmem:s9+$0xFFFFFF00];
	v6 =	vunpack.i.l.bf16.f32 v0  }
0xdb: {  	v58 =	vld [tilespmem:s9+$0xFFFFFF20];
	v0 =	vunpack.i.u.bf16.f32 v0;
	v1 =	vmul.f32 v1, v6  }
0xdc: {  	v6 =	vld [tilespmem:s9+$0xFFFFFF10];
	v0 =	vmul.f32 v2, v0  }
0xdd: {  	v2 =	vld [tilespmem:s9+$0xFFFFFF80];
	[tilespmem:s9+$0x80] =	vst v1  }
0xde: {  	v1 =	vld [tilespmem:s9+$0xFFFFFF90];
	[tilespmem:s9+$0x90] =	vst v0  }
0xdf: {  	v0 =	vunpack.i.l.bf16.f32 v5;
	v8 =	vld [tilespmem:s12+$0x90]  }
0xe0: {  	v5 =	vunpack.i.u.bf16.f32 v5;
	v0 =	vmul.f32 v7, v0;
	v7 =	vld [tilespmem:s9+$0xA0]  }
0xe1: {  	v9 =	vunpack.i.l.bf16.f32 v3;
	v5 =	vmul.f32 v6, v5;
	v6 =	vld [tilespmem:s9+$0xB0]  }
0xe2: {  	v61 =	vld [tilespmem:s9+$0xFFFFFF50];
	v3 =	vunpack.i.u.bf16.f32 v3;
	[tilespmem:s9+$0xFFFFFF00] =	vst v0;
	v0 =	vmul.f32 v2, v9  }
0xe3: {  	v2 =	vld [tilespmem:s9+$0x0];
	[tilespmem:s9+$0xFFFFFF10] =	vst v5;
	v1 =	vmul.f32 v1, v3  }
0xe4: {  	v3 =	vld [tilespmem:s9+$0x10];
	[tilespmem:s9+$0xFFFFFF80] =	vst v0;
	v0 =	vunpack.i.l.bf16.f32 v8  }
0xe5: {  	v5 =	vld [tilespmem:s12+$0xFFFFFF10];
	[tilespmem:s9+$0xFFFFFF90] =	vst v1;
	v1 =	vunpack.i.u.bf16.f32 v8;
	v0 =	vmul.f32 v7, v0  }
0xe6: {  	v8 =	vld [tilespmem:s9+$0xFFFFFF30];
	v1 =	vmul.f32 v6, v1  }
0xe7: {  	v7 =	vld [tilespmem:s12+$0xFFFFFF90];
	v6 =	vunpack.i.l.bf16.f32 v4;
	[tilespmem:s9+$0xA0] =	vst v0  }
0xe8: {  	v0 =	vunpack.i.u.bf16.f32 v4;
	v2 =	vmul.f32 v2, v6;
	v4 =	vld [tilespmem:s9+$0xFFFFFFA0];
	[tilespmem:s9+$0xB0] =	vst v1  }
0xe9: {  	v0 =	vmul.f32 v3, v0;
	v1 =	vld [tilespmem:s12+$0xA0]  }
0xea: {  	[tilespmem:s9+$0x0] =	vst v2;
	v2 =	vld [tilespmem:s9+$0xC0]  }
0xeb: {  	v3 =	vunpack.i.l.bf16.f32 v5;
	v5 =	vunpack.i.u.bf16.f32 v5;
	[tilespmem:s9+$0x10] =	vst v0;
	v0 =	vld [tilespmem:s9+$0xD0]  }
0xec: {  	v3 =	vmul.f32 v58, v3;
	v5 =	vmul.f32 v8, v5;
	v8 =	vld [tilespmem:s9+$0xFFFFFFB0]  }
0xed: {  	v6 =	vld [tilespmem:s12+$0x10];
	v60 =	vunpack.i.l.bf16.f32 v7  }
0xee: {  	[tilespmem:s9+$0xFFFFFF20] =	vst v3;
	v3 =	vld [tilespmem:s9+$0x20];
	v4 =	vmul.f32 v4, v60;
	v59 =	vunpack.i.l.bf16.f32 v1  }
0xef: {  	[tilespmem:s9+$0xFFFFFF30] =	vst v5;
	v5 =	vld [tilespmem:s9+$0x30];
	v1 =	vunpack.i.u.bf16.f32 v1;
	v2 =	vmul.f32 v2, v59  }
0xf0: {  	v10 =	vld [tilespmem:s12+$0xFFFFFF20];
	[tilespmem:s9+$0xFFFFFFA0] =	vst v4;
	v0 =	vmul.f32 v0, v1;
	v1 =	vunpack.i.u.bf16.f32 v7  }
0xf1: {  	v7 =	vld [tilespmem:s9+$0xFFFFFF40];
	v1 =	vmul.f32 v8, v1;
	[tilespmem:s9+$0xC0] =	vst v2  }
0xf2: {  	v4 =	vld [tilespmem:s9+$0xFFFFFFC0];
	v2 =	vunpack.i.l.bf16.f32 v6;
	[tilespmem:s9+$0xD0] =	vst v0  }
0xf3: {  	v0 =	vunpack.i.u.bf16.f32 v6;
	v6 =	vld [tilespmem:s9+$0xFFFFFFD0];
	v2 =	vmul.f32 v3, v2;
	[tilespmem:s9+$0xFFFFFFB0] =	vst v1  }
0xf4: {  	v0 =	vmul.f32 v5, v0;
	v1 =	vld [tilespmem:s12+$0xFFFFFFA0]  }
0xf5: {  	v8 =	vld [tilespmem:s12+$0xB0];
	[tilespmem:s9+$0x20] =	vst v2;
	v2 =	vunpack.i.l.bf16.f32 v10  }
0xf6: {  	v3 =	vld [tilespmem:s9+$0xF0];
	[tilespmem:s9+$0x30] =	vst v0;
	v0 =	vunpack.i.u.bf16.f32 v10;
	v2 =	vmul.f32 v7, v2  }
0xf7: {  	v5 =	vld [tilespmem:s12+$0x20];
	v0 =	vmul.f32 v61, v0  }
0xf8: {  	v7 =	vld [tilespmem:s9+$0x50];
	[tilespmem:s9+$0xFFFFFF40] =	vst v2  }
0xf9: {  	v2 =	vld [tilespmem:s9+$0x40];
	[tilespmem:s9+$0xFFFFFF50] =	vst v0;
	v0 =	vunpack.i.l.bf16.f32 v1  }
0xfa: {  	v62 =	vld [tilespmem:s12+$0xFFFFFF30];
	v0 =	vmul.f32 v4, v0  }
0xfb: {  	v1 =	vunpack.i.u.bf16.f32 v1;
	v4 =	vld [tilespmem:s9+$0xFFFFFF60]  }
0xfc: {  	v6 =	vmul.f32 v6, v1;
	v63 =	vunpack.i.l.bf16.f32 v5;
	v5 =	vunpack.i.u.bf16.f32 v5;
	[tilespmem:s9+$0xFFFFFFC0] =	vst v0;
	v0 =	vld [tilespmem:s9+$0xFFFFFF70]  }
0xfd: {  	v1 =	vld [tilespmem:s9+$0xFFFFFFE0];
	v5 =	vmul.f32 v7, v5  }
0xfe: {  	[tilespmem:s9+$0xFFFFFFD0] =	vst v6;
	v6 =	vunpack.i.u.bf16.f32 v8;
	v10 =	vmul.f32 v2, v63;
	v2 =	vld [tilespmem:s9+$0xFFFFFFF0]  }
0xff: {  	v7 =	vmul.f32 v3, v6;
	v6 =	vld [tilespmem:s12+$0xFFFFFFB0];
	v3 =	vunpack.i.l.bf16.f32 v62;
	[tilespmem:s9+$0x50] =	vst v5  }
0x100: {  	v5 =	vunpack.i.u.bf16.f32 v62;
	[tilespmem:s9+$0x40] =	vst v10;
	v4 =	vmul.f32 v4, v3;
	v3 =	vld [tilespmem:s9+$0x60]  }
0x101: {  	[tilespmem:s9+$0xF0] =	vst v7;
	v7 =	vld [tilespmem:s12+$0x30];
	v5 =	vmul.f32 v0, v5  }
0x102: {  	[tilespmem:s9+$0xFFFFFF60] =	vst v4;
	v4 =	vld [tilespmem:s9+$0x70]  }
0x103: {  	s13 =	simm.s32 $0x0;
	s15 =	simm.s32 $0x7E00;
	s12 =	simm.s32 $0x2C00;
	v0 =	vunpack.i.l.bf16.f32 v8;
	[tilespmem:s9+$0xFFFFFF70] =	vst v5;
	v5 =	vld [tilespmem:s9+$0xE0]  }
.LBB2_6:
0x104: {  	v8 =	vld [tilespmem:s15+$0x80];
	v9 =	vunpack.i.u.bf16.f32 v6;
	v6 =	vunpack.i.l.bf16.f32 v6;
	s9 =	sadd.s32 $0x200, s9  }
0x105: {  	v10 =	vld [tilespmem:s9+$0x80];
	v1 =	vmul.f32 v1, v6;
	v2 =	vmul.f32 v2, v9  }
0x106: {  	v6 =	vld [tilespmem:s9+$0x90];
	v9 =	vunpack.i.u.bf16.f32 v7;
	v7 =	vunpack.i.l.bf16.f32 v7  }
0x107: {  	s13 =	sadd.s32 $0x4, s13;
	v11 =	vld [tilespmem:s15+$0xFFFFFF80];
	[tilespmem:s12+$0xFFFFFFE0] =	vst v1;
	v1 =	vmul.f32 v3, v7;
	v3 =	vmul.f32 v4, v9  }
0x108: {  	p0 =	slt.u32 s13, $0x4C;
	v4 =	vld [tilespmem:s15+$0x0];
	[tilespmem:s12+$0xFFFFFFF0] =	vst v2;
	v0 =	vmul.f32 v5, v0  }
0x109: {  	v2 =	vld [tilespmem:s15+$0xFFFFFF00];
	v5 =	vunpack.i.l.bf16.f32 v8;
	[tilespmem:s12+$0x60] =	vst v1  }
0x10a: {  	v7 =	vunpack.i.u.bf16.f32 v8;
	v1 =	vld [tilespmem:s9+$0xFFFFFF00];
	v5 =	vmul.f32 v10, v5;
	[tilespmem:s12+$0x70] =	vst v3  }
0x10b: {  	v3 =	vld [tilespmem:s9+$0xFFFFFF10];
	v6 =	vmul.f32 v6, v7;
	[tilespmem:s12+$0xE0] =	vst v0;
	s12 =	smov.u32 s9  }
0x10c: {  	v0 =	vunpack.i.u.bf16.f32 v11;
	v7 =	vunpack.i.l.bf16.f32 v11;
	v8 =	vld [tilespmem:s9+$0xFFFFFF80];
	[tilespmem:s9+$0x80] =	vst v5  }
0x10d: {  	v5 =	vld [tilespmem:s9+$0xFFFFFF90];
	v9 =	vunpack.i.u.bf16.f32 v4;
	v4 =	vunpack.i.l.bf16.f32 v4;
	[tilespmem:s9+$0x90] =	vst v6  }
0x10e: {  	v6 =	vunpack.i.u.bf16.f32 v2;
	v2 =	vunpack.i.l.bf16.f32 v2;
	v10 =	vld [tilespmem:s15+$0x90]  }
0x10f: {  	v1 =	vmul.f32 v1, v2;
	v2 =	vld [tilespmem:s9+$0xA0]  }
0x110: {  	v3 =	vmul.f32 v3, v6;
	v6 =	vld [tilespmem:s9+$0xB0]  }
0x111: {  	[tilespmem:s9+$0xFFFFFF00] =	vst v1;
	v1 =	vmul.f32 v8, v7;
	v7 =	vld [tilespmem:s9+$0x0]  }
0x112: {  	[tilespmem:s9+$0xFFFFFF10] =	vst v3;
	v0 =	vmul.f32 v5, v0;
	v3 =	vld [tilespmem:s9+$0x10]  }
0x113: {  	v5 =	vld [tilespmem:s15+$0xFFFFFF10];
	[tilespmem:s9+$0xFFFFFF80] =	vst v1;
	v1 =	vunpack.i.l.bf16.f32 v10  }
0x114: {  	v8 =	vld [tilespmem:s9+$0xFFFFFF20];
	[tilespmem:s9+$0xFFFFFF90] =	vst v0;
	v0 =	vunpack.i.u.bf16.f32 v10;
	v1 =	vmul.f32 v2, v1  }
0x115: {  	v2 =	vld [tilespmem:s15+$0xFFFFFF90];
	v0 =	vmul.f32 v6, v0  }
0x116: {  	v6 =	vld [tilespmem:s9+$0xFFFFFF30];
	v4 =	vmul.f32 v7, v4;
	[tilespmem:s9+$0xA0] =	vst v1  }
0x117: {  	v1 =	vld [tilespmem:s9+$0xFFFFFFA0];
	v3 =	vmul.f32 v3, v9;
	[tilespmem:s9+$0xB0] =	vst v0  }
0x118: {  	v0 =	vunpack.i.u.bf16.f32 v5;
	v5 =	vunpack.i.l.bf16.f32 v5;
	[tilespmem:s9+$0x0] =	vst v4;
	v4 =	vld [tilespmem:s15+$0xA0]  }
0x119: {  	v5 =	vmul.f32 v8, v5;
	[tilespmem:s9+$0x10] =	vst v3;
	v3 =	vld [tilespmem:s9+$0xC0]  }
0x11a: {  	v7 =	vunpack.i.u.bf16.f32 v2;
	v2 =	vunpack.i.l.bf16.f32 v2;
	v8 =	vld [tilespmem:s9+$0xD0]  }
0x11b: {  	[tilespmem:s9+$0xFFFFFF20] =	vst v5;
	v0 =	vmul.f32 v6, v0;
	v5 =	vld [tilespmem:s15+$0x10]  }
0x11c: {  	v1 =	vmul.f32 v1, v2;
	v2 =	vld [tilespmem:s9+$0xFFFFFFB0]  }
0x11d: {  	[tilespmem:s9+$0xFFFFFF30] =	vst v0;
	v0 =	vld [tilespmem:s9+$0x20];
	v6 =	vunpack.i.l.bf16.f32 v4  }
0x11e: {  	v4 =	vunpack.i.u.bf16.f32 v4;
	[tilespmem:s9+$0xFFFFFFA0] =	vst v1;
	v1 =	vld [tilespmem:s9+$0x30];
	v3 =	vmul.f32 v3, v6  }
0x11f: {  	v6 =	vld [tilespmem:s15+$0xFFFFFF20];
	v4 =	vmul.f32 v8, v4  }
0x120: {  	v8 =	vld [tilespmem:s9+$0xFFFFFF40];
	v9 =	vunpack.i.u.bf16.f32 v5;
	v5 =	vunpack.i.l.bf16.f32 v5;
	[tilespmem:s9+$0xC0] =	vst v3  }
0x121: {  	v3 =	vld [tilespmem:s9+$0xFFFFFF50];
	v2 =	vmul.f32 v2, v7;
	[tilespmem:s9+$0xD0] =	vst v4  }
0x122: {  	v0 =	vmul.f32 v0, v5;
	v4 =	vld [tilespmem:s15+$0xB0]  }
0x123: {  	[tilespmem:s9+$0xFFFFFFB0] =	vst v2;
	v1 =	vmul.f32 v1, v9;
	v2 =	vld [tilespmem:s9+$0xF0]  }
0x124: {  	v5 =	vunpack.i.u.bf16.f32 v6;
	v6 =	vunpack.i.l.bf16.f32 v6;
	v7 =	vld [tilespmem:s15+$0xFFFFFFA0];
	[tilespmem:s9+$0x20] =	vst v0  }
0x125: {  	v0 =	vmul.f32 v8, v6;
	v6 =	vld [tilespmem:s9+$0xFFFFFFC0];
	[tilespmem:s9+$0x30] =	vst v1  }
0x126: {  	v1 =	vmul.f32 v3, v5;
	v3 =	vld [tilespmem:s15+$0x20]  }
0x127: {  	[tilespmem:s9+$0xFFFFFF40] =	vst v0;
	v5 =	vld [tilespmem:s9+$0xFFFFFFD0];
	v8 =	vunpack.i.u.bf16.f32 v4;
	v0 =	vunpack.i.l.bf16.f32 v4  }
0x128: {  	[tilespmem:s9+$0xFFFFFF50] =	vst v1;
	v4 =	vld [tilespmem:s9+$0x40];
	v1 =	vmul.f32 v2, v8  }
0x129: {  	v2 =	vunpack.i.u.bf16.f32 v7;
	v7 =	vunpack.i.l.bf16.f32 v7;
	v8 =	vld [tilespmem:s9+$0x50]  }
0x12a: {  	v9 =	vld [tilespmem:s15+$0xFFFFFF30];
	v6 =	vmul.f32 v6, v7;
	[tilespmem:s9+$0xF0] =	vst v1  }
0x12b: {  	v7 =	vld [tilespmem:s9+$0xFFFFFF60];
	v10 =	vunpack.i.u.bf16.f32 v3;
	v3 =	vunpack.i.l.bf16.f32 v3  }
0x12c: {  	v11 =	vld [tilespmem:s9+$0xFFFFFF70];
	[tilespmem:s9+$0xFFFFFFC0] =	vst v6;
	v2 =	vmul.f32 v5, v2  }
0x12d: {  	v1 =	vld [tilespmem:s9+$0xFFFFFFE0];
	v3 =	vmul.f32 v4, v3  }
0x12e: {  	[tilespmem:s9+$0xFFFFFFD0] =	vst v2;
	v2 =	vld [tilespmem:s9+$0xFFFFFFF0];
	v4 =	vmul.f32 v8, v10  }
.Ltmp6:
0x12f: {  	v5 =	vunpack.i.u.bf16.f32 v9;
	v8 =	vunpack.i.l.bf16.f32 v9;
	v6 =	vld [tilespmem:s15+$0xFFFFFFB0];
	[tilespmem:s9+$0x40] =	vst v3;
	(pc) =	sbr.rel @p0 .LBB2_6-.Ltmp6, $4  }
0x130: {  	v8 =	vmul.f32 v7, v8;
	[tilespmem:s9+$0x50] =	vst v4;
	v3 =	vld [tilespmem:s9+$0x60]  }
0x131: {  	v5 =	vmul.f32 v11, v5;
	v7 =	vld [tilespmem:s15+$0x30]  }
0x132: {  	[tilespmem:s9+$0xFFFFFF60] =	vst v8;
	v4 =	vld [tilespmem:s9+$0x70]  }
0x133: {  	s15 =	sadd.s32 $0x200, s15;
	[tilespmem:s9+$0xFFFFFF70] =	vst v5;
	v5 =	vld [tilespmem:s9+$0xE0]  }
0x134: {  	v8 =	vunpack.i.l.bf16.f32 v6  }
0x135: {  	v58 =	vunpack.i.u.bf16.f32 v6;
	v1 =	vmul.f32 v1, v8  }
0x136: {  	v2 =	vmul.f32 v2, v58;
	v59 =	vunpack.i.l.bf16.f32 v7  }
0x137: {  	v60 =	vunpack.i.u.bf16.f32 v7;
	[tilespmem:s12+$0xFFFFFFE0] =	vst v1;
	v61 =	vmul.f32 v3, v59  }
0x138: {  	v62 =	vmul.f32 v4, v60;
	[tilespmem:s12+$0xFFFFFFF0] =	vst v2  }
0x139: {  	v0 =	vmul.f32 v5, v0;
	[tilespmem:s12+$0x60] =	vst v61  }
0x13a: {  	[tilespmem:s12+$0x70] =	vst v62  }
0x13b: {  	[tilespmem:s12+$0xE0] =	vst v0  }
0x13c: {  	v0 =	vld [tilespmem:$0x150]  }
0x13d: {  	v1 =	vld [tilespmem:$0x160]  }
0x13e: {  	v2 =	vld [tilespmem:$0x170]  }
0x13f: {  	v3 =	vld [tilespmem:$0x180]  }
0x140: {  	v63 =	vld [tilespmem:$0x190]  }
0x141: {  	[tilespmem:$0x280] =	vst v0  }
.Ltmp7:
0x142: {  	[tilespmem:$0x290] =	vst v1;
	(pc) =	sbr.rel .LBB2_8-.Ltmp7, $4  }
0x143: {  	[tilespmem:$0x2A0] =	vst v2  }
0x144: {  	[tilespmem:$0x2B0] =	vst v3  }
0x145: {  	[tilespmem:$0x2C0] =	vst v63  }
0x146: {  	[spmem:s2] =	stream.indirect.scatter.add.f32 [tilespmem:s31], [sflag:$0x8], $0x80, s30, s20, $0xb8;
	[tilespmem:$0x1DF00] =	vst v63  }
.LBB2_10:
0x147: {  	_ =	sfence.sel $0x180000  }
0x148: {  	[bflag:$0x0] =	sbarrier.arrive $0xFFFF  }
0x149: {  	_ =	strace $0x9000004D  }
0x14a: {  	s0 =	stileid.u32;
	[bflag:$0x2] =	sbarrier.arrive $0xFFFF  }
0x14b: {  	p0 =	sne.s32 s0, $0x0;
	s0 =	rddreg [dreg:$0x2]  }
0x14c: {  	s0 =	sadd.s32 @!p0 $0x100000, s0  }
0x14d: {  	[sflag:s0] =	ssyncadd.tile.s32 @!p0 $0x1;
	_ =	shalt  }
.Lfunc_end2:
_tile_overlayer_lowered:
.L_overlay_start_2:
0x14e: {  	(tag) =	ssettag $0x2  }
0x14f: {  	s0 =	rddreg [dreg:$0x0];
	s2 =	stileid.u32  }
0x150: {  	s1 =	rddreg [dreg:$0x1];
	p0 =	sne.s32 s2, $0x0  }
0x151: {  	s3 =	rddreg [dreg:$0x2];
	[bflag:$0x3] =	sbarrier.arrive $0xFFFF;
	s2 =	simm.s32 @!p0 $0x1C09  }
0x152: {  	[timem:s3], [sflag:s2] =	dma.local @!p0 [hbm:s0], s1  }
0x153: {  	s0 =	simm.s32 @!p0 $0x9  }
0x154: {  	_ =	swait.ge @!p0 [sflag:s0], s1  }
0x155: {  	s1 =	ssub.s32 @!p0 $0x0, s1;
	[sflag:s0] =	ssyncset.done @!p0 $0x0  }
0x156: {  	[sflag:s0] =	ssyncadd.s32 @!p0 s1  }
0x157: {  	[bflag:$0x3] =	sbarrier.arrive $0xFFFF  }
0x158: {  	_ =	shalt  }

// kernel: kernel.20.cloned.1.call-start
scs
__scs_entry_jumppad:
0x0: {  	(pc) =	sbr.rel $0x88, $3  }
0x1: {  	(tag) =	ssettag $0x0;
	lr =	simm.s32 $0x1  }
0x2: {  	[smem:$0x3F94] =	sst lr;
	_ =	strace $0xD0000000  }
0x3: {  	_ = 	snop  }
0x4: {  	_ = 	snop  }
0x5: {  	_ = 	snop  }
0x6: {  	_ = 	snop  }
0x7: {  	_ = 	snop  }
__scs_overlays_trampoline_lowered:
0x8: {  	[smem:$0x3FA3] =	sst s0  }
0x9: {  	[smem:$0x3FA4] =	sst s1  }
0xa: {  	[smem:$0x3FA5] =	sst s2  }
0xb: {  	[smem:$0x3FA6] =	sst s3  }
0xc: {  	[smem:$0x3FA7] =	sst s4  }
0xd: {  	[smem:$0x3FA8] =	sst s5  }
0xe: {  	[smem:$0x3FA9] =	sst s6  }
0xf: {  	[smem:$0x3FAA] =	sst s7  }
0x10: {  	[smem:$0x3FAB] =	sst s8  }
0x11: {  	[smem:$0x3FAC] =	sst s9;
	s0 =	simm.s32 @!p0 $0x0  }
0x12: {  	s1 =	sld [smem:$0x3F92];
	s0 =	simm.s32 @p0 $0x1  }
0x13: {  	[smem:$0x3FAD] =	sst s0;
	s0 =	simm.s32 @!p1 $0x0  }
0x14: {  	s2 =	sld [smem:$0x3F91];
	s0 =	simm.s32 @p1 $0x1  }
0x15: {  	[smem:$0x3FAE] =	sst s0;
	s0 =	simm.s32 @!p2 $0x0  }
0x16: {  	s3 =	sld [smem:$0x3FDB];
	s0 =	simm.s32 @p2 $0x1  }
0x17: {  	s4 =	simm.s32 $0x1BF5;
	[smem:$0x3FB0] =	sst s0  }
0x18: {  	s0 =	sld [smem:$0x3F93];
	_ =	swait.ge [sflag:s4], $0x0  }
0x19: {  	s7 =	sld [smem:$0x3F94]  }
0x1a: {  	s8 =	sadd.s32 $0xFFFFE003, lr  }
0x1b: {  	s9 =	sadd.s32 $0xFFFFFEF7, lr;
	s5 =	simm.s32 $0xFFFFFFFF;
	p2 =	slt.u32 s8, $0xFFFFF086  }
0x1c: {  	p1 =	slt.u32 s9, $0xF7A;
	s5 =	simm.s32 @!p2 $0x0  }
0x1d: {  	s5 =	simm.s32 @p1 $0x1;
	p0 =	seq.s32 s7, s2  }
0x1e: {  	s7 =	smul.u32 @!p0 $0xF7A, s2;
	p2 =	seq.s32 @!p0 s5, $0x0  }
0x1f: {  	s9 =	smul.u32 $0xF7A, s1;
	s8 =	simm.s32 @!p0 $0x1BF5;
	p2 =	por !p2, p0  }
0x20: {  	[sflag:s8] =	ssyncset.s32 @!p0 $0xFFFFF086;
	s6 =	sadd.s32 @!p0 s3, s7;
	s7 =	simm.s32 @!p0 $0x108  }
0x21: {  	s3 =	sadd.s32 s3, s9;
	s6 =	sadd.s32 @!p0 $0x88, s6;
	s7 =	simm.s32 @p2 $0x1082  }
0x22: {  	[simem:s7], [sflag:s8] =	dma.local @!p0 [hbm:s6], $0xF7A  }
0x23: {  	s9 =	sor.u32 $0xD0000000, s2;
	s6 =	simm.s32 $0x108;
	_ =	swait.ge @!p0 [sflag:s8], $0x0  }
0x24: {  	s3 =	sadd.s32 $0x88, s3;
	s6 =	simm.s32 @!p1 $0x1082;
	[sflag:s4] =	ssyncset.s32 $0xFFFFF086  }
0x25: {  	[simem:s6], [sflag:s4] =	dma.local [hbm:s3], $0xF7A  }
0x26: {  	[smem:$0x3F94] =	sst s1;
	(tag) =	ssettag s2;
	_ =	strace s9  }
0x27: {  	s1 =	sld [smem:$0x3FA4]  }
0x28: {  	s2 =	sld [smem:$0x3FA5]  }
0x29: {  	s4 =	sld [smem:$0x3FA7]  }
0x2a: {  	p0 =	seq.s32 s5, $0x0;
	s5 =	sld [smem:$0x3FA8]  }
0x2b: {  	s6 =	sld [smem:$0x3FA9]  }
0x2c: {  	s7 =	sld [smem:$0x3FAA]  }
0x2d: {  	s3 =	simm.s32 $0x108;
	s8 =	sld [smem:$0x3FAB]  }
0x2e: {  	s3 =	simm.s32 @!p0 $0x1082;
	s9 =	sld [smem:$0x3FAC]  }
0x2f: {  	lr =	sadd.s32 s0, s3;
	s0 =	sld [smem:$0x3FA3]  }
0x30: {  	s3 =	sld [smem:$0x3FA6]  }
0x31: {  	[smem:$0x3FAF] =	sst s10  }
0x32: {  	s10 =	sld [smem:$0x3FAD];
	_ =	sdelay $0x3  }
0x33: {  	p0 =	seq.s32 s10, $0x1;
	s10 =	sld [smem:$0x3FAF];
	_ =	sdelay $0x3  }
0x34: {  	[smem:$0x3FAF] =	sst s10  }
0x35: {  	s10 =	sld [smem:$0x3FAE];
	_ =	sdelay $0x3  }
0x36: {  	p1 =	seq.s32 s10, $0x1;
	s10 =	sld [smem:$0x3FAF];
	_ =	sdelay $0x3  }
0x37: {  	[smem:$0x3FAF] =	sst s10  }
0x38: {  	s10 =	sld [smem:$0x3FB0]  }
0x39: {  	_ = 	snop;
	(pc) =	sbr.ind lr, $3  }
0x3a: {  	_ = 	snop  }
0x3b: {  	_ = 	snop  }
0x3c: {  	p2 =	seq.s32 s10, $0x1;
	s10 =	sld [smem:$0x3FAF]  }
0x3d: {  	_ =	shalt  }
0x3e: {  	_ =	shalt  }
0x3f: {  	_ =	shalt  }
0x40: {  	_ =	shalt  }
0x41: {  	_ =	shalt  }
0x42: {  	_ =	shalt  }
0x43: {  	_ =	shalt  }
0x44: {  	_ =	shalt  }
0x45: {  	_ =	shalt  }
0x46: {  	_ =	shalt  }
0x47: {  	_ =	shalt  }
0x48: {  	_ =	shalt  }
0x49: {  	_ =	shalt  }
0x4a: {  	_ =	shalt  }
0x4b: {  	_ =	shalt  }
0x4c: {  	_ =	shalt  }
0x4d: {  	_ =	shalt  }
0x4e: {  	_ =	shalt  }
0x4f: {  	_ =	shalt  }
0x50: {  	_ =	shalt  }
0x51: {  	_ =	shalt  }
0x52: {  	_ =	shalt  }
0x53: {  	_ =	shalt  }
0x54: {  	_ =	shalt  }
0x55: {  	_ =	shalt  }
0x56: {  	_ =	shalt  }
0x57: {  	_ =	shalt  }
0x58: {  	_ =	shalt  }
0x59: {  	_ =	shalt  }
0x5a: {  	_ =	shalt  }
0x5b: {  	_ =	shalt  }
0x5c: {  	_ =	shalt  }
0x5d: {  	_ =	shalt  }
0x5e: {  	_ =	shalt  }
0x5f: {  	_ =	shalt  }
0x60: {  	_ =	shalt  }
0x61: {  	_ =	shalt  }
0x62: {  	_ =	shalt  }
0x63: {  	_ =	shalt  }
0x64: {  	_ =	shalt  }
0x65: {  	_ =	shalt  }
0x66: {  	_ =	shalt  }
0x67: {  	_ =	shalt  }
0x68: {  	_ =	shalt  }
0x69: {  	_ =	shalt  }
0x6a: {  	_ =	shalt  }
0x6b: {  	_ =	shalt  }
0x6c: {  	_ =	shalt  }
0x6d: {  	_ =	shalt  }
0x6e: {  	_ =	shalt  }
0x6f: {  	_ =	shalt  }
0x70: {  	_ =	shalt  }
0x71: {  	_ =	shalt  }
0x72: {  	_ =	shalt  }
0x73: {  	_ =	shalt  }
0x74: {  	_ =	shalt  }
0x75: {  	_ =	shalt  }
0x76: {  	_ =	shalt  }
0x77: {  	_ =	shalt  }
0x78: {  	_ =	shalt  }
0x79: {  	_ =	shalt  }
0x7a: {  	_ =	shalt  }
0x7b: {  	_ =	shalt  }
0x7c: {  	_ =	shalt  }
0x7d: {  	_ =	shalt  }
0x7e: {  	_ =	shalt  }
0x7f: {  	_ =	shalt  }
0x80: {  	_ =	shalt  }
0x81: {  	_ =	shalt  }
0x82: {  	_ =	shalt  }
0x83: {  	_ =	shalt  }
0x84: {  	_ =	shalt  }
0x85: {  	_ =	shalt  }
0x86: {  	_ =	shalt  }
0x87: {  	_ =	shalt  }
.Lfunc_end0:
.L_simem_size_0:
called_computation.3_lowered:
.L_overlay_start_0:
0x88: {  	s2 =	sld [smem:$0x3FD9]  }
0x89: {  	s3 =	sld [smem:$0x3FFE];
	_ =	sdelay $0x1  }
0x8a: {  	s1 =	srdreg.scid  }
0x8b: {  	s0 =	sand.u32 $0x1, s1  }
0x8c: {  	s17 =	sshll.u32 s0, $0xA;
	s2 =	sadd.s32 s3, s2  }
0x8d: {  	s2 =	sadd.s32 s2, s17  }
0x8e: {  	[smem:$0x3FBB] =	sst s2  }
0x8f: {  	_ = 	snop  }
0x90: {  	(tm) =	ssettm $0x1  }
0x91: {  	s18 =	sld [smem:$0x3FFB];
	_ =	sdelay $0x3  }
0x92: {  	_ =	strace s18  }
0x93: {  	s2 =	sld [smem:$0x3FFC];
	_ =	sdelay $0x3  }
0x94: {  	_ =	strace s2  }
0x95: {  	s2 =	sld [smem:$0x3FFD];
	_ =	sdelay $0x3  }
0x96: {  	_ =	strace s2  }
0x97: {  	_ =	strace $0x8FFFFFFF  }
0x98: {  	s19 =	sld [smem:$0x3FDB];
	_ =	sdelay $0x1  }
0x99: {  	s20 =	simm.s32 $_scs_section_size  }
0x9a: {  	s4 =	simm.s32 $_size__tile_overlayer_lowered;
	s5 =	simm.s32 $_tile_overlayer_lowered  }
0x9b: {  	s6 =	simm.s32 $0x1BFF;
	s21 =	sshll.u32 s5, $0x1;
	s3 =	sadd.s32 s20, s19  }
0x9c: {  	s22 =	simm.s32 $0x0;
	s4 =	sshll.u32 s4, $0x1;
	s5 =	sadd.s32 s21, s3  }
0x9d: {  	[timem:s22], [sflag:s6] =	dma.local [hbm:s5], s4  }
0x9e: {  	_ =	swait.ge [sflag:s6], s4  }
0x9f: {  	s4 =	ssub.s32 $0x0, s4;
	[sflag:s6] =	ssyncset.done $0x0  }
0xa0: {  	[sflag:s6] =	ssyncadd.s32 s4;
	_ =	sdelay $0x1  }
0xa1: {  	s23 =	simm.s32 $0x1B8B  }
0xa2: {  	_ =	swait.ge [sflag:s23], $0x1  }
0xa3: {  	[sflag:s23] =	ssyncset.done $0x0  }
0xa4: {  	[sflag:s23] =	ssyncadd.s32 $0xFFFFFFFF  }
0xa5: {  	s4 =	sld [smem:$0x0]  }
0xa6: {  	s5 =	sand.u32 $0xFFFFFFFE, s1  }
0xa7: {  	p0 =	sne.s32 s1, s5  }
0xa8: {  	s5 =	sshll.u32 @p0 s5, $0xE  }
0xa9: {  	s5 =	sadd.s32 @p0 $0x11B8D, s5;
	s6 =	sshll.u32 @p0 s4, $0x11  }
0xaa: {  	s5 =	sor.u32 @p0 s6, s5  }
0xab: {  	[sflag:s5] =	ssyncadd.remote.s32 @p0 $0x1;
	_ =	sdelay $0x1  }
0xac: {  	s5 =	simm.s32 @p0 $0x1B8D  }
0xad: {  	_ =	swait.eq @p0 [sflag:s5], $0x1  }
0xae: {  	[sflag:s5] =	ssyncadd.s32 @p0 $0xFFFFFFFF  }
0xaf: {  	s6 =	sshll.u32 @!p0 s1, $0xE  }
0xb0: {  	s6 =	sor.u32 @!p0 $0x4000, s6;
	s5 =	simm.s32 @!p0 $0x1B8D  }
0xb1: {  	s4 =	sshll.u32 @!p0 s4, $0x11;
	s6 =	sadd.s32 @!p0 $0x11B8D, s6;
	_ =	swait.eq @!p0 [sflag:s5], $0x1  }
0xb2: {  	s4 =	sor.u32 @!p0 s4, s6;
	[sflag:s5] =	ssyncadd.s32 @!p0 $0xFFFFFFFF  }
0xb3: {  	s25 =	simm.s32 $0x1B8E;
	s24 =	sld [smem:$0x3FFE];
	[sflag:s4] =	ssyncadd.remote.s32 @!p0 $0x1  }
0xb4: {  	s26 =	simm.s32 $execute0_lowered;
	[smem:$0x3FD2] =	sst s25  }
0xb5: {  	s5 =	sshll.u32 s26, $0x1;
	_ =	strace $0x8000004F;
	[dreg:$0x1] =	wrdreg $0xFFFFFFFF  }
0xb6: {  	s28 =	simm.s32 $_size_execute0_lowered;
	s3 =	sadd.s32 s3, s5;
	[dreg:$0x0] =	wrdreg $0x0  }
0xb7: {  	s5 =	sshll.u32 s28, $0x1;
	[dreg:$0x2] =	wrdreg s3  }
0xb8: {  	[dreg:$0x3] =	wrdreg s5  }
0xb9: {  	[dreg:$0x4] =	wrdreg $0xC0  }
0xba: {  	_ =	task [dreg:s22], $0x5FFFF  }
0xbb: {  	[dreg:$0x1] =	wrdreg $0xFFFFFFFF  }
0xbc: {  	[dreg:$0x0] =	wrdreg $0x60  }
0xbd: {  	[dreg:$0x2] =	wrdreg s24  }
0xbe: {  	[dreg:$0x3] =	wrdreg $0xA3000  }
0xbf: {  	[dreg:$0x4] =	wrdreg $0xA  }
0xc0: {  	_ =	task.clear_ibuf [dreg:s22], $0x5FFFF;
	_ =	strace $0x9000004F  }
0xc1: {  	s29 =	simm.s32 $0xA;
	_ =	strace $0x80000051  }
0xc2: {  	_ =	swait.ge [sflag:s29], $0x1  }
0xc3: {  	[sflag:s29] =	ssyncadd.s32 $0xFFFFFFFF  }
0xc4: {  	_ =	strace $0x90000051  }
0xc5: {  	_ =	sfence  }
0xc6: {  	s30 =	sld [smem:$0x0];
	_ =	sdelay $0x2  }
0xc7: {  	s31 =	sshll.u32 s1, $0xD;
	s1 =	sshrl.u32 s1, $0x2  }
0xc8: {  	s4 =	sand.u32 $0x4000, s31;
	s1 =	sadd.s32 s1, s30  }
0xc9: {  	s0 =	sor.u32 s4, s0;
	s1 =	sshll.u32 s1, $0x11  }
0xca: {  	s0 =	sor.u32 s1, s0  }
0xcb: {  	s0 =	sadd.s32 $0x8F2B, s0  }
0xcc: {  	[sflag:s0] =	ssyncadd.remote.s32 $0x1  }
0xcd: {  	_ =	sfence.sel $0xFFFF  }
0xce: {  	[dreg:$0x0] =	wrdreg $0xFFFFFFFF;
	(pc) =	sbr.abs _section_cstart, $3  }
0xcf: {  	[dreg:$0x1] =	wrdreg $0xFFFFFFFF  }
0xd0: {  	_ =	task.clear_ibuf [dreg:s22], $0x2FFFF;
	_ =	strace $0x9FFFFFFF  }
0xd1: {  	(tm) =	ssettm $0x7FFFFFFF  }
tec
execute0_lowered:
.L_overlay_start_1:
0x0: {  	(tag) =	ssettag $0x1  }
0x1: {  	s0 =	rddreg [dreg:$0x0]  }
0x2: {  	s2 =	rddreg [dreg:$0x1]  }
0x3: {  	s3 =	simm.s32 $0x0;
	s14 =	stileid.u32;
	s1 =	srdreg.scid  }
0x4: {  	s19 =	simm.s32 $0x9;
	s28 =	simm.s32 $0x7B00;
	s29 =	simm.s32 $0x1  }
0x5: {  	s30 =	simm.s32 $0x3;
	s31 =	simm.s32 $0x200;
	[smem:$0x7FF] =	sst s3  }
0x6: {  	s7 =	smul.u32 $0x13C00, s14;
	s1 =	sand.u32 $0x1, s1;
	s4 =	sadd.s32 $0x6400, s0  }
0x7: {  	s5 =	sadd.s32 $0x126C600, s0;
	s6 =	sadd.s32 $0x2D800, s0;
	s8 =	smul.u32 $0x13C000, s1  }
0x8: {  	s20 =	sshll.u32 s14, $0x1;
	s10 =	smul.u32 $0x4F000, s14;
	s22 =	sshll.u32 s14, $0x6  }
0x9: {  	s9 =	sshrl.u32 s7, $0x3;
	s7 =	sadd.s32 s7, s8;
	s8 =	sor.u32 s1, s20  }
0xa: {  	_ =	strace $0x80000050;
	s10 =	sshrl.u32 s10, $0x2;
	s11 =	smul.u32 $0x3E8, s8  }
0xb: {  	s9 =	sadd.s32 s9, s0;
	s1 =	ssub.s32 $0x2, s1;
	s13 =	smul.u32 $0x1F40, s8  }
0xc: {  	s21 =	sadd.s32 s10, s2;
	s7 =	sshrl.u32 s7, $0x3;
	s23 =	smul.u32 $0xFA00, s8  }
0xd: {  	s12 =	sshrl.u32 s1, $0x1;
	s9 =	sadd.s32 $0x1001E00, s9;
	s10 =	smul.u32 $0x32, s8  }
0xe: {  	s18 =	sshrl.u32 s21, $0x3;
	s21 =	simm.s32 $0x50;
	s0 =	sadd.s32 s7, s0  }
0xf: {  	s7 =	smul.u32 $0xFA0, s8;
	s1 =	ssub.s32 s1, s12;
	[dreg:$0x3] =	wrdreg s9  }
0x10: {  	s9 =	sor.u32 $0x1C09, s22;
	s22 =	simm.s32 $0x300;
	s12 =	simm.s32 $0x0  }
0x11: {  	s24 =	sshrl.u32 s13, $0x3;
	s11 =	sadd.s32 s6, s11;
	s25 =	sadd.s32 s5, s23  }
0x12: {  	s15 =	sadd.s32 $0x3, s10;
	s0 =	sadd.s32 $0x1078600, s0;
	[dreg:$0x4] =	wrdreg s11  }
.Ltmp0:
0x13: {  	s26 =	smax.u32 s1, $0x1;
	[dreg:$0x5] =	wrdreg s25;
	(pc) =	sbr.rel .LBB2_1-.Ltmp0, $4  }
0x14: {  	s1 =	simm.s32 $0x4;
	s23 =	simm.s32 $0x280;
	[dreg:$0x7] =	wrdreg s0  }
0x15: {  	s8 =	sadd.s32 s6, s24;
	s14 =	sadd.s32 $0x50, s7;
	[dreg:$0x8] =	wrdreg s26  }
0x16: {  	s24 =	simm.s32 $0x100;
	s25 =	simm.s32 $0x6;
	s8 =	sadd.s32 $0x14, s8  }
0x17: {  	s26 =	simm.s32 $0x2B00;
	s0 =	simm.s32 $0x2;
	[dreg:$0x6] =	wrdreg s8  }
.LBB2_8:
0x18: {  	s8 =	simm.s32 $0x8  }
0x19: {  	_ =	swait.ge [sflag:s8], $0x2800  }
0x1a: {  	[sflag:s8] =	ssyncset.done $0x0  }
0x1b: {  	s16 =	simm.s32 $0x7;
	[sflag:s8] =	ssyncadd.s32 $0xFFFFD800  }
0x1c: {  	_ =	swait.ge [sflag:s16], $0x2800  }
0x1d: {  	[sflag:s16] =	ssyncset.done $0x0  }
0x1e: {  	[sflag:s16] =	ssyncadd.s32 $0xFFFFD800  }
0x1f: {  	[bflag:$0x0] =	sbarrier.arrive $0xFFFF  }
0x20: {  	s17 =	rddreg [dreg:$0x7]  }
0x21: {  	[hbm:s17], [sflag:s9] =	dma.local [spmem:s18], $0x2780  }
0x22: {  	_ =	swait.ge [sflag:s19], $0x2780  }
0x23: {  	s12 =	sadd.s32 $0x1, s12;
	s20 =	rddreg [dreg:$0x8]  }
0x24: {  	p0 =	sne.s32 s12, s20  }
.Ltmp1:
0x25: {  	_ = 	snop;
	(pc) =	sbr.rel @!p0 .LBB2_9-.Ltmp1, $3  }
0x26: {  	_ =	sdelay $0x1  }
0x27: {  	[sflag:s19] =	ssyncset.done $0x0  }
0x28: {  	[sflag:s19] =	ssyncadd.s32 $0xFFFFD880  }
.LBB2_1:
0x29: {  	s8 =	rddreg [dreg:$0x3]  }
0x2a: {  	[spmem:s18], [sflag:s9] =	dma.local [hbm:s8], $0x2780  }
0x2b: {  	_ =	swait.ge [sflag:s19], $0x2780  }
0x2c: {  	[sflag:s19] =	ssyncset.done $0x0  }
0x2d: {  	[sflag:s19] =	ssyncadd.s32 $0xFFFFD880  }
0x2e: {  	[bflag:$0x0] =	sbarrier.arrive $0xFFFF  }
0x2f: {  	s16 =	simm.s32 $0x5;
	s13 =	rddreg [dreg:$0x4]  }
0x30: {  	[tilespmem:s3], [sflag:$0x5] =	stream.linear.gather [hbm4b:s13+s3], $0xA0, $0x38;
	[tilespmem:$0x1DF00] =	vst v63  }
0x31: {  	_ =	swait.ge [sflag:s16], $0xA0  }
0x32: {  	[sflag:s16] =	ssyncset.done $0x0  }
0x33: {  	[sflag:s16] =	ssyncadd.s32 $0xFFFFFF60  }
0x34: {  	[tilespmem:s22], [sflag:$0x1] =	stream.indirect.gather [hbm4b:s4+s21], $0x80, s3, s21, $0xb8;
	[tilespmem:$0x1DF00] =	vst v63  }
0x35: {  	s11 =	simm.s32 $0x5300;
	s17 =	rddreg [dreg:$0x5]  }
0x36: {  	[tilespmem:s11], [sflag:$0x3] =	stream.linear.gather [hbm4b:s17+s3], $0x2800, $0x38;
	[tilespmem:$0x1DF00] =	vst v63  }
0x37: {  	s13 =	simm.s32 $0x0;
	s20 =	rddreg [dreg:$0x6]  }
0x38: {  	[tilespmem:s24], [sflag:$0x6] =	stream.linear.gather [hbm4b:s20+s3], $0xA0, $0x38;
	[tilespmem:$0x1DF00] =	vst v63  }
.LBB2_2:
0x39: {  	_ =	swait.ge [sflag:s25], $0xA0  }
0x3a: {  	p0 =	seq.s32 s13, $0x0;
	[sflag:s25] =	ssyncset.done $0x0  }
0x3b: {  	s8 =	simm.s32 @!p0 $0x8;
	[sflag:s25] =	ssyncadd.s32 $0xFFFFFF60  }
0x3c: {  	s17 =	smul.u32 $0xA0, s13;
	_ =	swait.ge @!p0 [sflag:s8], $0x2800  }
0x3d: {  	[sflag:s8] =	ssyncset.done @!p0 $0x0  }
0x3e: {  	[sflag:s8] =	ssyncadd.s32 @!p0 $0xFFFFD800;
	s8 =	sadd.s32 s17, s14  }
0x3f: {  	[tilespmem:s26], [sflag:$0x2] =	stream.indirect.gather [hbm4b:s4+s21], $0x80, s24, s21, $0xb8;
	[tilespmem:$0x1DF00] =	vst v63  }
0x40: {  	s8 =	sshll.u32 s8, $0x4  }
0x41: {  	s8 =	sadd.s32 s5, s8  }
0x42: {  	[tilespmem:s28], [sflag:$0x4] =	stream.linear.gather [hbm4b:s8+s3], $0x2800, $0x38;
	[tilespmem:$0x1DF00] =	vst v63  }
0x43: {  	_ =	swait.ge [sflag:s29], $0x2800  }
0x44: {  	[sflag:s29] =	ssyncset.done $0x0  }
0x45: {  	[sflag:s29] =	ssyncadd.s32 $0xFFFFD800  }
0x46: {  	_ =	swait.ge [sflag:s30], $0x2800  }
0x47: {  	[sflag:s30] =	ssyncset.done $0x0  }
0x48: {  	s20 =	simm.s32 $0x5400;
	[sflag:s30] =	ssyncadd.s32 $0xFFFFD800  }
0x49: {  	s17 =	simm.s32 $0x400;
	v0 =	vld [tilespmem:s20+$0x80]  }
0x4a: {  	v1 =	vld [tilespmem:s17+$0x80]  }
0x4b: {  	v2 =	vld [tilespmem:s17+$0x90]  }
0x4c: {  	v3 =	vld [tilespmem:s20+$0xFFFFFF80]  }
0x4d: {  	v4 =	vld [tilespmem:s20+$0x0]  }
0x4e: {  	v5 =	vld [tilespmem:s20+$0xFFFFFF00]  }
0x4f: {  	v7 =	vld [tilespmem:s17+$0xFFFFFF00];
	v6 =	vunpack.i.l.bf16.f32 v0  }
0x50: {  	v58 =	vld [tilespmem:s17+$0xFFFFFF20];
	v0 =	vunpack.i.u.bf16.f32 v0;
	v1 =	vmul.f32 v1, v6  }
0x51: {  	v6 =	vld [tilespmem:s17+$0xFFFFFF10];
	v0 =	vmul.f32 v2, v0  }
0x52: {  	v2 =	vld [tilespmem:s17+$0xFFFFFF80];
	[tilespmem:s17+$0x80] =	vst v1  }
0x53: {  	v1 =	vld [tilespmem:s17+$0xFFFFFF90];
	[tilespmem:s17+$0x90] =	vst v0  }
0x54: {  	v0 =	vunpack.i.l.bf16.f32 v5;
	v8 =	vld [tilespmem:s20+$0x90]  }
0x55: {  	v5 =	vunpack.i.u.bf16.f32 v5;
	v0 =	vmul.f32 v7, v0;
	v7 =	vld [tilespmem:s17+$0xA0]  }
0x56: {  	v9 =	vunpack.i.l.bf16.f32 v3;
	v5 =	vmul.f32 v6, v5;
	v6 =	vld [tilespmem:s17+$0xB0]  }
0x57: {  	v61 =	vld [tilespmem:s17+$0xFFFFFF50];
	v3 =	vunpack.i.u.bf16.f32 v3;
	[tilespmem:s17+$0xFFFFFF00] =	vst v0;
	v0 =	vmul.f32 v2, v9  }
0x58: {  	v2 =	vld [tilespmem:s17+$0x0];
	[tilespmem:s17+$0xFFFFFF10] =	vst v5;
	v1 =	vmul.f32 v1, v3  }
0x59: {  	v3 =	vld [tilespmem:s17+$0x10];
	[tilespmem:s17+$0xFFFFFF80] =	vst v0;
	v0 =	vunpack.i.l.bf16.f32 v8  }
0x5a: {  	v5 =	vld [tilespmem:s20+$0xFFFFFF10];
	[tilespmem:s17+$0xFFFFFF90] =	vst v1;
	v1 =	vunpack.i.u.bf16.f32 v8;
	v0 =	vmul.f32 v7, v0  }
0x5b: {  	v8 =	vld [tilespmem:s17+$0xFFFFFF30];
	v1 =	vmul.f32 v6, v1  }
0x5c: {  	v7 =	vld [tilespmem:s20+$0xFFFFFF90];
	v6 =	vunpack.i.l.bf16.f32 v4;
	[tilespmem:s17+$0xA0] =	vst v0  }
0x5d: {  	v0 =	vunpack.i.u.bf16.f32 v4;
	v2 =	vmul.f32 v2, v6;
	v4 =	vld [tilespmem:s17+$0xFFFFFFA0];
	[tilespmem:s17+$0xB0] =	vst v1  }
0x5e: {  	v0 =	vmul.f32 v3, v0;
	v1 =	vld [tilespmem:s20+$0xA0]  }
0x5f: {  	[tilespmem:s17+$0x0] =	vst v2;
	v2 =	vld [tilespmem:s17+$0xC0]  }
0x60: {  	v3 =	vunpack.i.l.bf16.f32 v5;
	v5 =	vunpack.i.u.bf16.f32 v5;
	[tilespmem:s17+$0x10] =	vst v0;
	v0 =	vld [tilespmem:s17+$0xD0]  }
0x61: {  	v3 =	vmul.f32 v58, v3;
	v5 =	vmul.f32 v8, v5;
	v8 =	vld [tilespmem:s17+$0xFFFFFFB0]  }
0x62: {  	v6 =	vld [tilespmem:s20+$0x10];
	v60 =	vunpack.i.l.bf16.f32 v7  }
0x63: {  	[tilespmem:s17+$0xFFFFFF20] =	vst v3;
	v3 =	vld [tilespmem:s17+$0x20];
	v4 =	vmul.f32 v4, v60;
	v59 =	vunpack.i.l.bf16.f32 v1  }
0x64: {  	[tilespmem:s17+$0xFFFFFF30] =	vst v5;
	v5 =	vld [tilespmem:s17+$0x30];
	v1 =	vunpack.i.u.bf16.f32 v1;
	v2 =	vmul.f32 v2, v59  }
0x65: {  	v10 =	vld [tilespmem:s20+$0xFFFFFF20];
	[tilespmem:s17+$0xFFFFFFA0] =	vst v4;
	v0 =	vmul.f32 v0, v1;
	v1 =	vunpack.i.u.bf16.f32 v7  }
0x66: {  	v7 =	vld [tilespmem:s17+$0xFFFFFF40];
	v1 =	vmul.f32 v8, v1;
	[tilespmem:s17+$0xC0] =	vst v2  }
0x67: {  	v4 =	vld [tilespmem:s17+$0xFFFFFFC0];
	v2 =	vunpack.i.l.bf16.f32 v6;
	[tilespmem:s17+$0xD0] =	vst v0  }
0x68: {  	v0 =	vunpack.i.u.bf16.f32 v6;
	v6 =	vld [tilespmem:s17+$0xFFFFFFD0];
	v2 =	vmul.f32 v3, v2;
	[tilespmem:s17+$0xFFFFFFB0] =	vst v1  }
0x69: {  	v0 =	vmul.f32 v5, v0;
	v1 =	vld [tilespmem:s20+$0xFFFFFFA0]  }
0x6a: {  	v8 =	vld [tilespmem:s20+$0xB0];
	[tilespmem:s17+$0x20] =	vst v2;
	v2 =	vunpack.i.l.bf16.f32 v10  }
0x6b: {  	v3 =	vld [tilespmem:s17+$0xF0];
	[tilespmem:s17+$0x30] =	vst v0;
	v0 =	vunpack.i.u.bf16.f32 v10;
	v2 =	vmul.f32 v7, v2  }
0x6c: {  	v5 =	vld [tilespmem:s20+$0x20];
	v0 =	vmul.f32 v61, v0  }
0x6d: {  	v7 =	vld [tilespmem:s17+$0x50];
	[tilespmem:s17+$0xFFFFFF40] =	vst v2  }
0x6e: {  	v2 =	vld [tilespmem:s17+$0x40];
	[tilespmem:s17+$0xFFFFFF50] =	vst v0;
	v0 =	vunpack.i.l.bf16.f32 v1  }
0x6f: {  	v62 =	vld [tilespmem:s20+$0xFFFFFF30];
	v0 =	vmul.f32 v4, v0  }
0x70: {  	v1 =	vunpack.i.u.bf16.f32 v1;
	v4 =	vld [tilespmem:s17+$0xFFFFFF60]  }
0x71: {  	v6 =	vmul.f32 v6, v1;
	v63 =	vunpack.i.l.bf16.f32 v5;
	v5 =	vunpack.i.u.bf16.f32 v5;
	[tilespmem:s17+$0xFFFFFFC0] =	vst v0;
	v0 =	vld [tilespmem:s17+$0xFFFFFF70]  }
0x72: {  	v1 =	vld [tilespmem:s17+$0xFFFFFFE0];
	v5 =	vmul.f32 v7, v5  }
0x73: {  	[tilespmem:s17+$0xFFFFFFD0] =	vst v6;
	v6 =	vunpack.i.u.bf16.f32 v8;
	v10 =	vmul.f32 v2, v63;
	v2 =	vld [tilespmem:s17+$0xFFFFFFF0]  }
0x74: {  	v7 =	vmul.f32 v3, v6;
	v6 =	vld [tilespmem:s20+$0xFFFFFFB0];
	v3 =	vunpack.i.l.bf16.f32 v62;
	[tilespmem:s17+$0x50] =	vst v5  }
0x75: {  	v5 =	vunpack.i.u.bf16.f32 v62;
	[tilespmem:s17+$0x40] =	vst v10;
	v4 =	vmul.f32 v4, v3;
	v3 =	vld [tilespmem:s17+$0x60]  }
0x76: {  	[tilespmem:s17+$0xF0] =	vst v7;
	v7 =	vld [tilespmem:s20+$0x30];
	v5 =	vmul.f32 v0, v5  }
0x77: {  	s16 =	sshll.u32 s13, $0x1;
	[tilespmem:s17+$0xFFFFFF60] =	vst v4;
	v4 =	vld [tilespmem:s17+$0x70]  }
0x78: {  	s11 =	simm.s32 $0x5600;
	s8 =	simm.s32 $0x0;
	s20 =	simm.s32 $0x400;
	v0 =	vunpack.i.l.bf16.f32 v8;
	[tilespmem:s17+$0xFFFFFF70] =	vst v5;
	v5 =	vld [tilespmem:s17+$0xE0]  }
.LBB2_3:
0x79: {  	v8 =	vld [tilespmem:s11+$0x80];
	v9 =	vunpack.i.u.bf16.f32 v6;
	v6 =	vunpack.i.l.bf16.f32 v6;
	s17 =	sadd.s32 $0x200, s17  }
0x7a: {  	v10 =	vld [tilespmem:s17+$0x80];
	v1 =	vmul.f32 v1, v6;
	v2 =	vmul.f32 v2, v9  }
0x7b: {  	v6 =	vld [tilespmem:s17+$0x90];
	v9 =	vunpack.i.u.bf16.f32 v7;
	v7 =	vunpack.i.l.bf16.f32 v7  }
0x7c: {  	s8 =	sadd.s32 $0x4, s8;
	v11 =	vld [tilespmem:s11+$0xFFFFFF80];
	[tilespmem:s20+$0xFFFFFFE0] =	vst v1;
	v1 =	vmul.f32 v3, v7;
	v3 =	vmul.f32 v4, v9  }
0x7d: {  	p0 =	slt.u32 s8, $0x4C;
	v4 =	vld [tilespmem:s11+$0x0];
	[tilespmem:s20+$0xFFFFFFF0] =	vst v2;
	v0 =	vmul.f32 v5, v0  }
0x7e: {  	v2 =	vld [tilespmem:s11+$0xFFFFFF00];
	v5 =	vunpack.i.l.bf16.f32 v8;
	[tilespmem:s20+$0x60] =	vst v1  }
0x7f: {  	v7 =	vunpack.i.u.bf16.f32 v8;
	v1 =	vld [tilespmem:s17+$0xFFFFFF00];
	v5 =	vmul.f32 v10, v5;
	[tilespmem:s20+$0x70] =	vst v3  }
0x80: {  	v3 =	vld [tilespmem:s17+$0xFFFFFF10];
	v6 =	vmul.f32 v6, v7;
	[tilespmem:s20+$0xE0] =	vst v0;
	s20 =	smov.u32 s17  }
0x81: {  	v0 =	vunpack.i.u.bf16.f32 v11;
	v7 =	vunpack.i.l.bf16.f32 v11;
	v8 =	vld [tilespmem:s17+$0xFFFFFF80];
	[tilespmem:s17+$0x80] =	vst v5  }
0x82: {  	v5 =	vld [tilespmem:s17+$0xFFFFFF90];
	v9 =	vunpack.i.u.bf16.f32 v4;
	v4 =	vunpack.i.l.bf16.f32 v4;
	[tilespmem:s17+$0x90] =	vst v6  }
0x83: {  	v6 =	vunpack.i.u.bf16.f32 v2;
	v2 =	vunpack.i.l.bf16.f32 v2;
	v10 =	vld [tilespmem:s11+$0x90]  }
0x84: {  	v1 =	vmul.f32 v1, v2;
	v2 =	vld [tilespmem:s17+$0xA0]  }
0x85: {  	v3 =	vmul.f32 v3, v6;
	v6 =	vld [tilespmem:s17+$0xB0]  }
0x86: {  	[tilespmem:s17+$0xFFFFFF00] =	vst v1;
	v1 =	vmul.f32 v8, v7;
	v7 =	vld [tilespmem:s17+$0x0]  }
0x87: {  	[tilespmem:s17+$0xFFFFFF10] =	vst v3;
	v0 =	vmul.f32 v5, v0;
	v3 =	vld [tilespmem:s17+$0x10]  }
0x88: {  	v5 =	vld [tilespmem:s11+$0xFFFFFF10];
	[tilespmem:s17+$0xFFFFFF80] =	vst v1;
	v1 =	vunpack.i.l.bf16.f32 v10  }
0x89: {  	v8 =	vld [tilespmem:s17+$0xFFFFFF20];
	[tilespmem:s17+$0xFFFFFF90] =	vst v0;
	v0 =	vunpack.i.u.bf16.f32 v10;
	v1 =	vmul.f32 v2, v1  }
0x8a: {  	v2 =	vld [tilespmem:s11+$0xFFFFFF90];
	v0 =	vmul.f32 v6, v0  }
0x8b: {  	v6 =	vld [tilespmem:s17+$0xFFFFFF30];
	v4 =	vmul.f32 v7, v4;
	[tilespmem:s17+$0xA0] =	vst v1  }
0x8c: {  	v1 =	vld [tilespmem:s17+$0xFFFFFFA0];
	v3 =	vmul.f32 v3, v9;
	[tilespmem:s17+$0xB0] =	vst v0  }
0x8d: {  	v0 =	vunpack.i.u.bf16.f32 v5;
	v5 =	vunpack.i.l.bf16.f32 v5;
	[tilespmem:s17+$0x0] =	vst v4;
	v4 =	vld [tilespmem:s11+$0xA0]  }
0x8e: {  	v5 =	vmul.f32 v8, v5;
	[tilespmem:s17+$0x10] =	vst v3;
	v3 =	vld [tilespmem:s17+$0xC0]  }
0x8f: {  	v7 =	vunpack.i.u.bf16.f32 v2;
	v2 =	vunpack.i.l.bf16.f32 v2;
	v8 =	vld [tilespmem:s17+$0xD0]  }
0x90: {  	[tilespmem:s17+$0xFFFFFF20] =	vst v5;
	v0 =	vmul.f32 v6, v0;
	v5 =	vld [tilespmem:s11+$0x10]  }
0x91: {  	v1 =	vmul.f32 v1, v2;
	v2 =	vld [tilespmem:s17+$0xFFFFFFB0]  }
0x92: {  	[tilespmem:s17+$0xFFFFFF30] =	vst v0;
	v0 =	vld [tilespmem:s17+$0x20];
	v6 =	vunpack.i.l.bf16.f32 v4  }
0x93: {  	v4 =	vunpack.i.u.bf16.f32 v4;
	[tilespmem:s17+$0xFFFFFFA0] =	vst v1;
	v1 =	vld [tilespmem:s17+$0x30];
	v3 =	vmul.f32 v3, v6  }
0x94: {  	v6 =	vld [tilespmem:s11+$0xFFFFFF20];
	v4 =	vmul.f32 v8, v4  }
0x95: {  	v8 =	vld [tilespmem:s17+$0xFFFFFF40];
	v9 =	vunpack.i.u.bf16.f32 v5;
	v5 =	vunpack.i.l.bf16.f32 v5;
	[tilespmem:s17+$0xC0] =	vst v3  }
0x96: {  	v3 =	vld [tilespmem:s17+$0xFFFFFF50];
	v2 =	vmul.f32 v2, v7;
	[tilespmem:s17+$0xD0] =	vst v4  }
0x97: {  	v0 =	vmul.f32 v0, v5;
	v4 =	vld [tilespmem:s11+$0xB0]  }
0x98: {  	[tilespmem:s17+$0xFFFFFFB0] =	vst v2;
	v1 =	vmul.f32 v1, v9;
	v2 =	vld [tilespmem:s17+$0xF0]  }
0x99: {  	v5 =	vunpack.i.u.bf16.f32 v6;
	v6 =	vunpack.i.l.bf16.f32 v6;
	v7 =	vld [tilespmem:s11+$0xFFFFFFA0];
	[tilespmem:s17+$0x20] =	vst v0  }
0x9a: {  	v0 =	vmul.f32 v8, v6;
	v6 =	vld [tilespmem:s17+$0xFFFFFFC0];
	[tilespmem:s17+$0x30] =	vst v1  }
0x9b: {  	v1 =	vmul.f32 v3, v5;
	v3 =	vld [tilespmem:s11+$0x20]  }
0x9c: {  	[tilespmem:s17+$0xFFFFFF40] =	vst v0;
	v5 =	vld [tilespmem:s17+$0xFFFFFFD0];
	v8 =	vunpack.i.u.bf16.f32 v4;
	v0 =	vunpack.i.l.bf16.f32 v4  }
0x9d: {  	[tilespmem:s17+$0xFFFFFF50] =	vst v1;
	v4 =	vld [tilespmem:s17+$0x40];
	v1 =	vmul.f32 v2, v8  }
0x9e: {  	v2 =	vunpack.i.u.bf16.f32 v7;
	v7 =	vunpack.i.l.bf16.f32 v7;
	v8 =	vld [tilespmem:s17+$0x50]  }
0x9f: {  	v9 =	vld [tilespmem:s11+$0xFFFFFF30];
	v6 =	vmul.f32 v6, v7;
	[tilespmem:s17+$0xF0] =	vst v1  }
0xa0: {  	v7 =	vld [tilespmem:s17+$0xFFFFFF60];
	v10 =	vunpack.i.u.bf16.f32 v3;
	v3 =	vunpack.i.l.bf16.f32 v3  }
0xa1: {  	v11 =	vld [tilespmem:s17+$0xFFFFFF70];
	[tilespmem:s17+$0xFFFFFFC0] =	vst v6;
	v2 =	vmul.f32 v5, v2  }
0xa2: {  	v1 =	vld [tilespmem:s17+$0xFFFFFFE0];
	v3 =	vmul.f32 v4, v3  }
0xa3: {  	[tilespmem:s17+$0xFFFFFFD0] =	vst v2;
	v2 =	vld [tilespmem:s17+$0xFFFFFFF0];
	v4 =	vmul.f32 v8, v10  }
.Ltmp2:
0xa4: {  	v5 =	vunpack.i.u.bf16.f32 v9;
	v8 =	vunpack.i.l.bf16.f32 v9;
	v6 =	vld [tilespmem:s11+$0xFFFFFFB0];
	[tilespmem:s17+$0x40] =	vst v3;
	(pc) =	sbr.rel @p0 .LBB2_3-.Ltmp2, $4  }
0xa5: {  	v8 =	vmul.f32 v7, v8;
	[tilespmem:s17+$0x50] =	vst v4;
	v3 =	vld [tilespmem:s17+$0x60]  }
0xa6: {  	v5 =	vmul.f32 v11, v5;
	v7 =	vld [tilespmem:s11+$0x30]  }
0xa7: {  	[tilespmem:s17+$0xFFFFFF60] =	vst v8;
	v4 =	vld [tilespmem:s17+$0x70]  }
0xa8: {  	s11 =	sadd.s32 $0x200, s11;
	[tilespmem:s17+$0xFFFFFF70] =	vst v5;
	v5 =	vld [tilespmem:s17+$0xE0]  }
0xa9: {  	v8 =	vunpack.i.l.bf16.f32 v6  }
0xaa: {  	v6 =	vunpack.i.u.bf16.f32 v6;
	v1 =	vmul.f32 v1, v8  }
0xab: {  	v2 =	vmul.f32 v2, v6;
	v6 =	vunpack.i.l.bf16.f32 v7  }
0xac: {  	v7 =	vunpack.i.u.bf16.f32 v7;
	[tilespmem:s20+$0xFFFFFFE0] =	vst v1;
	v1 =	vmul.f32 v3, v6  }
0xad: {  	v3 =	vmul.f32 v4, v7;
	[tilespmem:s20+$0xFFFFFFF0] =	vst v2  }
0xae: {  	v0 =	vmul.f32 v5, v0;
	[tilespmem:s20+$0x60] =	vst v1  }
0xaf: {  	[tilespmem:s20+$0x70] =	vst v3  }
0xb0: {  	[tilespmem:s20+$0xE0] =	vst v0  }
0xb1: {  	v0 =	vld [tilespmem:$0x50]  }
0xb2: {  	v1 =	vld [tilespmem:$0x60]  }
0xb3: {  	v2 =	vld [tilespmem:$0x70]  }
0xb4: {  	v3 =	vld [tilespmem:$0x80]  }
0xb5: {  	v4 =	vld [tilespmem:$0x90]  }
0xb6: {  	[tilespmem:$0x200] =	vst v0  }
0xb7: {  	p0 =	seq.s32 s13, $0x18;
	[tilespmem:$0x210] =	vst v1  }
0xb8: {  	s8 =	sadd.s32 @!p0 $0x2, s16;
	[tilespmem:$0x220] =	vst v2  }
0xb9: {  	s11 =	sadd.s32 @!p0 s10, s8;
	[tilespmem:$0x230] =	vst v3  }
0xba: {  	s11 =	smul.u32 @!p0 $0x14, s11;
	[tilespmem:$0x240] =	vst v4  }
0xbb: {  	[spmem:s2] =	stream.indirect.scatter.add.f32 [tilespmem:s22], [sflag:$0x7], $0x80, s31, s21, $0xb8;
	[tilespmem:$0x1DF00] =	vst v63  }
0xbc: {  	s17 =	simm.s32 @!p0 $0x0;
	s11 =	sadd.s32 @!p0 s6, s11  }
0xbd: {  	[tilespmem:s17], [sflag:$0x5] =	stream.linear.gather @!p0 [hbm4b:s11+s17], $0xA0, $0x38;
	[tilespmem:$0x1DF00] =	vst v63  }
0xbe: {  	s11 =	simm.s32 @!p0 $0x5  }
0xbf: {  	_ =	swait.ge @!p0 [sflag:s11], $0xA0  }
0xc0: {  	s8 =	smul.u32 @!p0 $0x50, s8;
	[sflag:s11] =	ssyncset.done @!p0 $0x0  }
0xc1: {  	[sflag:s11] =	ssyncadd.s32 @!p0 $0xFFFFFF60;
	s11 =	simm.s32 @!p0 $0x7  }
0xc2: {  	s8 =	sadd.s32 @!p0 s7, s8;
	_ =	swait.ge @!p0 [sflag:s11], $0x2800  }
0xc3: {  	s8 =	sshll.u32 @!p0 s8, $0x4;
	[sflag:s11] =	ssyncset.done @!p0 $0x0  }
0xc4: {  	s20 =	simm.s32 @!p0 $0x300;
	[sflag:s11] =	ssyncadd.s32 @!p0 $0xFFFFD800;
	s11 =	simm.s32 @!p0 $0x50  }
0xc5: {  	[tilespmem:s20], [sflag:$0x1] =	stream.indirect.gather @!p0 [hbm4b:s4+s11], $0x80, s17, s11, $0xb8;
	[tilespmem:$0x1DF00] =	vst v63  }
0xc6: {  	s8 =	sadd.s32 @!p0 s5, s8;
	s11 =	simm.s32 @!p0 $0x5300  }
0xc7: {  	[tilespmem:s11], [sflag:$0x3] =	stream.linear.gather @!p0 [hbm4b:s8+s17], $0x2800, $0x38;
	[tilespmem:$0x1DF00] =	vst v63  }
0xc8: {  	_ =	swait.ge [sflag:s0], $0x2800  }
0xc9: {  	[sflag:s0] =	ssyncset.done $0x0  }
0xca: {  	[sflag:s0] =	ssyncadd.s32 $0xFFFFD800  }
0xcb: {  	_ =	swait.ge [sflag:s1], $0x2800  }
0xcc: {  	[sflag:s1] =	ssyncset.done $0x0  }
0xcd: {  	s20 =	simm.s32 $0x7C00;
	[sflag:s1] =	ssyncadd.s32 $0xFFFFD800  }
0xce: {  	s17 =	simm.s32 $0x2C00;
	v0 =	vld [tilespmem:s20+$0x80]  }
0xcf: {  	v1 =	vld [tilespmem:s17+$0x80]  }
0xd0: {  	v2 =	vld [tilespmem:s17+$0x90]  }
0xd1: {  	v3 =	vld [tilespmem:s20+$0xFFFFFF80]  }
0xd2: {  	v4 =	vld [tilespmem:s20+$0x0]  }
0xd3: {  	v5 =	vld [tilespmem:s20+$0xFFFFFF00]  }
0xd4: {  	v7 =	vld [tilespmem:s17+$0xFFFFFF00];
	v6 =	vunpack.i.l.bf16.f32 v0  }
0xd5: {  	v58 =	vld [tilespmem:s17+$0xFFFFFF20];
	v0 =	vunpack.i.u.bf16.f32 v0;
	v1 =	vmul.f32 v1, v6  }
0xd6: {  	v6 =	vld [tilespmem:s17+$0xFFFFFF10];
	v0 =	vmul.f32 v2, v0  }
0xd7: {  	v2 =	vld [tilespmem:s17+$0xFFFFFF80];
	[tilespmem:s17+$0x80] =	vst v1  }
0xd8: {  	v1 =	vld [tilespmem:s17+$0xFFFFFF90];
	[tilespmem:s17+$0x90] =	vst v0  }
0xd9: {  	v0 =	vunpack.i.l.bf16.f32 v5;
	v8 =	vld [tilespmem:s20+$0x90]  }
0xda: {  	v5 =	vunpack.i.u.bf16.f32 v5;
	v0 =	vmul.f32 v7, v0;
	v7 =	vld [tilespmem:s17+$0xA0]  }
0xdb: {  	v9 =	vunpack.i.l.bf16.f32 v3;
	v5 =	vmul.f32 v6, v5;
	v6 =	vld [tilespmem:s17+$0xB0]  }
0xdc: {  	v61 =	vld [tilespmem:s17+$0xFFFFFF50];
	v3 =	vunpack.i.u.bf16.f32 v3;
	[tilespmem:s17+$0xFFFFFF00] =	vst v0;
	v0 =	vmul.f32 v2, v9  }
0xdd: {  	v2 =	vld [tilespmem:s17+$0x0];
	[tilespmem:s17+$0xFFFFFF10] =	vst v5;
	v1 =	vmul.f32 v1, v3  }
0xde: {  	v3 =	vld [tilespmem:s17+$0x10];
	[tilespmem:s17+$0xFFFFFF80] =	vst v0;
	v0 =	vunpack.i.l.bf16.f32 v8  }
0xdf: {  	v5 =	vld [tilespmem:s20+$0xFFFFFF10];
	[tilespmem:s17+$0xFFFFFF90] =	vst v1;
	v1 =	vunpack.i.u.bf16.f32 v8;
	v0 =	vmul.f32 v7, v0  }
0xe0: {  	v8 =	vld [tilespmem:s17+$0xFFFFFF30];
	v1 =	vmul.f32 v6, v1  }
0xe1: {  	v7 =	vld [tilespmem:s20+$0xFFFFFF90];
	v6 =	vunpack.i.l.bf16.f32 v4;
	[tilespmem:s17+$0xA0] =	vst v0  }
0xe2: {  	v0 =	vunpack.i.u.bf16.f32 v4;
	v2 =	vmul.f32 v2, v6;
	v4 =	vld [tilespmem:s17+$0xFFFFFFA0];
	[tilespmem:s17+$0xB0] =	vst v1  }
0xe3: {  	v0 =	vmul.f32 v3, v0;
	v1 =	vld [tilespmem:s20+$0xA0]  }
0xe4: {  	[tilespmem:s17+$0x0] =	vst v2;
	v2 =	vld [tilespmem:s17+$0xC0]  }
0xe5: {  	v3 =	vunpack.i.l.bf16.f32 v5;
	v5 =	vunpack.i.u.bf16.f32 v5;
	[tilespmem:s17+$0x10] =	vst v0;
	v0 =	vld [tilespmem:s17+$0xD0]  }
0xe6: {  	v3 =	vmul.f32 v58, v3;
	v5 =	vmul.f32 v8, v5;
	v8 =	vld [tilespmem:s17+$0xFFFFFFB0]  }
0xe7: {  	v6 =	vld [tilespmem:s20+$0x10];
	v60 =	vunpack.i.l.bf16.f32 v7  }
0xe8: {  	[tilespmem:s17+$0xFFFFFF20] =	vst v3;
	v3 =	vld [tilespmem:s17+$0x20];
	v4 =	vmul.f32 v4, v60;
	v59 =	vunpack.i.l.bf16.f32 v1  }
0xe9: {  	[tilespmem:s17+$0xFFFFFF30] =	vst v5;
	v5 =	vld [tilespmem:s17+$0x30];
	v1 =	vunpack.i.u.bf16.f32 v1;
	v2 =	vmul.f32 v2, v59  }
0xea: {  	v10 =	vld [tilespmem:s20+$0xFFFFFF20];
	[tilespmem:s17+$0xFFFFFFA0] =	vst v4;
	v0 =	vmul.f32 v0, v1;
	v1 =	vunpack.i.u.bf16.f32 v7  }
0xeb: {  	v7 =	vld [tilespmem:s17+$0xFFFFFF40];
	v1 =	vmul.f32 v8, v1;
	[tilespmem:s17+$0xC0] =	vst v2  }
0xec: {  	v4 =	vld [tilespmem:s17+$0xFFFFFFC0];
	v2 =	vunpack.i.l.bf16.f32 v6;
	[tilespmem:s17+$0xD0] =	vst v0  }
0xed: {  	v0 =	vunpack.i.u.bf16.f32 v6;
	v6 =	vld [tilespmem:s17+$0xFFFFFFD0];
	v2 =	vmul.f32 v3, v2;
	[tilespmem:s17+$0xFFFFFFB0] =	vst v1  }
0xee: {  	v0 =	vmul.f32 v5, v0;
	v1 =	vld [tilespmem:s20+$0xFFFFFFA0]  }
0xef: {  	v8 =	vld [tilespmem:s20+$0xB0];
	[tilespmem:s17+$0x20] =	vst v2;
	v2 =	vunpack.i.l.bf16.f32 v10  }
0xf0: {  	v3 =	vld [tilespmem:s17+$0xF0];
	[tilespmem:s17+$0x30] =	vst v0;
	v0 =	vunpack.i.u.bf16.f32 v10;
	v2 =	vmul.f32 v7, v2  }
0xf1: {  	v5 =	vld [tilespmem:s20+$0x20];
	v0 =	vmul.f32 v61, v0  }
0xf2: {  	v7 =	vld [tilespmem:s17+$0x50];
	[tilespmem:s17+$0xFFFFFF40] =	vst v2  }
0xf3: {  	v2 =	vld [tilespmem:s17+$0x40];
	[tilespmem:s17+$0xFFFFFF50] =	vst v0;
	v0 =	vunpack.i.l.bf16.f32 v1  }
0xf4: {  	v62 =	vld [tilespmem:s20+$0xFFFFFF30];
	v0 =	vmul.f32 v4, v0  }
0xf5: {  	v1 =	vunpack.i.u.bf16.f32 v1;
	v4 =	vld [tilespmem:s17+$0xFFFFFF60]  }
0xf6: {  	v6 =	vmul.f32 v6, v1;
	v63 =	vunpack.i.l.bf16.f32 v5;
	v5 =	vunpack.i.u.bf16.f32 v5;
	[tilespmem:s17+$0xFFFFFFC0] =	vst v0;
	v0 =	vld [tilespmem:s17+$0xFFFFFF70]  }
0xf7: {  	v1 =	vld [tilespmem:s17+$0xFFFFFFE0];
	v5 =	vmul.f32 v7, v5  }
0xf8: {  	[tilespmem:s17+$0xFFFFFFD0] =	vst v6;
	v6 =	vunpack.i.u.bf16.f32 v8;
	v10 =	vmul.f32 v2, v63;
	v2 =	vld [tilespmem:s17+$0xFFFFFFF0]  }
0xf9: {  	v7 =	vmul.f32 v3, v6;
	v6 =	vld [tilespmem:s20+$0xFFFFFFB0];
	v3 =	vunpack.i.l.bf16.f32 v62;
	[tilespmem:s17+$0x50] =	vst v5  }
0xfa: {  	v5 =	vunpack.i.u.bf16.f32 v62;
	[tilespmem:s17+$0x40] =	vst v10;
	v4 =	vmul.f32 v4, v3;
	v3 =	vld [tilespmem:s17+$0x60]  }
0xfb: {  	[tilespmem:s17+$0xF0] =	vst v7;
	v7 =	vld [tilespmem:s20+$0x30];
	v5 =	vmul.f32 v0, v5  }
0xfc: {  	[tilespmem:s17+$0xFFFFFF60] =	vst v4;
	v4 =	vld [tilespmem:s17+$0x70]  }
0xfd: {  	s8 =	simm.s32 $0x0;
	s11 =	simm.s32 $0x7E00;
	s20 =	simm.s32 $0x2C00;
	v0 =	vunpack.i.l.bf16.f32 v8;
	[tilespmem:s17+$0xFFFFFF70] =	vst v5;
	v5 =	vld [tilespmem:s17+$0xE0]  }
.LBB2_5:
0xfe: {  	v8 =	vld [tilespmem:s11+$0x80];
	v9 =	vunpack.i.u.bf16.f32 v6;
	v6 =	vunpack.i.l.bf16.f32 v6;
	s17 =	sadd.s32 $0x200, s17  }
0xff: {  	v10 =	vld [tilespmem:s17+$0x80];
	v1 =	vmul.f32 v1, v6;
	v2 =	vmul.f32 v2, v9  }
0x100: {  	v6 =	vld [tilespmem:s17+$0x90];
	v9 =	vunpack.i.u.bf16.f32 v7;
	v7 =	vunpack.i.l.bf16.f32 v7  }
0x101: {  	s8 =	sadd.s32 $0x4, s8;
	v11 =	vld [tilespmem:s11+$0xFFFFFF80];
	[tilespmem:s20+$0xFFFFFFE0] =	vst v1;
	v1 =	vmul.f32 v3, v7;
	v3 =	vmul.f32 v4, v9  }
0x102: {  	p1 =	slt.u32 s8, $0x4C;
	v4 =	vld [tilespmem:s11+$0x0];
	[tilespmem:s20+$0xFFFFFFF0] =	vst v2;
	v0 =	vmul.f32 v5, v0  }
0x103: {  	v2 =	vld [tilespmem:s11+$0xFFFFFF00];
	v5 =	vunpack.i.l.bf16.f32 v8;
	[tilespmem:s20+$0x60] =	vst v1  }
0x104: {  	v7 =	vunpack.i.u.bf16.f32 v8;
	v1 =	vld [tilespmem:s17+$0xFFFFFF00];
	v5 =	vmul.f32 v10, v5;
	[tilespmem:s20+$0x70] =	vst v3  }
0x105: {  	v3 =	vld [tilespmem:s17+$0xFFFFFF10];
	v6 =	vmul.f32 v6, v7;
	[tilespmem:s20+$0xE0] =	vst v0;
	s20 =	smov.u32 s17  }
0x106: {  	v0 =	vunpack.i.u.bf16.f32 v11;
	v7 =	vunpack.i.l.bf16.f32 v11;
	v8 =	vld [tilespmem:s17+$0xFFFFFF80];
	[tilespmem:s17+$0x80] =	vst v5  }
0x107: {  	v5 =	vld [tilespmem:s17+$0xFFFFFF90];
	v9 =	vunpack.i.u.bf16.f32 v4;
	v4 =	vunpack.i.l.bf16.f32 v4;
	[tilespmem:s17+$0x90] =	vst v6  }
0x108: {  	v6 =	vunpack.i.u.bf16.f32 v2;
	v2 =	vunpack.i.l.bf16.f32 v2;
	v10 =	vld [tilespmem:s11+$0x90]  }
0x109: {  	v1 =	vmul.f32 v1, v2;
	v2 =	vld [tilespmem:s17+$0xA0]  }
0x10a: {  	v3 =	vmul.f32 v3, v6;
	v6 =	vld [tilespmem:s17+$0xB0]  }
0x10b: {  	[tilespmem:s17+$0xFFFFFF00] =	vst v1;
	v1 =	vmul.f32 v8, v7;
	v7 =	vld [tilespmem:s17+$0x0]  }
0x10c: {  	[tilespmem:s17+$0xFFFFFF10] =	vst v3;
	v0 =	vmul.f32 v5, v0;
	v3 =	vld [tilespmem:s17+$0x10]  }
0x10d: {  	v5 =	vld [tilespmem:s11+$0xFFFFFF10];
	[tilespmem:s17+$0xFFFFFF80] =	vst v1;
	v1 =	vunpack.i.l.bf16.f32 v10  }
0x10e: {  	v8 =	vld [tilespmem:s17+$0xFFFFFF20];
	[tilespmem:s17+$0xFFFFFF90] =	vst v0;
	v0 =	vunpack.i.u.bf16.f32 v10;
	v1 =	vmul.f32 v2, v1  }
0x10f: {  	v2 =	vld [tilespmem:s11+$0xFFFFFF90];
	v0 =	vmul.f32 v6, v0  }
0x110: {  	v6 =	vld [tilespmem:s17+$0xFFFFFF30];
	v4 =	vmul.f32 v7, v4;
	[tilespmem:s17+$0xA0] =	vst v1  }
0x111: {  	v1 =	vld [tilespmem:s17+$0xFFFFFFA0];
	v3 =	vmul.f32 v3, v9;
	[tilespmem:s17+$0xB0] =	vst v0  }
0x112: {  	v0 =	vunpack.i.u.bf16.f32 v5;
	v5 =	vunpack.i.l.bf16.f32 v5;
	[tilespmem:s17+$0x0] =	vst v4;
	v4 =	vld [tilespmem:s11+$0xA0]  }
0x113: {  	v5 =	vmul.f32 v8, v5;
	[tilespmem:s17+$0x10] =	vst v3;
	v3 =	vld [tilespmem:s17+$0xC0]  }
0x114: {  	v7 =	vunpack.i.u.bf16.f32 v2;
	v2 =	vunpack.i.l.bf16.f32 v2;
	v8 =	vld [tilespmem:s17+$0xD0]  }
0x115: {  	[tilespmem:s17+$0xFFFFFF20] =	vst v5;
	v0 =	vmul.f32 v6, v0;
	v5 =	vld [tilespmem:s11+$0x10]  }
0x116: {  	v1 =	vmul.f32 v1, v2;
	v2 =	vld [tilespmem:s17+$0xFFFFFFB0]  }
0x117: {  	[tilespmem:s17+$0xFFFFFF30] =	vst v0;
	v0 =	vld [tilespmem:s17+$0x20];
	v6 =	vunpack.i.l.bf16.f32 v4  }
0x118: {  	v4 =	vunpack.i.u.bf16.f32 v4;
	[tilespmem:s17+$0xFFFFFFA0] =	vst v1;
	v1 =	vld [tilespmem:s17+$0x30];
	v3 =	vmul.f32 v3, v6  }
0x119: {  	v6 =	vld [tilespmem:s11+$0xFFFFFF20];
	v4 =	vmul.f32 v8, v4  }
0x11a: {  	v8 =	vld [tilespmem:s17+$0xFFFFFF40];
	v9 =	vunpack.i.u.bf16.f32 v5;
	v5 =	vunpack.i.l.bf16.f32 v5;
	[tilespmem:s17+$0xC0] =	vst v3  }
0x11b: {  	v3 =	vld [tilespmem:s17+$0xFFFFFF50];
	v2 =	vmul.f32 v2, v7;
	[tilespmem:s17+$0xD0] =	vst v4  }
0x11c: {  	v0 =	vmul.f32 v0, v5;
	v4 =	vld [tilespmem:s11+$0xB0]  }
0x11d: {  	[tilespmem:s17+$0xFFFFFFB0] =	vst v2;
	v1 =	vmul.f32 v1, v9;
	v2 =	vld [tilespmem:s17+$0xF0]  }
0x11e: {  	v5 =	vunpack.i.u.bf16.f32 v6;
	v6 =	vunpack.i.l.bf16.f32 v6;
	v7 =	vld [tilespmem:s11+$0xFFFFFFA0];
	[tilespmem:s17+$0x20] =	vst v0  }
0x11f: {  	v0 =	vmul.f32 v8, v6;
	v6 =	vld [tilespmem:s17+$0xFFFFFFC0];
	[tilespmem:s17+$0x30] =	vst v1  }
0x120: {  	v1 =	vmul.f32 v3, v5;
	v3 =	vld [tilespmem:s11+$0x20]  }
0x121: {  	[tilespmem:s17+$0xFFFFFF40] =	vst v0;
	v5 =	vld [tilespmem:s17+$0xFFFFFFD0];
	v8 =	vunpack.i.u.bf16.f32 v4;
	v0 =	vunpack.i.l.bf16.f32 v4  }
0x122: {  	[tilespmem:s17+$0xFFFFFF50] =	vst v1;
	v4 =	vld [tilespmem:s17+$0x40];
	v1 =	vmul.f32 v2, v8  }
0x123: {  	v2 =	vunpack.i.u.bf16.f32 v7;
	v7 =	vunpack.i.l.bf16.f32 v7;
	v8 =	vld [tilespmem:s17+$0x50]  }
0x124: {  	v9 =	vld [tilespmem:s11+$0xFFFFFF30];
	v6 =	vmul.f32 v6, v7;
	[tilespmem:s17+$0xF0] =	vst v1  }
0x125: {  	v7 =	vld [tilespmem:s17+$0xFFFFFF60];
	v10 =	vunpack.i.u.bf16.f32 v3;
	v3 =	vunpack.i.l.bf16.f32 v3  }
0x126: {  	v11 =	vld [tilespmem:s17+$0xFFFFFF70];
	[tilespmem:s17+$0xFFFFFFC0] =	vst v6;
	v2 =	vmul.f32 v5, v2  }
0x127: {  	v1 =	vld [tilespmem:s17+$0xFFFFFFE0];
	v3 =	vmul.f32 v4, v3  }
0x128: {  	[tilespmem:s17+$0xFFFFFFD0] =	vst v2;
	v2 =	vld [tilespmem:s17+$0xFFFFFFF0];
	v4 =	vmul.f32 v8, v10  }
.Ltmp3:
0x129: {  	v5 =	vunpack.i.u.bf16.f32 v9;
	v8 =	vunpack.i.l.bf16.f32 v9;
	v6 =	vld [tilespmem:s11+$0xFFFFFFB0];
	[tilespmem:s17+$0x40] =	vst v3;
	(pc) =	sbr.rel @p1 .LBB2_5-.Ltmp3, $4  }
0x12a: {  	v8 =	vmul.f32 v7, v8;
	[tilespmem:s17+$0x50] =	vst v4;
	v3 =	vld [tilespmem:s17+$0x60]  }
0x12b: {  	v5 =	vmul.f32 v11, v5;
	v7 =	vld [tilespmem:s11+$0x30]  }
0x12c: {  	[tilespmem:s17+$0xFFFFFF60] =	vst v8;
	v4 =	vld [tilespmem:s17+$0x70]  }
0x12d: {  	s11 =	sadd.s32 $0x200, s11;
	[tilespmem:s17+$0xFFFFFF70] =	vst v5;
	v5 =	vld [tilespmem:s17+$0xE0]  }
0x12e: {  	v8 =	vunpack.i.l.bf16.f32 v6  }
0x12f: {  	v58 =	vunpack.i.u.bf16.f32 v6;
	v1 =	vmul.f32 v1, v8  }
0x130: {  	v2 =	vmul.f32 v2, v58;
	v59 =	vunpack.i.l.bf16.f32 v7  }
0x131: {  	v60 =	vunpack.i.u.bf16.f32 v7;
	[tilespmem:s20+$0xFFFFFFE0] =	vst v1;
	v61 =	vmul.f32 v3, v59  }
0x132: {  	v62 =	vmul.f32 v4, v60;
	[tilespmem:s20+$0xFFFFFFF0] =	vst v2  }
0x133: {  	v0 =	vmul.f32 v5, v0;
	[tilespmem:s20+$0x60] =	vst v61  }
0x134: {  	[tilespmem:s20+$0x70] =	vst v62  }
0x135: {  	[tilespmem:s20+$0xE0] =	vst v0  }
0x136: {  	v0 =	vld [tilespmem:$0x150]  }
0x137: {  	v1 =	vld [tilespmem:$0x160]  }
0x138: {  	v2 =	vld [tilespmem:$0x170]  }
0x139: {  	v3 =	vld [tilespmem:$0x180]  }
0x13a: {  	v63 =	vld [tilespmem:$0x190]  }
0x13b: {  	[tilespmem:$0x280] =	vst v0  }
.Ltmp4:
0x13c: {  	[tilespmem:$0x290] =	vst v1;
	(pc) =	sbr.rel @p0 .LBB2_8-.Ltmp4, $4  }
0x13d: {  	[tilespmem:$0x2A0] =	vst v2  }
0x13e: {  	[tilespmem:$0x2B0] =	vst v3  }
0x13f: {  	[tilespmem:$0x2C0] =	vst v63  }
0x140: {  	[spmem:s2] =	stream.indirect.scatter.add.f32 [tilespmem:s26], [sflag:$0x8], $0x80, s23, s21, $0xb8;
	[tilespmem:$0x1DF00] =	vst v63  }
.Ltmp5:
0x141: {  	s8 =	sadd.s32 s16, s15;
	(pc) =	sbr.rel .LBB2_2-.Ltmp5, $3  }
0x142: {  	s8 =	smul.u32 $0x14, s8;
	_ =	sdelay $0x1  }
0x143: {  	s13 =	sadd.s32 $0x1, s13;
	s8 =	sadd.s32 s6, s8  }
0x144: {  	[tilespmem:s24], [sflag:$0x6] =	stream.linear.gather [hbm4b:s8+s3], $0xA0, $0x38;
	[tilespmem:$0x1DF00] =	vst v63  }
.LBB2_9:
0x145: {  	_ =	sfence.sel $0x180000  }
0x146: {  	[bflag:$0x0] =	sbarrier.arrive $0xFFFF  }
0x147: {  	_ =	strace $0x90000050  }
0x148: {  	s0 =	stileid.u32;
	[bflag:$0x2] =	sbarrier.arrive $0xFFFF  }
0x149: {  	p0 =	sne.s32 s0, $0x0;
	s0 =	rddreg [dreg:$0x2]  }
0x14a: {  	s0 =	sadd.s32 @!p0 $0x100000, s0  }
0x14b: {  	[sflag:s0] =	ssyncadd.tile.s32 @!p0 $0x1;
	_ =	shalt  }
.Lfunc_end2:
_tile_overlayer_lowered:
.L_overlay_start_2:
0x14c: {  	(tag) =	ssettag $0x2  }
0x14d: {  	s0 =	rddreg [dreg:$0x0];
	s2 =	stileid.u32  }
0x14e: {  	s1 =	rddreg [dreg:$0x1];
	p0 =	sne.s32 s2, $0x0  }
0x14f: {  	s3 =	rddreg [dreg:$0x2];
	[bflag:$0x3] =	sbarrier.arrive $0xFFFF;
	s2 =	simm.s32 @!p0 $0x1C09  }
0x150: {  	[timem:s3], [sflag:s2] =	dma.local @!p0 [hbm:s0], s1  }
0x151: {  	s0 =	simm.s32 @!p0 $0x9  }
0x152: {  	_ =	swait.ge @!p0 [sflag:s0], s1  }
0x153: {  	s1 =	ssub.s32 @!p0 $0x0, s1;
	[sflag:s0] =	ssyncset.done @!p0 $0x0  }
0x154: {  	[sflag:s0] =	ssyncadd.s32 @!p0 s1  }
0x155: {  	[bflag:$0x3] =	sbarrier.arrive $0xFFFF  }
0x156: {  	_ =	shalt  }

</sc_bundles>
